<compile_context>
chip_gen: v7x
topology: tpu7x:2x2x1
jax: 0.10.2.dev20260603
libtpu: 0.0.44.dev20260713+nightly
codegen_flags: <defaults>
</compile_context>

<pallas_src>
import functools

import jax
import jax.numpy as jnp
from jax import lax
from jax.experimental import pallas as pl
from jax.experimental.pallas import tpu as pltpu
from jax.experimental.pallas import tpu_sc as plsc

N_OBJ = 10000
N_EVT = 50000
E = 320000
D = 128

NC = 2
NS = 16
NW = NC * NS
CHUNK = 64
NCHUNK = 160
NBUF = 4
NPASS = 4
HCHUNK = NCHUNK // NPASS
E_PER = NCHUNK * CHUNK
E_PAD = NW * E_PER
N_OBJ_PAD = 10240
ROWS_PER_SUB = N_OBJ_PAD // NS
ZROWS = 64


def _proj_body(ev_ref, w_ref, b_ref, out_ref):
    x = ev_ref[...]
    acc = jnp.dot(x, w_ref[...], preferred_element_type=jnp.float32)
    out_ref[...] = jnp.maximum(acc + b_ref[...], 0.0)


def _project_events(event_X, W_projT, b_proj2d):
    blk = 2000
    grid = N_EVT // blk
    return pl.pallas_call(
        _proj_body,
        grid=(grid,),
        in_specs=[
            pl.BlockSpec((blk, D), lambda i: (i, 0)),
            pl.BlockSpec((D, D), lambda i: (0, 0)),
            pl.BlockSpec((1, D), lambda i: (0, 0)),
        ],
        out_specs=pl.BlockSpec((blk, D), lambda i: (i, 0)),
        out_shape=jax.ShapeDtypeStruct((N_EVT, D), jnp.float32),
    )(event_X, W_projT, b_proj2d)


def _seg_body(evt_idx_hbm, obj_idx_hbm, p_hbm, sums_out, counts_out,
              evt_v, obj_v, rows0, rows1, rows2, rows3, ones_v, czero,
              gsem0, gsem1, gsem2, gsem3, ssem0, ssem1, ssem2, ssem3,
              csem0, csem1, csem2, csem3, shared_sums, shared_counts):
    c = lax.axis_index("c")
    s = lax.axis_index("s")
    wid = c * NS + s
    rows = [rows0, rows1, rows2, rows3]
    gsems = [gsem0, gsem1, gsem2, gsem3]
    ssems = [ssem0, ssem1, ssem2, ssem3]
    csems = [csem0, csem1, csem2, csem3]

    def fill_ones(i, _):
        ones_v[pl.ds(i * 16, 16)] = jnp.ones((16,), jnp.float32)
        return 0
    lax.fori_loop(0, CHUNK // 16, fill_ones, 0)

    def fill_zero_c(i, _):
        czero[pl.ds(i * 16, 16)] = jnp.zeros((16,), jnp.float32)
        return 0
    lax.fori_loop(0, ROWS_PER_SUB // 16, fill_zero_c, 0)

    def fill_zero(i, _):
        rows0[i // 8, pl.ds((i % 8) * 16, 16)] = jnp.zeros((16,), jnp.float32)
        return 0
    lax.fori_loop(0, ZROWS * 8, fill_zero, 0)

    def zero_sums(k, _):
        pltpu.sync_copy(
            rows0.at[pl.ds(0, ZROWS)],
            shared_sums.at[pl.ds(s * ROWS_PER_SUB + k * ZROWS, ZROWS)])
        return 0
    lax.fori_loop(0, ROWS_PER_SUB // ZROWS, zero_sums, 0)

    pltpu.sync_copy(czero, shared_counts.at[pl.ds(s * ROWS_PER_SUB, ROWS_PER_SUB)])

    plsc.subcore_barrier()

    DLY = 1

    def emit_chunk(jb, b, do_prev):
        pltpu.make_async_copy(p_hbm.at[evt_v.at[jb]], rows[b], gsems[b]).wait()
        pltpu.async_copy(rows[b], shared_sums.at[obj_v.at[jb]], ssems[b],
                         add=True)
        pltpu.async_copy(ones_v, shared_counts.at[obj_v.at[jb]], csems[b],
                         add=True)
        if do_prev:
            pb = (b - DLY) % NBUF
            jp = jb - DLY
            pltpu.make_async_copy(rows[pb], shared_sums.at[obj_v.at[jp]],
                                  ssems[pb]).wait()
            pltpu.make_async_copy(ones_v, shared_counts.at[obj_v.at[jp]],
                                  csems[pb]).wait()
            pltpu.async_copy(
                p_hbm.at[evt_v.at[lax.rem(jp + NBUF, HCHUNK)]],
                rows[pb], gsems[pb])

    for p in range(NPASS):
        row = wid * NPASS + p
        pltpu.sync_copy(evt_idx_hbm.at[row], evt_v)
        pltpu.sync_copy(obj_idx_hbm.at[row], obj_v)

        for b in range(NBUF):
            pltpu.async_copy(p_hbm.at[evt_v.at[b]], rows[b], gsems[b])

        for b in range(NBUF):
            emit_chunk(b, b, b >= DLY)

        def chunk_body(jj, _):
            j = jj * NBUF
            for b in range(NBUF):
                emit_chunk(j + b, b, True)
            return 0
        lax.fori_loop(1, HCHUNK // NBUF, chunk_body, 0)

        for d in range(DLY):
            jl = HCHUNK - DLY + d
            bl = NBUF - DLY + d
            pltpu.make_async_copy(rows[bl], shared_sums.at[obj_v.at[jl]],
                                  ssems[bl]).wait()
            pltpu.make_async_copy(ones_v, shared_counts.at[obj_v.at[jl]],
                                  csems[bl]).wait()
        for b in range(NBUF - DLY):
            pltpu.make_async_copy(p_hbm.at[evt_v.at[b]], rows[b],
                                  gsems[b]).wait()

    plsc.subcore_barrier()

    pltpu.sync_copy(shared_sums.at[pl.ds(s * ROWS_PER_SUB, ROWS_PER_SUB)],
                    sums_out.at[c, pl.ds(s * ROWS_PER_SUB, ROWS_PER_SUB)])
    pltpu.sync_copy(shared_counts.at[pl.ds(s * ROWS_PER_SUB, ROWS_PER_SUB)],
                    counts_out.at[c, pl.ds(s * ROWS_PER_SUB, ROWS_PER_SUB)])


def _segment_mean_parts(evt_idx, obj_idx, P):
    seg = pl.kernel(
        _seg_body,
        out_type=[
            jax.ShapeDtypeStruct((NC, N_OBJ_PAD, D), jnp.float32),
            jax.ShapeDtypeStruct((NC, N_OBJ_PAD), jnp.float32),
        ],
        mesh=plsc.VectorSubcoreMesh(core_axis_name="c", subcore_axis_name="s"),
        scratch_types=[
            pltpu.VMEM((HCHUNK, CHUNK), jnp.int32),
            pltpu.VMEM((HCHUNK, CHUNK), jnp.int32),
            pltpu.VMEM((CHUNK, D), jnp.float32),
            pltpu.VMEM((CHUNK, D), jnp.float32),
            pltpu.VMEM((CHUNK, D), jnp.float32),
            pltpu.VMEM((CHUNK, D), jnp.float32),
            pltpu.VMEM((CHUNK,), jnp.float32),
            pltpu.VMEM((ROWS_PER_SUB,), jnp.float32),
            pltpu.SemaphoreType.DMA,
            pltpu.SemaphoreType.DMA,
            pltpu.SemaphoreType.DMA,
            pltpu.SemaphoreType.DMA,
            pltpu.SemaphoreType.DMA,
            pltpu.SemaphoreType.DMA,
            pltpu.SemaphoreType.DMA,
            pltpu.SemaphoreType.DMA,
            pltpu.SemaphoreType.DMA,
            pltpu.SemaphoreType.DMA,
            pltpu.SemaphoreType.DMA,
            pltpu.SemaphoreType.DMA,
            pltpu.VMEM_SHARED((N_OBJ_PAD, D), jnp.float32),
            pltpu.VMEM_SHARED((N_OBJ_PAD,), jnp.float32),
        ],
    )
    return seg(evt_idx, obj_idx, P)


def _gru_body(sums_ref, counts_ref, hx_ref, wih_ref, whh_ref, bih_ref,
              bhh_ref, mask_ref, out_ref):
    sums = sums_ref[0] + sums_ref[1]
    cnt = counts_ref[0] + counts_ref[1]
    mean = sums / jnp.maximum(cnt, 1.0)
    hx = hx_ref[...]
    gi = jnp.dot(mean, wih_ref[...], preferred_element_type=jnp.float32) + bih_ref[...]
    gh = jnp.dot(hx, whh_ref[...], preferred_element_type=jnp.float32) + bhh_ref[...]
    r = jax.nn.sigmoid(gi[:, 0:D] + gh[:, 0:D])
    z = jax.nn.sigmoid(gi[:, D:2 * D] + gh[:, D:2 * D])
    n = jnp.tanh(gi[:, 2 * D:] + r * gh[:, 2 * D:])
    upd = (1.0 - z) * n + z * hx
    out_ref[...] = hx + mask_ref[...] * (upd - hx)


def _gru_update(sums_p, counts_p, object_X, WihT, WhhT, bih2d, bhh2d, mask2d):
    blk = 2000
    grid = N_OBJ // blk
    return pl.pallas_call(
        _gru_body,
        grid=(grid,),
        in_specs=[
            pl.BlockSpec((NC, blk, D), lambda i: (0, i, 0)),
            pl.BlockSpec((NC, blk, 1), lambda i: (0, i, 0)),
            pl.BlockSpec((blk, D), lambda i: (i, 0)),
            pl.BlockSpec((D, 3 * D), lambda i: (0, 0)),
            pl.BlockSpec((D, 3 * D), lambda i: (0, 0)),
            pl.BlockSpec((1, 3 * D), lambda i: (0, 0)),
            pl.BlockSpec((1, 3 * D), lambda i: (0, 0)),
            pl.BlockSpec((blk, 1), lambda i: (i, 0)),
        ],
        out_specs=pl.BlockSpec((blk, D), lambda i: (i, 0)),
        out_shape=jax.ShapeDtypeStruct((N_OBJ, D), jnp.float32),
    )(sums_p, counts_p, object_X, WihT, WhhT, bih2d, bhh2d, mask2d)


def kernel(object_X, event_X, lc_obj_idx, lc_evt_idx, main_object,
           W_proj, b_proj, W_ih, W_hh, b_ih, b_hh):
    pad = E_PAD - E
    spread = jnp.arange(pad, dtype=jnp.int32)
    evt_idx = jnp.concatenate(
        [lc_evt_idx.astype(jnp.int32), spread % N_EVT]
    ).reshape(NW * NPASS, HCHUNK, CHUNK)
    obj_idx = jnp.concatenate(
        [lc_obj_idx.astype(jnp.int32),
         N_OBJ + spread % (N_OBJ_PAD - N_OBJ)]
    ).reshape(NW * NPASS, HCHUNK, CHUNK)

    P = _project_events(event_X, W_proj.T, b_proj.reshape(1, D))
    sums_p, counts_p = _segment_mean_parts(evt_idx, obj_idx, P)
    counts_p = counts_p.reshape(NC, N_OBJ_PAD, 1)

    mask2d = main_object.astype(jnp.float32).reshape(N_OBJ, 1)
    return _gru_update(sums_p, counts_p, object_X,
                       W_ih.T, W_hh.T,
                       b_ih.reshape(1, 3 * D), b_hh.reshape(1, 3 * D),
                       mask2d)

# --- scband reference (transcript-rebuilt; emitter-appended) ---
"""Pipeline reference for scband-lifecycle-state-updater-90022514524503 (READ-ONLY COPY).

The authoritative reference and input builder live on the scoring server;
editing this copy changes nothing except your own understanding.
"""

import jax, jax.numpy as jnp
import numpy as np

N_OBJ = 10000
N_EVT = 50000
E = 320000
D = 128

def setup_inputs(seed: int = 0) -> dict:
    key = jax.random.key(seed)
    ks = jax.random.split(key, 12)
    s = 1.0 / np.sqrt(D)
    object_X = jax.random.normal(ks[0], (N_OBJ, D), dtype=jnp.float32)
    event_X = jax.random.normal(ks[1], (N_EVT, D), dtype=jnp.float32)
    lc_obj_idx = jnp.sort(jax.random.randint(ks[2], (E,), 0, N_OBJ, dtype=jnp.int64))
    lc_evt_idx = jax.random.randint(ks[3], (E,), 0, N_EVT, dtype=jnp.int64)
    main_object = jnp.ones((N_OBJ,), dtype=bool)
    # lifecycle_proj = Linear(event_dim, obj_dim) + ReLU
    W_proj = jax.random.uniform(ks[4], (D, D), minval=-s, maxval=s, dtype=jnp.float32)
    b_proj = jax.random.uniform(ks[5], (D,), minval=-s, maxval=s, dtype=jnp.float32)
    # GRUCell(obj_dim, obj_dim) params
    W_ih = jax.random.uniform(ks[6], (3 * D, D), minval=-s, maxval=s, dtype=jnp.float32)
    W_hh = jax.random.uniform(ks[7], (3 * D, D), minval=-s, maxval=s, dtype=jnp.float32)
    b_ih = jax.random.uniform(ks[8], (3 * D,), minval=-s, maxval=s, dtype=jnp.float32)
    b_hh = jax.random.uniform(ks[9], (3 * D,), minval=-s, maxval=s, dtype=jnp.float32)
    return {"object_X": object_X, "event_X": event_X, "lc_obj_idx": lc_obj_idx,
            "lc_evt_idx": lc_evt_idx, "main_object": main_object,
            "W_proj": W_proj, "b_proj": b_proj,
            "W_ih": W_ih, "W_hh": W_hh, "b_ih": b_ih, "b_hh": b_hh}

def reference(object_X, event_X, lc_obj_idx, lc_evt_idx, main_object,
              W_proj, b_proj, W_ih, W_hh, b_ih, b_hh):
    n_obj = object_X.shape[0]
    # gather event features for each (object, event) lifecycle incidence
    gathered = jnp.take(event_X, lc_evt_idx, axis=0)
    proj = jax.nn.relu(gathered @ W_proj.T + b_proj)
    # scatter_mean over destination objects (dim_size = n_obj)
    sums = jax.ops.segment_sum(proj, lc_obj_idx, num_segments=n_obj)
    counts = jax.ops.segment_sum(jnp.ones((proj.shape[0],), dtype=proj.dtype), lc_obj_idx, num_segments=n_obj)
    lifecycle_profile = sums / jnp.clip(counts, 1.0)[:, None]
    # GRUCell(lifecycle_profile, object_X)
    gi = lifecycle_profile @ W_ih.T + b_ih
    gh = object_X @ W_hh.T + b_hh
    i_r, i_z, i_n = jnp.split(gi, 3, axis=1)
    h_r, h_z, h_n = jnp.split(gh, 3, axis=1)
    r = jax.nn.sigmoid(i_r + h_r)
    z = jax.nn.sigmoid(i_z + h_z)
    n = jnp.tanh(i_n + r * h_n)
    updated_values = (1.0 - z) * n + z * object_X
    mask = main_object.astype(object_X.dtype)[:, None]
    final_object_X = mask * updated_values + (1.0 - mask) * object_X
    return final_object_X

if __name__ == "__main__":
    import jax
    _d = setup_inputs()
    print(jax.jit(kernel)(*tuple(_d.values())))

</pallas_src>

<mosaic_0001>
#map = affine_map<(d0, d1) -> (0, 0, 0)>
#map1 = affine_map<(d0, d1) -> (0, 0)>
module attributes {stable_mosaic.version = 14 : i64} {
  func.func @_seg_body(%arg0: i32, %arg1: i32, %arg2: memref<128x40x64xi32, #tpu.memory_space<hbm>>, %arg3: memref<128x40x64xi32, #tpu.memory_space<hbm>>, %arg4: memref<50000x128xf32, #tpu.memory_space<hbm>>, %arg5: memref<2x10240x128xf32, #tpu.memory_space<hbm>>, %arg6: memref<2x10240xf32, #tpu.memory_space<hbm>>, %arg7: memref<40x64xi32, #tpu.memory_space<vmem>>, %arg8: memref<40x64xi32, #tpu.memory_space<vmem>>, %arg9: memref<64x128xf32, #tpu.memory_space<vmem>>, %arg10: memref<64x128xf32, #tpu.memory_space<vmem>>, %arg11: memref<64x128xf32, #tpu.memory_space<vmem>>, %arg12: memref<64x128xf32, #tpu.memory_space<vmem>>, %arg13: memref<64xf32, #tpu.memory_space<vmem>>, %arg14: memref<640xf32, #tpu.memory_space<vmem>>, %arg15: memref<!tpu.dma_semaphore, #tpu.memory_space<semaphore_mem>>, %arg16: memref<!tpu.dma_semaphore, #tpu.memory_space<semaphore_mem>>, %arg17: memref<!tpu.dma_semaphore, #tpu.memory_space<semaphore_mem>>, %arg18: memref<!tpu.dma_semaphore, #tpu.memory_space<semaphore_mem>>, %arg19: memref<!tpu.dma_semaphore, #tpu.memory_space<semaphore_mem>>, %arg20: memref<!tpu.dma_semaphore, #tpu.memory_space<semaphore_mem>>, %arg21: memref<!tpu.dma_semaphore, #tpu.memory_space<semaphore_mem>>, %arg22: memref<!tpu.dma_semaphore, #tpu.memory_space<semaphore_mem>>, %arg23: memref<!tpu.dma_semaphore, #tpu.memory_space<semaphore_mem>>, %arg24: memref<!tpu.dma_semaphore, #tpu.memory_space<semaphore_mem>>, %arg25: memref<!tpu.dma_semaphore, #tpu.memory_space<semaphore_mem>>, %arg26: memref<!tpu.dma_semaphore, #tpu.memory_space<semaphore_mem>>, %arg27: memref<10240x128xf32, #tpu.memory_space<vmem_shared>>, %arg28: memref<10240xf32, #tpu.memory_space<vmem_shared>>) attributes {dimension_semantics = [#tpu.dimension_semantics<core_parallel>, #tpu.dimension_semantics<subcore_parallel>], iteration_bounds = array<i64: 2, 16>, scalar_prefetch = 0 : i64, scratch_operands = 22 : i64, tpu.core_type = #tpu.core_type<sc_vector_subcore>, window_params = [{transform_indices = #map}, {transform_indices = #map}, {transform_indices = #map1}, {transform_indices = #map}, {transform_indices = #map1}]} {
    %mul3A = arith.constant 16 : i32
    %mul3A_0 = arith.muli %arg0, %mul3A : i32
    %add3A = arith.addi %mul3A_0, %arg1 : i32
    %scan3A = arith.constant 0 : i32
    %scan3A_1 = arith.constant 0 : i32
    %scan3A_2 = arith.constant 4 : i32
    %scan3A_3 = arith.addi %scan3A_1, %scan3A_2 : i32
    %scan3A_4 = arith.constant 1 : i32
    %scan3A_5 = scf.for %scan3A_912 = %scan3A_1 to %scan3A_3 step %scan3A_4 iter_args(%scan3A_913 = %scan3A) -> (i32)  : i32 {
      %broadcast_in_dim3A = arith.constant 1.000000e+00 : f32
      %broadcast_in_dim3A_914 = vector.broadcast %broadcast_in_dim3A : f32 to vector<16xf32>
      %mul3A_915 = arith.constant 16 : i32
      %mul3A_916 = arith.muli %scan3A_912, %mul3A_915 : i32
      %swap3A = arith.index_cast %mul3A_916 : i32 to index
      %swap3A_917 = tpu.vector_load %arg13[%swap3A] {strides = array<i32>} : memref<64xf32, #tpu.memory_space<vmem>>, vector<16xf32>,
      %swap3A_918 = vector.shape_cast %swap3A_917 : vector<16xf32> to vector<16xf32>
      %swap3A_919 = vector.shape_cast %broadcast_in_dim3A_914 : vector<16xf32> to vector<16xf32>
      tpu.vector_store %arg13[%swap3A], %swap3A_919 {strides = array<i32>} : memref<64xf32, #tpu.memory_space<vmem>>, vector<16xf32>,
      %scan3A_920 = arith.constant 0 : i32
      scf.yield %scan3A_920 : i32
    }
    %scan3A_6 = arith.constant 4 : i32
    %scan3A_7 = arith.constant 0 : i32
    %scan3A_8 = arith.constant 0 : i32
    %scan3A_9 = arith.constant 40 : i32
    %scan3A_10 = arith.addi %scan3A_8, %scan3A_9 : i32
    %scan3A_11 = arith.constant 1 : i32
    %scan3A_12 = scf.for %scan3A_912 = %scan3A_8 to %scan3A_10 step %scan3A_11 iter_args(%scan3A_913 = %scan3A_7) -> (i32)  : i32 {
      %broadcast_in_dim3A = arith.constant 0.000000e+00 : f32
      %broadcast_in_dim3A_914 = vector.broadcast %broadcast_in_dim3A : f32 to vector<16xf32>
      %mul3A_915 = arith.constant 16 : i32
      %mul3A_916 = arith.muli %scan3A_912, %mul3A_915 : i32
      %swap3A = arith.index_cast %mul3A_916 : i32 to index
      %swap3A_917 = tpu.vector_load %arg14[%swap3A] {strides = array<i32>} : memref<640xf32, #tpu.memory_space<vmem>>, vector<16xf32>,
      %swap3A_918 = vector.shape_cast %swap3A_917 : vector<16xf32> to vector<16xf32>
      %swap3A_919 = vector.shape_cast %broadcast_in_dim3A_914 : vector<16xf32> to vector<16xf32>
      tpu.vector_store %arg14[%swap3A], %swap3A_919 {strides = array<i32>} : memref<640xf32, #tpu.memory_space<vmem>>, vector<16xf32>,
      %scan3A_920 = arith.constant 0 : i32
      scf.yield %scan3A_920 : i32
    }
    %scan3A_13 = arith.constant 40 : i32
    %scan3A_14 = arith.constant 0 : i32
    %scan3A_15 = arith.constant 0 : i32
    %scan3A_16 = arith.constant 512 : i32
    %scan3A_17 = arith.addi %scan3A_15, %scan3A_16 : i32
    %scan3A_18 = arith.constant 1 : i32
    %scan3A_19 = scf.for %scan3A_912 = %scan3A_15 to %scan3A_17 step %scan3A_18 iter_args(%scan3A_913 = %scan3A_14) -> (i32)  : i32 {
      %broadcast_in_dim3A = arith.constant 0.000000e+00 : f32
      %broadcast_in_dim3A_914 = vector.broadcast %broadcast_in_dim3A : f32 to vector<16xf32>
      %jit3A = arith.constant 8 : i32
      %div3A = arith.divsi %scan3A_912, %jit3A : i32
      %sign3A = arith.constant 0 : i32
      %sign3A_915 = arith.cmpi sgt, %scan3A_912, %sign3A : i32
      %sign3A_916 = arith.extui %sign3A_915 : i1 to i32
      %sign3A_917 = arith.constant 0 : i32
      %sign3A_918 = arith.cmpi slt, %scan3A_912, %sign3A_917 : i32
      %sign3A_919 = arith.extui %sign3A_918 : i1 to i32
      %sign3A_920 = arith.subi %sign3A_916, %sign3A_919 : i32
      %sign3A_921 = arith.constant 0 : i32
      %sign3A_922 = arith.cmpi sgt, %jit3A, %sign3A_921 : i32
      %sign3A_923 = arith.extui %sign3A_922 : i1 to i32
      %sign3A_924 = arith.constant 0 : i32
      %sign3A_925 = arith.cmpi slt, %jit3A, %sign3A_924 : i32
      %sign3A_926 = arith.extui %sign3A_925 : i1 to i32
      %sign3A_927 = arith.subi %sign3A_923, %sign3A_926 : i32
      %ne3A = arith.cmpi ne, %sign3A_920, %sign3A_927 : i32
      %rem3A_928 = arith.remsi %scan3A_912, %jit3A : i32
      %ne3A_929 = arith.constant 0 : i32
      %ne3A_930 = arith.cmpi ne, %rem3A_928, %ne3A_929 : i32
      %and3A = arith.andi %ne3A, %ne3A_930 : i1
      %sub3A = arith.constant 1 : i32
      %sub3A_931 = arith.subi %div3A, %sub3A : i32
      %select_n3A = arith.select %and3A, %sub3A_931, %div3A : i32
      %jit3A_932 = arith.constant 8 : i32
      %eq3A = arith.constant 0 : i32
      %eq3A_933 = arith.cmpi eq, %jit3A_932, %eq3A : i32
      %jit3A_934 = arith.constant 1 : i32
      %select_n3A_935 = arith.select %eq3A_933, %jit3A_934, %jit3A_932 : i32
      %rem3A_936 = arith.remsi %scan3A_912, %select_n3A_935 : i32
      %ne3A_937 = arith.constant 0 : i32
      %ne3A_938 = arith.cmpi ne, %rem3A_936, %ne3A_937 : i32
      %lt3A = arith.constant 0 : i32
      %lt3A_939 = arith.cmpi slt, %rem3A_936, %lt3A : i32
      %lt3A_940 = arith.constant 0 : i32
      %lt3A_941 = arith.cmpi slt, %select_n3A_935, %lt3A_940 : i32
      %ne3A_942 = arith.xori %lt3A_939, %lt3A_941 : i1
      %and3A_943 = arith.andi %ne3A_942, %ne3A_938 : i1
      %add3A_944 = arith.addi %rem3A_936, %select_n3A_935 : i32
      %select_n3A_945 = arith.select %and3A_943, %add3A_944, %rem3A_936 : i32
      %mul3A_946 = arith.constant 16 : i32
      %mul3A_947 = arith.muli %select_n3A_945, %mul3A_946 : i32
      %swap3A = arith.index_cast %select_n3A : i32 to index
      %swap3A_948 = arith.index_cast %mul3A_947 : i32 to index
      %swap3A_949 = tpu.vector_load %arg9[%swap3A, %swap3A_948] {strides = array<i32>} : memref<64x128xf32, #tpu.memory_space<vmem>>, vector<1x16xf32>,
      %swap3A_950 = vector.shape_cast %swap3A_949 : vector<1x16xf32> to vector<16xf32>
      %swap3A_951 = vector.shape_cast %broadcast_in_dim3A_914 : vector<16xf32> to vector<1x16xf32>
      tpu.vector_store %arg9[%swap3A, %swap3A_948], %swap3A_951 {strides = array<i32>} : memref<64x128xf32, #tpu.memory_space<vmem>>, vector<1x16xf32>,
      %scan3A_952 = arith.constant 0 : i32
      scf.yield %scan3A_952 : i32
    }
    %scan3A_20 = arith.constant 512 : i32
    %scan3A_21 = arith.constant 0 : i32
    %scan3A_22 = arith.constant 0 : i32
    %scan3A_23 = arith.constant 10 : i32
    %scan3A_24 = arith.addi %scan3A_22, %scan3A_23 : i32
    %scan3A_25 = arith.constant 1 : i32
    %scan3A_26 = scf.for %scan3A_912 = %scan3A_22 to %scan3A_24 step %scan3A_25 iter_args(%scan3A_913 = %scan3A_21) -> (i32)  : i32 {
      %mul3A_914 = arith.constant 640 : i32
      %mul3A_915 = arith.muli %arg1, %mul3A_914 : i32
      %mul3A_916 = arith.constant 64 : i32
      %mul3A_917 = arith.muli %scan3A_912, %mul3A_916 : i32
      %add3A_918 = arith.addi %mul3A_915, %mul3A_917 : i32
      "tpu.region"() ({
        %run_scoped3A = tpu.sem_alloc : memref<!tpu.dma_semaphore, #tpu.memory_space<semaphore_mem>>
        %dma_start3A_920 = arith.constant 0 : i32
        %dma_start3A_921 = arith.constant 0 : i32
        %dma_start3A_922 = tpu.memref_slice %arg9[%dma_start3A_920, %dma_start3A_921] : memref<64x128xf32, #tpu.memory_space<vmem>> -> memref<64x128xf32, #tpu.memory_space<vmem>>
        %dma_start3A_923 = arith.constant 0 : i32
        %dma_start3A_924 = tpu.memref_slice %arg27[%add3A_918, %dma_start3A_923] : memref<10240x128xf32, #tpu.memory_space<vmem_shared>> -> memref<64x128xf32, #tpu.memory_space<vmem_shared>>
        %dma_start3A_925 = arith.constant 0 : i32
        %dma_start3A_926 = tpu.memref_slice %arg27[%add3A_918, %dma_start3A_925] : memref<10240x128xf32, #tpu.memory_space<vmem_shared>> -> memref<64x128xf32, #tpu.memory_space<vmem_shared>>
        %dma_start3A_927 = arith.constant 0 : i32
        %dma_start3A_928 = arith.constant 0 : i32
        %dma_start3A_929 = tpu.memref_slice %arg9[%dma_start3A_927, %dma_start3A_928] : memref<64x128xf32, #tpu.memory_space<vmem>> -> memref<64x128xf32, #tpu.memory_space<vmem>>
        tpu.enqueue_dma source(%dma_start3A_929 : memref<64x128xf32, #tpu.memory_space<vmem>>) target(%dma_start3A_926 : memref<64x128xf32, #tpu.memory_space<vmem_shared>>) target_semaphore(%run_scoped3A : memref<!tpu.dma_semaphore, #tpu.memory_space<semaphore_mem>>)
        %dma_wait3A_930 = arith.constant 0 : i32
        %dma_wait3A_931 = arith.constant 0 : i32
        %dma_wait3A_932 = tpu.memref_slice %arg9[%dma_wait3A_930, %dma_wait3A_931] : memref<64x128xf32, #tpu.memory_space<vmem>> -> memref<64x128xf32, #tpu.memory_space<vmem>>
        %dma_wait3A_933 = arith.constant 0 : i32
        %dma_wait3A_934 = tpu.memref_slice %arg27[%add3A_918, %dma_wait3A_933] : memref<10240x128xf32, #tpu.memory_space<vmem_shared>> -> memref<64x128xf32, #tpu.memory_space<vmem_shared>>
        %dma_wait3A_935 = arith.constant 0 : i32
        %dma_wait3A_936 = tpu.memref_slice %arg27[%add3A_918, %dma_wait3A_935] : memref<10240x128xf32, #tpu.memory_space<vmem_shared>> -> memref<64x128xf32, #tpu.memory_space<vmem_shared>>
        %dma_wait3A_937 = arith.constant 0 : i32
        %dma_wait3A_938 = arith.constant 0 : i32
        %dma_wait3A_939 = tpu.memref_slice %arg9[%dma_wait3A_937, %dma_wait3A_938] : memref<64x128xf32, #tpu.memory_space<vmem>> -> memref<64x128xf32, #tpu.memory_space<vmem>>
        tpu.wait_dma2 semaphore(%run_scoped3A : memref<!tpu.dma_semaphore, #tpu.memory_space<semaphore_mem>>) src(%dma_wait3A_939 : memref<64x128xf32, #tpu.memory_space<vmem>>) dst(%dma_wait3A_936 : memref<64x128xf32, #tpu.memory_space<vmem_shared>>)
        tpu.yield
      }) : () -> ()
      %scan3A_919 = arith.constant 0 : i32
      scf.yield %scan3A_919 : i32
    }
    %scan3A_27 = arith.constant 10 : i32
    %mul3A_28 = arith.constant 640 : i32
    %mul3A_29 = arith.muli %arg1, %mul3A_28 : i32
    "tpu.region"() ({
      %run_scoped3A = tpu.sem_alloc : memref<!tpu.dma_semaphore, #tpu.memory_space<semaphore_mem>>
      %dma_start3A_912 = tpu.memref_slice %arg28[%mul3A_29] : memref<10240xf32, #tpu.memory_space<vmem_shared>> -> memref<640xf32, #tpu.memory_space<vmem_shared>>
      %dma_start3A_913 = tpu.memref_slice %arg28[%mul3A_29] : memref<10240xf32, #tpu.memory_space<vmem_shared>> -> memref<640xf32, #tpu.memory_space<vmem_shared>>
      tpu.enqueue_dma source(%arg14 : memref<640xf32, #tpu.memory_space<vmem>>) target(%dma_start3A_913 : memref<640xf32, #tpu.memory_space<vmem_shared>>) target_semaphore(%run_scoped3A : memref<!tpu.dma_semaphore, #tpu.memory_space<semaphore_mem>>)
      %dma_wait3A_914 = tpu.memref_slice %arg28[%mul3A_29] : memref<10240xf32, #tpu.memory_space<vmem_shared>> -> memref<640xf32, #tpu.memory_space<vmem_shared>>
      %dma_wait3A_915 = tpu.memref_slice %arg28[%mul3A_29] : memref<10240xf32, #tpu.memory_space<vmem_shared>> -> memref<640xf32, #tpu.memory_space<vmem_shared>>
      tpu.wait_dma2 semaphore(%run_scoped3A : memref<!tpu.dma_semaphore, #tpu.memory_space<semaphore_mem>>) src(%arg14 : memref<640xf32, #tpu.memory_space<vmem>>) dst(%dma_wait3A_915 : memref<640xf32, #tpu.memory_space<vmem_shared>>)
      tpu.yield
    }) : () -> ()
    %barrier3A = arith.constant 0 : index
    tpu.barrier barrier_id(%barrier3A)
    %mul3A_30 = arith.constant 4 : i32
    %mul3A_31 = arith.muli %add3A, %mul3A_30 : i32
    %add3A_32 = arith.constant 0 : i32
    %add3A_33 = arith.addi %mul3A_31, %add3A_32 : i32
    "tpu.region"() ({
      %run_scoped3A = tpu.sem_alloc : memref<!tpu.dma_semaphore, #tpu.memory_space<semaphore_mem>>
      %dma_start3A_912 = arith.constant 0 : i32
      %dma_start3A_913 = arith.constant 0 : i32
      %dma_start3A_914 = tpu.memref_slice %arg2[%add3A_33, %dma_start3A_912, %dma_start3A_913] : memref<128x40x64xi32, #tpu.memory_space<hbm>> -> memref<1x40x64xi32, #tpu.memory_space<hbm>>
      %dma_start3A_915 = tpu.memref_squeeze %dma_start3A_914 : memref<1x40x64xi32, #tpu.memory_space<hbm>> -> memref<40x64xi32, #tpu.memory_space<hbm>>
      %dma_start3A_916 = arith.constant 0 : i32
      %dma_start3A_917 = arith.constant 0 : i32
      %dma_start3A_918 = tpu.memref_slice %arg2[%add3A_33, %dma_start3A_916, %dma_start3A_917] : memref<128x40x64xi32, #tpu.memory_space<hbm>> -> memref<1x40x64xi32, #tpu.memory_space<hbm>>
      %dma_start3A_919 = tpu.memref_squeeze %dma_start3A_918 : memref<1x40x64xi32, #tpu.memory_space<hbm>> -> memref<40x64xi32, #tpu.memory_space<hbm>>
      tpu.enqueue_dma source(%dma_start3A_919 : memref<40x64xi32, #tpu.memory_space<hbm>>) target(%arg7 : memref<40x64xi32, #tpu.memory_space<vmem>>) target_semaphore(%run_scoped3A : memref<!tpu.dma_semaphore, #tpu.memory_space<semaphore_mem>>)
      %dma_wait3A_920 = arith.constant 0 : i32
      %dma_wait3A_921 = arith.constant 0 : i32
      %dma_wait3A_922 = tpu.memref_slice %arg2[%add3A_33, %dma_wait3A_920, %dma_wait3A_921] : memref<128x40x64xi32, #tpu.memory_space<hbm>> -> memref<1x40x64xi32, #tpu.memory_space<hbm>>
      %dma_wait3A_923 = tpu.memref_squeeze %dma_wait3A_922 : memref<1x40x64xi32, #tpu.memory_space<hbm>> -> memref<40x64xi32, #tpu.memory_space<hbm>>
      %dma_wait3A_924 = arith.constant 0 : i32
      %dma_wait3A_925 = arith.constant 0 : i32
      %dma_wait3A_926 = tpu.memref_slice %arg2[%add3A_33, %dma_wait3A_924, %dma_wait3A_925] : memref<128x40x64xi32, #tpu.memory_space<hbm>> -> memref<1x40x64xi32, #tpu.memory_space<hbm>>
      %dma_wait3A_927 = tpu.memref_squeeze %dma_wait3A_926 : memref<1x40x64xi32, #tpu.memory_space<hbm>> -> memref<40x64xi32, #tpu.memory_space<hbm>>
      tpu.wait_dma2 semaphore(%run_scoped3A : memref<!tpu.dma_semaphore, #tpu.memory_space<semaphore_mem>>) src(%dma_wait3A_927 : memref<40x64xi32, #tpu.memory_space<hbm>>) dst(%arg7 : memref<40x64xi32, #tpu.memory_space<vmem>>)
      tpu.yield
    }) : () -> ()
    "tpu.region"() ({
      %run_scoped3A = tpu.sem_alloc : memref<!tpu.dma_semaphore, #tpu.memory_space<semaphore_mem>>
      %dma_start3A_912 = arith.constant 0 : i32
      %dma_start3A_913 = arith.constant 0 : i32
      %dma_start3A_914 = tpu.memref_slice %arg3[%add3A_33, %dma_start3A_912, %dma_start3A_913] : memref<128x40x64xi32, #tpu.memory_space<hbm>> -> memref<1x40x64xi32, #tpu.memory_space<hbm>>
      %dma_start3A_915 = tpu.memref_squeeze %dma_start3A_914 : memref<1x40x64xi32, #tpu.memory_space<hbm>> -> memref<40x64xi32, #tpu.memory_space<hbm>>
      %dma_start3A_916 = arith.constant 0 : i32
      %dma_start3A_917 = arith.constant 0 : i32
      %dma_start3A_918 = tpu.memref_slice %arg3[%add3A_33, %dma_start3A_916, %dma_start3A_917] : memref<128x40x64xi32, #tpu.memory_space<hbm>> -> memref<1x40x64xi32, #tpu.memory_space<hbm>>
      %dma_start3A_919 = tpu.memref_squeeze %dma_start3A_918 : memref<1x40x64xi32, #tpu.memory_space<hbm>> -> memref<40x64xi32, #tpu.memory_space<hbm>>
      tpu.enqueue_dma source(%dma_start3A_919 : memref<40x64xi32, #tpu.memory_space<hbm>>) target(%arg8 : memref<40x64xi32, #tpu.memory_space<vmem>>) target_semaphore(%run_scoped3A : memref<!tpu.dma_semaphore, #tpu.memory_space<semaphore_mem>>)
      %dma_wait3A_920 = arith.constant 0 : i32
      %dma_wait3A_921 = arith.constant 0 : i32
      %dma_wait3A_922 = tpu.memref_slice %arg3[%add3A_33, %dma_wait3A_920, %dma_wait3A_921] : memref<128x40x64xi32, #tpu.memory_space<hbm>> -> memref<1x40x64xi32, #tpu.memory_space<hbm>>
      %dma_wait3A_923 = tpu.memref_squeeze %dma_wait3A_922 : memref<1x40x64xi32, #tpu.memory_space<hbm>> -> memref<40x64xi32, #tpu.memory_space<hbm>>
      %dma_wait3A_924 = arith.constant 0 : i32
      %dma_wait3A_925 = arith.constant 0 : i32
      %dma_wait3A_926 = tpu.memref_slice %arg3[%add3A_33, %dma_wait3A_924, %dma_wait3A_925] : memref<128x40x64xi32, #tpu.memory_space<hbm>> -> memref<1x40x64xi32, #tpu.memory_space<hbm>>
      %dma_wait3A_927 = tpu.memref_squeeze %dma_wait3A_926 : memref<1x40x64xi32, #tpu.memory_space<hbm>> -> memref<40x64xi32, #tpu.memory_space<hbm>>
      tpu.wait_dma2 semaphore(%run_scoped3A : memref<!tpu.dma_semaphore, #tpu.memory_space<semaphore_mem>>) src(%dma_wait3A_927 : memref<40x64xi32, #tpu.memory_space<hbm>>) dst(%arg8 : memref<40x64xi32, #tpu.memory_space<vmem>>)
      tpu.yield
    }) : () -> ()
    %dma_start3A = arith.constant 0 : i32
    %dma_start3A_34 = arith.constant 0 : i32
    %dma_start3A_35 = tpu.memref_slice %arg7[%dma_start3A, %dma_start3A_34] : memref<40x64xi32, #tpu.memory_space<vmem>> -> memref<1x64xi32, #tpu.memory_space<vmem>>
    %dma_start3A_36 = tpu.memref_squeeze %dma_start3A_35 : memref<1x64xi32, #tpu.memory_space<vmem>> -> memref<64xi32, #tpu.memory_space<vmem>>
    %dma_start3A_37 = arith.constant 0 : i32
    %dma_start3A_38 = arith.constant 0 : i32
    %dma_start3A_39 = tpu.memref_slice %arg4[%dma_start3A_37, %dma_start3A_38] : memref<50000x128xf32, #tpu.memory_space<hbm>> -> memref<50000x128xf32, #tpu.memory_space<hbm>>
    tpu.enqueue_indirect_dma source(%dma_start3A_39 : memref<50000x128xf32, #tpu.memory_space<hbm>>) target(%arg9 : memref<64x128xf32, #tpu.memory_space<vmem>>) offsets(%dma_start3A_36 : memref<64xi32, #tpu.memory_space<vmem>>) semaphore(%arg15 : memref<!tpu.dma_semaphore, #tpu.memory_space<semaphore_mem>>)
    %dma_start3A_40 = arith.constant 1 : i32
    %dma_start3A_41 = arith.constant 0 : i32
    %dma_start3A_42 = tpu.memref_slice %arg7[%dma_start3A_40, %dma_start3A_41] : memref<40x64xi32, #tpu.memory_space<vmem>> -> memref<1x64xi32, #tpu.memory_space<vmem>>
    %dma_start3A_43 = tpu.memref_squeeze %dma_start3A_42 : memref<1x64xi32, #tpu.memory_space<vmem>> -> memref<64xi32, #tpu.memory_space<vmem>>
    %dma_start3A_44 = arith.constant 0 : i32
    %dma_start3A_45 = arith.constant 0 : i32
    %dma_start3A_46 = tpu.memref_slice %arg4[%dma_start3A_44, %dma_start3A_45] : memref<50000x128xf32, #tpu.memory_space<hbm>> -> memref<50000x128xf32, #tpu.memory_space<hbm>>
    tpu.enqueue_indirect_dma source(%dma_start3A_46 : memref<50000x128xf32, #tpu.memory_space<hbm>>) target(%arg10 : memref<64x128xf32, #tpu.memory_space<vmem>>) offsets(%dma_start3A_43 : memref<64xi32, #tpu.memory_space<vmem>>) semaphore(%arg16 : memref<!tpu.dma_semaphore, #tpu.memory_space<semaphore_mem>>)
    %dma_start3A_47 = arith.constant 2 : i32
    %dma_start3A_48 = arith.constant 0 : i32
    %dma_start3A_49 = tpu.memref_slice %arg7[%dma_start3A_47, %dma_start3A_48] : memref<40x64xi32, #tpu.memory_space<vmem>> -> memref<1x64xi32, #tpu.memory_space<vmem>>
    %dma_start3A_50 = tpu.memref_squeeze %dma_start3A_49 : memref<1x64xi32, #tpu.memory_space<vmem>> -> memref<64xi32, #tpu.memory_space<vmem>>
    %dma_start3A_51 = arith.constant 0 : i32
    %dma_start3A_52 = arith.constant 0 : i32
    %dma_start3A_53 = tpu.memref_slice %arg4[%dma_start3A_51, %dma_start3A_52] : memref<50000x128xf32, #tpu.memory_space<hbm>> -> memref<50000x128xf32, #tpu.memory_space<hbm>>
    tpu.enqueue_indirect_dma source(%dma_start3A_53 : memref<50000x128xf32, #tpu.memory_space<hbm>>) target(%arg11 : memref<64x128xf32, #tpu.memory_space<vmem>>) offsets(%dma_start3A_50 : memref<64xi32, #tpu.memory_space<vmem>>) semaphore(%arg17 : memref<!tpu.dma_semaphore, #tpu.memory_space<semaphore_mem>>)
    %dma_start3A_54 = arith.constant 3 : i32
    %dma_start3A_55 = arith.constant 0 : i32
    %dma_start3A_56 = tpu.memref_slice %arg7[%dma_start3A_54, %dma_start3A_55] : memref<40x64xi32, #tpu.memory_space<vmem>> -> memref<1x64xi32, #tpu.memory_space<vmem>>
    %dma_start3A_57 = tpu.memref_squeeze %dma_start3A_56 : memref<1x64xi32, #tpu.memory_space<vmem>> -> memref<64xi32, #tpu.memory_space<vmem>>
    %dma_start3A_58 = arith.constant 0 : i32
    %dma_start3A_59 = arith.constant 0 : i32
    %dma_start3A_60 = tpu.memref_slice %arg4[%dma_start3A_58, %dma_start3A_59] : memref<50000x128xf32, #tpu.memory_space<hbm>> -> memref<50000x128xf32, #tpu.memory_space<hbm>>
    tpu.enqueue_indirect_dma source(%dma_start3A_60 : memref<50000x128xf32, #tpu.memory_space<hbm>>) target(%arg12 : memref<64x128xf32, #tpu.memory_space<vmem>>) offsets(%dma_start3A_57 : memref<64xi32, #tpu.memory_space<vmem>>) semaphore(%arg18 : memref<!tpu.dma_semaphore, #tpu.memory_space<semaphore_mem>>)
    %dma_wait3A = arith.constant 0 : i32
    %dma_wait3A_61 = arith.constant 0 : i32
    %dma_wait3A_62 = tpu.memref_slice %arg7[%dma_wait3A, %dma_wait3A_61] : memref<40x64xi32, #tpu.memory_space<vmem>> -> memref<1x64xi32, #tpu.memory_space<vmem>>
    %dma_wait3A_63 = tpu.memref_squeeze %dma_wait3A_62 : memref<1x64xi32, #tpu.memory_space<vmem>> -> memref<64xi32, #tpu.memory_space<vmem>>
    %dma_wait3A_64 = arith.constant 0 : i32
    %dma_wait3A_65 = arith.constant 0 : i32
    %dma_wait3A_66 = tpu.memref_slice %arg4[%dma_wait3A_64, %dma_wait3A_65] : memref<50000x128xf32, #tpu.memory_space<hbm>> -> memref<50000x128xf32, #tpu.memory_space<hbm>>
    tpu.wait_indirect_dma semaphore(%arg15 : memref<!tpu.dma_semaphore, #tpu.memory_space<semaphore_mem>>) src(%dma_wait3A_66 : memref<50000x128xf32, #tpu.memory_space<hbm>>) dst(%arg9 : memref<64x128xf32, #tpu.memory_space<vmem>>)
    %dma_start3A_67 = arith.constant 0 : i32
    %dma_start3A_68 = arith.constant 0 : i32
    %dma_start3A_69 = tpu.memref_slice %arg8[%dma_start3A_67, %dma_start3A_68] : memref<40x64xi32, #tpu.memory_space<vmem>> -> memref<1x64xi32, #tpu.memory_space<vmem>>
    %dma_start3A_70 = tpu.memref_squeeze %dma_start3A_69 : memref<1x64xi32, #tpu.memory_space<vmem>> -> memref<64xi32, #tpu.memory_space<vmem>>
    %dma_start3A_71 = arith.constant 0 : i32
    %dma_start3A_72 = arith.constant 0 : i32
    %dma_start3A_73 = tpu.memref_slice %arg27[%dma_start3A_71, %dma_start3A_72] : memref<10240x128xf32, #tpu.memory_space<vmem_shared>> -> memref<10240x128xf32, #tpu.memory_space<vmem_shared>>
    tpu.enqueue_indirect_dma source(%arg9 : memref<64x128xf32, #tpu.memory_space<vmem>>) target(%dma_start3A_73 : memref<10240x128xf32, #tpu.memory_space<vmem_shared>>) offsets(%dma_start3A_70 : memref<64xi32, #tpu.memory_space<vmem>>) semaphore(%arg19 : memref<!tpu.dma_semaphore, #tpu.memory_space<semaphore_mem>>) {add = true}
    %dma_start3A_74 = arith.constant 0 : i32
    %dma_start3A_75 = arith.constant 0 : i32
    %dma_start3A_76 = tpu.memref_slice %arg8[%dma_start3A_74, %dma_start3A_75] : memref<40x64xi32, #tpu.memory_space<vmem>> -> memref<1x64xi32, #tpu.memory_space<vmem>>
    %dma_start3A_77 = tpu.memref_squeeze %dma_start3A_76 : memref<1x64xi32, #tpu.memory_space<vmem>> -> memref<64xi32, #tpu.memory_space<vmem>>
    %dma_start3A_78 = arith.constant 0 : i32
    %dma_start3A_79 = tpu.memref_slice %arg28[%dma_start3A_78] : memref<10240xf32, #tpu.memory_space<vmem_shared>> -> memref<10240xf32, #tpu.memory_space<vmem_shared>>
    tpu.enqueue_indirect_dma source(%arg13 : memref<64xf32, #tpu.memory_space<vmem>>) target(%dma_start3A_79 : memref<10240xf32, #tpu.memory_space<vmem_shared>>) offsets(%dma_start3A_77 : memref<64xi32, #tpu.memory_space<vmem>>) semaphore(%arg23 : memref<!tpu.dma_semaphore, #tpu.memory_space<semaphore_mem>>) {add = true}
    %dma_wait3A_80 = arith.constant 1 : i32
    %dma_wait3A_81 = arith.constant 0 : i32
    %dma_wait3A_82 = tpu.memref_slice %arg7[%dma_wait3A_80, %dma_wait3A_81] : memref<40x64xi32, #tpu.memory_space<vmem>> -> memref<1x64xi32, #tpu.memory_space<vmem>>
    %dma_wait3A_83 = tpu.memref_squeeze %dma_wait3A_82 : memref<1x64xi32, #tpu.memory_space<vmem>> -> memref<64xi32, #tpu.memory_space<vmem>>
    %dma_wait3A_84 = arith.constant 0 : i32
    %dma_wait3A_85 = arith.constant 0 : i32
    %dma_wait3A_86 = tpu.memref_slice %arg4[%dma_wait3A_84, %dma_wait3A_85] : memref<50000x128xf32, #tpu.memory_space<hbm>> -> memref<50000x128xf32, #tpu.memory_space<hbm>>
    tpu.wait_indirect_dma semaphore(%arg16 : memref<!tpu.dma_semaphore, #tpu.memory_space<semaphore_mem>>) src(%dma_wait3A_86 : memref<50000x128xf32, #tpu.memory_space<hbm>>) dst(%arg10 : memref<64x128xf32, #tpu.memory_space<vmem>>)
    %dma_start3A_87 = arith.constant 1 : i32
    %dma_start3A_88 = arith.constant 0 : i32
    %dma_start3A_89 = tpu.memref_slice %arg8[%dma_start3A_87, %dma_start3A_88] : memref<40x64xi32, #tpu.memory_space<vmem>> -> memref<1x64xi32, #tpu.memory_space<vmem>>
    %dma_start3A_90 = tpu.memref_squeeze %dma_start3A_89 : memref<1x64xi32, #tpu.memory_space<vmem>> -> memref<64xi32, #tpu.memory_space<vmem>>
    %dma_start3A_91 = arith.constant 0 : i32
    %dma_start3A_92 = arith.constant 0 : i32
    %dma_start3A_93 = tpu.memref_slice %arg27[%dma_start3A_91, %dma_start3A_92] : memref<10240x128xf32, #tpu.memory_space<vmem_shared>> -> memref<10240x128xf32, #tpu.memory_space<vmem_shared>>
    tpu.enqueue_indirect_dma source(%arg10 : memref<64x128xf32, #tpu.memory_space<vmem>>) target(%dma_start3A_93 : memref<10240x128xf32, #tpu.memory_space<vmem_shared>>) offsets(%dma_start3A_90 : memref<64xi32, #tpu.memory_space<vmem>>) semaphore(%arg20 : memref<!tpu.dma_semaphore, #tpu.memory_space<semaphore_mem>>) {add = true}
    %dma_start3A_94 = arith.constant 1 : i32
    %dma_start3A_95 = arith.constant 0 : i32
    %dma_start3A_96 = tpu.memref_slice %arg8[%dma_start3A_94, %dma_start3A_95] : memref<40x64xi32, #tpu.memory_space<vmem>> -> memref<1x64xi32, #tpu.memory_space<vmem>>
    %dma_start3A_97 = tpu.memref_squeeze %dma_start3A_96 : memref<1x64xi32, #tpu.memory_space<vmem>> -> memref<64xi32, #tpu.memory_space<vmem>>
    %dma_start3A_98 = arith.constant 0 : i32
    %dma_start3A_99 = tpu.memref_slice %arg28[%dma_start3A_98] : memref<10240xf32, #tpu.memory_space<vmem_shared>> -> memref<10240xf32, #tpu.memory_space<vmem_shared>>
    tpu.enqueue_indirect_dma source(%arg13 : memref<64xf32, #tpu.memory_space<vmem>>) target(%dma_start3A_99 : memref<10240xf32, #tpu.memory_space<vmem_shared>>) offsets(%dma_start3A_97 : memref<64xi32, #tpu.memory_space<vmem>>) semaphore(%arg24 : memref<!tpu.dma_semaphore, #tpu.memory_space<semaphore_mem>>) {add = true}
    %dma_wait3A_100 = arith.constant 0 : i32
    %dma_wait3A_101 = arith.constant 0 : i32
    %dma_wait3A_102 = tpu.memref_slice %arg8[%dma_wait3A_100, %dma_wait3A_101] : memref<40x64xi32, #tpu.memory_space<vmem>> -> memref<1x64xi32, #tpu.memory_space<vmem>>
    %dma_wait3A_103 = tpu.memref_squeeze %dma_wait3A_102 : memref<1x64xi32, #tpu.memory_space<vmem>> -> memref<64xi32, #tpu.memory_space<vmem>>
    %dma_wait3A_104 = arith.constant 0 : i32
    %dma_wait3A_105 = arith.constant 0 : i32
    %dma_wait3A_106 = tpu.memref_slice %arg27[%dma_wait3A_104, %dma_wait3A_105] : memref<10240x128xf32, #tpu.memory_space<vmem_shared>> -> memref<10240x128xf32, #tpu.memory_space<vmem_shared>>
    tpu.wait_indirect_dma semaphore(%arg19 : memref<!tpu.dma_semaphore, #tpu.memory_space<semaphore_mem>>) src(%arg9 : memref<64x128xf32, #tpu.memory_space<vmem>>) dst(%dma_wait3A_106 : memref<10240x128xf32, #tpu.memory_space<vmem_shared>>)
    %dma_wait3A_107 = arith.constant 0 : i32
    %dma_wait3A_108 = arith.constant 0 : i32
    %dma_wait3A_109 = tpu.memref_slice %arg8[%dma_wait3A_107, %dma_wait3A_108] : memref<40x64xi32, #tpu.memory_space<vmem>> -> memref<1x64xi32, #tpu.memory_space<vmem>>
    %dma_wait3A_110 = tpu.memref_squeeze %dma_wait3A_109 : memref<1x64xi32, #tpu.memory_space<vmem>> -> memref<64xi32, #tpu.memory_space<vmem>>
    %dma_wait3A_111 = arith.constant 0 : i32
    %dma_wait3A_112 = tpu.memref_slice %arg28[%dma_wait3A_111] : memref<10240xf32, #tpu.memory_space<vmem_shared>> -> memref<10240xf32, #tpu.memory_space<vmem_shared>>
    tpu.wait_indirect_dma semaphore(%arg23 : memref<!tpu.dma_semaphore, #tpu.memory_space<semaphore_mem>>) src(%arg13 : memref<64xf32, #tpu.memory_space<vmem>>) dst(%dma_wait3A_112 : memref<10240xf32, #tpu.memory_space<vmem_shared>>)
    %rem3A = arith.constant 4 : i32
    %rem3A_113 = arith.constant 40 : i32
    %rem3A_114 = arith.remsi %rem3A, %rem3A_113 : i32
    %dma_start3A_115 = arith.constant 0 : i32
    %dma_start3A_116 = tpu.memref_slice %arg7[%rem3A_114, %dma_start3A_115] : memref<40x64xi32, #tpu.memory_space<vmem>> -> memref<1x64xi32, #tpu.memory_space<vmem>>
    %dma_start3A_117 = tpu.memref_squeeze %dma_start3A_116 : memref<1x64xi32, #tpu.memory_space<vmem>> -> memref<64xi32, #tpu.memory_space<vmem>>
    %dma_start3A_118 = arith.constant 0 : i32
    %dma_start3A_119 = arith.constant 0 : i32
    %dma_start3A_120 = tpu.memref_slice %arg4[%dma_start3A_118, %dma_start3A_119] : memref<50000x128xf32, #tpu.memory_space<hbm>> -> memref<50000x128xf32, #tpu.memory_space<hbm>>
    tpu.enqueue_indirect_dma source(%dma_start3A_120 : memref<50000x128xf32, #tpu.memory_space<hbm>>) target(%arg9 : memref<64x128xf32, #tpu.memory_space<vmem>>) offsets(%dma_start3A_117 : memref<64xi32, #tpu.memory_space<vmem>>) semaphore(%arg15 : memref<!tpu.dma_semaphore, #tpu.memory_space<semaphore_mem>>)
    %dma_wait3A_121 = arith.constant 2 : i32
    %dma_wait3A_122 = arith.constant 0 : i32
    %dma_wait3A_123 = tpu.memref_slice %arg7[%dma_wait3A_121, %dma_wait3A_122] : memref<40x64xi32, #tpu.memory_space<vmem>> -> memref<1x64xi32, #tpu.memory_space<vmem>>
    %dma_wait3A_124 = tpu.memref_squeeze %dma_wait3A_123 : memref<1x64xi32, #tpu.memory_space<vmem>> -> memref<64xi32, #tpu.memory_space<vmem>>
    %dma_wait3A_125 = arith.constant 0 : i32
    %dma_wait3A_126 = arith.constant 0 : i32
    %dma_wait3A_127 = tpu.memref_slice %arg4[%dma_wait3A_125, %dma_wait3A_126] : memref<50000x128xf32, #tpu.memory_space<hbm>> -> memref<50000x128xf32, #tpu.memory_space<hbm>>
    tpu.wait_indirect_dma semaphore(%arg17 : memref<!tpu.dma_semaphore, #tpu.memory_space<semaphore_mem>>) src(%dma_wait3A_127 : memref<50000x128xf32, #tpu.memory_space<hbm>>) dst(%arg11 : memref<64x128xf32, #tpu.memory_space<vmem>>)
    %dma_start3A_128 = arith.constant 2 : i32
    %dma_start3A_129 = arith.constant 0 : i32
    %dma_start3A_130 = tpu.memref_slice %arg8[%dma_start3A_128, %dma_start3A_129] : memref<40x64xi32, #tpu.memory_space<vmem>> -> memref<1x64xi32, #tpu.memory_space<vmem>>
    %dma_start3A_131 = tpu.memref_squeeze %dma_start3A_130 : memref<1x64xi32, #tpu.memory_space<vmem>> -> memref<64xi32, #tpu.memory_space<vmem>>
    %dma_start3A_132 = arith.constant 0 : i32
    %dma_start3A_133 = arith.constant 0 : i32
    %dma_start3A_134 = tpu.memref_slice %arg27[%dma_start3A_132, %dma_start3A_133] : memref<10240x128xf32, #tpu.memory_space<vmem_shared>> -> memref<10240x128xf32, #tpu.memory_space<vmem_shared>>
    tpu.enqueue_indirect_dma source(%arg11 : memref<64x128xf32, #tpu.memory_space<vmem>>) target(%dma_start3A_134 : memref<10240x128xf32, #tpu.memory_space<vmem_shared>>) offsets(%dma_start3A_131 : memref<64xi32, #tpu.memory_space<vmem>>) semaphore(%arg21 : memref<!tpu.dma_semaphore, #tpu.memory_space<semaphore_mem>>) {add = true}
    %dma_start3A_135 = arith.constant 2 : i32
    %dma_start3A_136 = arith.constant 0 : i32
    %dma_start3A_137 = tpu.memref_slice %arg8[%dma_start3A_135, %dma_start3A_136] : memref<40x64xi32, #tpu.memory_space<vmem>> -> memref<1x64xi32, #tpu.memory_space<vmem>>
    %dma_start3A_138 = tpu.memref_squeeze %dma_start3A_137 : memref<1x64xi32, #tpu.memory_space<vmem>> -> memref<64xi32, #tpu.memory_space<vmem>>
    %dma_start3A_139 = arith.constant 0 : i32
    %dma_start3A_140 = tpu.memref_slice %arg28[%dma_start3A_139] : memref<10240xf32, #tpu.memory_space<vmem_shared>> -> memref<10240xf32, #tpu.memory_space<vmem_shared>>
    tpu.enqueue_indirect_dma source(%arg13 : memref<64xf32, #tpu.memory_space<vmem>>) target(%dma_start3A_140 : memref<10240xf32, #tpu.memory_space<vmem_shared>>) offsets(%dma_start3A_138 : memref<64xi32, #tpu.memory_space<vmem>>) semaphore(%arg25 : memref<!tpu.dma_semaphore, #tpu.memory_space<semaphore_mem>>) {add = true}
    %dma_wait3A_141 = arith.constant 1 : i32
    %dma_wait3A_142 = arith.constant 0 : i32
    %dma_wait3A_143 = tpu.memref_slice %arg8[%dma_wait3A_141, %dma_wait3A_142] : memref<40x64xi32, #tpu.memory_space<vmem>> -> memref<1x64xi32, #tpu.memory_space<vmem>>
    %dma_wait3A_144 = tpu.memref_squeeze %dma_wait3A_143 : memref<1x64xi32, #tpu.memory_space<vmem>> -> memref<64xi32, #tpu.memory_space<vmem>>
    %dma_wait3A_145 = arith.constant 0 : i32
    %dma_wait3A_146 = arith.constant 0 : i32
    %dma_wait3A_147 = tpu.memref_slice %arg27[%dma_wait3A_145, %dma_wait3A_146] : memref<10240x128xf32, #tpu.memory_space<vmem_shared>> -> memref<10240x128xf32, #tpu.memory_space<vmem_shared>>
    tpu.wait_indirect_dma semaphore(%arg20 : memref<!tpu.dma_semaphore, #tpu.memory_space<semaphore_mem>>) src(%arg10 : memref<64x128xf32, #tpu.memory_space<vmem>>) dst(%dma_wait3A_147 : memref<10240x128xf32, #tpu.memory_space<vmem_shared>>)
    %dma_wait3A_148 = arith.constant 1 : i32
    %dma_wait3A_149 = arith.constant 0 : i32
    %dma_wait3A_150 = tpu.memref_slice %arg8[%dma_wait3A_148, %dma_wait3A_149] : memref<40x64xi32, #tpu.memory_space<vmem>> -> memref<1x64xi32, #tpu.memory_space<vmem>>
    %dma_wait3A_151 = tpu.memref_squeeze %dma_wait3A_150 : memref<1x64xi32, #tpu.memory_space<vmem>> -> memref<64xi32, #tpu.memory_space<vmem>>
    %dma_wait3A_152 = arith.constant 0 : i32
    %dma_wait3A_153 = tpu.memref_slice %arg28[%dma_wait3A_152] : memref<10240xf32, #tpu.memory_space<vmem_shared>> -> memref<10240xf32, #tpu.memory_space<vmem_shared>>
    tpu.wait_indirect_dma semaphore(%arg24 : memref<!tpu.dma_semaphore, #tpu.memory_space<semaphore_mem>>) src(%arg13 : memref<64xf32, #tpu.memory_space<vmem>>) dst(%dma_wait3A_153 : memref<10240xf32, #tpu.memory_space<vmem_shared>>)
    %rem3A_154 = arith.constant 5 : i32
    %rem3A_155 = arith.constant 40 : i32
    %rem3A_156 = arith.remsi %rem3A_154, %rem3A_155 : i32
    %dma_start3A_157 = arith.constant 0 : i32
    %dma_start3A_158 = tpu.memref_slice %arg7[%rem3A_156, %dma_start3A_157] : memref<40x64xi32, #tpu.memory_space<vmem>> -> memref<1x64xi32, #tpu.memory_space<vmem>>
    %dma_start3A_159 = tpu.memref_squeeze %dma_start3A_158 : memref<1x64xi32, #tpu.memory_space<vmem>> -> memref<64xi32, #tpu.memory_space<vmem>>
    %dma_start3A_160 = arith.constant 0 : i32
    %dma_start3A_161 = arith.constant 0 : i32
    %dma_start3A_162 = tpu.memref_slice %arg4[%dma_start3A_160, %dma_start3A_161] : memref<50000x128xf32, #tpu.memory_space<hbm>> -> memref<50000x128xf32, #tpu.memory_space<hbm>>
    tpu.enqueue_indirect_dma source(%dma_start3A_162 : memref<50000x128xf32, #tpu.memory_space<hbm>>) target(%arg10 : memref<64x128xf32, #tpu.memory_space<vmem>>) offsets(%dma_start3A_159 : memref<64xi32, #tpu.memory_space<vmem>>) semaphore(%arg16 : memref<!tpu.dma_semaphore, #tpu.memory_space<semaphore_mem>>)
    %dma_wait3A_163 = arith.constant 3 : i32
    %dma_wait3A_164 = arith.constant 0 : i32
    %dma_wait3A_165 = tpu.memref_slice %arg7[%dma_wait3A_163, %dma_wait3A_164] : memref<40x64xi32, #tpu.memory_space<vmem>> -> memref<1x64xi32, #tpu.memory_space<vmem>>
    %dma_wait3A_166 = tpu.memref_squeeze %dma_wait3A_165 : memref<1x64xi32, #tpu.memory_space<vmem>> -> memref<64xi32, #tpu.memory_space<vmem>>
    %dma_wait3A_167 = arith.constant 0 : i32
    %dma_wait3A_168 = arith.constant 0 : i32
    %dma_wait3A_169 = tpu.memref_slice %arg4[%dma_wait3A_167, %dma_wait3A_168] : memref<50000x128xf32, #tpu.memory_space<hbm>> -> memref<50000x128xf32, #tpu.memory_space<hbm>>
    tpu.wait_indirect_dma semaphore(%arg18 : memref<!tpu.dma_semaphore, #tpu.memory_space<semaphore_mem>>) src(%dma_wait3A_169 : memref<50000x128xf32, #tpu.memory_space<hbm>>) dst(%arg12 : memref<64x128xf32, #tpu.memory_space<vmem>>)
    %dma_start3A_170 = arith.constant 3 : i32
    %dma_start3A_171 = arith.constant 0 : i32
    %dma_start3A_172 = tpu.memref_slice %arg8[%dma_start3A_170, %dma_start3A_171] : memref<40x64xi32, #tpu.memory_space<vmem>> -> memref<1x64xi32, #tpu.memory_space<vmem>>
    %dma_start3A_173 = tpu.memref_squeeze %dma_start3A_172 : memref<1x64xi32, #tpu.memory_space<vmem>> -> memref<64xi32, #tpu.memory_space<vmem>>
    %dma_start3A_174 = arith.constant 0 : i32
    %dma_start3A_175 = arith.constant 0 : i32
    %dma_start3A_176 = tpu.memref_slice %arg27[%dma_start3A_174, %dma_start3A_175] : memref<10240x128xf32, #tpu.memory_space<vmem_shared>> -> memref<10240x128xf32, #tpu.memory_space<vmem_shared>>
    tpu.enqueue_indirect_dma source(%arg12 : memref<64x128xf32, #tpu.memory_space<vmem>>) target(%dma_start3A_176 : memref<10240x128xf32, #tpu.memory_space<vmem_shared>>) offsets(%dma_start3A_173 : memref<64xi32, #tpu.memory_space<vmem>>) semaphore(%arg22 : memref<!tpu.dma_semaphore, #tpu.memory_space<semaphore_mem>>) {add = true}
    %dma_start3A_177 = arith.constant 3 : i32
    %dma_start3A_178 = arith.constant 0 : i32
    %dma_start3A_179 = tpu.memref_slice %arg8[%dma_start3A_177, %dma_start3A_178] : memref<40x64xi32, #tpu.memory_space<vmem>> -> memref<1x64xi32, #tpu.memory_space<vmem>>
    %dma_start3A_180 = tpu.memref_squeeze %dma_start3A_179 : memref<1x64xi32, #tpu.memory_space<vmem>> -> memref<64xi32, #tpu.memory_space<vmem>>
    %dma_start3A_181 = arith.constant 0 : i32
    %dma_start3A_182 = tpu.memref_slice %arg28[%dma_start3A_181] : memref<10240xf32, #tpu.memory_space<vmem_shared>> -> memref<10240xf32, #tpu.memory_space<vmem_shared>>
    tpu.enqueue_indirect_dma source(%arg13 : memref<64xf32, #tpu.memory_space<vmem>>) target(%dma_start3A_182 : memref<10240xf32, #tpu.memory_space<vmem_shared>>) offsets(%dma_start3A_180 : memref<64xi32, #tpu.memory_space<vmem>>) semaphore(%arg26 : memref<!tpu.dma_semaphore, #tpu.memory_space<semaphore_mem>>) {add = true}
    %dma_wait3A_183 = arith.constant 2 : i32
    %dma_wait3A_184 = arith.constant 0 : i32
    %dma_wait3A_185 = tpu.memref_slice %arg8[%dma_wait3A_183, %dma_wait3A_184] : memref<40x64xi32, #tpu.memory_space<vmem>> -> memref<1x64xi32, #tpu.memory_space<vmem>>
    %dma_wait3A_186 = tpu.memref_squeeze %dma_wait3A_185 : memref<1x64xi32, #tpu.memory_space<vmem>> -> memref<64xi32, #tpu.memory_space<vmem>>
    %dma_wait3A_187 = arith.constant 0 : i32
    %dma_wait3A_188 = arith.constant 0 : i32
    %dma_wait3A_189 = tpu.memref_slice %arg27[%dma_wait3A_187, %dma_wait3A_188] : memref<10240x128xf32, #tpu.memory_space<vmem_shared>> -> memref<10240x128xf32, #tpu.memory_space<vmem_shared>>
    tpu.wait_indirect_dma semaphore(%arg21 : memref<!tpu.dma_semaphore, #tpu.memory_space<semaphore_mem>>) src(%arg11 : memref<64x128xf32, #tpu.memory_space<vmem>>) dst(%dma_wait3A_189 : memref<10240x128xf32, #tpu.memory_space<vmem_shared>>)
    %dma_wait3A_190 = arith.constant 2 : i32
    %dma_wait3A_191 = arith.constant 0 : i32
    %dma_wait3A_192 = tpu.memref_slice %arg8[%dma_wait3A_190, %dma_wait3A_191] : memref<40x64xi32, #tpu.memory_space<vmem>> -> memref<1x64xi32, #tpu.memory_space<vmem>>
    %dma_wait3A_193 = tpu.memref_squeeze %dma_wait3A_192 : memref<1x64xi32, #tpu.memory_space<vmem>> -> memref<64xi32, #tpu.memory_space<vmem>>
    %dma_wait3A_194 = arith.constant 0 : i32
    %dma_wait3A_195 = tpu.memref_slice %arg28[%dma_wait3A_194] : memref<10240xf32, #tpu.memory_space<vmem_shared>> -> memref<10240xf32, #tpu.memory_space<vmem_shared>>
    tpu.wait_indirect_dma semaphore(%arg25 : memref<!tpu.dma_semaphore, #tpu.memory_space<semaphore_mem>>) src(%arg13 : memref<64xf32, #tpu.memory_space<vmem>>) dst(%dma_wait3A_195 : memref<10240xf32, #tpu.memory_space<vmem_shared>>)
    %rem3A_196 = arith.constant 6 : i32
    %rem3A_197 = arith.constant 40 : i32
    %rem3A_198 = arith.remsi %rem3A_196, %rem3A_197 : i32
    %dma_start3A_199 = arith.constant 0 : i32
    %dma_start3A_200 = tpu.memref_slice %arg7[%rem3A_198, %dma_start3A_199] : memref<40x64xi32, #tpu.memory_space<vmem>> -> memref<1x64xi32, #tpu.memory_space<vmem>>
    %dma_start3A_201 = tpu.memref_squeeze %dma_start3A_200 : memref<1x64xi32, #tpu.memory_space<vmem>> -> memref<64xi32, #tpu.memory_space<vmem>>
    %dma_start3A_202 = arith.constant 0 : i32
    %dma_start3A_203 = arith.constant 0 : i32
    %dma_start3A_204 = tpu.memref_slice %arg4[%dma_start3A_202, %dma_start3A_203] : memref<50000x128xf32, #tpu.memory_space<hbm>> -> memref<50000x128xf32, #tpu.memory_space<hbm>>
    tpu.enqueue_indirect_dma source(%dma_start3A_204 : memref<50000x128xf32, #tpu.memory_space<hbm>>) target(%arg11 : memref<64x128xf32, #tpu.memory_space<vmem>>) offsets(%dma_start3A_201 : memref<64xi32, #tpu.memory_space<vmem>>) semaphore(%arg17 : memref<!tpu.dma_semaphore, #tpu.memory_space<semaphore_mem>>)
    %scan3A_205 = arith.constant 0 : i32
    %scan3A_206 = arith.constant 1 : i32
    %scan3A_207 = arith.constant 9 : i32
    %scan3A_208 = arith.addi %scan3A_206, %scan3A_207 : i32
    %scan3A_209 = arith.constant 1 : i32
    %scan3A_210 = scf.for %scan3A_912 = %scan3A_206 to %scan3A_208 step %scan3A_209 iter_args(%scan3A_913 = %scan3A_205) -> (i32)  : i32 {
      %mul3A_914 = arith.constant 4 : i32
      %mul3A_915 = arith.muli %scan3A_912, %mul3A_914 : i32
      %add3A_916 = arith.constant 0 : i32
      %add3A_917 = arith.addi %mul3A_915, %add3A_916 : i32
      %dma_wait3A_918 = arith.constant 0 : i32
      %dma_wait3A_919 = tpu.memref_slice %arg7[%add3A_917, %dma_wait3A_918] : memref<40x64xi32, #tpu.memory_space<vmem>> -> memref<1x64xi32, #tpu.memory_space<vmem>>
      %dma_wait3A_920 = tpu.memref_squeeze %dma_wait3A_919 : memref<1x64xi32, #tpu.memory_space<vmem>> -> memref<64xi32, #tpu.memory_space<vmem>>
      %dma_wait3A_921 = arith.constant 0 : i32
      %dma_wait3A_922 = arith.constant 0 : i32
      %dma_wait3A_923 = tpu.memref_slice %arg4[%dma_wait3A_921, %dma_wait3A_922] : memref<50000x128xf32, #tpu.memory_space<hbm>> -> memref<50000x128xf32, #tpu.memory_space<hbm>>
      tpu.wait_indirect_dma semaphore(%arg15 : memref<!tpu.dma_semaphore, #tpu.memory_space<semaphore_mem>>) src(%dma_wait3A_923 : memref<50000x128xf32, #tpu.memory_space<hbm>>) dst(%arg9 : memref<64x128xf32, #tpu.memory_space<vmem>>)
      %dma_start3A_924 = arith.constant 0 : i32
      %dma_start3A_925 = tpu.memref_slice %arg8[%add3A_917, %dma_start3A_924] : memref<40x64xi32, #tpu.memory_space<vmem>> -> memref<1x64xi32, #tpu.memory_space<vmem>>
      %dma_start3A_926 = tpu.memref_squeeze %dma_start3A_925 : memref<1x64xi32, #tpu.memory_space<vmem>> -> memref<64xi32, #tpu.memory_space<vmem>>
      %dma_start3A_927 = arith.constant 0 : i32
      %dma_start3A_928 = arith.constant 0 : i32
      %dma_start3A_929 = tpu.memref_slice %arg27[%dma_start3A_927, %dma_start3A_928] : memref<10240x128xf32, #tpu.memory_space<vmem_shared>> -> memref<10240x128xf32, #tpu.memory_space<vmem_shared>>
      tpu.enqueue_indirect_dma source(%arg9 : memref<64x128xf32, #tpu.memory_space<vmem>>) target(%dma_start3A_929 : memref<10240x128xf32, #tpu.memory_space<vmem_shared>>) offsets(%dma_start3A_926 : memref<64xi32, #tpu.memory_space<vmem>>) semaphore(%arg19 : memref<!tpu.dma_semaphore, #tpu.memory_space<semaphore_mem>>) {add = true}
      %dma_start3A_930 = arith.constant 0 : i32
      %dma_start3A_931 = tpu.memref_slice %arg8[%add3A_917, %dma_start3A_930] : memref<40x64xi32, #tpu.memory_space<vmem>> -> memref<1x64xi32, #tpu.memory_space<vmem>>
      %dma_start3A_932 = tpu.memref_squeeze %dma_start3A_931 : memref<1x64xi32, #tpu.memory_space<vmem>> -> memref<64xi32, #tpu.memory_space<vmem>>
      %dma_start3A_933 = arith.constant 0 : i32
      %dma_start3A_934 = tpu.memref_slice %arg28[%dma_start3A_933] : memref<10240xf32, #tpu.memory_space<vmem_shared>> -> memref<10240xf32, #tpu.memory_space<vmem_shared>>
      tpu.enqueue_indirect_dma source(%arg13 : memref<64xf32, #tpu.memory_space<vmem>>) target(%dma_start3A_934 : memref<10240xf32, #tpu.memory_space<vmem_shared>>) offsets(%dma_start3A_932 : memref<64xi32, #tpu.memory_space<vmem>>) semaphore(%arg23 : memref<!tpu.dma_semaphore, #tpu.memory_space<semaphore_mem>>) {add = true}
      %sub3A = arith.constant 1 : i32
      %sub3A_935 = arith.subi %add3A_917, %sub3A : i32
      %dma_wait3A_936 = arith.constant 0 : i32
      %dma_wait3A_937 = tpu.memref_slice %arg8[%sub3A_935, %dma_wait3A_936] : memref<40x64xi32, #tpu.memory_space<vmem>> -> memref<1x64xi32, #tpu.memory_space<vmem>>
      %dma_wait3A_938 = tpu.memref_squeeze %dma_wait3A_937 : memref<1x64xi32, #tpu.memory_space<vmem>> -> memref<64xi32, #tpu.memory_space<vmem>>
      %dma_wait3A_939 = arith.constant 0 : i32
      %dma_wait3A_940 = arith.constant 0 : i32
      %dma_wait3A_941 = tpu.memref_slice %arg27[%dma_wait3A_939, %dma_wait3A_940] : memref<10240x128xf32, #tpu.memory_space<vmem_shared>> -> memref<10240x128xf32, #tpu.memory_space<vmem_shared>>
      tpu.wait_indirect_dma semaphore(%arg22 : memref<!tpu.dma_semaphore, #tpu.memory_space<semaphore_mem>>) src(%arg12 : memref<64x128xf32, #tpu.memory_space<vmem>>) dst(%dma_wait3A_941 : memref<10240x128xf32, #tpu.memory_space<vmem_shared>>)
      %dma_wait3A_942 = arith.constant 0 : i32
      %dma_wait3A_943 = tpu.memref_slice %arg8[%sub3A_935, %dma_wait3A_942] : memref<40x64xi32, #tpu.memory_space<vmem>> -> memref<1x64xi32, #tpu.memory_space<vmem>>
      %dma_wait3A_944 = tpu.memref_squeeze %dma_wait3A_943 : memref<1x64xi32, #tpu.memory_space<vmem>> -> memref<64xi32, #tpu.memory_space<vmem>>
      %dma_wait3A_945 = arith.constant 0 : i32
      %dma_wait3A_946 = tpu.memref_slice %arg28[%dma_wait3A_945] : memref<10240xf32, #tpu.memory_space<vmem_shared>> -> memref<10240xf32, #tpu.memory_space<vmem_shared>>
      tpu.wait_indirect_dma semaphore(%arg26 : memref<!tpu.dma_semaphore, #tpu.memory_space<semaphore_mem>>) src(%arg13 : memref<64xf32, #tpu.memory_space<vmem>>) dst(%dma_wait3A_946 : memref<10240xf32, #tpu.memory_space<vmem_shared>>)
      %add3A_947 = arith.constant 4 : i32
      %add3A_948 = arith.addi %sub3A_935, %add3A_947 : i32
      %rem3A_949 = arith.constant 40 : i32
      %rem3A_950 = arith.remsi %add3A_948, %rem3A_949 : i32
      %dma_start3A_951 = arith.constant 0 : i32
      %dma_start3A_952 = tpu.memref_slice %arg7[%rem3A_950, %dma_start3A_951] : memref<40x64xi32, #tpu.memory_space<vmem>> -> memref<1x64xi32, #tpu.memory_space<vmem>>
      %dma_start3A_953 = tpu.memref_squeeze %dma_start3A_952 : memref<1x64xi32, #tpu.memory_space<vmem>> -> memref<64xi32, #tpu.memory_space<vmem>>
      %dma_start3A_954 = arith.constant 0 : i32
      %dma_start3A_955 = arith.constant 0 : i32
      %dma_start3A_956 = tpu.memref_slice %arg4[%dma_start3A_954, %dma_start3A_955] : memref<50000x128xf32, #tpu.memory_space<hbm>> -> memref<50000x128xf32, #tpu.memory_space<hbm>>
      tpu.enqueue_indirect_dma source(%dma_start3A_956 : memref<50000x128xf32, #tpu.memory_space<hbm>>) target(%arg12 : memref<64x128xf32, #tpu.memory_space<vmem>>) offsets(%dma_start3A_953 : memref<64xi32, #tpu.memory_space<vmem>>) semaphore(%arg18 : memref<!tpu.dma_semaphore, #tpu.memory_space<semaphore_mem>>)
      %add3A_957 = arith.constant 1 : i32
      %add3A_958 = arith.addi %mul3A_915, %add3A_957 : i32
      %dma_wait3A_959 = arith.constant 0 : i32
      %dma_wait3A_960 = tpu.memref_slice %arg7[%add3A_958, %dma_wait3A_959] : memref<40x64xi32, #tpu.memory_space<vmem>> -> memref<1x64xi32, #tpu.memory_space<vmem>>
      %dma_wait3A_961 = tpu.memref_squeeze %dma_wait3A_960 : memref<1x64xi32, #tpu.memory_space<vmem>> -> memref<64xi32, #tpu.memory_space<vmem>>
      %dma_wait3A_962 = arith.constant 0 : i32
      %dma_wait3A_963 = arith.constant 0 : i32
      %dma_wait3A_964 = tpu.memref_slice %arg4[%dma_wait3A_962, %dma_wait3A_963] : memref<50000x128xf32, #tpu.memory_space<hbm>> -> memref<50000x128xf32, #tpu.memory_space<hbm>>
      tpu.wait_indirect_dma semaphore(%arg16 : memref<!tpu.dma_semaphore, #tpu.memory_space<semaphore_mem>>) src(%dma_wait3A_964 : memref<50000x128xf32, #tpu.memory_space<hbm>>) dst(%arg10 : memref<64x128xf32, #tpu.memory_space<vmem>>)
      %dma_start3A_965 = arith.constant 0 : i32
      %dma_start3A_966 = tpu.memref_slice %arg8[%add3A_958, %dma_start3A_965] : memref<40x64xi32, #tpu.memory_space<vmem>> -> memref<1x64xi32, #tpu.memory_space<vmem>>
      %dma_start3A_967 = tpu.memref_squeeze %dma_start3A_966 : memref<1x64xi32, #tpu.memory_space<vmem>> -> memref<64xi32, #tpu.memory_space<vmem>>
      %dma_start3A_968 = arith.constant 0 : i32
      %dma_start3A_969 = arith.constant 0 : i32
      %dma_start3A_970 = tpu.memref_slice %arg27[%dma_start3A_968, %dma_start3A_969] : memref<10240x128xf32, #tpu.memory_space<vmem_shared>> -> memref<10240x128xf32, #tpu.memory_space<vmem_shared>>
      tpu.enqueue_indirect_dma source(%arg10 : memref<64x128xf32, #tpu.memory_space<vmem>>) target(%dma_start3A_970 : memref<10240x128xf32, #tpu.memory_space<vmem_shared>>) offsets(%dma_start3A_967 : memref<64xi32, #tpu.memory_space<vmem>>) semaphore(%arg20 : memref<!tpu.dma_semaphore, #tpu.memory_space<semaphore_mem>>) {add = true}
      %dma_start3A_971 = arith.constant 0 : i32
      %dma_start3A_972 = tpu.memref_slice %arg8[%add3A_958, %dma_start3A_971] : memref<40x64xi32, #tpu.memory_space<vmem>> -> memref<1x64xi32, #tpu.memory_space<vmem>>
      %dma_start3A_973 = tpu.memref_squeeze %dma_start3A_972 : memref<1x64xi32, #tpu.memory_space<vmem>> -> memref<64xi32, #tpu.memory_space<vmem>>
      %dma_start3A_974 = arith.constant 0 : i32
      %dma_start3A_975 = tpu.memref_slice %arg28[%dma_start3A_974] : memref<10240xf32, #tpu.memory_space<vmem_shared>> -> memref<10240xf32, #tpu.memory_space<vmem_shared>>
      tpu.enqueue_indirect_dma source(%arg13 : memref<64xf32, #tpu.memory_space<vmem>>) target(%dma_start3A_975 : memref<10240xf32, #tpu.memory_space<vmem_shared>>) offsets(%dma_start3A_973 : memref<64xi32, #tpu.memory_space<vmem>>) semaphore(%arg24 : memref<!tpu.dma_semaphore, #tpu.memory_space<semaphore_mem>>) {add = true}
      %sub3A_976 = arith.constant 1 : i32
      %sub3A_977 = arith.subi %add3A_958, %sub3A_976 : i32
      %dma_wait3A_978 = arith.constant 0 : i32
      %dma_wait3A_979 = tpu.memref_slice %arg8[%sub3A_977, %dma_wait3A_978] : memref<40x64xi32, #tpu.memory_space<vmem>> -> memref<1x64xi32, #tpu.memory_space<vmem>>
      %dma_wait3A_980 = tpu.memref_squeeze %dma_wait3A_979 : memref<1x64xi32, #tpu.memory_space<vmem>> -> memref<64xi32, #tpu.memory_space<vmem>>
      %dma_wait3A_981 = arith.constant 0 : i32
      %dma_wait3A_982 = arith.constant 0 : i32
      %dma_wait3A_983 = tpu.memref_slice %arg27[%dma_wait3A_981, %dma_wait3A_982] : memref<10240x128xf32, #tpu.memory_space<vmem_shared>> -> memref<10240x128xf32, #tpu.memory_space<vmem_shared>>
      tpu.wait_indirect_dma semaphore(%arg19 : memref<!tpu.dma_semaphore, #tpu.memory_space<semaphore_mem>>) src(%arg9 : memref<64x128xf32, #tpu.memory_space<vmem>>) dst(%dma_wait3A_983 : memref<10240x128xf32, #tpu.memory_space<vmem_shared>>)
      %dma_wait3A_984 = arith.constant 0 : i32
      %dma_wait3A_985 = tpu.memref_slice %arg8[%sub3A_977, %dma_wait3A_984] : memref<40x64xi32, #tpu.memory_space<vmem>> -> memref<1x64xi32, #tpu.memory_space<vmem>>
      %dma_wait3A_986 = tpu.memref_squeeze %dma_wait3A_985 : memref<1x64xi32, #tpu.memory_space<vmem>> -> memref<64xi32, #tpu.memory_space<vmem>>
      %dma_wait3A_987 = arith.constant 0 : i32
      %dma_wait3A_988 = tpu.memref_slice %arg28[%dma_wait3A_987] : memref<10240xf32, #tpu.memory_space<vmem_shared>> -> memref<10240xf32, #tpu.memory_space<vmem_shared>>
      tpu.wait_indirect_dma semaphore(%arg23 : memref<!tpu.dma_semaphore, #tpu.memory_space<semaphore_mem>>) src(%arg13 : memref<64xf32, #tpu.memory_space<vmem>>) dst(%dma_wait3A_988 : memref<10240xf32, #tpu.memory_space<vmem_shared>>)
      %add3A_989 = arith.constant 4 : i32
      %add3A_990 = arith.addi %sub3A_977, %add3A_989 : i32
      %rem3A_991 = arith.constant 40 : i32
      %rem3A_992 = arith.remsi %add3A_990, %rem3A_991 : i32
      %dma_start3A_993 = arith.constant 0 : i32
      %dma_start3A_994 = tpu.memref_slice %arg7[%rem3A_992, %dma_start3A_993] : memref<40x64xi32, #tpu.memory_space<vmem>> -> memref<1x64xi32, #tpu.memory_space<vmem>>
      %dma_start3A_995 = tpu.memref_squeeze %dma_start3A_994 : memref<1x64xi32, #tpu.memory_space<vmem>> -> memref<64xi32, #tpu.memory_space<vmem>>
      %dma_start3A_996 = arith.constant 0 : i32
      %dma_start3A_997 = arith.constant 0 : i32
      %dma_start3A_998 = tpu.memref_slice %arg4[%dma_start3A_996, %dma_start3A_997] : memref<50000x128xf32, #tpu.memory_space<hbm>> -> memref<50000x128xf32, #tpu.memory_space<hbm>>
      tpu.enqueue_indirect_dma source(%dma_start3A_998 : memref<50000x128xf32, #tpu.memory_space<hbm>>) target(%arg9 : memref<64x128xf32, #tpu.memory_space<vmem>>) offsets(%dma_start3A_995 : memref<64xi32, #tpu.memory_space<vmem>>) semaphore(%arg15 : memref<!tpu.dma_semaphore, #tpu.memory_space<semaphore_mem>>)
      %add3A_999 = arith.constant 2 : i32
      %add3A_1000 = arith.addi %mul3A_915, %add3A_999 : i32
      %dma_wait3A_1001 = arith.constant 0 : i32
      %dma_wait3A_1002 = tpu.memref_slice %arg7[%add3A_1000, %dma_wait3A_1001] : memref<40x64xi32, #tpu.memory_space<vmem>> -> memref<1x64xi32, #tpu.memory_space<vmem>>
      %dma_wait3A_1003 = tpu.memref_squeeze %dma_wait3A_1002 : memref<1x64xi32, #tpu.memory_space<vmem>> -> memref<64xi32, #tpu.memory_space<vmem>>
      %dma_wait3A_1004 = arith.constant 0 : i32
      %dma_wait3A_1005 = arith.constant 0 : i32
      %dma_wait3A_1006 = tpu.memref_slice %arg4[%dma_wait3A_1004, %dma_wait3A_1005] : memref<50000x128xf32, #tpu.memory_space<hbm>> -> memref<50000x128xf32, #tpu.memory_space<hbm>>
      tpu.wait_indirect_dma semaphore(%arg17 : memref<!tpu.dma_semaphore, #tpu.memory_space<semaphore_mem>>) src(%dma_wait3A_1006 : memref<50000x128xf32, #tpu.memory_space<hbm>>) dst(%arg11 : memref<64x128xf32, #tpu.memory_space<vmem>>)
      %dma_start3A_1007 = arith.constant 0 : i32
      %dma_start3A_1008 = tpu.memref_slice %arg8[%add3A_1000, %dma_start3A_1007] : memref<40x64xi32, #tpu.memory_space<vmem>> -> memref<1x64xi32, #tpu.memory_space<vmem>>
      %dma_start3A_1009 = tpu.memref_squeeze %dma_start3A_1008 : memref<1x64xi32, #tpu.memory_space<vmem>> -> memref<64xi32, #tpu.memory_space<vmem>>
      %dma_start3A_1010 = arith.constant 0 : i32
      %dma_start3A_1011 = arith.constant 0 : i32
      %dma_start3A_1012 = tpu.memref_slice %arg27[%dma_start3A_1010, %dma_start3A_1011] : memref<10240x128xf32, #tpu.memory_space<vmem_shared>> -> memref<10240x128xf32, #tpu.memory_space<vmem_shared>>
      tpu.enqueue_indirect_dma source(%arg11 : memref<64x128xf32, #tpu.memory_space<vmem>>) target(%dma_start3A_1012 : memref<10240x128xf32, #tpu.memory_space<vmem_shared>>) offsets(%dma_start3A_1009 : memref<64xi32, #tpu.memory_space<vmem>>) semaphore(%arg21 : memref<!tpu.dma_semaphore, #tpu.memory_space<semaphore_mem>>) {add = true}
      %dma_start3A_1013 = arith.constant 0 : i32
      %dma_start3A_1014 = tpu.memref_slice %arg8[%add3A_1000, %dma_start3A_1013] : memref<40x64xi32, #tpu.memory_space<vmem>> -> memref<1x64xi32, #tpu.memory_space<vmem>>
      %dma_start3A_1015 = tpu.memref_squeeze %dma_start3A_1014 : memref<1x64xi32, #tpu.memory_space<vmem>> -> memref<64xi32, #tpu.memory_space<vmem>>
      %dma_start3A_1016 = arith.constant 0 : i32
      %dma_start3A_1017 = tpu.memref_slice %arg28[%dma_start3A_1016] : memref<10240xf32, #tpu.memory_space<vmem_shared>> -> memref<10240xf32, #tpu.memory_space<vmem_shared>>
      tpu.enqueue_indirect_dma source(%arg13 : memref<64xf32, #tpu.memory_space<vmem>>) target(%dma_start3A_1017 : memref<10240xf32, #tpu.memory_space<vmem_shared>>) offsets(%dma_start3A_1015 : memref<64xi32, #tpu.memory_space<vmem>>) semaphore(%arg25 : memref<!tpu.dma_semaphore, #tpu.memory_space<semaphore_mem>>) {add = true}
      %sub3A_1018 = arith.constant 1 : i32
      %sub3A_1019 = arith.subi %add3A_1000, %sub3A_1018 : i32
      %dma_wait3A_1020 = arith.constant 0 : i32
      %dma_wait3A_1021 = tpu.memref_slice %arg8[%sub3A_1019, %dma_wait3A_1020] : memref<40x64xi32, #tpu.memory_space<vmem>> -> memref<1x64xi32, #tpu.memory_space<vmem>>
      %dma_wait3A_1022 = tpu.memref_squeeze %dma_wait3A_1021 : memref<1x64xi32, #tpu.memory_space<vmem>> -> memref<64xi32, #tpu.memory_space<vmem>>
      %dma_wait3A_1023 = arith.constant 0 : i32
      %dma_wait3A_1024 = arith.constant 0 : i32
      %dma_wait3A_1025 = tpu.memref_slice %arg27[%dma_wait3A_1023, %dma_wait3A_1024] : memref<10240x128xf32, #tpu.memory_space<vmem_shared>> -> memref<10240x128xf32, #tpu.memory_space<vmem_shared>>
      tpu.wait_indirect_dma semaphore(%arg20 : memref<!tpu.dma_semaphore, #tpu.memory_space<semaphore_mem>>) src(%arg10 : memref<64x128xf32, #tpu.memory_space<vmem>>) dst(%dma_wait3A_1025 : memref<10240x128xf32, #tpu.memory_space<vmem_shared>>)
      %dma_wait3A_1026 = arith.constant 0 : i32
      %dma_wait3A_1027 = tpu.memref_slice %arg8[%sub3A_1019, %dma_wait3A_1026] : memref<40x64xi32, #tpu.memory_space<vmem>> -> memref<1x64xi32, #tpu.memory_space<vmem>>
      %dma_wait3A_1028 = tpu.memref_squeeze %dma_wait3A_1027 : memref<1x64xi32, #tpu.memory_space<vmem>> -> memref<64xi32, #tpu.memory_space<vmem>>
      %dma_wait3A_1029 = arith.constant 0 : i32
      %dma_wait3A_1030 = tpu.memref_slice %arg28[%dma_wait3A_1029] : memref<10240xf32, #tpu.memory_space<vmem_shared>> -> memref<10240xf32, #tpu.memory_space<vmem_shared>>
      tpu.wait_indirect_dma semaphore(%arg24 : memref<!tpu.dma_semaphore, #tpu.memory_space<semaphore_mem>>) src(%arg13 : memref<64xf32, #tpu.memory_space<vmem>>) dst(%dma_wait3A_1030 : memref<10240xf32, #tpu.memory_space<vmem_shared>>)
      %add3A_1031 = arith.constant 4 : i32
      %add3A_1032 = arith.addi %sub3A_1019, %add3A_1031 : i32
      %rem3A_1033 = arith.constant 40 : i32
      %rem3A_1034 = arith.remsi %add3A_1032, %rem3A_1033 : i32
      %dma_start3A_1035 = arith.constant 0 : i32
      %dma_start3A_1036 = tpu.memref_slice %arg7[%rem3A_1034, %dma_start3A_1035] : memref<40x64xi32, #tpu.memory_space<vmem>> -> memref<1x64xi32, #tpu.memory_space<vmem>>
      %dma_start3A_1037 = tpu.memref_squeeze %dma_start3A_1036 : memref<1x64xi32, #tpu.memory_space<vmem>> -> memref<64xi32, #tpu.memory_space<vmem>>
      %dma_start3A_1038 = arith.constant 0 : i32
      %dma_start3A_1039 = arith.constant 0 : i32
      %dma_start3A_1040 = tpu.memref_slice %arg4[%dma_start3A_1038, %dma_start3A_1039] : memref<50000x128xf32, #tpu.memory_space<hbm>> -> memref<50000x128xf32, #tpu.memory_space<hbm>>
      tpu.enqueue_indirect_dma source(%dma_start3A_1040 : memref<50000x128xf32, #tpu.memory_space<hbm>>) target(%arg10 : memref<64x128xf32, #tpu.memory_space<vmem>>) offsets(%dma_start3A_1037 : memref<64xi32, #tpu.memory_space<vmem>>) semaphore(%arg16 : memref<!tpu.dma_semaphore, #tpu.memory_space<semaphore_mem>>)
      %add3A_1041 = arith.constant 3 : i32
      %add3A_1042 = arith.addi %mul3A_915, %add3A_1041 : i32
      %dma_wait3A_1043 = arith.constant 0 : i32
      %dma_wait3A_1044 = tpu.memref_slice %arg7[%add3A_1042, %dma_wait3A_1043] : memref<40x64xi32, #tpu.memory_space<vmem>> -> memref<1x64xi32, #tpu.memory_space<vmem>>
      %dma_wait3A_1045 = tpu.memref_squeeze %dma_wait3A_1044 : memref<1x64xi32, #tpu.memory_space<vmem>> -> memref<64xi32, #tpu.memory_space<vmem>>
      %dma_wait3A_1046 = arith.constant 0 : i32
      %dma_wait3A_1047 = arith.constant 0 : i32
      %dma_wait3A_1048 = tpu.memref_slice %arg4[%dma_wait3A_1046, %dma_wait3A_1047] : memref<50000x128xf32, #tpu.memory_space<hbm>> -> memref<50000x128xf32, #tpu.memory_space<hbm>>
      tpu.wait_indirect_dma semaphore(%arg18 : memref<!tpu.dma_semaphore, #tpu.memory_space<semaphore_mem>>) src(%dma_wait3A_1048 : memref<50000x128xf32, #tpu.memory_space<hbm>>) dst(%arg12 : memref<64x128xf32, #tpu.memory_space<vmem>>)
      %dma_start3A_1049 = arith.constant 0 : i32
      %dma_start3A_1050 = tpu.memref_slice %arg8[%add3A_1042, %dma_start3A_1049] : memref<40x64xi32, #tpu.memory_space<vmem>> -> memref<1x64xi32, #tpu.memory_space<vmem>>
      %dma_start3A_1051 = tpu.memref_squeeze %dma_start3A_1050 : memref<1x64xi32, #tpu.memory_space<vmem>> -> memref<64xi32, #tpu.memory_space<vmem>>
      %dma_start3A_1052 = arith.constant 0 : i32
      %dma_start3A_1053 = arith.constant 0 : i32
      %dma_start3A_1054 = tpu.memref_slice %arg27[%dma_start3A_1052, %dma_start3A_1053] : memref<10240x128xf32, #tpu.memory_space<vmem_shared>> -> memref<10240x128xf32, #tpu.memory_space<vmem_shared>>
      tpu.enqueue_indirect_dma source(%arg12 : memref<64x128xf32, #tpu.memory_space<vmem>>) target(%dma_start3A_1054 : memref<10240x128xf32, #tpu.memory_space<vmem_shared>>) offsets(%dma_start3A_1051 : memref<64xi32, #tpu.memory_space<vmem>>) semaphore(%arg22 : memref<!tpu.dma_semaphore, #tpu.memory_space<semaphore_mem>>) {add = true}
      %dma_start3A_1055 = arith.constant 0 : i32
      %dma_start3A_1056 = tpu.memref_slice %arg8[%add3A_1042, %dma_start3A_1055] : memref<40x64xi32, #tpu.memory_space<vmem>> -> memref<1x64xi32, #tpu.memory_space<vmem>>
      %dma_start3A_1057 = tpu.memref_squeeze %dma_start3A_1056 : memref<1x64xi32, #tpu.memory_space<vmem>> -> memref<64xi32, #tpu.memory_space<vmem>>
      %dma_start3A_1058 = arith.constant 0 : i32
      %dma_start3A_1059 = tpu.memref_slice %arg28[%dma_start3A_1058] : memref<10240xf32, #tpu.memory_space<vmem_shared>> -> memref<10240xf32, #tpu.memory_space<vmem_shared>>
      tpu.enqueue_indirect_dma source(%arg13 : memref<64xf32, #tpu.memory_space<vmem>>) target(%dma_start3A_1059 : memref<10240xf32, #tpu.memory_space<vmem_shared>>) offsets(%dma_start3A_1057 : memref<64xi32, #tpu.memory_space<vmem>>) semaphore(%arg26 : memref<!tpu.dma_semaphore, #tpu.memory_space<semaphore_mem>>) {add = true}
      %sub3A_1060 = arith.constant 1 : i32
      %sub3A_1061 = arith.subi %add3A_1042, %sub3A_1060 : i32
      %dma_wait3A_1062 = arith.constant 0 : i32
      %dma_wait3A_1063 = tpu.memref_slice %arg8[%sub3A_1061, %dma_wait3A_1062] : memref<40x64xi32, #tpu.memory_space<vmem>> -> memref<1x64xi32, #tpu.memory_space<vmem>>
      %dma_wait3A_1064 = tpu.memref_squeeze %dma_wait3A_1063 : memref<1x64xi32, #tpu.memory_space<vmem>> -> memref<64xi32, #tpu.memory_space<vmem>>
      %dma_wait3A_1065 = arith.constant 0 : i32
      %dma_wait3A_1066 = arith.constant 0 : i32
      %dma_wait3A_1067 = tpu.memref_slice %arg27[%dma_wait3A_1065, %dma_wait3A_1066] : memref<10240x128xf32, #tpu.memory_space<vmem_shared>> -> memref<10240x128xf32, #tpu.memory_space<vmem_shared>>
      tpu.wait_indirect_dma semaphore(%arg21 : memref<!tpu.dma_semaphore, #tpu.memory_space<semaphore_mem>>) src(%arg11 : memref<64x128xf32, #tpu.memory_space<vmem>>) dst(%dma_wait3A_1067 : memref<10240x128xf32, #tpu.memory_space<vmem_shared>>)
      %dma_wait3A_1068 = arith.constant 0 : i32
      %dma_wait3A_1069 = tpu.memref_slice %arg8[%sub3A_1061, %dma_wait3A_1068] : memref<40x64xi32, #tpu.memory_space<vmem>> -> memref<1x64xi32, #tpu.memory_space<vmem>>
      %dma_wait3A_1070 = tpu.memref_squeeze %dma_wait3A_1069 : memref<1x64xi32, #tpu.memory_space<vmem>> -> memref<64xi32, #tpu.memory_space<vmem>>
      %dma_wait3A_1071 = arith.constant 0 : i32
      %dma_wait3A_1072 = tpu.memref_slice %arg28[%dma_wait3A_1071] : memref<10240xf32, #tpu.memory_space<vmem_shared>> -> memref<10240xf32, #tpu.memory_space<vmem_shared>>
      tpu.wait_indirect_dma semaphore(%arg25 : memref<!tpu.dma_semaphore, #tpu.memory_space<semaphore_mem>>) src(%arg13 : memref<64xf32, #tpu.memory_space<vmem>>) dst(%dma_wait3A_1072 : memref<10240xf32, #tpu.memory_space<vmem_shared>>)
      %add3A_1073 = arith.constant 4 : i32
      %add3A_1074 = arith.addi %sub3A_1061, %add3A_1073 : i32
      %rem3A_1075 = arith.constant 40 : i32
      %rem3A_1076 = arith.remsi %add3A_1074, %rem3A_1075 : i32
      %dma_start3A_1077 = arith.constant 0 : i32
      %dma_start3A_1078 = tpu.memref_slice %arg7[%rem3A_1076, %dma_start3A_1077] : memref<40x64xi32, #tpu.memory_space<vmem>> -> memref<1x64xi32, #tpu.memory_space<vmem>>
      %dma_start3A_1079 = tpu.memref_squeeze %dma_start3A_1078 : memref<1x64xi32, #tpu.memory_space<vmem>> -> memref<64xi32, #tpu.memory_space<vmem>>
      %dma_start3A_1080 = arith.constant 0 : i32
      %dma_start3A_1081 = arith.constant 0 : i32
      %dma_start3A_1082 = tpu.memref_slice %arg4[%dma_start3A_1080, %dma_start3A_1081] : memref<50000x128xf32, #tpu.memory_space<hbm>> -> memref<50000x128xf32, #tpu.memory_space<hbm>>
      tpu.enqueue_indirect_dma source(%dma_start3A_1082 : memref<50000x128xf32, #tpu.memory_space<hbm>>) target(%arg11 : memref<64x128xf32, #tpu.memory_space<vmem>>) offsets(%dma_start3A_1079 : memref<64xi32, #tpu.memory_space<vmem>>) semaphore(%arg17 : memref<!tpu.dma_semaphore, #tpu.memory_space<semaphore_mem>>)
      %scan3A_1083 = arith.constant 0 : i32
      scf.yield %scan3A_1083 : i32
    }
    %scan3A_211 = arith.constant 9 : i32
    %dma_wait3A_212 = arith.constant 39 : i32
    %dma_wait3A_213 = arith.constant 0 : i32
    %dma_wait3A_214 = tpu.memref_slice %arg8[%dma_wait3A_212, %dma_wait3A_213] : memref<40x64xi32, #tpu.memory_space<vmem>> -> memref<1x64xi32, #tpu.memory_space<vmem>>
    %dma_wait3A_215 = tpu.memref_squeeze %dma_wait3A_214 : memref<1x64xi32, #tpu.memory_space<vmem>> -> memref<64xi32, #tpu.memory_space<vmem>>
    %dma_wait3A_216 = arith.constant 0 : i32
    %dma_wait3A_217 = arith.constant 0 : i32
    %dma_wait3A_218 = tpu.memref_slice %arg27[%dma_wait3A_216, %dma_wait3A_217] : memref<10240x128xf32, #tpu.memory_space<vmem_shared>> -> memref<10240x128xf32, #tpu.memory_space<vmem_shared>>
    tpu.wait_indirect_dma semaphore(%arg22 : memref<!tpu.dma_semaphore, #tpu.memory_space<semaphore_mem>>) src(%arg12 : memref<64x128xf32, #tpu.memory_space<vmem>>) dst(%dma_wait3A_218 : memref<10240x128xf32, #tpu.memory_space<vmem_shared>>)
    %dma_wait3A_219 = arith.constant 39 : i32
    %dma_wait3A_220 = arith.constant 0 : i32
    %dma_wait3A_221 = tpu.memref_slice %arg8[%dma_wait3A_219, %dma_wait3A_220] : memref<40x64xi32, #tpu.memory_space<vmem>> -> memref<1x64xi32, #tpu.memory_space<vmem>>
    %dma_wait3A_222 = tpu.memref_squeeze %dma_wait3A_221 : memref<1x64xi32, #tpu.memory_space<vmem>> -> memref<64xi32, #tpu.memory_space<vmem>>
    %dma_wait3A_223 = arith.constant 0 : i32
    %dma_wait3A_224 = tpu.memref_slice %arg28[%dma_wait3A_223] : memref<10240xf32, #tpu.memory_space<vmem_shared>> -> memref<10240xf32, #tpu.memory_space<vmem_shared>>
    tpu.wait_indirect_dma semaphore(%arg26 : memref<!tpu.dma_semaphore, #tpu.memory_space<semaphore_mem>>) src(%arg13 : memref<64xf32, #tpu.memory_space<vmem>>) dst(%dma_wait3A_224 : memref<10240xf32, #tpu.memory_space<vmem_shared>>)
    %dma_wait3A_225 = arith.constant 0 : i32
    %dma_wait3A_226 = arith.constant 0 : i32
    %dma_wait3A_227 = tpu.memref_slice %arg7[%dma_wait3A_225, %dma_wait3A_226] : memref<40x64xi32, #tpu.memory_space<vmem>> -> memref<1x64xi32, #tpu.memory_space<vmem>>
    %dma_wait3A_228 = tpu.memref_squeeze %dma_wait3A_227 : memref<1x64xi32, #tpu.memory_space<vmem>> -> memref<64xi32, #tpu.memory_space<vmem>>
    %dma_wait3A_229 = arith.constant 0 : i32
    %dma_wait3A_230 = arith.constant 0 : i32
    %dma_wait3A_231 = tpu.memref_slice %arg4[%dma_wait3A_229, %dma_wait3A_230] : memref<50000x128xf32, #tpu.memory_space<hbm>> -> memref<50000x128xf32, #tpu.memory_space<hbm>>
    tpu.wait_indirect_dma semaphore(%arg15 : memref<!tpu.dma_semaphore, #tpu.memory_space<semaphore_mem>>) src(%dma_wait3A_231 : memref<50000x128xf32, #tpu.memory_space<hbm>>) dst(%arg9 : memref<64x128xf32, #tpu.memory_space<vmem>>)
    %dma_wait3A_232 = arith.constant 1 : i32
    %dma_wait3A_233 = arith.constant 0 : i32
    %dma_wait3A_234 = tpu.memref_slice %arg7[%dma_wait3A_232, %dma_wait3A_233] : memref<40x64xi32, #tpu.memory_space<vmem>> -> memref<1x64xi32, #tpu.memory_space<vmem>>
    %dma_wait3A_235 = tpu.memref_squeeze %dma_wait3A_234 : memref<1x64xi32, #tpu.memory_space<vmem>> -> memref<64xi32, #tpu.memory_space<vmem>>
    %dma_wait3A_236 = arith.constant 0 : i32
    %dma_wait3A_237 = arith.constant 0 : i32
    %dma_wait3A_238 = tpu.memref_slice %arg4[%dma_wait3A_236, %dma_wait3A_237] : memref<50000x128xf32, #tpu.memory_space<hbm>> -> memref<50000x128xf32, #tpu.memory_space<hbm>>
    tpu.wait_indirect_dma semaphore(%arg16 : memref<!tpu.dma_semaphore, #tpu.memory_space<semaphore_mem>>) src(%dma_wait3A_238 : memref<50000x128xf32, #tpu.memory_space<hbm>>) dst(%arg10 : memref<64x128xf32, #tpu.memory_space<vmem>>)
    %dma_wait3A_239 = arith.constant 2 : i32
    %dma_wait3A_240 = arith.constant 0 : i32
    %dma_wait3A_241 = tpu.memref_slice %arg7[%dma_wait3A_239, %dma_wait3A_240] : memref<40x64xi32, #tpu.memory_space<vmem>> -> memref<1x64xi32, #tpu.memory_space<vmem>>
    %dma_wait3A_242 = tpu.memref_squeeze %dma_wait3A_241 : memref<1x64xi32, #tpu.memory_space<vmem>> -> memref<64xi32, #tpu.memory_space<vmem>>
    %dma_wait3A_243 = arith.constant 0 : i32
    %dma_wait3A_244 = arith.constant 0 : i32
    %dma_wait3A_245 = tpu.memref_slice %arg4[%dma_wait3A_243, %dma_wait3A_244] : memref<50000x128xf32, #tpu.memory_space<hbm>> -> memref<50000x128xf32, #tpu.memory_space<hbm>>
    tpu.wait_indirect_dma semaphore(%arg17 : memref<!tpu.dma_semaphore, #tpu.memory_space<semaphore_mem>>) src(%dma_wait3A_245 : memref<50000x128xf32, #tpu.memory_space<hbm>>) dst(%arg11 : memref<64x128xf32, #tpu.memory_space<vmem>>)
    %mul3A_246 = arith.constant 4 : i32
    %mul3A_247 = arith.muli %add3A, %mul3A_246 : i32
    %add3A_248 = arith.constant 1 : i32
    %add3A_249 = arith.addi %mul3A_247, %add3A_248 : i32
    "tpu.region"() ({
      %run_scoped3A = tpu.sem_alloc : memref<!tpu.dma_semaphore, #tpu.memory_space<semaphore_mem>>
      %dma_start3A_912 = arith.constant 0 : i32
      %dma_start3A_913 = arith.constant 0 : i32
      %dma_start3A_914 = tpu.memref_slice %arg2[%add3A_249, %dma_start3A_912, %dma_start3A_913] : memref<128x40x64xi32, #tpu.memory_space<hbm>> -> memref<1x40x64xi32, #tpu.memory_space<hbm>>
      %dma_start3A_915 = tpu.memref_squeeze %dma_start3A_914 : memref<1x40x64xi32, #tpu.memory_space<hbm>> -> memref<40x64xi32, #tpu.memory_space<hbm>>
      %dma_start3A_916 = arith.constant 0 : i32
      %dma_start3A_917 = arith.constant 0 : i32
      %dma_start3A_918 = tpu.memref_slice %arg2[%add3A_249, %dma_start3A_916, %dma_start3A_917] : memref<128x40x64xi32, #tpu.memory_space<hbm>> -> memref<1x40x64xi32, #tpu.memory_space<hbm>>
      %dma_start3A_919 = tpu.memref_squeeze %dma_start3A_918 : memref<1x40x64xi32, #tpu.memory_space<hbm>> -> memref<40x64xi32, #tpu.memory_space<hbm>>
      tpu.enqueue_dma source(%dma_start3A_919 : memref<40x64xi32, #tpu.memory_space<hbm>>) target(%arg7 : memref<40x64xi32, #tpu.memory_space<vmem>>) target_semaphore(%run_scoped3A : memref<!tpu.dma_semaphore, #tpu.memory_space<semaphore_mem>>)
      %dma_wait3A_920 = arith.constant 0 : i32
      %dma_wait3A_921 = arith.constant 0 : i32
      %dma_wait3A_922 = tpu.memref_slice %arg2[%add3A_249, %dma_wait3A_920, %dma_wait3A_921] : memref<128x40x64xi32, #tpu.memory_space<hbm>> -> memref<1x40x64xi32, #tpu.memory_space<hbm>>
      %dma_wait3A_923 = tpu.memref_squeeze %dma_wait3A_922 : memref<1x40x64xi32, #tpu.memory_space<hbm>> -> memref<40x64xi32, #tpu.memory_space<hbm>>
      %dma_wait3A_924 = arith.constant 0 : i32
      %dma_wait3A_925 = arith.constant 0 : i32
      %dma_wait3A_926 = tpu.memref_slice %arg2[%add3A_249, %dma_wait3A_924, %dma_wait3A_925] : memref<128x40x64xi32, #tpu.memory_space<hbm>> -> memref<1x40x64xi32, #tpu.memory_space<hbm>>
      %dma_wait3A_927 = tpu.memref_squeeze %dma_wait3A_926 : memref<1x40x64xi32, #tpu.memory_space<hbm>> -> memref<40x64xi32, #tpu.memory_space<hbm>>
      tpu.wait_dma2 semaphore(%run_scoped3A : memref<!tpu.dma_semaphore, #tpu.memory_space<semaphore_mem>>) src(%dma_wait3A_927 : memref<40x64xi32, #tpu.memory_space<hbm>>) dst(%arg7 : memref<40x64xi32, #tpu.memory_space<vmem>>)
      tpu.yield
    }) : () -> ()
    "tpu.region"() ({
      %run_scoped3A = tpu.sem_alloc : memref<!tpu.dma_semaphore, #tpu.memory_space<semaphore_mem>>
      %dma_start3A_912 = arith.constant 0 : i32
      %dma_start3A_913 = arith.constant 0 : i32
      %dma_start3A_914 = tpu.memref_slice %arg3[%add3A_249, %dma_start3A_912, %dma_start3A_913] : memref<128x40x64xi32, #tpu.memory_space<hbm>> -> memref<1x40x64xi32, #tpu.memory_space<hbm>>
      %dma_start3A_915 = tpu.memref_squeeze %dma_start3A_914 : memref<1x40x64xi32, #tpu.memory_space<hbm>> -> memref<40x64xi32, #tpu.memory_space<hbm>>
      %dma_start3A_916 = arith.constant 0 : i32
      %dma_start3A_917 = arith.constant 0 : i32
      %dma_start3A_918 = tpu.memref_slice %arg3[%add3A_249, %dma_start3A_916, %dma_start3A_917] : memref<128x40x64xi32, #tpu.memory_space<hbm>> -> memref<1x40x64xi32, #tpu.memory_space<hbm>>
      %dma_start3A_919 = tpu.memref_squeeze %dma_start3A_918 : memref<1x40x64xi32, #tpu.memory_space<hbm>> -> memref<40x64xi32, #tpu.memory_space<hbm>>
      tpu.enqueue_dma source(%dma_start3A_919 : memref<40x64xi32, #tpu.memory_space<hbm>>) target(%arg8 : memref<40x64xi32, #tpu.memory_space<vmem>>) target_semaphore(%run_scoped3A : memref<!tpu.dma_semaphore, #tpu.memory_space<semaphore_mem>>)
      %dma_wait3A_920 = arith.constant 0 : i32
      %dma_wait3A_921 = arith.constant 0 : i32
      %dma_wait3A_922 = tpu.memref_slice %arg3[%add3A_249, %dma_wait3A_920, %dma_wait3A_921] : memref<128x40x64xi32, #tpu.memory_space<hbm>> -> memref<1x40x64xi32, #tpu.memory_space<hbm>>
      %dma_wait3A_923 = tpu.memref_squeeze %dma_wait3A_922 : memref<1x40x64xi32, #tpu.memory_space<hbm>> -> memref<40x64xi32, #tpu.memory_space<hbm>>
      %dma_wait3A_924 = arith.constant 0 : i32
      %dma_wait3A_925 = arith.constant 0 : i32
      %dma_wait3A_926 = tpu.memref_slice %arg3[%add3A_249, %dma_wait3A_924, %dma_wait3A_925] : memref<128x40x64xi32, #tpu.memory_space<hbm>> -> memref<1x40x64xi32, #tpu.memory_space<hbm>>
      %dma_wait3A_927 = tpu.memref_squeeze %dma_wait3A_926 : memref<1x40x64xi32, #tpu.memory_space<hbm>> -> memref<40x64xi32, #tpu.memory_space<hbm>>
      tpu.wait_dma2 semaphore(%run_scoped3A : memref<!tpu.dma_semaphore, #tpu.memory_space<semaphore_mem>>) src(%dma_wait3A_927 : memref<40x64xi32, #tpu.memory_space<hbm>>) dst(%arg8 : memref<40x64xi32, #tpu.memory_space<vmem>>)
      tpu.yield
    }) : () -> ()
    %dma_start3A_250 = arith.constant 0 : i32
    %dma_start3A_251 = arith.constant 0 : i32
    %dma_start3A_252 = tpu.memref_slice %arg7[%dma_start3A_250, %dma_start3A_251] : memref<40x64xi32, #tpu.memory_space<vmem>> -> memref<1x64xi32, #tpu.memory_space<vmem>>
    %dma_start3A_253 = tpu.memref_squeeze %dma_start3A_252 : memref<1x64xi32, #tpu.memory_space<vmem>> -> memref<64xi32, #tpu.memory_space<vmem>>
    %dma_start3A_254 = arith.constant 0 : i32
    %dma_start3A_255 = arith.constant 0 : i32
    %dma_start3A_256 = tpu.memref_slice %arg4[%dma_start3A_254, %dma_start3A_255] : memref<50000x128xf32, #tpu.memory_space<hbm>> -> memref<50000x128xf32, #tpu.memory_space<hbm>>
    tpu.enqueue_indirect_dma source(%dma_start3A_256 : memref<50000x128xf32, #tpu.memory_space<hbm>>) target(%arg9 : memref<64x128xf32, #tpu.memory_space<vmem>>) offsets(%dma_start3A_253 : memref<64xi32, #tpu.memory_space<vmem>>) semaphore(%arg15 : memref<!tpu.dma_semaphore, #tpu.memory_space<semaphore_mem>>)
    %dma_start3A_257 = arith.constant 1 : i32
    %dma_start3A_258 = arith.constant 0 : i32
    %dma_start3A_259 = tpu.memref_slice %arg7[%dma_start3A_257, %dma_start3A_258] : memref<40x64xi32, #tpu.memory_space<vmem>> -> memref<1x64xi32, #tpu.memory_space<vmem>>
    %dma_start3A_260 = tpu.memref_squeeze %dma_start3A_259 : memref<1x64xi32, #tpu.memory_space<vmem>> -> memref<64xi32, #tpu.memory_space<vmem>>
    %dma_start3A_261 = arith.constant 0 : i32
    %dma_start3A_262 = arith.constant 0 : i32
    %dma_start3A_263 = tpu.memref_slice %arg4[%dma_start3A_261, %dma_start3A_262] : memref<50000x128xf32, #tpu.memory_space<hbm>> -> memref<50000x128xf32, #tpu.memory_space<hbm>>
    tpu.enqueue_indirect_dma source(%dma_start3A_263 : memref<50000x128xf32, #tpu.memory_space<hbm>>) target(%arg10 : memref<64x128xf32, #tpu.memory_space<vmem>>) offsets(%dma_start3A_260 : memref<64xi32, #tpu.memory_space<vmem>>) semaphore(%arg16 : memref<!tpu.dma_semaphore, #tpu.memory_space<semaphore_mem>>)
    %dma_start3A_264 = arith.constant 2 : i32
    %dma_start3A_265 = arith.constant 0 : i32
    %dma_start3A_266 = tpu.memref_slice %arg7[%dma_start3A_264, %dma_start3A_265] : memref<40x64xi32, #tpu.memory_space<vmem>> -> memref<1x64xi32, #tpu.memory_space<vmem>>
    %dma_start3A_267 = tpu.memref_squeeze %dma_start3A_266 : memref<1x64xi32, #tpu.memory_space<vmem>> -> memref<64xi32, #tpu.memory_space<vmem>>
    %dma_start3A_268 = arith.constant 0 : i32
    %dma_start3A_269 = arith.constant 0 : i32
    %dma_start3A_270 = tpu.memref_slice %arg4[%dma_start3A_268, %dma_start3A_269] : memref<50000x128xf32, #tpu.memory_space<hbm>> -> memref<50000x128xf32, #tpu.memory_space<hbm>>
    tpu.enqueue_indirect_dma source(%dma_start3A_270 : memref<50000x128xf32, #tpu.memory_space<hbm>>) target(%arg11 : memref<64x128xf32, #tpu.memory_space<vmem>>) offsets(%dma_start3A_267 : memref<64xi32, #tpu.memory_space<vmem>>) semaphore(%arg17 : memref<!tpu.dma_semaphore, #tpu.memory_space<semaphore_mem>>)
    %dma_start3A_271 = arith.constant 3 : i32
    %dma_start3A_272 = arith.constant 0 : i32
    %dma_start3A_273 = tpu.memref_slice %arg7[%dma_start3A_271, %dma_start3A_272] : memref<40x64xi32, #tpu.memory_space<vmem>> -> memref<1x64xi32, #tpu.memory_space<vmem>>
    %dma_start3A_274 = tpu.memref_squeeze %dma_start3A_273 : memref<1x64xi32, #tpu.memory_space<vmem>> -> memref<64xi32, #tpu.memory_space<vmem>>
    %dma_start3A_275 = arith.constant 0 : i32
    %dma_start3A_276 = arith.constant 0 : i32
    %dma_start3A_277 = tpu.memref_slice %arg4[%dma_start3A_275, %dma_start3A_276] : memref<50000x128xf32, #tpu.memory_space<hbm>> -> memref<50000x128xf32, #tpu.memory_space<hbm>>
    tpu.enqueue_indirect_dma source(%dma_start3A_277 : memref<50000x128xf32, #tpu.memory_space<hbm>>) target(%arg12 : memref<64x128xf32, #tpu.memory_space<vmem>>) offsets(%dma_start3A_274 : memref<64xi32, #tpu.memory_space<vmem>>) semaphore(%arg18 : memref<!tpu.dma_semaphore, #tpu.memory_space<semaphore_mem>>)
    %dma_wait3A_278 = arith.constant 0 : i32
    %dma_wait3A_279 = arith.constant 0 : i32
    %dma_wait3A_280 = tpu.memref_slice %arg7[%dma_wait3A_278, %dma_wait3A_279] : memref<40x64xi32, #tpu.memory_space<vmem>> -> memref<1x64xi32, #tpu.memory_space<vmem>>
    %dma_wait3A_281 = tpu.memref_squeeze %dma_wait3A_280 : memref<1x64xi32, #tpu.memory_space<vmem>> -> memref<64xi32, #tpu.memory_space<vmem>>
    %dma_wait3A_282 = arith.constant 0 : i32
    %dma_wait3A_283 = arith.constant 0 : i32
    %dma_wait3A_284 = tpu.memref_slice %arg4[%dma_wait3A_282, %dma_wait3A_283] : memref<50000x128xf32, #tpu.memory_space<hbm>> -> memref<50000x128xf32, #tpu.memory_space<hbm>>
    tpu.wait_indirect_dma semaphore(%arg15 : memref<!tpu.dma_semaphore, #tpu.memory_space<semaphore_mem>>) src(%dma_wait3A_284 : memref<50000x128xf32, #tpu.memory_space<hbm>>) dst(%arg9 : memref<64x128xf32, #tpu.memory_space<vmem>>)
    %dma_start3A_285 = arith.constant 0 : i32
    %dma_start3A_286 = arith.constant 0 : i32
    %dma_start3A_287 = tpu.memref_slice %arg8[%dma_start3A_285, %dma_start3A_286] : memref<40x64xi32, #tpu.memory_space<vmem>> -> memref<1x64xi32, #tpu.memory_space<vmem>>
    %dma_start3A_288 = tpu.memref_squeeze %dma_start3A_287 : memref<1x64xi32, #tpu.memory_space<vmem>> -> memref<64xi32, #tpu.memory_space<vmem>>
    %dma_start3A_289 = arith.constant 0 : i32
    %dma_start3A_290 = arith.constant 0 : i32
    %dma_start3A_291 = tpu.memref_slice %arg27[%dma_start3A_289, %dma_start3A_290] : memref<10240x128xf32, #tpu.memory_space<vmem_shared>> -> memref<10240x128xf32, #tpu.memory_space<vmem_shared>>
    tpu.enqueue_indirect_dma source(%arg9 : memref<64x128xf32, #tpu.memory_space<vmem>>) target(%dma_start3A_291 : memref<10240x128xf32, #tpu.memory_space<vmem_shared>>) offsets(%dma_start3A_288 : memref<64xi32, #tpu.memory_space<vmem>>) semaphore(%arg19 : memref<!tpu.dma_semaphore, #tpu.memory_space<semaphore_mem>>) {add = true}
    %dma_start3A_292 = arith.constant 0 : i32
    %dma_start3A_293 = arith.constant 0 : i32
    %dma_start3A_294 = tpu.memref_slice %arg8[%dma_start3A_292, %dma_start3A_293] : memref<40x64xi32, #tpu.memory_space<vmem>> -> memref<1x64xi32, #tpu.memory_space<vmem>>
    %dma_start3A_295 = tpu.memref_squeeze %dma_start3A_294 : memref<1x64xi32, #tpu.memory_space<vmem>> -> memref<64xi32, #tpu.memory_space<vmem>>
    %dma_start3A_296 = arith.constant 0 : i32
    %dma_start3A_297 = tpu.memref_slice %arg28[%dma_start3A_296] : memref<10240xf32, #tpu.memory_space<vmem_shared>> -> memref<10240xf32, #tpu.memory_space<vmem_shared>>
    tpu.enqueue_indirect_dma source(%arg13 : memref<64xf32, #tpu.memory_space<vmem>>) target(%dma_start3A_297 : memref<10240xf32, #tpu.memory_space<vmem_shared>>) offsets(%dma_start3A_295 : memref<64xi32, #tpu.memory_space<vmem>>) semaphore(%arg23 : memref<!tpu.dma_semaphore, #tpu.memory_space<semaphore_mem>>) {add = true}
    %dma_wait3A_298 = arith.constant 1 : i32
    %dma_wait3A_299 = arith.constant 0 : i32
    %dma_wait3A_300 = tpu.memref_slice %arg7[%dma_wait3A_298, %dma_wait3A_299] : memref<40x64xi32, #tpu.memory_space<vmem>> -> memref<1x64xi32, #tpu.memory_space<vmem>>
    %dma_wait3A_301 = tpu.memref_squeeze %dma_wait3A_300 : memref<1x64xi32, #tpu.memory_space<vmem>> -> memref<64xi32, #tpu.memory_space<vmem>>
    %dma_wait3A_302 = arith.constant 0 : i32
    %dma_wait3A_303 = arith.constant 0 : i32
    %dma_wait3A_304 = tpu.memref_slice %arg4[%dma_wait3A_302, %dma_wait3A_303] : memref<50000x128xf32, #tpu.memory_space<hbm>> -> memref<50000x128xf32, #tpu.memory_space<hbm>>
    tpu.wait_indirect_dma semaphore(%arg16 : memref<!tpu.dma_semaphore, #tpu.memory_space<semaphore_mem>>) src(%dma_wait3A_304 : memref<50000x128xf32, #tpu.memory_space<hbm>>) dst(%arg10 : memref<64x128xf32, #tpu.memory_space<vmem>>)
    %dma_start3A_305 = arith.constant 1 : i32
    %dma_start3A_306 = arith.constant 0 : i32
    %dma_start3A_307 = tpu.memref_slice %arg8[%dma_start3A_305, %dma_start3A_306] : memref<40x64xi32, #tpu.memory_space<vmem>> -> memref<1x64xi32, #tpu.memory_space<vmem>>
    %dma_start3A_308 = tpu.memref_squeeze %dma_start3A_307 : memref<1x64xi32, #tpu.memory_space<vmem>> -> memref<64xi32, #tpu.memory_space<vmem>>
    %dma_start3A_309 = arith.constant 0 : i32
    %dma_start3A_310 = arith.constant 0 : i32
    %dma_start3A_311 = tpu.memref_slice %arg27[%dma_start3A_309, %dma_start3A_310] : memref<10240x128xf32, #tpu.memory_space<vmem_shared>> -> memref<10240x128xf32, #tpu.memory_space<vmem_shared>>
    tpu.enqueue_indirect_dma source(%arg10 : memref<64x128xf32, #tpu.memory_space<vmem>>) target(%dma_start3A_311 : memref<10240x128xf32, #tpu.memory_space<vmem_shared>>) offsets(%dma_start3A_308 : memref<64xi32, #tpu.memory_space<vmem>>) semaphore(%arg20 : memref<!tpu.dma_semaphore, #tpu.memory_space<semaphore_mem>>) {add = true}
    %dma_start3A_312 = arith.constant 1 : i32
    %dma_start3A_313 = arith.constant 0 : i32
    %dma_start3A_314 = tpu.memref_slice %arg8[%dma_start3A_312, %dma_start3A_313] : memref<40x64xi32, #tpu.memory_space<vmem>> -> memref<1x64xi32, #tpu.memory_space<vmem>>
    %dma_start3A_315 = tpu.memref_squeeze %dma_start3A_314 : memref<1x64xi32, #tpu.memory_space<vmem>> -> memref<64xi32, #tpu.memory_space<vmem>>
    %dma_start3A_316 = arith.constant 0 : i32
    %dma_start3A_317 = tpu.memref_slice %arg28[%dma_start3A_316] : memref<10240xf32, #tpu.memory_space<vmem_shared>> -> memref<10240xf32, #tpu.memory_space<vmem_shared>>
    tpu.enqueue_indirect_dma source(%arg13 : memref<64xf32, #tpu.memory_space<vmem>>) target(%dma_start3A_317 : memref<10240xf32, #tpu.memory_space<vmem_shared>>) offsets(%dma_start3A_315 : memref<64xi32, #tpu.memory_space<vmem>>) semaphore(%arg24 : memref<!tpu.dma_semaphore, #tpu.memory_space<semaphore_mem>>) {add = true}
    %dma_wait3A_318 = arith.constant 0 : i32
    %dma_wait3A_319 = arith.constant 0 : i32
    %dma_wait3A_320 = tpu.memref_slice %arg8[%dma_wait3A_318, %dma_wait3A_319] : memref<40x64xi32, #tpu.memory_space<vmem>> -> memref<1x64xi32, #tpu.memory_space<vmem>>
    %dma_wait3A_321 = tpu.memref_squeeze %dma_wait3A_320 : memref<1x64xi32, #tpu.memory_space<vmem>> -> memref<64xi32, #tpu.memory_space<vmem>>
    %dma_wait3A_322 = arith.constant 0 : i32
    %dma_wait3A_323 = arith.constant 0 : i32
    %dma_wait3A_324 = tpu.memref_slice %arg27[%dma_wait3A_322, %dma_wait3A_323] : memref<10240x128xf32, #tpu.memory_space<vmem_shared>> -> memref<10240x128xf32, #tpu.memory_space<vmem_shared>>
    tpu.wait_indirect_dma semaphore(%arg19 : memref<!tpu.dma_semaphore, #tpu.memory_space<semaphore_mem>>) src(%arg9 : memref<64x128xf32, #tpu.memory_space<vmem>>) dst(%dma_wait3A_324 : memref<10240x128xf32, #tpu.memory_space<vmem_shared>>)
    %dma_wait3A_325 = arith.constant 0 : i32
    %dma_wait3A_326 = arith.constant 0 : i32
    %dma_wait3A_327 = tpu.memref_slice %arg8[%dma_wait3A_325, %dma_wait3A_326] : memref<40x64xi32, #tpu.memory_space<vmem>> -> memref<1x64xi32, #tpu.memory_space<vmem>>
    %dma_wait3A_328 = tpu.memref_squeeze %dma_wait3A_327 : memref<1x64xi32, #tpu.memory_space<vmem>> -> memref<64xi32, #tpu.memory_space<vmem>>
    %dma_wait3A_329 = arith.constant 0 : i32
    %dma_wait3A_330 = tpu.memref_slice %arg28[%dma_wait3A_329] : memref<10240xf32, #tpu.memory_space<vmem_shared>> -> memref<10240xf32, #tpu.memory_space<vmem_shared>>
    tpu.wait_indirect_dma semaphore(%arg23 : memref<!tpu.dma_semaphore, #tpu.memory_space<semaphore_mem>>) src(%arg13 : memref<64xf32, #tpu.memory_space<vmem>>) dst(%dma_wait3A_330 : memref<10240xf32, #tpu.memory_space<vmem_shared>>)
    %rem3A_331 = arith.constant 4 : i32
    %rem3A_332 = arith.constant 40 : i32
    %rem3A_333 = arith.remsi %rem3A_331, %rem3A_332 : i32
    %dma_start3A_334 = arith.constant 0 : i32
    %dma_start3A_335 = tpu.memref_slice %arg7[%rem3A_333, %dma_start3A_334] : memref<40x64xi32, #tpu.memory_space<vmem>> -> memref<1x64xi32, #tpu.memory_space<vmem>>
    %dma_start3A_336 = tpu.memref_squeeze %dma_start3A_335 : memref<1x64xi32, #tpu.memory_space<vmem>> -> memref<64xi32, #tpu.memory_space<vmem>>
    %dma_start3A_337 = arith.constant 0 : i32
    %dma_start3A_338 = arith.constant 0 : i32
    %dma_start3A_339 = tpu.memref_slice %arg4[%dma_start3A_337, %dma_start3A_338] : memref<50000x128xf32, #tpu.memory_space<hbm>> -> memref<50000x128xf32, #tpu.memory_space<hbm>>
    tpu.enqueue_indirect_dma source(%dma_start3A_339 : memref<50000x128xf32, #tpu.memory_space<hbm>>) target(%arg9 : memref<64x128xf32, #tpu.memory_space<vmem>>) offsets(%dma_start3A_336 : memref<64xi32, #tpu.memory_space<vmem>>) semaphore(%arg15 : memref<!tpu.dma_semaphore, #tpu.memory_space<semaphore_mem>>)
    %dma_wait3A_340 = arith.constant 2 : i32
    %dma_wait3A_341 = arith.constant 0 : i32
    %dma_wait3A_342 = tpu.memref_slice %arg7[%dma_wait3A_340, %dma_wait3A_341] : memref<40x64xi32, #tpu.memory_space<vmem>> -> memref<1x64xi32, #tpu.memory_space<vmem>>
    %dma_wait3A_343 = tpu.memref_squeeze %dma_wait3A_342 : memref<1x64xi32, #tpu.memory_space<vmem>> -> memref<64xi32, #tpu.memory_space<vmem>>
    %dma_wait3A_344 = arith.constant 0 : i32
    %dma_wait3A_345 = arith.constant 0 : i32
    %dma_wait3A_346 = tpu.memref_slice %arg4[%dma_wait3A_344, %dma_wait3A_345] : memref<50000x128xf32, #tpu.memory_space<hbm>> -> memref<50000x128xf32, #tpu.memory_space<hbm>>
    tpu.wait_indirect_dma semaphore(%arg17 : memref<!tpu.dma_semaphore, #tpu.memory_space<semaphore_mem>>) src(%dma_wait3A_346 : memref<50000x128xf32, #tpu.memory_space<hbm>>) dst(%arg11 : memref<64x128xf32, #tpu.memory_space<vmem>>)
    %dma_start3A_347 = arith.constant 2 : i32
    %dma_start3A_348 = arith.constant 0 : i32
    %dma_start3A_349 = tpu.memref_slice %arg8[%dma_start3A_347, %dma_start3A_348] : memref<40x64xi32, #tpu.memory_space<vmem>> -> memref<1x64xi32, #tpu.memory_space<vmem>>
    %dma_start3A_350 = tpu.memref_squeeze %dma_start3A_349 : memref<1x64xi32, #tpu.memory_space<vmem>> -> memref<64xi32, #tpu.memory_space<vmem>>
    %dma_start3A_351 = arith.constant 0 : i32
    %dma_start3A_352 = arith.constant 0 : i32
    %dma_start3A_353 = tpu.memref_slice %arg27[%dma_start3A_351, %dma_start3A_352] : memref<10240x128xf32, #tpu.memory_space<vmem_shared>> -> memref<10240x128xf32, #tpu.memory_space<vmem_shared>>
    tpu.enqueue_indirect_dma source(%arg11 : memref<64x128xf32, #tpu.memory_space<vmem>>) target(%dma_start3A_353 : memref<10240x128xf32, #tpu.memory_space<vmem_shared>>) offsets(%dma_start3A_350 : memref<64xi32, #tpu.memory_space<vmem>>) semaphore(%arg21 : memref<!tpu.dma_semaphore, #tpu.memory_space<semaphore_mem>>) {add = true}
    %dma_start3A_354 = arith.constant 2 : i32
    %dma_start3A_355 = arith.constant 0 : i32
    %dma_start3A_356 = tpu.memref_slice %arg8[%dma_start3A_354, %dma_start3A_355] : memref<40x64xi32, #tpu.memory_space<vmem>> -> memref<1x64xi32, #tpu.memory_space<vmem>>
    %dma_start3A_357 = tpu.memref_squeeze %dma_start3A_356 : memref<1x64xi32, #tpu.memory_space<vmem>> -> memref<64xi32, #tpu.memory_space<vmem>>
    %dma_start3A_358 = arith.constant 0 : i32
    %dma_start3A_359 = tpu.memref_slice %arg28[%dma_start3A_358] : memref<10240xf32, #tpu.memory_space<vmem_shared>> -> memref<10240xf32, #tpu.memory_space<vmem_shared>>
    tpu.enqueue_indirect_dma source(%arg13 : memref<64xf32, #tpu.memory_space<vmem>>) target(%dma_start3A_359 : memref<10240xf32, #tpu.memory_space<vmem_shared>>) offsets(%dma_start3A_357 : memref<64xi32, #tpu.memory_space<vmem>>) semaphore(%arg25 : memref<!tpu.dma_semaphore, #tpu.memory_space<semaphore_mem>>) {add = true}
    %dma_wait3A_360 = arith.constant 1 : i32
    %dma_wait3A_361 = arith.constant 0 : i32
    %dma_wait3A_362 = tpu.memref_slice %arg8[%dma_wait3A_360, %dma_wait3A_361] : memref<40x64xi32, #tpu.memory_space<vmem>> -> memref<1x64xi32, #tpu.memory_space<vmem>>
    %dma_wait3A_363 = tpu.memref_squeeze %dma_wait3A_362 : memref<1x64xi32, #tpu.memory_space<vmem>> -> memref<64xi32, #tpu.memory_space<vmem>>
    %dma_wait3A_364 = arith.constant 0 : i32
    %dma_wait3A_365 = arith.constant 0 : i32
    %dma_wait3A_366 = tpu.memref_slice %arg27[%dma_wait3A_364, %dma_wait3A_365] : memref<10240x128xf32, #tpu.memory_space<vmem_shared>> -> memref<10240x128xf32, #tpu.memory_space<vmem_shared>>
    tpu.wait_indirect_dma semaphore(%arg20 : memref<!tpu.dma_semaphore, #tpu.memory_space<semaphore_mem>>) src(%arg10 : memref<64x128xf32, #tpu.memory_space<vmem>>) dst(%dma_wait3A_366 : memref<10240x128xf32, #tpu.memory_space<vmem_shared>>)
    %dma_wait3A_367 = arith.constant 1 : i32
    %dma_wait3A_368 = arith.constant 0 : i32
    %dma_wait3A_369 = tpu.memref_slice %arg8[%dma_wait3A_367, %dma_wait3A_368] : memref<40x64xi32, #tpu.memory_space<vmem>> -> memref<1x64xi32, #tpu.memory_space<vmem>>
    %dma_wait3A_370 = tpu.memref_squeeze %dma_wait3A_369 : memref<1x64xi32, #tpu.memory_space<vmem>> -> memref<64xi32, #tpu.memory_space<vmem>>
    %dma_wait3A_371 = arith.constant 0 : i32
    %dma_wait3A_372 = tpu.memref_slice %arg28[%dma_wait3A_371] : memref<10240xf32, #tpu.memory_space<vmem_shared>> -> memref<10240xf32, #tpu.memory_space<vmem_shared>>
    tpu.wait_indirect_dma semaphore(%arg24 : memref<!tpu.dma_semaphore, #tpu.memory_space<semaphore_mem>>) src(%arg13 : memref<64xf32, #tpu.memory_space<vmem>>) dst(%dma_wait3A_372 : memref<10240xf32, #tpu.memory_space<vmem_shared>>)
    %rem3A_373 = arith.constant 5 : i32
    %rem3A_374 = arith.constant 40 : i32
    %rem3A_375 = arith.remsi %rem3A_373, %rem3A_374 : i32
    %dma_start3A_376 = arith.constant 0 : i32
    %dma_start3A_377 = tpu.memref_slice %arg7[%rem3A_375, %dma_start3A_376] : memref<40x64xi32, #tpu.memory_space<vmem>> -> memref<1x64xi32, #tpu.memory_space<vmem>>
    %dma_start3A_378 = tpu.memref_squeeze %dma_start3A_377 : memref<1x64xi32, #tpu.memory_space<vmem>> -> memref<64xi32, #tpu.memory_space<vmem>>
    %dma_start3A_379 = arith.constant 0 : i32
    %dma_start3A_380 = arith.constant 0 : i32
    %dma_start3A_381 = tpu.memref_slice %arg4[%dma_start3A_379, %dma_start3A_380] : memref<50000x128xf32, #tpu.memory_space<hbm>> -> memref<50000x128xf32, #tpu.memory_space<hbm>>
    tpu.enqueue_indirect_dma source(%dma_start3A_381 : memref<50000x128xf32, #tpu.memory_space<hbm>>) target(%arg10 : memref<64x128xf32, #tpu.memory_space<vmem>>) offsets(%dma_start3A_378 : memref<64xi32, #tpu.memory_space<vmem>>) semaphore(%arg16 : memref<!tpu.dma_semaphore, #tpu.memory_space<semaphore_mem>>)
    %dma_wait3A_382 = arith.constant 3 : i32
    %dma_wait3A_383 = arith.constant 0 : i32
    %dma_wait3A_384 = tpu.memref_slice %arg7[%dma_wait3A_382, %dma_wait3A_383] : memref<40x64xi32, #tpu.memory_space<vmem>> -> memref<1x64xi32, #tpu.memory_space<vmem>>
    %dma_wait3A_385 = tpu.memref_squeeze %dma_wait3A_384 : memref<1x64xi32, #tpu.memory_space<vmem>> -> memref<64xi32, #tpu.memory_space<vmem>>
    %dma_wait3A_386 = arith.constant 0 : i32
    %dma_wait3A_387 = arith.constant 0 : i32
    %dma_wait3A_388 = tpu.memref_slice %arg4[%dma_wait3A_386, %dma_wait3A_387] : memref<50000x128xf32, #tpu.memory_space<hbm>> -> memref<50000x128xf32, #tpu.memory_space<hbm>>
    tpu.wait_indirect_dma semaphore(%arg18 : memref<!tpu.dma_semaphore, #tpu.memory_space<semaphore_mem>>) src(%dma_wait3A_388 : memref<50000x128xf32, #tpu.memory_space<hbm>>) dst(%arg12 : memref<64x128xf32, #tpu.memory_space<vmem>>)
    %dma_start3A_389 = arith.constant 3 : i32
    %dma_start3A_390 = arith.constant 0 : i32
    %dma_start3A_391 = tpu.memref_slice %arg8[%dma_start3A_389, %dma_start3A_390] : memref<40x64xi32, #tpu.memory_space<vmem>> -> memref<1x64xi32, #tpu.memory_space<vmem>>
    %dma_start3A_392 = tpu.memref_squeeze %dma_start3A_391 : memref<1x64xi32, #tpu.memory_space<vmem>> -> memref<64xi32, #tpu.memory_space<vmem>>
    %dma_start3A_393 = arith.constant 0 : i32
    %dma_start3A_394 = arith.constant 0 : i32
    %dma_start3A_395 = tpu.memref_slice %arg27[%dma_start3A_393, %dma_start3A_394] : memref<10240x128xf32, #tpu.memory_space<vmem_shared>> -> memref<10240x128xf32, #tpu.memory_space<vmem_shared>>
    tpu.enqueue_indirect_dma source(%arg12 : memref<64x128xf32, #tpu.memory_space<vmem>>) target(%dma_start3A_395 : memref<10240x128xf32, #tpu.memory_space<vmem_shared>>) offsets(%dma_start3A_392 : memref<64xi32, #tpu.memory_space<vmem>>) semaphore(%arg22 : memref<!tpu.dma_semaphore, #tpu.memory_space<semaphore_mem>>) {add = true}
    %dma_start3A_396 = arith.constant 3 : i32
    %dma_start3A_397 = arith.constant 0 : i32
    %dma_start3A_398 = tpu.memref_slice %arg8[%dma_start3A_396, %dma_start3A_397] : memref<40x64xi32, #tpu.memory_space<vmem>> -> memref<1x64xi32, #tpu.memory_space<vmem>>
    %dma_start3A_399 = tpu.memref_squeeze %dma_start3A_398 : memref<1x64xi32, #tpu.memory_space<vmem>> -> memref<64xi32, #tpu.memory_space<vmem>>
    %dma_start3A_400 = arith.constant 0 : i32
    %dma_start3A_401 = tpu.memref_slice %arg28[%dma_start3A_400] : memref<10240xf32, #tpu.memory_space<vmem_shared>> -> memref<10240xf32, #tpu.memory_space<vmem_shared>>
    tpu.enqueue_indirect_dma source(%arg13 : memref<64xf32, #tpu.memory_space<vmem>>) target(%dma_start3A_401 : memref<10240xf32, #tpu.memory_space<vmem_shared>>) offsets(%dma_start3A_399 : memref<64xi32, #tpu.memory_space<vmem>>) semaphore(%arg26 : memref<!tpu.dma_semaphore, #tpu.memory_space<semaphore_mem>>) {add = true}
    %dma_wait3A_402 = arith.constant 2 : i32
    %dma_wait3A_403 = arith.constant 0 : i32
    %dma_wait3A_404 = tpu.memref_slice %arg8[%dma_wait3A_402, %dma_wait3A_403] : memref<40x64xi32, #tpu.memory_space<vmem>> -> memref<1x64xi32, #tpu.memory_space<vmem>>
    %dma_wait3A_405 = tpu.memref_squeeze %dma_wait3A_404 : memref<1x64xi32, #tpu.memory_space<vmem>> -> memref<64xi32, #tpu.memory_space<vmem>>
    %dma_wait3A_406 = arith.constant 0 : i32
    %dma_wait3A_407 = arith.constant 0 : i32
    %dma_wait3A_408 = tpu.memref_slice %arg27[%dma_wait3A_406, %dma_wait3A_407] : memref<10240x128xf32, #tpu.memory_space<vmem_shared>> -> memref<10240x128xf32, #tpu.memory_space<vmem_shared>>
    tpu.wait_indirect_dma semaphore(%arg21 : memref<!tpu.dma_semaphore, #tpu.memory_space<semaphore_mem>>) src(%arg11 : memref<64x128xf32, #tpu.memory_space<vmem>>) dst(%dma_wait3A_408 : memref<10240x128xf32, #tpu.memory_space<vmem_shared>>)
    %dma_wait3A_409 = arith.constant 2 : i32
    %dma_wait3A_410 = arith.constant 0 : i32
    %dma_wait3A_411 = tpu.memref_slice %arg8[%dma_wait3A_409, %dma_wait3A_410] : memref<40x64xi32, #tpu.memory_space<vmem>> -> memref<1x64xi32, #tpu.memory_space<vmem>>
    %dma_wait3A_412 = tpu.memref_squeeze %dma_wait3A_411 : memref<1x64xi32, #tpu.memory_space<vmem>> -> memref<64xi32, #tpu.memory_space<vmem>>
    %dma_wait3A_413 = arith.constant 0 : i32
    %dma_wait3A_414 = tpu.memref_slice %arg28[%dma_wait3A_413] : memref<10240xf32, #tpu.memory_space<vmem_shared>> -> memref<10240xf32, #tpu.memory_space<vmem_shared>>
    tpu.wait_indirect_dma semaphore(%arg25 : memref<!tpu.dma_semaphore, #tpu.memory_space<semaphore_mem>>) src(%arg13 : memref<64xf32, #tpu.memory_space<vmem>>) dst(%dma_wait3A_414 : memref<10240xf32, #tpu.memory_space<vmem_shared>>)
    %rem3A_415 = arith.constant 6 : i32
    %rem3A_416 = arith.constant 40 : i32
    %rem3A_417 = arith.remsi %rem3A_415, %rem3A_416 : i32
    %dma_start3A_418 = arith.constant 0 : i32
    %dma_start3A_419 = tpu.memref_slice %arg7[%rem3A_417, %dma_start3A_418] : memref<40x64xi32, #tpu.memory_space<vmem>> -> memref<1x64xi32, #tpu.memory_space<vmem>>
    %dma_start3A_420 = tpu.memref_squeeze %dma_start3A_419 : memref<1x64xi32, #tpu.memory_space<vmem>> -> memref<64xi32, #tpu.memory_space<vmem>>
    %dma_start3A_421 = arith.constant 0 : i32
    %dma_start3A_422 = arith.constant 0 : i32
    %dma_start3A_423 = tpu.memref_slice %arg4[%dma_start3A_421, %dma_start3A_422] : memref<50000x128xf32, #tpu.memory_space<hbm>> -> memref<50000x128xf32, #tpu.memory_space<hbm>>
    tpu.enqueue_indirect_dma source(%dma_start3A_423 : memref<50000x128xf32, #tpu.memory_space<hbm>>) target(%arg11 : memref<64x128xf32, #tpu.memory_space<vmem>>) offsets(%dma_start3A_420 : memref<64xi32, #tpu.memory_space<vmem>>) semaphore(%arg17 : memref<!tpu.dma_semaphore, #tpu.memory_space<semaphore_mem>>)
    %scan3A_424 = arith.constant 0 : i32
    %scan3A_425 = arith.constant 1 : i32
    %scan3A_426 = arith.constant 9 : i32
    %scan3A_427 = arith.addi %scan3A_425, %scan3A_426 : i32
    %scan3A_428 = arith.constant 1 : i32
    %scan3A_429 = scf.for %scan3A_912 = %scan3A_425 to %scan3A_427 step %scan3A_428 iter_args(%scan3A_913 = %scan3A_424) -> (i32)  : i32 {
      %mul3A_914 = arith.constant 4 : i32
      %mul3A_915 = arith.muli %scan3A_912, %mul3A_914 : i32
      %add3A_916 = arith.constant 0 : i32
      %add3A_917 = arith.addi %mul3A_915, %add3A_916 : i32
      %dma_wait3A_918 = arith.constant 0 : i32
      %dma_wait3A_919 = tpu.memref_slice %arg7[%add3A_917, %dma_wait3A_918] : memref<40x64xi32, #tpu.memory_space<vmem>> -> memref<1x64xi32, #tpu.memory_space<vmem>>
      %dma_wait3A_920 = tpu.memref_squeeze %dma_wait3A_919 : memref<1x64xi32, #tpu.memory_space<vmem>> -> memref<64xi32, #tpu.memory_space<vmem>>
      %dma_wait3A_921 = arith.constant 0 : i32
      %dma_wait3A_922 = arith.constant 0 : i32
      %dma_wait3A_923 = tpu.memref_slice %arg4[%dma_wait3A_921, %dma_wait3A_922] : memref<50000x128xf32, #tpu.memory_space<hbm>> -> memref<50000x128xf32, #tpu.memory_space<hbm>>
      tpu.wait_indirect_dma semaphore(%arg15 : memref<!tpu.dma_semaphore, #tpu.memory_space<semaphore_mem>>) src(%dma_wait3A_923 : memref<50000x128xf32, #tpu.memory_space<hbm>>) dst(%arg9 : memref<64x128xf32, #tpu.memory_space<vmem>>)
      %dma_start3A_924 = arith.constant 0 : i32
      %dma_start3A_925 = tpu.memref_slice %arg8[%add3A_917, %dma_start3A_924] : memref<40x64xi32, #tpu.memory_space<vmem>> -> memref<1x64xi32, #tpu.memory_space<vmem>>
      %dma_start3A_926 = tpu.memref_squeeze %dma_start3A_925 : memref<1x64xi32, #tpu.memory_space<vmem>> -> memref<64xi32, #tpu.memory_space<vmem>>
      %dma_start3A_927 = arith.constant 0 : i32
      %dma_start3A_928 = arith.constant 0 : i32
      %dma_start3A_929 = tpu.memref_slice %arg27[%dma_start3A_927, %dma_start3A_928] : memref<10240x128xf32, #tpu.memory_space<vmem_shared>> -> memref<10240x128xf32, #tpu.memory_space<vmem_shared>>
      tpu.enqueue_indirect_dma source(%arg9 : memref<64x128xf32, #tpu.memory_space<vmem>>) target(%dma_start3A_929 : memref<10240x128xf32, #tpu.memory_space<vmem_shared>>) offsets(%dma_start3A_926 : memref<64xi32, #tpu.memory_space<vmem>>) semaphore(%arg19 : memref<!tpu.dma_semaphore, #tpu.memory_space<semaphore_mem>>) {add = true}
      %dma_start3A_930 = arith.constant 0 : i32
      %dma_start3A_931 = tpu.memref_slice %arg8[%add3A_917, %dma_start3A_930] : memref<40x64xi32, #tpu.memory_space<vmem>> -> memref<1x64xi32, #tpu.memory_space<vmem>>
      %dma_start3A_932 = tpu.memref_squeeze %dma_start3A_931 : memref<1x64xi32, #tpu.memory_space<vmem>> -> memref<64xi32, #tpu.memory_space<vmem>>
      %dma_start3A_933 = arith.constant 0 : i32
      %dma_start3A_934 = tpu.memref_slice %arg28[%dma_start3A_933] : memref<10240xf32, #tpu.memory_space<vmem_shared>> -> memref<10240xf32, #tpu.memory_space<vmem_shared>>
      tpu.enqueue_indirect_dma source(%arg13 : memref<64xf32, #tpu.memory_space<vmem>>) target(%dma_start3A_934 : memref<10240xf32, #tpu.memory_space<vmem_shared>>) offsets(%dma_start3A_932 : memref<64xi32, #tpu.memory_space<vmem>>) semaphore(%arg23 : memref<!tpu.dma_semaphore, #tpu.memory_space<semaphore_mem>>) {add = true}
      %sub3A = arith.constant 1 : i32
      %sub3A_935 = arith.subi %add3A_917, %sub3A : i32
      %dma_wait3A_936 = arith.constant 0 : i32
      %dma_wait3A_937 = tpu.memref_slice %arg8[%sub3A_935, %dma_wait3A_936] : memref<40x64xi32, #tpu.memory_space<vmem>> -> memref<1x64xi32, #tpu.memory_space<vmem>>
      %dma_wait3A_938 = tpu.memref_squeeze %dma_wait3A_937 : memref<1x64xi32, #tpu.memory_space<vmem>> -> memref<64xi32, #tpu.memory_space<vmem>>
      %dma_wait3A_939 = arith.constant 0 : i32
      %dma_wait3A_940 = arith.constant 0 : i32
      %dma_wait3A_941 = tpu.memref_slice %arg27[%dma_wait3A_939, %dma_wait3A_940] : memref<10240x128xf32, #tpu.memory_space<vmem_shared>> -> memref<10240x128xf32, #tpu.memory_space<vmem_shared>>
      tpu.wait_indirect_dma semaphore(%arg22 : memref<!tpu.dma_semaphore, #tpu.memory_space<semaphore_mem>>) src(%arg12 : memref<64x128xf32, #tpu.memory_space<vmem>>) dst(%dma_wait3A_941 : memref<10240x128xf32, #tpu.memory_space<vmem_shared>>)
      %dma_wait3A_942 = arith.constant 0 : i32
      %dma_wait3A_943 = tpu.memref_slice %arg8[%sub3A_935, %dma_wait3A_942] : memref<40x64xi32, #tpu.memory_space<vmem>> -> memref<1x64xi32, #tpu.memory_space<vmem>>
      %dma_wait3A_944 = tpu.memref_squeeze %dma_wait3A_943 : memref<1x64xi32, #tpu.memory_space<vmem>> -> memref<64xi32, #tpu.memory_space<vmem>>
      %dma_wait3A_945 = arith.constant 0 : i32
      %dma_wait3A_946 = tpu.memref_slice %arg28[%dma_wait3A_945] : memref<10240xf32, #tpu.memory_space<vmem_shared>> -> memref<10240xf32, #tpu.memory_space<vmem_shared>>
      tpu.wait_indirect_dma semaphore(%arg26 : memref<!tpu.dma_semaphore, #tpu.memory_space<semaphore_mem>>) src(%arg13 : memref<64xf32, #tpu.memory_space<vmem>>) dst(%dma_wait3A_946 : memref<10240xf32, #tpu.memory_space<vmem_shared>>)
      %add3A_947 = arith.constant 4 : i32
      %add3A_948 = arith.addi %sub3A_935, %add3A_947 : i32
      %rem3A_949 = arith.constant 40 : i32
      %rem3A_950 = arith.remsi %add3A_948, %rem3A_949 : i32
      %dma_start3A_951 = arith.constant 0 : i32
      %dma_start3A_952 = tpu.memref_slice %arg7[%rem3A_950, %dma_start3A_951] : memref<40x64xi32, #tpu.memory_space<vmem>> -> memref<1x64xi32, #tpu.memory_space<vmem>>
      %dma_start3A_953 = tpu.memref_squeeze %dma_start3A_952 : memref<1x64xi32, #tpu.memory_space<vmem>> -> memref<64xi32, #tpu.memory_space<vmem>>
      %dma_start3A_954 = arith.constant 0 : i32
      %dma_start3A_955 = arith.constant 0 : i32
      %dma_start3A_956 = tpu.memref_slice %arg4[%dma_start3A_954, %dma_start3A_955] : memref<50000x128xf32, #tpu.memory_space<hbm>> -> memref<50000x128xf32, #tpu.memory_space<hbm>>
      tpu.enqueue_indirect_dma source(%dma_start3A_956 : memref<50000x128xf32, #tpu.memory_space<hbm>>) target(%arg12 : memref<64x128xf32, #tpu.memory_space<vmem>>) offsets(%dma_start3A_953 : memref<64xi32, #tpu.memory_space<vmem>>) semaphore(%arg18 : memref<!tpu.dma_semaphore, #tpu.memory_space<semaphore_mem>>)
      %add3A_957 = arith.constant 1 : i32
      %add3A_958 = arith.addi %mul3A_915, %add3A_957 : i32
      %dma_wait3A_959 = arith.constant 0 : i32
      %dma_wait3A_960 = tpu.memref_slice %arg7[%add3A_958, %dma_wait3A_959] : memref<40x64xi32, #tpu.memory_space<vmem>> -> memref<1x64xi32, #tpu.memory_space<vmem>>
      %dma_wait3A_961 = tpu.memref_squeeze %dma_wait3A_960 : memref<1x64xi32, #tpu.memory_space<vmem>> -> memref<64xi32, #tpu.memory_space<vmem>>
      %dma_wait3A_962 = arith.constant 0 : i32
      %dma_wait3A_963 = arith.constant 0 : i32
      %dma_wait3A_964 = tpu.memref_slice %arg4[%dma_wait3A_962, %dma_wait3A_963] : memref<50000x128xf32, #tpu.memory_space<hbm>> -> memref<50000x128xf32, #tpu.memory_space<hbm>>
      tpu.wait_indirect_dma semaphore(%arg16 : memref<!tpu.dma_semaphore, #tpu.memory_space<semaphore_mem>>) src(%dma_wait3A_964 : memref<50000x128xf32, #tpu.memory_space<hbm>>) dst(%arg10 : memref<64x128xf32, #tpu.memory_space<vmem>>)
      %dma_start3A_965 = arith.constant 0 : i32
      %dma_start3A_966 = tpu.memref_slice %arg8[%add3A_958, %dma_start3A_965] : memref<40x64xi32, #tpu.memory_space<vmem>> -> memref<1x64xi32, #tpu.memory_space<vmem>>
      %dma_start3A_967 = tpu.memref_squeeze %dma_start3A_966 : memref<1x64xi32, #tpu.memory_space<vmem>> -> memref<64xi32, #tpu.memory_space<vmem>>
      %dma_start3A_968 = arith.constant 0 : i32
      %dma_start3A_969 = arith.constant 0 : i32
      %dma_start3A_970 = tpu.memref_slice %arg27[%dma_start3A_968, %dma_start3A_969] : memref<10240x128xf32, #tpu.memory_space<vmem_shared>> -> memref<10240x128xf32, #tpu.memory_space<vmem_shared>>
      tpu.enqueue_indirect_dma source(%arg10 : memref<64x128xf32, #tpu.memory_space<vmem>>) target(%dma_start3A_970 : memref<10240x128xf32, #tpu.memory_space<vmem_shared>>) offsets(%dma_start3A_967 : memref<64xi32, #tpu.memory_space<vmem>>) semaphore(%arg20 : memref<!tpu.dma_semaphore, #tpu.memory_space<semaphore_mem>>) {add = true}
      %dma_start3A_971 = arith.constant 0 : i32
      %dma_start3A_972 = tpu.memref_slice %arg8[%add3A_958, %dma_start3A_971] : memref<40x64xi32, #tpu.memory_space<vmem>> -> memref<1x64xi32, #tpu.memory_space<vmem>>
      %dma_start3A_973 = tpu.memref_squeeze %dma_start3A_972 : memref<1x64xi32, #tpu.memory_space<vmem>> -> memref<64xi32, #tpu.memory_space<vmem>>
      %dma_start3A_974 = arith.constant 0 : i32
      %dma_start3A_975 = tpu.memref_slice %arg28[%dma_start3A_974] : memref<10240xf32, #tpu.memory_space<vmem_shared>> -> memref<10240xf32, #tpu.memory_space<vmem_shared>>
      tpu.enqueue_indirect_dma source(%arg13 : memref<64xf32, #tpu.memory_space<vmem>>) target(%dma_start3A_975 : memref<10240xf32, #tpu.memory_space<vmem_shared>>) offsets(%dma_start3A_973 : memref<64xi32, #tpu.memory_space<vmem>>) semaphore(%arg24 : memref<!tpu.dma_semaphore, #tpu.memory_space<semaphore_mem>>) {add = true}
      %sub3A_976 = arith.constant 1 : i32
      %sub3A_977 = arith.subi %add3A_958, %sub3A_976 : i32
      %dma_wait3A_978 = arith.constant 0 : i32
      %dma_wait3A_979 = tpu.memref_slice %arg8[%sub3A_977, %dma_wait3A_978] : memref<40x64xi32, #tpu.memory_space<vmem>> -> memref<1x64xi32, #tpu.memory_space<vmem>>
      %dma_wait3A_980 = tpu.memref_squeeze %dma_wait3A_979 : memref<1x64xi32, #tpu.memory_space<vmem>> -> memref<64xi32, #tpu.memory_space<vmem>>
      %dma_wait3A_981 = arith.constant 0 : i32
      %dma_wait3A_982 = arith.constant 0 : i32
      %dma_wait3A_983 = tpu.memref_slice %arg27[%dma_wait3A_981, %dma_wait3A_982] : memref<10240x128xf32, #tpu.memory_space<vmem_shared>> -> memref<10240x128xf32, #tpu.memory_space<vmem_shared>>
      tpu.wait_indirect_dma semaphore(%arg19 : memref<!tpu.dma_semaphore, #tpu.memory_space<semaphore_mem>>) src(%arg9 : memref<64x128xf32, #tpu.memory_space<vmem>>) dst(%dma_wait3A_983 : memref<10240x128xf32, #tpu.memory_space<vmem_shared>>)
      %dma_wait3A_984 = arith.constant 0 : i32
      %dma_wait3A_985 = tpu.memref_slice %arg8[%sub3A_977, %dma_wait3A_984] : memref<40x64xi32, #tpu.memory_space<vmem>> -> memref<1x64xi32, #tpu.memory_space<vmem>>
      %dma_wait3A_986 = tpu.memref_squeeze %dma_wait3A_985 : memref<1x64xi32, #tpu.memory_space<vmem>> -> memref<64xi32, #tpu.memory_space<vmem>>
      %dma_wait3A_987 = arith.constant 0 : i32
      %dma_wait3A_988 = tpu.memref_slice %arg28[%dma_wait3A_987] : memref<10240xf32, #tpu.memory_space<vmem_shared>> -> memref<10240xf32, #tpu.memory_space<vmem_shared>>
      tpu.wait_indirect_dma semaphore(%arg23 : memref<!tpu.dma_semaphore, #tpu.memory_space<semaphore_mem>>) src(%arg13 : memref<64xf32, #tpu.memory_space<vmem>>) dst(%dma_wait3A_988 : memref<10240xf32, #tpu.memory_space<vmem_shared>>)
      %add3A_989 = arith.constant 4 : i32
      %add3A_990 = arith.addi %sub3A_977, %add3A_989 : i32
      %rem3A_991 = arith.constant 40 : i32
      %rem3A_992 = arith.remsi %add3A_990, %rem3A_991 : i32
      %dma_start3A_993 = arith.constant 0 : i32
      %dma_start3A_994 = tpu.memref_slice %arg7[%rem3A_992, %dma_start3A_993] : memref<40x64xi32, #tpu.memory_space<vmem>> -> memref<1x64xi32, #tpu.memory_space<vmem>>
      %dma_start3A_995 = tpu.memref_squeeze %dma_start3A_994 : memref<1x64xi32, #tpu.memory_space<vmem>> -> memref<64xi32, #tpu.memory_space<vmem>>
      %dma_start3A_996 = arith.constant 0 : i32
      %dma_start3A_997 = arith.constant 0 : i32
      %dma_start3A_998 = tpu.memref_slice %arg4[%dma_start3A_996, %dma_start3A_997] : memref<50000x128xf32, #tpu.memory_space<hbm>> -> memref<50000x128xf32, #tpu.memory_space<hbm>>
      tpu.enqueue_indirect_dma source(%dma_start3A_998 : memref<50000x128xf32, #tpu.memory_space<hbm>>) target(%arg9 : memref<64x128xf32, #tpu.memory_space<vmem>>) offsets(%dma_start3A_995 : memref<64xi32, #tpu.memory_space<vmem>>) semaphore(%arg15 : memref<!tpu.dma_semaphore, #tpu.memory_space<semaphore_mem>>)
      %add3A_999 = arith.constant 2 : i32
      %add3A_1000 = arith.addi %mul3A_915, %add3A_999 : i32
      %dma_wait3A_1001 = arith.constant 0 : i32
      %dma_wait3A_1002 = tpu.memref_slice %arg7[%add3A_1000, %dma_wait3A_1001] : memref<40x64xi32, #tpu.memory_space<vmem>> -> memref<1x64xi32, #tpu.memory_space<vmem>>
      %dma_wait3A_1003 = tpu.memref_squeeze %dma_wait3A_1002 : memref<1x64xi32, #tpu.memory_space<vmem>> -> memref<64xi32, #tpu.memory_space<vmem>>
      %dma_wait3A_1004 = arith.constant 0 : i32
      %dma_wait3A_1005 = arith.constant 0 : i32
      %dma_wait3A_1006 = tpu.memref_slice %arg4[%dma_wait3A_1004, %dma_wait3A_1005] : memref<50000x128xf32, #tpu.memory_space<hbm>> -> memref<50000x128xf32, #tpu.memory_space<hbm>>
      tpu.wait_indirect_dma semaphore(%arg17 : memref<!tpu.dma_semaphore, #tpu.memory_space<semaphore_mem>>) src(%dma_wait3A_1006 : memref<50000x128xf32, #tpu.memory_space<hbm>>) dst(%arg11 : memref<64x128xf32, #tpu.memory_space<vmem>>)
      %dma_start3A_1007 = arith.constant 0 : i32
      %dma_start3A_1008 = tpu.memref_slice %arg8[%add3A_1000, %dma_start3A_1007] : memref<40x64xi32, #tpu.memory_space<vmem>> -> memref<1x64xi32, #tpu.memory_space<vmem>>
      %dma_start3A_1009 = tpu.memref_squeeze %dma_start3A_1008 : memref<1x64xi32, #tpu.memory_space<vmem>> -> memref<64xi32, #tpu.memory_space<vmem>>
      %dma_start3A_1010 = arith.constant 0 : i32
      %dma_start3A_1011 = arith.constant 0 : i32
      %dma_start3A_1012 = tpu.memref_slice %arg27[%dma_start3A_1010, %dma_start3A_1011] : memref<10240x128xf32, #tpu.memory_space<vmem_shared>> -> memref<10240x128xf32, #tpu.memory_space<vmem_shared>>
      tpu.enqueue_indirect_dma source(%arg11 : memref<64x128xf32, #tpu.memory_space<vmem>>) target(%dma_start3A_1012 : memref<10240x128xf32, #tpu.memory_space<vmem_shared>>) offsets(%dma_start3A_1009 : memref<64xi32, #tpu.memory_space<vmem>>) semaphore(%arg21 : memref<!tpu.dma_semaphore, #tpu.memory_space<semaphore_mem>>) {add = true}
      %dma_start3A_1013 = arith.constant 0 : i32
      %dma_start3A_1014 = tpu.memref_slice %arg8[%add3A_1000, %dma_start3A_1013] : memref<40x64xi32, #tpu.memory_space<vmem>> -> memref<1x64xi32, #tpu.memory_space<vmem>>
      %dma_start3A_1015 = tpu.memref_squeeze %dma_start3A_1014 : memref<1x64xi32, #tpu.memory_space<vmem>> -> memref<64xi32, #tpu.memory_space<vmem>>
      %dma_start3A_1016 = arith.constant 0 : i32
      %dma_start3A_1017 = tpu.memref_slice %arg28[%dma_start3A_1016] : memref<10240xf32, #tpu.memory_space<vmem_shared>> -> memref<10240xf32, #tpu.memory_space<vmem_shared>>
      tpu.enqueue_indirect_dma source(%arg13 : memref<64xf32, #tpu.memory_space<vmem>>) target(%dma_start3A_1017 : memref<10240xf32, #tpu.memory_space<vmem_shared>>) offsets(%dma_start3A_1015 : memref<64xi32, #tpu.memory_space<vmem>>) semaphore(%arg25 : memref<!tpu.dma_semaphore, #tpu.memory_space<semaphore_mem>>) {add = true}
      %sub3A_1018 = arith.constant 1 : i32
      %sub3A_1019 = arith.subi %add3A_1000, %sub3A_1018 : i32
      %dma_wait3A_1020 = arith.constant 0 : i32
      %dma_wait3A_1021 = tpu.memref_slice %arg8[%sub3A_1019, %dma_wait3A_1020] : memref<40x64xi32, #tpu.memory_space<vmem>> -> memref<1x64xi32, #tpu.memory_space<vmem>>
      %dma_wait3A_1022 = tpu.memref_squeeze %dma_wait3A_1021 : memref<1x64xi32, #tpu.memory_space<vmem>> -> memref<64xi32, #tpu.memory_space<vmem>>
      %dma_wait3A_1023 = arith.constant 0 : i32
      %dma_wait3A_1024 = arith.constant 0 : i32
      %dma_wait3A_1025 = tpu.memref_slice %arg27[%dma_wait3A_1023, %dma_wait3A_1024] : memref<10240x128xf32, #tpu.memory_space<vmem_shared>> -> memref<10240x128xf32, #tpu.memory_space<vmem_shared>>
      tpu.wait_indirect_dma semaphore(%arg20 : memref<!tpu.dma_semaphore, #tpu.memory_space<semaphore_mem>>) src(%arg10 : memref<64x128xf32, #tpu.memory_space<vmem>>) dst(%dma_wait3A_1025 : memref<10240x128xf32, #tpu.memory_space<vmem_shared>>)
      %dma_wait3A_1026 = arith.constant 0 : i32
      %dma_wait3A_1027 = tpu.memref_slice %arg8[%sub3A_1019, %dma_wait3A_1026] : memref<40x64xi32, #tpu.memory_space<vmem>> -> memref<1x64xi32, #tpu.memory_space<vmem>>
      %dma_wait3A_1028 = tpu.memref_squeeze %dma_wait3A_1027 : memref<1x64xi32, #tpu.memory_space<vmem>> -> memref<64xi32, #tpu.memory_space<vmem>>
      %dma_wait3A_1029 = arith.constant 0 : i32
      %dma_wait3A_1030 = tpu.memref_slice %arg28[%dma_wait3A_1029] : memref<10240xf32, #tpu.memory_space<vmem_shared>> -> memref<10240xf32, #tpu.memory_space<vmem_shared>>
      tpu.wait_indirect_dma semaphore(%arg24 : memref<!tpu.dma_semaphore, #tpu.memory_space<semaphore_mem>>) src(%arg13 : memref<64xf32, #tpu.memory_space<vmem>>) dst(%dma_wait3A_1030 : memref<10240xf32, #tpu.memory_space<vmem_shared>>)
      %add3A_1031 = arith.constant 4 : i32
      %add3A_1032 = arith.addi %sub3A_1019, %add3A_1031 : i32
      %rem3A_1033 = arith.constant 40 : i32
      %rem3A_1034 = arith.remsi %add3A_1032, %rem3A_1033 : i32
      %dma_start3A_1035 = arith.constant 0 : i32
      %dma_start3A_1036 = tpu.memref_slice %arg7[%rem3A_1034, %dma_start3A_1035] : memref<40x64xi32, #tpu.memory_space<vmem>> -> memref<1x64xi32, #tpu.memory_space<vmem>>
      %dma_start3A_1037 = tpu.memref_squeeze %dma_start3A_1036 : memref<1x64xi32, #tpu.memory_space<vmem>> -> memref<64xi32, #tpu.memory_space<vmem>>
      %dma_start3A_1038 = arith.constant 0 : i32
      %dma_start3A_1039 = arith.constant 0 : i32
      %dma_start3A_1040 = tpu.memref_slice %arg4[%dma_start3A_1038, %dma_start3A_1039] : memref<50000x128xf32, #tpu.memory_space<hbm>> -> memref<50000x128xf32, #tpu.memory_space<hbm>>
      tpu.enqueue_indirect_dma source(%dma_start3A_1040 : memref<50000x128xf32, #tpu.memory_space<hbm>>) target(%arg10 : memref<64x128xf32, #tpu.memory_space<vmem>>) offsets(%dma_start3A_1037 : memref<64xi32, #tpu.memory_space<vmem>>) semaphore(%arg16 : memref<!tpu.dma_semaphore, #tpu.memory_space<semaphore_mem>>)
      %add3A_1041 = arith.constant 3 : i32
      %add3A_1042 = arith.addi %mul3A_915, %add3A_1041 : i32
      %dma_wait3A_1043 = arith.constant 0 : i32
      %dma_wait3A_1044 = tpu.memref_slice %arg7[%add3A_1042, %dma_wait3A_1043] : memref<40x64xi32, #tpu.memory_space<vmem>> -> memref<1x64xi32, #tpu.memory_space<vmem>>
      %dma_wait3A_1045 = tpu.memref_squeeze %dma_wait3A_1044 : memref<1x64xi32, #tpu.memory_space<vmem>> -> memref<64xi32, #tpu.memory_space<vmem>>
      %dma_wait3A_1046 = arith.constant 0 : i32
      %dma_wait3A_1047 = arith.constant 0 : i32
      %dma_wait3A_1048 = tpu.memref_slice %arg4[%dma_wait3A_1046, %dma_wait3A_1047] : memref<50000x128xf32, #tpu.memory_space<hbm>> -> memref<50000x128xf32, #tpu.memory_space<hbm>>
      tpu.wait_indirect_dma semaphore(%arg18 : memref<!tpu.dma_semaphore, #tpu.memory_space<semaphore_mem>>) src(%dma_wait3A_1048 : memref<50000x128xf32, #tpu.memory_space<hbm>>) dst(%arg12 : memref<64x128xf32, #tpu.memory_space<vmem>>)
      %dma_start3A_1049 = arith.constant 0 : i32
      %dma_start3A_1050 = tpu.memref_slice %arg8[%add3A_1042, %dma_start3A_1049] : memref<40x64xi32, #tpu.memory_space<vmem>> -> memref<1x64xi32, #tpu.memory_space<vmem>>
      %dma_start3A_1051 = tpu.memref_squeeze %dma_start3A_1050 : memref<1x64xi32, #tpu.memory_space<vmem>> -> memref<64xi32, #tpu.memory_space<vmem>>
      %dma_start3A_1052 = arith.constant 0 : i32
      %dma_start3A_1053 = arith.constant 0 : i32
      %dma_start3A_1054 = tpu.memref_slice %arg27[%dma_start3A_1052, %dma_start3A_1053] : memref<10240x128xf32, #tpu.memory_space<vmem_shared>> -> memref<10240x128xf32, #tpu.memory_space<vmem_shared>>
      tpu.enqueue_indirect_dma source(%arg12 : memref<64x128xf32, #tpu.memory_space<vmem>>) target(%dma_start3A_1054 : memref<10240x128xf32, #tpu.memory_space<vmem_shared>>) offsets(%dma_start3A_1051 : memref<64xi32, #tpu.memory_space<vmem>>) semaphore(%arg22 : memref<!tpu.dma_semaphore, #tpu.memory_space<semaphore_mem>>) {add = true}
      %dma_start3A_1055 = arith.constant 0 : i32
      %dma_start3A_1056 = tpu.memref_slice %arg8[%add3A_1042, %dma_start3A_1055] : memref<40x64xi32, #tpu.memory_space<vmem>> -> memref<1x64xi32, #tpu.memory_space<vmem>>
      %dma_start3A_1057 = tpu.memref_squeeze %dma_start3A_1056 : memref<1x64xi32, #tpu.memory_space<vmem>> -> memref<64xi32, #tpu.memory_space<vmem>>
      %dma_start3A_1058 = arith.constant 0 : i32
      %dma_start3A_1059 = tpu.memref_slice %arg28[%dma_start3A_1058] : memref<10240xf32, #tpu.memory_space<vmem_shared>> -> memref<10240xf32, #tpu.memory_space<vmem_shared>>
      tpu.enqueue_indirect_dma source(%arg13 : memref<64xf32, #tpu.memory_space<vmem>>) target(%dma_start3A_1059 : memref<10240xf32, #tpu.memory_space<vmem_shared>>) offsets(%dma_start3A_1057 : memref<64xi32, #tpu.memory_space<vmem>>) semaphore(%arg26 : memref<!tpu.dma_semaphore, #tpu.memory_space<semaphore_mem>>) {add = true}
      %sub3A_1060 = arith.constant 1 : i32
      %sub3A_1061 = arith.subi %add3A_1042, %sub3A_1060 : i32
      %dma_wait3A_1062 = arith.constant 0 : i32
      %dma_wait3A_1063 = tpu.memref_slice %arg8[%sub3A_1061, %dma_wait3A_1062] : memref<40x64xi32, #tpu.memory_space<vmem>> -> memref<1x64xi32, #tpu.memory_space<vmem>>
      %dma_wait3A_1064 = tpu.memref_squeeze %dma_wait3A_1063 : memref<1x64xi32, #tpu.memory_space<vmem>> -> memref<64xi32, #tpu.memory_space<vmem>>
      %dma_wait3A_1065 = arith.constant 0 : i32
      %dma_wait3A_1066 = arith.constant 0 : i32
      %dma_wait3A_1067 = tpu.memref_slice %arg27[%dma_wait3A_1065, %dma_wait3A_1066] : memref<10240x128xf32, #tpu.memory_space<vmem_shared>> -> memref<10240x128xf32, #tpu.memory_space<vmem_shared>>
      tpu.wait_indirect_dma semaphore(%arg21 : memref<!tpu.dma_semaphore, #tpu.memory_space<semaphore_mem>>) src(%arg11 : memref<64x128xf32, #tpu.memory_space<vmem>>) dst(%dma_wait3A_1067 : memref<10240x128xf32, #tpu.memory_space<vmem_shared>>)
      %dma_wait3A_1068 = arith.constant 0 : i32
      %dma_wait3A_1069 = tpu.memref_slice %arg8[%sub3A_1061, %dma_wait3A_1068] : memref<40x64xi32, #tpu.memory_space<vmem>> -> memref<1x64xi32, #tpu.memory_space<vmem>>
      %dma_wait3A_1070 = tpu.memref_squeeze %dma_wait3A_1069 : memref<1x64xi32, #tpu.memory_space<vmem>> -> memref<64xi32, #tpu.memory_space<vmem>>
      %dma_wait3A_1071 = arith.constant 0 : i32
      %dma_wait3A_1072 = tpu.memref_slice %arg28[%dma_wait3A_1071] : memref<10240xf32, #tpu.memory_space<vmem_shared>> -> memref<10240xf32, #tpu.memory_space<vmem_shared>>
      tpu.wait_indirect_dma semaphore(%arg25 : memref<!tpu.dma_semaphore, #tpu.memory_space<semaphore_mem>>) src(%arg13 : memref<64xf32, #tpu.memory_space<vmem>>) dst(%dma_wait3A_1072 : memref<10240xf32, #tpu.memory_space<vmem_shared>>)
      %add3A_1073 = arith.constant 4 : i32
      %add3A_1074 = arith.addi %sub3A_1061, %add3A_1073 : i32
      %rem3A_1075 = arith.constant 40 : i32
      %rem3A_1076 = arith.remsi %add3A_1074, %rem3A_1075 : i32
      %dma_start3A_1077 = arith.constant 0 : i32
      %dma_start3A_1078 = tpu.memref_slice %arg7[%rem3A_1076, %dma_start3A_1077] : memref<40x64xi32, #tpu.memory_space<vmem>> -> memref<1x64xi32, #tpu.memory_space<vmem>>
      %dma_start3A_1079 = tpu.memref_squeeze %dma_start3A_1078 : memref<1x64xi32, #tpu.memory_space<vmem>> -> memref<64xi32, #tpu.memory_space<vmem>>
      %dma_start3A_1080 = arith.constant 0 : i32
      %dma_start3A_1081 = arith.constant 0 : i32
      %dma_start3A_1082 = tpu.memref_slice %arg4[%dma_start3A_1080, %dma_start3A_1081] : memref<50000x128xf32, #tpu.memory_space<hbm>> -> memref<50000x128xf32, #tpu.memory_space<hbm>>
      tpu.enqueue_indirect_dma source(%dma_start3A_1082 : memref<50000x128xf32, #tpu.memory_space<hbm>>) target(%arg11 : memref<64x128xf32, #tpu.memory_space<vmem>>) offsets(%dma_start3A_1079 : memref<64xi32, #tpu.memory_space<vmem>>) semaphore(%arg17 : memref<!tpu.dma_semaphore, #tpu.memory_space<semaphore_mem>>)
      %scan3A_1083 = arith.constant 0 : i32
      scf.yield %scan3A_1083 : i32
    }
    %scan3A_430 = arith.constant 9 : i32
    %dma_wait3A_431 = arith.constant 39 : i32
    %dma_wait3A_432 = arith.constant 0 : i32
    %dma_wait3A_433 = tpu.memref_slice %arg8[%dma_wait3A_431, %dma_wait3A_432] : memref<40x64xi32, #tpu.memory_space<vmem>> -> memref<1x64xi32, #tpu.memory_space<vmem>>
    %dma_wait3A_434 = tpu.memref_squeeze %dma_wait3A_433 : memref<1x64xi32, #tpu.memory_space<vmem>> -> memref<64xi32, #tpu.memory_space<vmem>>
    %dma_wait3A_435 = arith.constant 0 : i32
    %dma_wait3A_436 = arith.constant 0 : i32
    %dma_wait3A_437 = tpu.memref_slice %arg27[%dma_wait3A_435, %dma_wait3A_436] : memref<10240x128xf32, #tpu.memory_space<vmem_shared>> -> memref<10240x128xf32, #tpu.memory_space<vmem_shared>>
    tpu.wait_indirect_dma semaphore(%arg22 : memref<!tpu.dma_semaphore, #tpu.memory_space<semaphore_mem>>) src(%arg12 : memref<64x128xf32, #tpu.memory_space<vmem>>) dst(%dma_wait3A_437 : memref<10240x128xf32, #tpu.memory_space<vmem_shared>>)
    %dma_wait3A_438 = arith.constant 39 : i32
    %dma_wait3A_439 = arith.constant 0 : i32
    %dma_wait3A_440 = tpu.memref_slice %arg8[%dma_wait3A_438, %dma_wait3A_439] : memref<40x64xi32, #tpu.memory_space<vmem>> -> memref<1x64xi32, #tpu.memory_space<vmem>>
    %dma_wait3A_441 = tpu.memref_squeeze %dma_wait3A_440 : memref<1x64xi32, #tpu.memory_space<vmem>> -> memref<64xi32, #tpu.memory_space<vmem>>
    %dma_wait3A_442 = arith.constant 0 : i32
    %dma_wait3A_443 = tpu.memref_slice %arg28[%dma_wait3A_442] : memref<10240xf32, #tpu.memory_space<vmem_shared>> -> memref<10240xf32, #tpu.memory_space<vmem_shared>>
    tpu.wait_indirect_dma semaphore(%arg26 : memref<!tpu.dma_semaphore, #tpu.memory_space<semaphore_mem>>) src(%arg13 : memref<64xf32, #tpu.memory_space<vmem>>) dst(%dma_wait3A_443 : memref<10240xf32, #tpu.memory_space<vmem_shared>>)
    %dma_wait3A_444 = arith.constant 0 : i32
    %dma_wait3A_445 = arith.constant 0 : i32
    %dma_wait3A_446 = tpu.memref_slice %arg7[%dma_wait3A_444, %dma_wait3A_445] : memref<40x64xi32, #tpu.memory_space<vmem>> -> memref<1x64xi32, #tpu.memory_space<vmem>>
    %dma_wait3A_447 = tpu.memref_squeeze %dma_wait3A_446 : memref<1x64xi32, #tpu.memory_space<vmem>> -> memref<64xi32, #tpu.memory_space<vmem>>
    %dma_wait3A_448 = arith.constant 0 : i32
    %dma_wait3A_449 = arith.constant 0 : i32
    %dma_wait3A_450 = tpu.memref_slice %arg4[%dma_wait3A_448, %dma_wait3A_449] : memref<50000x128xf32, #tpu.memory_space<hbm>> -> memref<50000x128xf32, #tpu.memory_space<hbm>>
    tpu.wait_indirect_dma semaphore(%arg15 : memref<!tpu.dma_semaphore, #tpu.memory_space<semaphore_mem>>) src(%dma_wait3A_450 : memref<50000x128xf32, #tpu.memory_space<hbm>>) dst(%arg9 : memref<64x128xf32, #tpu.memory_space<vmem>>)
    %dma_wait3A_451 = arith.constant 1 : i32
    %dma_wait3A_452 = arith.constant 0 : i32
    %dma_wait3A_453 = tpu.memref_slice %arg7[%dma_wait3A_451, %dma_wait3A_452] : memref<40x64xi32, #tpu.memory_space<vmem>> -> memref<1x64xi32, #tpu.memory_space<vmem>>
    %dma_wait3A_454 = tpu.memref_squeeze %dma_wait3A_453 : memref<1x64xi32, #tpu.memory_space<vmem>> -> memref<64xi32, #tpu.memory_space<vmem>>
    %dma_wait3A_455 = arith.constant 0 : i32
    %dma_wait3A_456 = arith.constant 0 : i32
    %dma_wait3A_457 = tpu.memref_slice %arg4[%dma_wait3A_455, %dma_wait3A_456] : memref<50000x128xf32, #tpu.memory_space<hbm>> -> memref<50000x128xf32, #tpu.memory_space<hbm>>
    tpu.wait_indirect_dma semaphore(%arg16 : memref<!tpu.dma_semaphore, #tpu.memory_space<semaphore_mem>>) src(%dma_wait3A_457 : memref<50000x128xf32, #tpu.memory_space<hbm>>) dst(%arg10 : memref<64x128xf32, #tpu.memory_space<vmem>>)
    %dma_wait3A_458 = arith.constant 2 : i32
    %dma_wait3A_459 = arith.constant 0 : i32
    %dma_wait3A_460 = tpu.memref_slice %arg7[%dma_wait3A_458, %dma_wait3A_459] : memref<40x64xi32, #tpu.memory_space<vmem>> -> memref<1x64xi32, #tpu.memory_space<vmem>>
    %dma_wait3A_461 = tpu.memref_squeeze %dma_wait3A_460 : memref<1x64xi32, #tpu.memory_space<vmem>> -> memref<64xi32, #tpu.memory_space<vmem>>
    %dma_wait3A_462 = arith.constant 0 : i32
    %dma_wait3A_463 = arith.constant 0 : i32
    %dma_wait3A_464 = tpu.memref_slice %arg4[%dma_wait3A_462, %dma_wait3A_463] : memref<50000x128xf32, #tpu.memory_space<hbm>> -> memref<50000x128xf32, #tpu.memory_space<hbm>>
    tpu.wait_indirect_dma semaphore(%arg17 : memref<!tpu.dma_semaphore, #tpu.memory_space<semaphore_mem>>) src(%dma_wait3A_464 : memref<50000x128xf32, #tpu.memory_space<hbm>>) dst(%arg11 : memref<64x128xf32, #tpu.memory_space<vmem>>)
    %mul3A_465 = arith.constant 4 : i32
    %mul3A_466 = arith.muli %add3A, %mul3A_465 : i32
    %add3A_467 = arith.constant 2 : i32
    %add3A_468 = arith.addi %mul3A_466, %add3A_467 : i32
    "tpu.region"() ({
      %run_scoped3A = tpu.sem_alloc : memref<!tpu.dma_semaphore, #tpu.memory_space<semaphore_mem>>
      %dma_start3A_912 = arith.constant 0 : i32
      %dma_start3A_913 = arith.constant 0 : i32
      %dma_start3A_914 = tpu.memref_slice %arg2[%add3A_468, %dma_start3A_912, %dma_start3A_913] : memref<128x40x64xi32, #tpu.memory_space<hbm>> -> memref<1x40x64xi32, #tpu.memory_space<hbm>>
      %dma_start3A_915 = tpu.memref_squeeze %dma_start3A_914 : memref<1x40x64xi32, #tpu.memory_space<hbm>> -> memref<40x64xi32, #tpu.memory_space<hbm>>
      %dma_start3A_916 = arith.constant 0 : i32
      %dma_start3A_917 = arith.constant 0 : i32
      %dma_start3A_918 = tpu.memref_slice %arg2[%add3A_468, %dma_start3A_916, %dma_start3A_917] : memref<128x40x64xi32, #tpu.memory_space<hbm>> -> memref<1x40x64xi32, #tpu.memory_space<hbm>>
      %dma_start3A_919 = tpu.memref_squeeze %dma_start3A_918 : memref<1x40x64xi32, #tpu.memory_space<hbm>> -> memref<40x64xi32, #tpu.memory_space<hbm>>
      tpu.enqueue_dma source(%dma_start3A_919 : memref<40x64xi32, #tpu.memory_space<hbm>>) target(%arg7 : memref<40x64xi32, #tpu.memory_space<vmem>>) target_semaphore(%run_scoped3A : memref<!tpu.dma_semaphore, #tpu.memory_space<semaphore_mem>>)
      %dma_wait3A_920 = arith.constant 0 : i32
      %dma_wait3A_921 = arith.constant 0 : i32
      %dma_wait3A_922 = tpu.memref_slice %arg2[%add3A_468, %dma_wait3A_920, %dma_wait3A_921] : memref<128x40x64xi32, #tpu.memory_space<hbm>> -> memref<1x40x64xi32, #tpu.memory_space<hbm>>
      %dma_wait3A_923 = tpu.memref_squeeze %dma_wait3A_922 : memref<1x40x64xi32, #tpu.memory_space<hbm>> -> memref<40x64xi32, #tpu.memory_space<hbm>>
      %dma_wait3A_924 = arith.constant 0 : i32
      %dma_wait3A_925 = arith.constant 0 : i32
      %dma_wait3A_926 = tpu.memref_slice %arg2[%add3A_468, %dma_wait3A_924, %dma_wait3A_925] : memref<128x40x64xi32, #tpu.memory_space<hbm>> -> memref<1x40x64xi32, #tpu.memory_space<hbm>>
      %dma_wait3A_927 = tpu.memref_squeeze %dma_wait3A_926 : memref<1x40x64xi32, #tpu.memory_space<hbm>> -> memref<40x64xi32, #tpu.memory_space<hbm>>
      tpu.wait_dma2 semaphore(%run_scoped3A : memref<!tpu.dma_semaphore, #tpu.memory_space<semaphore_mem>>) src(%dma_wait3A_927 : memref<40x64xi32, #tpu.memory_space<hbm>>) dst(%arg7 : memref<40x64xi32, #tpu.memory_space<vmem>>)
      tpu.yield
    }) : () -> ()
    "tpu.region"() ({
      %run_scoped3A = tpu.sem_alloc : memref<!tpu.dma_semaphore, #tpu.memory_space<semaphore_mem>>
      %dma_start3A_912 = arith.constant 0 : i32
      %dma_start3A_913 = arith.constant 0 : i32
      %dma_start3A_914 = tpu.memref_slice %arg3[%add3A_468, %dma_start3A_912, %dma_start3A_913] : memref<128x40x64xi32, #tpu.memory_space<hbm>> -> memref<1x40x64xi32, #tpu.memory_space<hbm>>
      %dma_start3A_915 = tpu.memref_squeeze %dma_start3A_914 : memref<1x40x64xi32, #tpu.memory_space<hbm>> -> memref<40x64xi32, #tpu.memory_space<hbm>>
      %dma_start3A_916 = arith.constant 0 : i32
      %dma_start3A_917 = arith.constant 0 : i32
      %dma_start3A_918 = tpu.memref_slice %arg3[%add3A_468, %dma_start3A_916, %dma_start3A_917] : memref<128x40x64xi32, #tpu.memory_space<hbm>> -> memref<1x40x64xi32, #tpu.memory_space<hbm>>
      %dma_start3A_919 = tpu.memref_squeeze %dma_start3A_918 : memref<1x40x64xi32, #tpu.memory_space<hbm>> -> memref<40x64xi32, #tpu.memory_space<hbm>>
      tpu.enqueue_dma source(%dma_start3A_919 : memref<40x64xi32, #tpu.memory_space<hbm>>) target(%arg8 : memref<40x64xi32, #tpu.memory_space<vmem>>) target_semaphore(%run_scoped3A : memref<!tpu.dma_semaphore, #tpu.memory_space<semaphore_mem>>)
      %dma_wait3A_920 = arith.constant 0 : i32
      %dma_wait3A_921 = arith.constant 0 : i32
      %dma_wait3A_922 = tpu.memref_slice %arg3[%add3A_468, %dma_wait3A_920, %dma_wait3A_921] : memref<128x40x64xi32, #tpu.memory_space<hbm>> -> memref<1x40x64xi32, #tpu.memory_space<hbm>>
      %dma_wait3A_923 = tpu.memref_squeeze %dma_wait3A_922 : memref<1x40x64xi32, #tpu.memory_space<hbm>> -> memref<40x64xi32, #tpu.memory_space<hbm>>
      %dma_wait3A_924 = arith.constant 0 : i32
      %dma_wait3A_925 = arith.constant 0 : i32
      %dma_wait3A_926 = tpu.memref_slice %arg3[%add3A_468, %dma_wait3A_924, %dma_wait3A_925] : memref<128x40x64xi32, #tpu.memory_space<hbm>> -> memref<1x40x64xi32, #tpu.memory_space<hbm>>
      %dma_wait3A_927 = tpu.memref_squeeze %dma_wait3A_926 : memref<1x40x64xi32, #tpu.memory_space<hbm>> -> memref<40x64xi32, #tpu.memory_space<hbm>>
      tpu.wait_dma2 semaphore(%run_scoped3A : memref<!tpu.dma_semaphore, #tpu.memory_space<semaphore_mem>>) src(%dma_wait3A_927 : memref<40x64xi32, #tpu.memory_space<hbm>>) dst(%arg8 : memref<40x64xi32, #tpu.memory_space<vmem>>)
      tpu.yield
    }) : () -> ()
    %dma_start3A_469 = arith.constant 0 : i32
    %dma_start3A_470 = arith.constant 0 : i32
    %dma_start3A_471 = tpu.memref_slice %arg7[%dma_start3A_469, %dma_start3A_470] : memref<40x64xi32, #tpu.memory_space<vmem>> -> memref<1x64xi32, #tpu.memory_space<vmem>>
    %dma_start3A_472 = tpu.memref_squeeze %dma_start3A_471 : memref<1x64xi32, #tpu.memory_space<vmem>> -> memref<64xi32, #tpu.memory_space<vmem>>
    %dma_start3A_473 = arith.constant 0 : i32
    %dma_start3A_474 = arith.constant 0 : i32
    %dma_start3A_475 = tpu.memref_slice %arg4[%dma_start3A_473, %dma_start3A_474] : memref<50000x128xf32, #tpu.memory_space<hbm>> -> memref<50000x128xf32, #tpu.memory_space<hbm>>
    tpu.enqueue_indirect_dma source(%dma_start3A_475 : memref<50000x128xf32, #tpu.memory_space<hbm>>) target(%arg9 : memref<64x128xf32, #tpu.memory_space<vmem>>) offsets(%dma_start3A_472 : memref<64xi32, #tpu.memory_space<vmem>>) semaphore(%arg15 : memref<!tpu.dma_semaphore, #tpu.memory_space<semaphore_mem>>)
    %dma_start3A_476 = arith.constant 1 : i32
    %dma_start3A_477 = arith.constant 0 : i32
    %dma_start3A_478 = tpu.memref_slice %arg7[%dma_start3A_476, %dma_start3A_477] : memref<40x64xi32, #tpu.memory_space<vmem>> -> memref<1x64xi32, #tpu.memory_space<vmem>>
    %dma_start3A_479 = tpu.memref_squeeze %dma_start3A_478 : memref<1x64xi32, #tpu.memory_space<vmem>> -> memref<64xi32, #tpu.memory_space<vmem>>
    %dma_start3A_480 = arith.constant 0 : i32
    %dma_start3A_481 = arith.constant 0 : i32
    %dma_start3A_482 = tpu.memref_slice %arg4[%dma_start3A_480, %dma_start3A_481] : memref<50000x128xf32, #tpu.memory_space<hbm>> -> memref<50000x128xf32, #tpu.memory_space<hbm>>
    tpu.enqueue_indirect_dma source(%dma_start3A_482 : memref<50000x128xf32, #tpu.memory_space<hbm>>) target(%arg10 : memref<64x128xf32, #tpu.memory_space<vmem>>) offsets(%dma_start3A_479 : memref<64xi32, #tpu.memory_space<vmem>>) semaphore(%arg16 : memref<!tpu.dma_semaphore, #tpu.memory_space<semaphore_mem>>)
    %dma_start3A_483 = arith.constant 2 : i32
    %dma_start3A_484 = arith.constant 0 : i32
    %dma_start3A_485 = tpu.memref_slice %arg7[%dma_start3A_483, %dma_start3A_484] : memref<40x64xi32, #tpu.memory_space<vmem>> -> memref<1x64xi32, #tpu.memory_space<vmem>>
    %dma_start3A_486 = tpu.memref_squeeze %dma_start3A_485 : memref<1x64xi32, #tpu.memory_space<vmem>> -> memref<64xi32, #tpu.memory_space<vmem>>
    %dma_start3A_487 = arith.constant 0 : i32
    %dma_start3A_488 = arith.constant 0 : i32
    %dma_start3A_489 = tpu.memref_slice %arg4[%dma_start3A_487, %dma_start3A_488] : memref<50000x128xf32, #tpu.memory_space<hbm>> -> memref<50000x128xf32, #tpu.memory_space<hbm>>
    tpu.enqueue_indirect_dma source(%dma_start3A_489 : memref<50000x128xf32, #tpu.memory_space<hbm>>) target(%arg11 : memref<64x128xf32, #tpu.memory_space<vmem>>) offsets(%dma_start3A_486 : memref<64xi32, #tpu.memory_space<vmem>>) semaphore(%arg17 : memref<!tpu.dma_semaphore, #tpu.memory_space<semaphore_mem>>)
    %dma_start3A_490 = arith.constant 3 : i32
    %dma_start3A_491 = arith.constant 0 : i32
    %dma_start3A_492 = tpu.memref_slice %arg7[%dma_start3A_490, %dma_start3A_491] : memref<40x64xi32, #tpu.memory_space<vmem>> -> memref<1x64xi32, #tpu.memory_space<vmem>>
    %dma_start3A_493 = tpu.memref_squeeze %dma_start3A_492 : memref<1x64xi32, #tpu.memory_space<vmem>> -> memref<64xi32, #tpu.memory_space<vmem>>
    %dma_start3A_494 = arith.constant 0 : i32
    %dma_start3A_495 = arith.constant 0 : i32
    %dma_start3A_496 = tpu.memref_slice %arg4[%dma_start3A_494, %dma_start3A_495] : memref<50000x128xf32, #tpu.memory_space<hbm>> -> memref<50000x128xf32, #tpu.memory_space<hbm>>
    tpu.enqueue_indirect_dma source(%dma_start3A_496 : memref<50000x128xf32, #tpu.memory_space<hbm>>) target(%arg12 : memref<64x128xf32, #tpu.memory_space<vmem>>) offsets(%dma_start3A_493 : memref<64xi32, #tpu.memory_space<vmem>>) semaphore(%arg18 : memref<!tpu.dma_semaphore, #tpu.memory_space<semaphore_mem>>)
    %dma_wait3A_497 = arith.constant 0 : i32
    %dma_wait3A_498 = arith.constant 0 : i32
    %dma_wait3A_499 = tpu.memref_slice %arg7[%dma_wait3A_497, %dma_wait3A_498] : memref<40x64xi32, #tpu.memory_space<vmem>> -> memref<1x64xi32, #tpu.memory_space<vmem>>
    %dma_wait3A_500 = tpu.memref_squeeze %dma_wait3A_499 : memref<1x64xi32, #tpu.memory_space<vmem>> -> memref<64xi32, #tpu.memory_space<vmem>>
    %dma_wait3A_501 = arith.constant 0 : i32
    %dma_wait3A_502 = arith.constant 0 : i32
    %dma_wait3A_503 = tpu.memref_slice %arg4[%dma_wait3A_501, %dma_wait3A_502] : memref<50000x128xf32, #tpu.memory_space<hbm>> -> memref<50000x128xf32, #tpu.memory_space<hbm>>
    tpu.wait_indirect_dma semaphore(%arg15 : memref<!tpu.dma_semaphore, #tpu.memory_space<semaphore_mem>>) src(%dma_wait3A_503 : memref<50000x128xf32, #tpu.memory_space<hbm>>) dst(%arg9 : memref<64x128xf32, #tpu.memory_space<vmem>>)
    %dma_start3A_504 = arith.constant 0 : i32
    %dma_start3A_505 = arith.constant 0 : i32
    %dma_start3A_506 = tpu.memref_slice %arg8[%dma_start3A_504, %dma_start3A_505] : memref<40x64xi32, #tpu.memory_space<vmem>> -> memref<1x64xi32, #tpu.memory_space<vmem>>
    %dma_start3A_507 = tpu.memref_squeeze %dma_start3A_506 : memref<1x64xi32, #tpu.memory_space<vmem>> -> memref<64xi32, #tpu.memory_space<vmem>>
    %dma_start3A_508 = arith.constant 0 : i32
    %dma_start3A_509 = arith.constant 0 : i32
    %dma_start3A_510 = tpu.memref_slice %arg27[%dma_start3A_508, %dma_start3A_509] : memref<10240x128xf32, #tpu.memory_space<vmem_shared>> -> memref<10240x128xf32, #tpu.memory_space<vmem_shared>>
    tpu.enqueue_indirect_dma source(%arg9 : memref<64x128xf32, #tpu.memory_space<vmem>>) target(%dma_start3A_510 : memref<10240x128xf32, #tpu.memory_space<vmem_shared>>) offsets(%dma_start3A_507 : memref<64xi32, #tpu.memory_space<vmem>>) semaphore(%arg19 : memref<!tpu.dma_semaphore, #tpu.memory_space<semaphore_mem>>) {add = true}
    %dma_start3A_511 = arith.constant 0 : i32
    %dma_start3A_512 = arith.constant 0 : i32
    %dma_start3A_513 = tpu.memref_slice %arg8[%dma_start3A_511, %dma_start3A_512] : memref<40x64xi32, #tpu.memory_space<vmem>> -> memref<1x64xi32, #tpu.memory_space<vmem>>
    %dma_start3A_514 = tpu.memref_squeeze %dma_start3A_513 : memref<1x64xi32, #tpu.memory_space<vmem>> -> memref<64xi32, #tpu.memory_space<vmem>>
    %dma_start3A_515 = arith.constant 0 : i32
    %dma_start3A_516 = tpu.memref_slice %arg28[%dma_start3A_515] : memref<10240xf32, #tpu.memory_space<vmem_shared>> -> memref<10240xf32, #tpu.memory_space<vmem_shared>>
    tpu.enqueue_indirect_dma source(%arg13 : memref<64xf32, #tpu.memory_space<vmem>>) target(%dma_start3A_516 : memref<10240xf32, #tpu.memory_space<vmem_shared>>) offsets(%dma_start3A_514 : memref<64xi32, #tpu.memory_space<vmem>>) semaphore(%arg23 : memref<!tpu.dma_semaphore, #tpu.memory_space<semaphore_mem>>) {add = true}
    %dma_wait3A_517 = arith.constant 1 : i32
    %dma_wait3A_518 = arith.constant 0 : i32
    %dma_wait3A_519 = tpu.memref_slice %arg7[%dma_wait3A_517, %dma_wait3A_518] : memref<40x64xi32, #tpu.memory_space<vmem>> -> memref<1x64xi32, #tpu.memory_space<vmem>>
    %dma_wait3A_520 = tpu.memref_squeeze %dma_wait3A_519 : memref<1x64xi32, #tpu.memory_space<vmem>> -> memref<64xi32, #tpu.memory_space<vmem>>
    %dma_wait3A_521 = arith.constant 0 : i32
    %dma_wait3A_522 = arith.constant 0 : i32
    %dma_wait3A_523 = tpu.memref_slice %arg4[%dma_wait3A_521, %dma_wait3A_522] : memref<50000x128xf32, #tpu.memory_space<hbm>> -> memref<50000x128xf32, #tpu.memory_space<hbm>>
    tpu.wait_indirect_dma semaphore(%arg16 : memref<!tpu.dma_semaphore, #tpu.memory_space<semaphore_mem>>) src(%dma_wait3A_523 : memref<50000x128xf32, #tpu.memory_space<hbm>>) dst(%arg10 : memref<64x128xf32, #tpu.memory_space<vmem>>)
    %dma_start3A_524 = arith.constant 1 : i32
    %dma_start3A_525 = arith.constant 0 : i32
    %dma_start3A_526 = tpu.memref_slice %arg8[%dma_start3A_524, %dma_start3A_525] : memref<40x64xi32, #tpu.memory_space<vmem>> -> memref<1x64xi32, #tpu.memory_space<vmem>>
    %dma_start3A_527 = tpu.memref_squeeze %dma_start3A_526 : memref<1x64xi32, #tpu.memory_space<vmem>> -> memref<64xi32, #tpu.memory_space<vmem>>
    %dma_start3A_528 = arith.constant 0 : i32
    %dma_start3A_529 = arith.constant 0 : i32
    %dma_start3A_530 = tpu.memref_slice %arg27[%dma_start3A_528, %dma_start3A_529] : memref<10240x128xf32, #tpu.memory_space<vmem_shared>> -> memref<10240x128xf32, #tpu.memory_space<vmem_shared>>
    tpu.enqueue_indirect_dma source(%arg10 : memref<64x128xf32, #tpu.memory_space<vmem>>) target(%dma_start3A_530 : memref<10240x128xf32, #tpu.memory_space<vmem_shared>>) offsets(%dma_start3A_527 : memref<64xi32, #tpu.memory_space<vmem>>) semaphore(%arg20 : memref<!tpu.dma_semaphore, #tpu.memory_space<semaphore_mem>>) {add = true}
    %dma_start3A_531 = arith.constant 1 : i32
    %dma_start3A_532 = arith.constant 0 : i32
    %dma_start3A_533 = tpu.memref_slice %arg8[%dma_start3A_531, %dma_start3A_532] : memref<40x64xi32, #tpu.memory_space<vmem>> -> memref<1x64xi32, #tpu.memory_space<vmem>>
    %dma_start3A_534 = tpu.memref_squeeze %dma_start3A_533 : memref<1x64xi32, #tpu.memory_space<vmem>> -> memref<64xi32, #tpu.memory_space<vmem>>
    %dma_start3A_535 = arith.constant 0 : i32
    %dma_start3A_536 = tpu.memref_slice %arg28[%dma_start3A_535] : memref<10240xf32, #tpu.memory_space<vmem_shared>> -> memref<10240xf32, #tpu.memory_space<vmem_shared>>
    tpu.enqueue_indirect_dma source(%arg13 : memref<64xf32, #tpu.memory_space<vmem>>) target(%dma_start3A_536 : memref<10240xf32, #tpu.memory_space<vmem_shared>>) offsets(%dma_start3A_534 : memref<64xi32, #tpu.memory_space<vmem>>) semaphore(%arg24 : memref<!tpu.dma_semaphore, #tpu.memory_space<semaphore_mem>>) {add = true}
    %dma_wait3A_537 = arith.constant 0 : i32
    %dma_wait3A_538 = arith.constant 0 : i32
    %dma_wait3A_539 = tpu.memref_slice %arg8[%dma_wait3A_537, %dma_wait3A_538] : memref<40x64xi32, #tpu.memory_space<vmem>> -> memref<1x64xi32, #tpu.memory_space<vmem>>
    %dma_wait3A_540 = tpu.memref_squeeze %dma_wait3A_539 : memref<1x64xi32, #tpu.memory_space<vmem>> -> memref<64xi32, #tpu.memory_space<vmem>>
    %dma_wait3A_541 = arith.constant 0 : i32
    %dma_wait3A_542 = arith.constant 0 : i32
    %dma_wait3A_543 = tpu.memref_slice %arg27[%dma_wait3A_541, %dma_wait3A_542] : memref<10240x128xf32, #tpu.memory_space<vmem_shared>> -> memref<10240x128xf32, #tpu.memory_space<vmem_shared>>
    tpu.wait_indirect_dma semaphore(%arg19 : memref<!tpu.dma_semaphore, #tpu.memory_space<semaphore_mem>>) src(%arg9 : memref<64x128xf32, #tpu.memory_space<vmem>>) dst(%dma_wait3A_543 : memref<10240x128xf32, #tpu.memory_space<vmem_shared>>)
    %dma_wait3A_544 = arith.constant 0 : i32
    %dma_wait3A_545 = arith.constant 0 : i32
    %dma_wait3A_546 = tpu.memref_slice %arg8[%dma_wait3A_544, %dma_wait3A_545] : memref<40x64xi32, #tpu.memory_space<vmem>> -> memref<1x64xi32, #tpu.memory_space<vmem>>
    %dma_wait3A_547 = tpu.memref_squeeze %dma_wait3A_546 : memref<1x64xi32, #tpu.memory_space<vmem>> -> memref<64xi32, #tpu.memory_space<vmem>>
    %dma_wait3A_548 = arith.constant 0 : i32
    %dma_wait3A_549 = tpu.memref_slice %arg28[%dma_wait3A_548] : memref<10240xf32, #tpu.memory_space<vmem_shared>> -> memref<10240xf32, #tpu.memory_space<vmem_shared>>
    tpu.wait_indirect_dma semaphore(%arg23 : memref<!tpu.dma_semaphore, #tpu.memory_space<semaphore_mem>>) src(%arg13 : memref<64xf32, #tpu.memory_space<vmem>>) dst(%dma_wait3A_549 : memref<10240xf32, #tpu.memory_space<vmem_shared>>)
    %rem3A_550 = arith.constant 4 : i32
    %rem3A_551 = arith.constant 40 : i32
    %rem3A_552 = arith.remsi %rem3A_550, %rem3A_551 : i32
    %dma_start3A_553 = arith.constant 0 : i32
    %dma_start3A_554 = tpu.memref_slice %arg7[%rem3A_552, %dma_start3A_553] : memref<40x64xi32, #tpu.memory_space<vmem>> -> memref<1x64xi32, #tpu.memory_space<vmem>>
    %dma_start3A_555 = tpu.memref_squeeze %dma_start3A_554 : memref<1x64xi32, #tpu.memory_space<vmem>> -> memref<64xi32, #tpu.memory_space<vmem>>
    %dma_start3A_556 = arith.constant 0 : i32
    %dma_start3A_557 = arith.constant 0 : i32
    %dma_start3A_558 = tpu.memref_slice %arg4[%dma_start3A_556, %dma_start3A_557] : memref<50000x128xf32, #tpu.memory_space<hbm>> -> memref<50000x128xf32, #tpu.memory_space<hbm>>
    tpu.enqueue_indirect_dma source(%dma_start3A_558 : memref<50000x128xf32, #tpu.memory_space<hbm>>) target(%arg9 : memref<64x128xf32, #tpu.memory_space<vmem>>) offsets(%dma_start3A_555 : memref<64xi32, #tpu.memory_space<vmem>>) semaphore(%arg15 : memref<!tpu.dma_semaphore, #tpu.memory_space<semaphore_mem>>)
    %dma_wait3A_559 = arith.constant 2 : i32
    %dma_wait3A_560 = arith.constant 0 : i32
    %dma_wait3A_561 = tpu.memref_slice %arg7[%dma_wait3A_559, %dma_wait3A_560] : memref<40x64xi32, #tpu.memory_space<vmem>> -> memref<1x64xi32, #tpu.memory_space<vmem>>
    %dma_wait3A_562 = tpu.memref_squeeze %dma_wait3A_561 : memref<1x64xi32, #tpu.memory_space<vmem>> -> memref<64xi32, #tpu.memory_space<vmem>>
    %dma_wait3A_563 = arith.constant 0 : i32
    %dma_wait3A_564 = arith.constant 0 : i32
    %dma_wait3A_565 = tpu.memref_slice %arg4[%dma_wait3A_563, %dma_wait3A_564] : memref<50000x128xf32, #tpu.memory_space<hbm>> -> memref<50000x128xf32, #tpu.memory_space<hbm>>
    tpu.wait_indirect_dma semaphore(%arg17 : memref<!tpu.dma_semaphore, #tpu.memory_space<semaphore_mem>>) src(%dma_wait3A_565 : memref<50000x128xf32, #tpu.memory_space<hbm>>) dst(%arg11 : memref<64x128xf32, #tpu.memory_space<vmem>>)
    %dma_start3A_566 = arith.constant 2 : i32
    %dma_start3A_567 = arith.constant 0 : i32
    %dma_start3A_568 = tpu.memref_slice %arg8[%dma_start3A_566, %dma_start3A_567] : memref<40x64xi32, #tpu.memory_space<vmem>> -> memref<1x64xi32, #tpu.memory_space<vmem>>
    %dma_start3A_569 = tpu.memref_squeeze %dma_start3A_568 : memref<1x64xi32, #tpu.memory_space<vmem>> -> memref<64xi32, #tpu.memory_space<vmem>>
    %dma_start3A_570 = arith.constant 0 : i32
    %dma_start3A_571 = arith.constant 0 : i32
    %dma_start3A_572 = tpu.memref_slice %arg27[%dma_start3A_570, %dma_start3A_571] : memref<10240x128xf32, #tpu.memory_space<vmem_shared>> -> memref<10240x128xf32, #tpu.memory_space<vmem_shared>>
    tpu.enqueue_indirect_dma source(%arg11 : memref<64x128xf32, #tpu.memory_space<vmem>>) target(%dma_start3A_572 : memref<10240x128xf32, #tpu.memory_space<vmem_shared>>) offsets(%dma_start3A_569 : memref<64xi32, #tpu.memory_space<vmem>>) semaphore(%arg21 : memref<!tpu.dma_semaphore, #tpu.memory_space<semaphore_mem>>) {add = true}
    %dma_start3A_573 = arith.constant 2 : i32
    %dma_start3A_574 = arith.constant 0 : i32
    %dma_start3A_575 = tpu.memref_slice %arg8[%dma_start3A_573, %dma_start3A_574] : memref<40x64xi32, #tpu.memory_space<vmem>> -> memref<1x64xi32, #tpu.memory_space<vmem>>
    %dma_start3A_576 = tpu.memref_squeeze %dma_start3A_575 : memref<1x64xi32, #tpu.memory_space<vmem>> -> memref<64xi32, #tpu.memory_space<vmem>>
    %dma_start3A_577 = arith.constant 0 : i32
    %dma_start3A_578 = tpu.memref_slice %arg28[%dma_start3A_577] : memref<10240xf32, #tpu.memory_space<vmem_shared>> -> memref<10240xf32, #tpu.memory_space<vmem_shared>>
    tpu.enqueue_indirect_dma source(%arg13 : memref<64xf32, #tpu.memory_space<vmem>>) target(%dma_start3A_578 : memref<10240xf32, #tpu.memory_space<vmem_shared>>) offsets(%dma_start3A_576 : memref<64xi32, #tpu.memory_space<vmem>>) semaphore(%arg25 : memref<!tpu.dma_semaphore, #tpu.memory_space<semaphore_mem>>) {add = true}
    %dma_wait3A_579 = arith.constant 1 : i32
    %dma_wait3A_580 = arith.constant 0 : i32
    %dma_wait3A_581 = tpu.memref_slice %arg8[%dma_wait3A_579, %dma_wait3A_580] : memref<40x64xi32, #tpu.memory_space<vmem>> -> memref<1x64xi32, #tpu.memory_space<vmem>>
    %dma_wait3A_582 = tpu.memref_squeeze %dma_wait3A_581 : memref<1x64xi32, #tpu.memory_space<vmem>> -> memref<64xi32, #tpu.memory_space<vmem>>
    %dma_wait3A_583 = arith.constant 0 : i32
    %dma_wait3A_584 = arith.constant 0 : i32
    %dma_wait3A_585 = tpu.memref_slice %arg27[%dma_wait3A_583, %dma_wait3A_584] : memref<10240x128xf32, #tpu.memory_space<vmem_shared>> -> memref<10240x128xf32, #tpu.memory_space<vmem_shared>>
    tpu.wait_indirect_dma semaphore(%arg20 : memref<!tpu.dma_semaphore, #tpu.memory_space<semaphore_mem>>) src(%arg10 : memref<64x128xf32, #tpu.memory_space<vmem>>) dst(%dma_wait3A_585 : memref<10240x128xf32, #tpu.memory_space<vmem_shared>>)
    %dma_wait3A_586 = arith.constant 1 : i32
    %dma_wait3A_587 = arith.constant 0 : i32
    %dma_wait3A_588 = tpu.memref_slice %arg8[%dma_wait3A_586, %dma_wait3A_587] : memref<40x64xi32, #tpu.memory_space<vmem>> -> memref<1x64xi32, #tpu.memory_space<vmem>>
    %dma_wait3A_589 = tpu.memref_squeeze %dma_wait3A_588 : memref<1x64xi32, #tpu.memory_space<vmem>> -> memref<64xi32, #tpu.memory_space<vmem>>
    %dma_wait3A_590 = arith.constant 0 : i32
    %dma_wait3A_591 = tpu.memref_slice %arg28[%dma_wait3A_590] : memref<10240xf32, #tpu.memory_space<vmem_shared>> -> memref<10240xf32, #tpu.memory_space<vmem_shared>>
    tpu.wait_indirect_dma semaphore(%arg24 : memref<!tpu.dma_semaphore, #tpu.memory_space<semaphore_mem>>) src(%arg13 : memref<64xf32, #tpu.memory_space<vmem>>) dst(%dma_wait3A_591 : memref<10240xf32, #tpu.memory_space<vmem_shared>>)
    %rem3A_592 = arith.constant 5 : i32
    %rem3A_593 = arith.constant 40 : i32
    %rem3A_594 = arith.remsi %rem3A_592, %rem3A_593 : i32
    %dma_start3A_595 = arith.constant 0 : i32
    %dma_start3A_596 = tpu.memref_slice %arg7[%rem3A_594, %dma_start3A_595] : memref<40x64xi32, #tpu.memory_space<vmem>> -> memref<1x64xi32, #tpu.memory_space<vmem>>
    %dma_start3A_597 = tpu.memref_squeeze %dma_start3A_596 : memref<1x64xi32, #tpu.memory_space<vmem>> -> memref<64xi32, #tpu.memory_space<vmem>>
    %dma_start3A_598 = arith.constant 0 : i32
    %dma_start3A_599 = arith.constant 0 : i32
    %dma_start3A_600 = tpu.memref_slice %arg4[%dma_start3A_598, %dma_start3A_599] : memref<50000x128xf32, #tpu.memory_space<hbm>> -> memref<50000x128xf32, #tpu.memory_space<hbm>>
    tpu.enqueue_indirect_dma source(%dma_start3A_600 : memref<50000x128xf32, #tpu.memory_space<hbm>>) target(%arg10 : memref<64x128xf32, #tpu.memory_space<vmem>>) offsets(%dma_start3A_597 : memref<64xi32, #tpu.memory_space<vmem>>) semaphore(%arg16 : memref<!tpu.dma_semaphore, #tpu.memory_space<semaphore_mem>>)
    %dma_wait3A_601 = arith.constant 3 : i32
    %dma_wait3A_602 = arith.constant 0 : i32
    %dma_wait3A_603 = tpu.memref_slice %arg7[%dma_wait3A_601, %dma_wait3A_602] : memref<40x64xi32, #tpu.memory_space<vmem>> -> memref<1x64xi32, #tpu.memory_space<vmem>>
    %dma_wait3A_604 = tpu.memref_squeeze %dma_wait3A_603 : memref<1x64xi32, #tpu.memory_space<vmem>> -> memref<64xi32, #tpu.memory_space<vmem>>
    %dma_wait3A_605 = arith.constant 0 : i32
    %dma_wait3A_606 = arith.constant 0 : i32
    %dma_wait3A_607 = tpu.memref_slice %arg4[%dma_wait3A_605, %dma_wait3A_606] : memref<50000x128xf32, #tpu.memory_space<hbm>> -> memref<50000x128xf32, #tpu.memory_space<hbm>>
    tpu.wait_indirect_dma semaphore(%arg18 : memref<!tpu.dma_semaphore, #tpu.memory_space<semaphore_mem>>) src(%dma_wait3A_607 : memref<50000x128xf32, #tpu.memory_space<hbm>>) dst(%arg12 : memref<64x128xf32, #tpu.memory_space<vmem>>)
    %dma_start3A_608 = arith.constant 3 : i32
    %dma_start3A_609 = arith.constant 0 : i32
    %dma_start3A_610 = tpu.memref_slice %arg8[%dma_start3A_608, %dma_start3A_609] : memref<40x64xi32, #tpu.memory_space<vmem>> -> memref<1x64xi32, #tpu.memory_space<vmem>>
    %dma_start3A_611 = tpu.memref_squeeze %dma_start3A_610 : memref<1x64xi32, #tpu.memory_space<vmem>> -> memref<64xi32, #tpu.memory_space<vmem>>
    %dma_start3A_612 = arith.constant 0 : i32
    %dma_start3A_613 = arith.constant 0 : i32
    %dma_start3A_614 = tpu.memref_slice %arg27[%dma_start3A_612, %dma_start3A_613] : memref<10240x128xf32, #tpu.memory_space<vmem_shared>> -> memref<10240x128xf32, #tpu.memory_space<vmem_shared>>
    tpu.enqueue_indirect_dma source(%arg12 : memref<64x128xf32, #tpu.memory_space<vmem>>) target(%dma_start3A_614 : memref<10240x128xf32, #tpu.memory_space<vmem_shared>>) offsets(%dma_start3A_611 : memref<64xi32, #tpu.memory_space<vmem>>) semaphore(%arg22 : memref<!tpu.dma_semaphore, #tpu.memory_space<semaphore_mem>>) {add = true}
    %dma_start3A_615 = arith.constant 3 : i32
    %dma_start3A_616 = arith.constant 0 : i32
    %dma_start3A_617 = tpu.memref_slice %arg8[%dma_start3A_615, %dma_start3A_616] : memref<40x64xi32, #tpu.memory_space<vmem>> -> memref<1x64xi32, #tpu.memory_space<vmem>>
    %dma_start3A_618 = tpu.memref_squeeze %dma_start3A_617 : memref<1x64xi32, #tpu.memory_space<vmem>> -> memref<64xi32, #tpu.memory_space<vmem>>
    %dma_start3A_619 = arith.constant 0 : i32
    %dma_start3A_620 = tpu.memref_slice %arg28[%dma_start3A_619] : memref<10240xf32, #tpu.memory_space<vmem_shared>> -> memref<10240xf32, #tpu.memory_space<vmem_shared>>
    tpu.enqueue_indirect_dma source(%arg13 : memref<64xf32, #tpu.memory_space<vmem>>) target(%dma_start3A_620 : memref<10240xf32, #tpu.memory_space<vmem_shared>>) offsets(%dma_start3A_618 : memref<64xi32, #tpu.memory_space<vmem>>) semaphore(%arg26 : memref<!tpu.dma_semaphore, #tpu.memory_space<semaphore_mem>>) {add = true}
    %dma_wait3A_621 = arith.constant 2 : i32
    %dma_wait3A_622 = arith.constant 0 : i32
    %dma_wait3A_623 = tpu.memref_slice %arg8[%dma_wait3A_621, %dma_wait3A_622] : memref<40x64xi32, #tpu.memory_space<vmem>> -> memref<1x64xi32, #tpu.memory_space<vmem>>
    %dma_wait3A_624 = tpu.memref_squeeze %dma_wait3A_623 : memref<1x64xi32, #tpu.memory_space<vmem>> -> memref<64xi32, #tpu.memory_space<vmem>>
    %dma_wait3A_625 = arith.constant 0 : i32
    %dma_wait3A_626 = arith.constant 0 : i32
    %dma_wait3A_627 = tpu.memref_slice %arg27[%dma_wait3A_625, %dma_wait3A_626] : memref<10240x128xf32, #tpu.memory_space<vmem_shared>> -> memref<10240x128xf32, #tpu.memory_space<vmem_shared>>
    tpu.wait_indirect_dma semaphore(%arg21 : memref<!tpu.dma_semaphore, #tpu.memory_space<semaphore_mem>>) src(%arg11 : memref<64x128xf32, #tpu.memory_space<vmem>>) dst(%dma_wait3A_627 : memref<10240x128xf32, #tpu.memory_space<vmem_shared>>)
    %dma_wait3A_628 = arith.constant 2 : i32
    %dma_wait3A_629 = arith.constant 0 : i32
    %dma_wait3A_630 = tpu.memref_slice %arg8[%dma_wait3A_628, %dma_wait3A_629] : memref<40x64xi32, #tpu.memory_space<vmem>> -> memref<1x64xi32, #tpu.memory_space<vmem>>
    %dma_wait3A_631 = tpu.memref_squeeze %dma_wait3A_630 : memref<1x64xi32, #tpu.memory_space<vmem>> -> memref<64xi32, #tpu.memory_space<vmem>>
    %dma_wait3A_632 = arith.constant 0 : i32
    %dma_wait3A_633 = tpu.memref_slice %arg28[%dma_wait3A_632] : memref<10240xf32, #tpu.memory_space<vmem_shared>> -> memref<10240xf32, #tpu.memory_space<vmem_shared>>
    tpu.wait_indirect_dma semaphore(%arg25 : memref<!tpu.dma_semaphore, #tpu.memory_space<semaphore_mem>>) src(%arg13 : memref<64xf32, #tpu.memory_space<vmem>>) dst(%dma_wait3A_633 : memref<10240xf32, #tpu.memory_space<vmem_shared>>)
    %rem3A_634 = arith.constant 6 : i32
    %rem3A_635 = arith.constant 40 : i32
    %rem3A_636 = arith.remsi %rem3A_634, %rem3A_635 : i32
    %dma_start3A_637 = arith.constant 0 : i32
    %dma_start3A_638 = tpu.memref_slice %arg7[%rem3A_636, %dma_start3A_637] : memref<40x64xi32, #tpu.memory_space<vmem>> -> memref<1x64xi32, #tpu.memory_space<vmem>>
    %dma_start3A_639 = tpu.memref_squeeze %dma_start3A_638 : memref<1x64xi32, #tpu.memory_space<vmem>> -> memref<64xi32, #tpu.memory_space<vmem>>
    %dma_start3A_640 = arith.constant 0 : i32
    %dma_start3A_641 = arith.constant 0 : i32
    %dma_start3A_642 = tpu.memref_slice %arg4[%dma_start3A_640, %dma_start3A_641] : memref<50000x128xf32, #tpu.memory_space<hbm>> -> memref<50000x128xf32, #tpu.memory_space<hbm>>
    tpu.enqueue_indirect_dma source(%dma_start3A_642 : memref<50000x128xf32, #tpu.memory_space<hbm>>) target(%arg11 : memref<64x128xf32, #tpu.memory_space<vmem>>) offsets(%dma_start3A_639 : memref<64xi32, #tpu.memory_space<vmem>>) semaphore(%arg17 : memref<!tpu.dma_semaphore, #tpu.memory_space<semaphore_mem>>)
    %scan3A_643 = arith.constant 0 : i32
    %scan3A_644 = arith.constant 1 : i32
    %scan3A_645 = arith.constant 9 : i32
    %scan3A_646 = arith.addi %scan3A_644, %scan3A_645 : i32
    %scan3A_647 = arith.constant 1 : i32
    %scan3A_648 = scf.for %scan3A_912 = %scan3A_644 to %scan3A_646 step %scan3A_647 iter_args(%scan3A_913 = %scan3A_643) -> (i32)  : i32 {
      %mul3A_914 = arith.constant 4 : i32
      %mul3A_915 = arith.muli %scan3A_912, %mul3A_914 : i32
      %add3A_916 = arith.constant 0 : i32
      %add3A_917 = arith.addi %mul3A_915, %add3A_916 : i32
      %dma_wait3A_918 = arith.constant 0 : i32
      %dma_wait3A_919 = tpu.memref_slice %arg7[%add3A_917, %dma_wait3A_918] : memref<40x64xi32, #tpu.memory_space<vmem>> -> memref<1x64xi32, #tpu.memory_space<vmem>>
      %dma_wait3A_920 = tpu.memref_squeeze %dma_wait3A_919 : memref<1x64xi32, #tpu.memory_space<vmem>> -> memref<64xi32, #tpu.memory_space<vmem>>
      %dma_wait3A_921 = arith.constant 0 : i32
      %dma_wait3A_922 = arith.constant 0 : i32
      %dma_wait3A_923 = tpu.memref_slice %arg4[%dma_wait3A_921, %dma_wait3A_922] : memref<50000x128xf32, #tpu.memory_space<hbm>> -> memref<50000x128xf32, #tpu.memory_space<hbm>>
      tpu.wait_indirect_dma semaphore(%arg15 : memref<!tpu.dma_semaphore, #tpu.memory_space<semaphore_mem>>) src(%dma_wait3A_923 : memref<50000x128xf32, #tpu.memory_space<hbm>>) dst(%arg9 : memref<64x128xf32, #tpu.memory_space<vmem>>)
      %dma_start3A_924 = arith.constant 0 : i32
      %dma_start3A_925 = tpu.memref_slice %arg8[%add3A_917, %dma_start3A_924] : memref<40x64xi32, #tpu.memory_space<vmem>> -> memref<1x64xi32, #tpu.memory_space<vmem>>
      %dma_start3A_926 = tpu.memref_squeeze %dma_start3A_925 : memref<1x64xi32, #tpu.memory_space<vmem>> -> memref<64xi32, #tpu.memory_space<vmem>>
      %dma_start3A_927 = arith.constant 0 : i32
      %dma_start3A_928 = arith.constant 0 : i32
      %dma_start3A_929 = tpu.memref_slice %arg27[%dma_start3A_927, %dma_start3A_928] : memref<10240x128xf32, #tpu.memory_space<vmem_shared>> -> memref<10240x128xf32, #tpu.memory_space<vmem_shared>>
      tpu.enqueue_indirect_dma source(%arg9 : memref<64x128xf32, #tpu.memory_space<vmem>>) target(%dma_start3A_929 : memref<10240x128xf32, #tpu.memory_space<vmem_shared>>) offsets(%dma_start3A_926 : memref<64xi32, #tpu.memory_space<vmem>>) semaphore(%arg19 : memref<!tpu.dma_semaphore, #tpu.memory_space<semaphore_mem>>) {add = true}
      %dma_start3A_930 = arith.constant 0 : i32
      %dma_start3A_931 = tpu.memref_slice %arg8[%add3A_917, %dma_start3A_930] : memref<40x64xi32, #tpu.memory_space<vmem>> -> memref<1x64xi32, #tpu.memory_space<vmem>>
      %dma_start3A_932 = tpu.memref_squeeze %dma_start3A_931 : memref<1x64xi32, #tpu.memory_space<vmem>> -> memref<64xi32, #tpu.memory_space<vmem>>
      %dma_start3A_933 = arith.constant 0 : i32
      %dma_start3A_934 = tpu.memref_slice %arg28[%dma_start3A_933] : memref<10240xf32, #tpu.memory_space<vmem_shared>> -> memref<10240xf32, #tpu.memory_space<vmem_shared>>
      tpu.enqueue_indirect_dma source(%arg13 : memref<64xf32, #tpu.memory_space<vmem>>) target(%dma_start3A_934 : memref<10240xf32, #tpu.memory_space<vmem_shared>>) offsets(%dma_start3A_932 : memref<64xi32, #tpu.memory_space<vmem>>) semaphore(%arg23 : memref<!tpu.dma_semaphore, #tpu.memory_space<semaphore_mem>>) {add = true}
      %sub3A = arith.constant 1 : i32
      %sub3A_935 = arith.subi %add3A_917, %sub3A : i32
      %dma_wait3A_936 = arith.constant 0 : i32
      %dma_wait3A_937 = tpu.memref_slice %arg8[%sub3A_935, %dma_wait3A_936] : memref<40x64xi32, #tpu.memory_space<vmem>> -> memref<1x64xi32, #tpu.memory_space<vmem>>
      %dma_wait3A_938 = tpu.memref_squeeze %dma_wait3A_937 : memref<1x64xi32, #tpu.memory_space<vmem>> -> memref<64xi32, #tpu.memory_space<vmem>>
      %dma_wait3A_939 = arith.constant 0 : i32
      %dma_wait3A_940 = arith.constant 0 : i32
      %dma_wait3A_941 = tpu.memref_slice %arg27[%dma_wait3A_939, %dma_wait3A_940] : memref<10240x128xf32, #tpu.memory_space<vmem_shared>> -> memref<10240x128xf32, #tpu.memory_space<vmem_shared>>
      tpu.wait_indirect_dma semaphore(%arg22 : memref<!tpu.dma_semaphore, #tpu.memory_space<semaphore_mem>>) src(%arg12 : memref<64x128xf32, #tpu.memory_space<vmem>>) dst(%dma_wait3A_941 : memref<10240x128xf32, #tpu.memory_space<vmem_shared>>)
      %dma_wait3A_942 = arith.constant 0 : i32
      %dma_wait3A_943 = tpu.memref_slice %arg8[%sub3A_935, %dma_wait3A_942] : memref<40x64xi32, #tpu.memory_space<vmem>> -> memref<1x64xi32, #tpu.memory_space<vmem>>
      %dma_wait3A_944 = tpu.memref_squeeze %dma_wait3A_943 : memref<1x64xi32, #tpu.memory_space<vmem>> -> memref<64xi32, #tpu.memory_space<vmem>>
      %dma_wait3A_945 = arith.constant 0 : i32
      %dma_wait3A_946 = tpu.memref_slice %arg28[%dma_wait3A_945] : memref<10240xf32, #tpu.memory_space<vmem_shared>> -> memref<10240xf32, #tpu.memory_space<vmem_shared>>
      tpu.wait_indirect_dma semaphore(%arg26 : memref<!tpu.dma_semaphore, #tpu.memory_space<semaphore_mem>>) src(%arg13 : memref<64xf32, #tpu.memory_space<vmem>>) dst(%dma_wait3A_946 : memref<10240xf32, #tpu.memory_space<vmem_shared>>)
      %add3A_947 = arith.constant 4 : i32
      %add3A_948 = arith.addi %sub3A_935, %add3A_947 : i32
      %rem3A_949 = arith.constant 40 : i32
      %rem3A_950 = arith.remsi %add3A_948, %rem3A_949 : i32
      %dma_start3A_951 = arith.constant 0 : i32
      %dma_start3A_952 = tpu.memref_slice %arg7[%rem3A_950, %dma_start3A_951] : memref<40x64xi32, #tpu.memory_space<vmem>> -> memref<1x64xi32, #tpu.memory_space<vmem>>
      %dma_start3A_953 = tpu.memref_squeeze %dma_start3A_952 : memref<1x64xi32, #tpu.memory_space<vmem>> -> memref<64xi32, #tpu.memory_space<vmem>>
      %dma_start3A_954 = arith.constant 0 : i32
      %dma_start3A_955 = arith.constant 0 : i32
      %dma_start3A_956 = tpu.memref_slice %arg4[%dma_start3A_954, %dma_start3A_955] : memref<50000x128xf32, #tpu.memory_space<hbm>> -> memref<50000x128xf32, #tpu.memory_space<hbm>>
      tpu.enqueue_indirect_dma source(%dma_start3A_956 : memref<50000x128xf32, #tpu.memory_space<hbm>>) target(%arg12 : memref<64x128xf32, #tpu.memory_space<vmem>>) offsets(%dma_start3A_953 : memref<64xi32, #tpu.memory_space<vmem>>) semaphore(%arg18 : memref<!tpu.dma_semaphore, #tpu.memory_space<semaphore_mem>>)
      %add3A_957 = arith.constant 1 : i32
      %add3A_958 = arith.addi %mul3A_915, %add3A_957 : i32
      %dma_wait3A_959 = arith.constant 0 : i32
      %dma_wait3A_960 = tpu.memref_slice %arg7[%add3A_958, %dma_wait3A_959] : memref<40x64xi32, #tpu.memory_space<vmem>> -> memref<1x64xi32, #tpu.memory_space<vmem>>
      %dma_wait3A_961 = tpu.memref_squeeze %dma_wait3A_960 : memref<1x64xi32, #tpu.memory_space<vmem>> -> memref<64xi32, #tpu.memory_space<vmem>>
      %dma_wait3A_962 = arith.constant 0 : i32
      %dma_wait3A_963 = arith.constant 0 : i32
      %dma_wait3A_964 = tpu.memref_slice %arg4[%dma_wait3A_962, %dma_wait3A_963] : memref<50000x128xf32, #tpu.memory_space<hbm>> -> memref<50000x128xf32, #tpu.memory_space<hbm>>
      tpu.wait_indirect_dma semaphore(%arg16 : memref<!tpu.dma_semaphore, #tpu.memory_space<semaphore_mem>>) src(%dma_wait3A_964 : memref<50000x128xf32, #tpu.memory_space<hbm>>) dst(%arg10 : memref<64x128xf32, #tpu.memory_space<vmem>>)
      %dma_start3A_965 = arith.constant 0 : i32
      %dma_start3A_966 = tpu.memref_slice %arg8[%add3A_958, %dma_start3A_965] : memref<40x64xi32, #tpu.memory_space<vmem>> -> memref<1x64xi32, #tpu.memory_space<vmem>>
      %dma_start3A_967 = tpu.memref_squeeze %dma_start3A_966 : memref<1x64xi32, #tpu.memory_space<vmem>> -> memref<64xi32, #tpu.memory_space<vmem>>
      %dma_start3A_968 = arith.constant 0 : i32
      %dma_start3A_969 = arith.constant 0 : i32
      %dma_start3A_970 = tpu.memref_slice %arg27[%dma_start3A_968, %dma_start3A_969] : memref<10240x128xf32, #tpu.memory_space<vmem_shared>> -> memref<10240x128xf32, #tpu.memory_space<vmem_shared>>
      tpu.enqueue_indirect_dma source(%arg10 : memref<64x128xf32, #tpu.memory_space<vmem>>) target(%dma_start3A_970 : memref<10240x128xf32, #tpu.memory_space<vmem_shared>>) offsets(%dma_start3A_967 : memref<64xi32, #tpu.memory_space<vmem>>) semaphore(%arg20 : memref<!tpu.dma_semaphore, #tpu.memory_space<semaphore_mem>>) {add = true}
      %dma_start3A_971 = arith.constant 0 : i32
      %dma_start3A_972 = tpu.memref_slice %arg8[%add3A_958, %dma_start3A_971] : memref<40x64xi32, #tpu.memory_space<vmem>> -> memref<1x64xi32, #tpu.memory_space<vmem>>
      %dma_start3A_973 = tpu.memref_squeeze %dma_start3A_972 : memref<1x64xi32, #tpu.memory_space<vmem>> -> memref<64xi32, #tpu.memory_space<vmem>>
      %dma_start3A_974 = arith.constant 0 : i32
      %dma_start3A_975 = tpu.memref_slice %arg28[%dma_start3A_974] : memref<10240xf32, #tpu.memory_space<vmem_shared>> -> memref<10240xf32, #tpu.memory_space<vmem_shared>>
      tpu.enqueue_indirect_dma source(%arg13 : memref<64xf32, #tpu.memory_space<vmem>>) target(%dma_start3A_975 : memref<10240xf32, #tpu.memory_space<vmem_shared>>) offsets(%dma_start3A_973 : memref<64xi32, #tpu.memory_space<vmem>>) semaphore(%arg24 : memref<!tpu.dma_semaphore, #tpu.memory_space<semaphore_mem>>) {add = true}
      %sub3A_976 = arith.constant 1 : i32
      %sub3A_977 = arith.subi %add3A_958, %sub3A_976 : i32
      %dma_wait3A_978 = arith.constant 0 : i32
      %dma_wait3A_979 = tpu.memref_slice %arg8[%sub3A_977, %dma_wait3A_978] : memref<40x64xi32, #tpu.memory_space<vmem>> -> memref<1x64xi32, #tpu.memory_space<vmem>>
      %dma_wait3A_980 = tpu.memref_squeeze %dma_wait3A_979 : memref<1x64xi32, #tpu.memory_space<vmem>> -> memref<64xi32, #tpu.memory_space<vmem>>
      %dma_wait3A_981 = arith.constant 0 : i32
      %dma_wait3A_982 = arith.constant 0 : i32
      %dma_wait3A_983 = tpu.memref_slice %arg27[%dma_wait3A_981, %dma_wait3A_982] : memref<10240x128xf32, #tpu.memory_space<vmem_shared>> -> memref<10240x128xf32, #tpu.memory_space<vmem_shared>>
      tpu.wait_indirect_dma semaphore(%arg19 : memref<!tpu.dma_semaphore, #tpu.memory_space<semaphore_mem>>) src(%arg9 : memref<64x128xf32, #tpu.memory_space<vmem>>) dst(%dma_wait3A_983 : memref<10240x128xf32, #tpu.memory_space<vmem_shared>>)
      %dma_wait3A_984 = arith.constant 0 : i32
      %dma_wait3A_985 = tpu.memref_slice %arg8[%sub3A_977, %dma_wait3A_984] : memref<40x64xi32, #tpu.memory_space<vmem>> -> memref<1x64xi32, #tpu.memory_space<vmem>>
      %dma_wait3A_986 = tpu.memref_squeeze %dma_wait3A_985 : memref<1x64xi32, #tpu.memory_space<vmem>> -> memref<64xi32, #tpu.memory_space<vmem>>
      %dma_wait3A_987 = arith.constant 0 : i32
      %dma_wait3A_988 = tpu.memref_slice %arg28[%dma_wait3A_987] : memref<10240xf32, #tpu.memory_space<vmem_shared>> -> memref<10240xf32, #tpu.memory_space<vmem_shared>>
      tpu.wait_indirect_dma semaphore(%arg23 : memref<!tpu.dma_semaphore, #tpu.memory_space<semaphore_mem>>) src(%arg13 : memref<64xf32, #tpu.memory_space<vmem>>) dst(%dma_wait3A_988 : memref<10240xf32, #tpu.memory_space<vmem_shared>>)
      %add3A_989 = arith.constant 4 : i32
      %add3A_990 = arith.addi %sub3A_977, %add3A_989 : i32
      %rem3A_991 = arith.constant 40 : i32
      %rem3A_992 = arith.remsi %add3A_990, %rem3A_991 : i32
      %dma_start3A_993 = arith.constant 0 : i32
      %dma_start3A_994 = tpu.memref_slice %arg7[%rem3A_992, %dma_start3A_993] : memref<40x64xi32, #tpu.memory_space<vmem>> -> memref<1x64xi32, #tpu.memory_space<vmem>>
      %dma_start3A_995 = tpu.memref_squeeze %dma_start3A_994 : memref<1x64xi32, #tpu.memory_space<vmem>> -> memref<64xi32, #tpu.memory_space<vmem>>
      %dma_start3A_996 = arith.constant 0 : i32
      %dma_start3A_997 = arith.constant 0 : i32
      %dma_start3A_998 = tpu.memref_slice %arg4[%dma_start3A_996, %dma_start3A_997] : memref<50000x128xf32, #tpu.memory_space<hbm>> -> memref<50000x128xf32, #tpu.memory_space<hbm>>
      tpu.enqueue_indirect_dma source(%dma_start3A_998 : memref<50000x128xf32, #tpu.memory_space<hbm>>) target(%arg9 : memref<64x128xf32, #tpu.memory_space<vmem>>) offsets(%dma_start3A_995 : memref<64xi32, #tpu.memory_space<vmem>>) semaphore(%arg15 : memref<!tpu.dma_semaphore, #tpu.memory_space<semaphore_mem>>)
      %add3A_999 = arith.constant 2 : i32
      %add3A_1000 = arith.addi %mul3A_915, %add3A_999 : i32
      %dma_wait3A_1001 = arith.constant 0 : i32
      %dma_wait3A_1002 = tpu.memref_slice %arg7[%add3A_1000, %dma_wait3A_1001] : memref<40x64xi32, #tpu.memory_space<vmem>> -> memref<1x64xi32, #tpu.memory_space<vmem>>
      %dma_wait3A_1003 = tpu.memref_squeeze %dma_wait3A_1002 : memref<1x64xi32, #tpu.memory_space<vmem>> -> memref<64xi32, #tpu.memory_space<vmem>>
      %dma_wait3A_1004 = arith.constant 0 : i32
      %dma_wait3A_1005 = arith.constant 0 : i32
      %dma_wait3A_1006 = tpu.memref_slice %arg4[%dma_wait3A_1004, %dma_wait3A_1005] : memref<50000x128xf32, #tpu.memory_space<hbm>> -> memref<50000x128xf32, #tpu.memory_space<hbm>>
      tpu.wait_indirect_dma semaphore(%arg17 : memref<!tpu.dma_semaphore, #tpu.memory_space<semaphore_mem>>) src(%dma_wait3A_1006 : memref<50000x128xf32, #tpu.memory_space<hbm>>) dst(%arg11 : memref<64x128xf32, #tpu.memory_space<vmem>>)
      %dma_start3A_1007 = arith.constant 0 : i32
      %dma_start3A_1008 = tpu.memref_slice %arg8[%add3A_1000, %dma_start3A_1007] : memref<40x64xi32, #tpu.memory_space<vmem>> -> memref<1x64xi32, #tpu.memory_space<vmem>>
      %dma_start3A_1009 = tpu.memref_squeeze %dma_start3A_1008 : memref<1x64xi32, #tpu.memory_space<vmem>> -> memref<64xi32, #tpu.memory_space<vmem>>
      %dma_start3A_1010 = arith.constant 0 : i32
      %dma_start3A_1011 = arith.constant 0 : i32
      %dma_start3A_1012 = tpu.memref_slice %arg27[%dma_start3A_1010, %dma_start3A_1011] : memref<10240x128xf32, #tpu.memory_space<vmem_shared>> -> memref<10240x128xf32, #tpu.memory_space<vmem_shared>>
      tpu.enqueue_indirect_dma source(%arg11 : memref<64x128xf32, #tpu.memory_space<vmem>>) target(%dma_start3A_1012 : memref<10240x128xf32, #tpu.memory_space<vmem_shared>>) offsets(%dma_start3A_1009 : memref<64xi32, #tpu.memory_space<vmem>>) semaphore(%arg21 : memref<!tpu.dma_semaphore, #tpu.memory_space<semaphore_mem>>) {add = true}
      %dma_start3A_1013 = arith.constant 0 : i32
      %dma_start3A_1014 = tpu.memref_slice %arg8[%add3A_1000, %dma_start3A_1013] : memref<40x64xi32, #tpu.memory_space<vmem>> -> memref<1x64xi32, #tpu.memory_space<vmem>>
      %dma_start3A_1015 = tpu.memref_squeeze %dma_start3A_1014 : memref<1x64xi32, #tpu.memory_space<vmem>> -> memref<64xi32, #tpu.memory_space<vmem>>
      %dma_start3A_1016 = arith.constant 0 : i32
      %dma_start3A_1017 = tpu.memref_slice %arg28[%dma_start3A_1016] : memref<10240xf32, #tpu.memory_space<vmem_shared>> -> memref<10240xf32, #tpu.memory_space<vmem_shared>>
      tpu.enqueue_indirect_dma source(%arg13 : memref<64xf32, #tpu.memory_space<vmem>>) target(%dma_start3A_1017 : memref<10240xf32, #tpu.memory_space<vmem_shared>>) offsets(%dma_start3A_1015 : memref<64xi32, #tpu.memory_space<vmem>>) semaphore(%arg25 : memref<!tpu.dma_semaphore, #tpu.memory_space<semaphore_mem>>) {add = true}
      %sub3A_1018 = arith.constant 1 : i32
      %sub3A_1019 = arith.subi %add3A_1000, %sub3A_1018 : i32
      %dma_wait3A_1020 = arith.constant 0 : i32
      %dma_wait3A_1021 = tpu.memref_slice %arg8[%sub3A_1019, %dma_wait3A_1020] : memref<40x64xi32, #tpu.memory_space<vmem>> -> memref<1x64xi32, #tpu.memory_space<vmem>>
      %dma_wait3A_1022 = tpu.memref_squeeze %dma_wait3A_1021 : memref<1x64xi32, #tpu.memory_space<vmem>> -> memref<64xi32, #tpu.memory_space<vmem>>
      %dma_wait3A_1023 = arith.constant 0 : i32
      %dma_wait3A_1024 = arith.constant 0 : i32
      %dma_wait3A_1025 = tpu.memref_slice %arg27[%dma_wait3A_1023, %dma_wait3A_1024] : memref<10240x128xf32, #tpu.memory_space<vmem_shared>> -> memref<10240x128xf32, #tpu.memory_space<vmem_shared>>
      tpu.wait_indirect_dma semaphore(%arg20 : memref<!tpu.dma_semaphore, #tpu.memory_space<semaphore_mem>>) src(%arg10 : memref<64x128xf32, #tpu.memory_space<vmem>>) dst(%dma_wait3A_1025 : memref<10240x128xf32, #tpu.memory_space<vmem_shared>>)
      %dma_wait3A_1026 = arith.constant 0 : i32
      %dma_wait3A_1027 = tpu.memref_slice %arg8[%sub3A_1019, %dma_wait3A_1026] : memref<40x64xi32, #tpu.memory_space<vmem>> -> memref<1x64xi32, #tpu.memory_space<vmem>>
      %dma_wait3A_1028 = tpu.memref_squeeze %dma_wait3A_1027 : memref<1x64xi32, #tpu.memory_space<vmem>> -> memref<64xi32, #tpu.memory_space<vmem>>
      %dma_wait3A_1029 = arith.constant 0 : i32
      %dma_wait3A_1030 = tpu.memref_slice %arg28[%dma_wait3A_1029] : memref<10240xf32, #tpu.memory_space<vmem_shared>> -> memref<10240xf32, #tpu.memory_space<vmem_shared>>
      tpu.wait_indirect_dma semaphore(%arg24 : memref<!tpu.dma_semaphore, #tpu.memory_space<semaphore_mem>>) src(%arg13 : memref<64xf32, #tpu.memory_space<vmem>>) dst(%dma_wait3A_1030 : memref<10240xf32, #tpu.memory_space<vmem_shared>>)
      %add3A_1031 = arith.constant 4 : i32
      %add3A_1032 = arith.addi %sub3A_1019, %add3A_1031 : i32
      %rem3A_1033 = arith.constant 40 : i32
      %rem3A_1034 = arith.remsi %add3A_1032, %rem3A_1033 : i32
      %dma_start3A_1035 = arith.constant 0 : i32
      %dma_start3A_1036 = tpu.memref_slice %arg7[%rem3A_1034, %dma_start3A_1035] : memref<40x64xi32, #tpu.memory_space<vmem>> -> memref<1x64xi32, #tpu.memory_space<vmem>>
      %dma_start3A_1037 = tpu.memref_squeeze %dma_start3A_1036 : memref<1x64xi32, #tpu.memory_space<vmem>> -> memref<64xi32, #tpu.memory_space<vmem>>
      %dma_start3A_1038 = arith.constant 0 : i32
      %dma_start3A_1039 = arith.constant 0 : i32
      %dma_start3A_1040 = tpu.memref_slice %arg4[%dma_start3A_1038, %dma_start3A_1039] : memref<50000x128xf32, #tpu.memory_space<hbm>> -> memref<50000x128xf32, #tpu.memory_space<hbm>>
      tpu.enqueue_indirect_dma source(%dma_start3A_1040 : memref<50000x128xf32, #tpu.memory_space<hbm>>) target(%arg10 : memref<64x128xf32, #tpu.memory_space<vmem>>) offsets(%dma_start3A_1037 : memref<64xi32, #tpu.memory_space<vmem>>) semaphore(%arg16 : memref<!tpu.dma_semaphore, #tpu.memory_space<semaphore_mem>>)
      %add3A_1041 = arith.constant 3 : i32
      %add3A_1042 = arith.addi %mul3A_915, %add3A_1041 : i32
      %dma_wait3A_1043 = arith.constant 0 : i32
      %dma_wait3A_1044 = tpu.memref_slice %arg7[%add3A_1042, %dma_wait3A_1043] : memref<40x64xi32, #tpu.memory_space<vmem>> -> memref<1x64xi32, #tpu.memory_space<vmem>>
      %dma_wait3A_1045 = tpu.memref_squeeze %dma_wait3A_1044 : memref<1x64xi32, #tpu.memory_space<vmem>> -> memref<64xi32, #tpu.memory_space<vmem>>
      %dma_wait3A_1046 = arith.constant 0 : i32
      %dma_wait3A_1047 = arith.constant 0 : i32
      %dma_wait3A_1048 = tpu.memref_slice %arg4[%dma_wait3A_1046, %dma_wait3A_1047] : memref<50000x128xf32, #tpu.memory_space<hbm>> -> memref<50000x128xf32, #tpu.memory_space<hbm>>
      tpu.wait_indirect_dma semaphore(%arg18 : memref<!tpu.dma_semaphore, #tpu.memory_space<semaphore_mem>>) src(%dma_wait3A_1048 : memref<50000x128xf32, #tpu.memory_space<hbm>>) dst(%arg12 : memref<64x128xf32, #tpu.memory_space<vmem>>)
      %dma_start3A_1049 = arith.constant 0 : i32
      %dma_start3A_1050 = tpu.memref_slice %arg8[%add3A_1042, %dma_start3A_1049] : memref<40x64xi32, #tpu.memory_space<vmem>> -> memref<1x64xi32, #tpu.memory_space<vmem>>
      %dma_start3A_1051 = tpu.memref_squeeze %dma_start3A_1050 : memref<1x64xi32, #tpu.memory_space<vmem>> -> memref<64xi32, #tpu.memory_space<vmem>>
      %dma_start3A_1052 = arith.constant 0 : i32
      %dma_start3A_1053 = arith.constant 0 : i32
      %dma_start3A_1054 = tpu.memref_slice %arg27[%dma_start3A_1052, %dma_start3A_1053] : memref<10240x128xf32, #tpu.memory_space<vmem_shared>> -> memref<10240x128xf32, #tpu.memory_space<vmem_shared>>
      tpu.enqueue_indirect_dma source(%arg12 : memref<64x128xf32, #tpu.memory_space<vmem>>) target(%dma_start3A_1054 : memref<10240x128xf32, #tpu.memory_space<vmem_shared>>) offsets(%dma_start3A_1051 : memref<64xi32, #tpu.memory_space<vmem>>) semaphore(%arg22 : memref<!tpu.dma_semaphore, #tpu.memory_space<semaphore_mem>>) {add = true}
      %dma_start3A_1055 = arith.constant 0 : i32
      %dma_start3A_1056 = tpu.memref_slice %arg8[%add3A_1042, %dma_start3A_1055] : memref<40x64xi32, #tpu.memory_space<vmem>> -> memref<1x64xi32, #tpu.memory_space<vmem>>
      %dma_start3A_1057 = tpu.memref_squeeze %dma_start3A_1056 : memref<1x64xi32, #tpu.memory_space<vmem>> -> memref<64xi32, #tpu.memory_space<vmem>>
      %dma_start3A_1058 = arith.constant 0 : i32
      %dma_start3A_1059 = tpu.memref_slice %arg28[%dma_start3A_1058] : memref<10240xf32, #tpu.memory_space<vmem_shared>> -> memref<10240xf32, #tpu.memory_space<vmem_shared>>
      tpu.enqueue_indirect_dma source(%arg13 : memref<64xf32, #tpu.memory_space<vmem>>) target(%dma_start3A_1059 : memref<10240xf32, #tpu.memory_space<vmem_shared>>) offsets(%dma_start3A_1057 : memref<64xi32, #tpu.memory_space<vmem>>) semaphore(%arg26 : memref<!tpu.dma_semaphore, #tpu.memory_space<semaphore_mem>>) {add = true}
      %sub3A_1060 = arith.constant 1 : i32
      %sub3A_1061 = arith.subi %add3A_1042, %sub3A_1060 : i32
      %dma_wait3A_1062 = arith.constant 0 : i32
      %dma_wait3A_1063 = tpu.memref_slice %arg8[%sub3A_1061, %dma_wait3A_1062] : memref<40x64xi32, #tpu.memory_space<vmem>> -> memref<1x64xi32, #tpu.memory_space<vmem>>
      %dma_wait3A_1064 = tpu.memref_squeeze %dma_wait3A_1063 : memref<1x64xi32, #tpu.memory_space<vmem>> -> memref<64xi32, #tpu.memory_space<vmem>>
      %dma_wait3A_1065 = arith.constant 0 : i32
      %dma_wait3A_1066 = arith.constant 0 : i32
      %dma_wait3A_1067 = tpu.memref_slice %arg27[%dma_wait3A_1065, %dma_wait3A_1066] : memref<10240x128xf32, #tpu.memory_space<vmem_shared>> -> memref<10240x128xf32, #tpu.memory_space<vmem_shared>>
      tpu.wait_indirect_dma semaphore(%arg21 : memref<!tpu.dma_semaphore, #tpu.memory_space<semaphore_mem>>) src(%arg11 : memref<64x128xf32, #tpu.memory_space<vmem>>) dst(%dma_wait3A_1067 : memref<10240x128xf32, #tpu.memory_space<vmem_shared>>)
      %dma_wait3A_1068 = arith.constant 0 : i32
      %dma_wait3A_1069 = tpu.memref_slice %arg8[%sub3A_1061, %dma_wait3A_1068] : memref<40x64xi32, #tpu.memory_space<vmem>> -> memref<1x64xi32, #tpu.memory_space<vmem>>
      %dma_wait3A_1070 = tpu.memref_squeeze %dma_wait3A_1069 : memref<1x64xi32, #tpu.memory_space<vmem>> -> memref<64xi32, #tpu.memory_space<vmem>>
      %dma_wait3A_1071 = arith.constant 0 : i32
      %dma_wait3A_1072 = tpu.memref_slice %arg28[%dma_wait3A_1071] : memref<10240xf32, #tpu.memory_space<vmem_shared>> -> memref<10240xf32, #tpu.memory_space<vmem_shared>>
      tpu.wait_indirect_dma semaphore(%arg25 : memref<!tpu.dma_semaphore, #tpu.memory_space<semaphore_mem>>) src(%arg13 : memref<64xf32, #tpu.memory_space<vmem>>) dst(%dma_wait3A_1072 : memref<10240xf32, #tpu.memory_space<vmem_shared>>)
      %add3A_1073 = arith.constant 4 : i32
      %add3A_1074 = arith.addi %sub3A_1061, %add3A_1073 : i32
      %rem3A_1075 = arith.constant 40 : i32
      %rem3A_1076 = arith.remsi %add3A_1074, %rem3A_1075 : i32
      %dma_start3A_1077 = arith.constant 0 : i32
      %dma_start3A_1078 = tpu.memref_slice %arg7[%rem3A_1076, %dma_start3A_1077] : memref<40x64xi32, #tpu.memory_space<vmem>> -> memref<1x64xi32, #tpu.memory_space<vmem>>
      %dma_start3A_1079 = tpu.memref_squeeze %dma_start3A_1078 : memref<1x64xi32, #tpu.memory_space<vmem>> -> memref<64xi32, #tpu.memory_space<vmem>>
      %dma_start3A_1080 = arith.constant 0 : i32
      %dma_start3A_1081 = arith.constant 0 : i32
      %dma_start3A_1082 = tpu.memref_slice %arg4[%dma_start3A_1080, %dma_start3A_1081] : memref<50000x128xf32, #tpu.memory_space<hbm>> -> memref<50000x128xf32, #tpu.memory_space<hbm>>
      tpu.enqueue_indirect_dma source(%dma_start3A_1082 : memref<50000x128xf32, #tpu.memory_space<hbm>>) target(%arg11 : memref<64x128xf32, #tpu.memory_space<vmem>>) offsets(%dma_start3A_1079 : memref<64xi32, #tpu.memory_space<vmem>>) semaphore(%arg17 : memref<!tpu.dma_semaphore, #tpu.memory_space<semaphore_mem>>)
      %scan3A_1083 = arith.constant 0 : i32
      scf.yield %scan3A_1083 : i32
    }
    %scan3A_649 = arith.constant 9 : i32
    %dma_wait3A_650 = arith.constant 39 : i32
    %dma_wait3A_651 = arith.constant 0 : i32
    %dma_wait3A_652 = tpu.memref_slice %arg8[%dma_wait3A_650, %dma_wait3A_651] : memref<40x64xi32, #tpu.memory_space<vmem>> -> memref<1x64xi32, #tpu.memory_space<vmem>>
    %dma_wait3A_653 = tpu.memref_squeeze %dma_wait3A_652 : memref<1x64xi32, #tpu.memory_space<vmem>> -> memref<64xi32, #tpu.memory_space<vmem>>
    %dma_wait3A_654 = arith.constant 0 : i32
    %dma_wait3A_655 = arith.constant 0 : i32
    %dma_wait3A_656 = tpu.memref_slice %arg27[%dma_wait3A_654, %dma_wait3A_655] : memref<10240x128xf32, #tpu.memory_space<vmem_shared>> -> memref<10240x128xf32, #tpu.memory_space<vmem_shared>>
    tpu.wait_indirect_dma semaphore(%arg22 : memref<!tpu.dma_semaphore, #tpu.memory_space<semaphore_mem>>) src(%arg12 : memref<64x128xf32, #tpu.memory_space<vmem>>) dst(%dma_wait3A_656 : memref<10240x128xf32, #tpu.memory_space<vmem_shared>>)
    %dma_wait3A_657 = arith.constant 39 : i32
    %dma_wait3A_658 = arith.constant 0 : i32
    %dma_wait3A_659 = tpu.memref_slice %arg8[%dma_wait3A_657, %dma_wait3A_658] : memref<40x64xi32, #tpu.memory_space<vmem>> -> memref<1x64xi32, #tpu.memory_space<vmem>>
    %dma_wait3A_660 = tpu.memref_squeeze %dma_wait3A_659 : memref<1x64xi32, #tpu.memory_space<vmem>> -> memref<64xi32, #tpu.memory_space<vmem>>
    %dma_wait3A_661 = arith.constant 0 : i32
    %dma_wait3A_662 = tpu.memref_slice %arg28[%dma_wait3A_661] : memref<10240xf32, #tpu.memory_space<vmem_shared>> -> memref<10240xf32, #tpu.memory_space<vmem_shared>>
    tpu.wait_indirect_dma semaphore(%arg26 : memref<!tpu.dma_semaphore, #tpu.memory_space<semaphore_mem>>) src(%arg13 : memref<64xf32, #tpu.memory_space<vmem>>) dst(%dma_wait3A_662 : memref<10240xf32, #tpu.memory_space<vmem_shared>>)
    %dma_wait3A_663 = arith.constant 0 : i32
    %dma_wait3A_664 = arith.constant 0 : i32
    %dma_wait3A_665 = tpu.memref_slice %arg7[%dma_wait3A_663, %dma_wait3A_664] : memref<40x64xi32, #tpu.memory_space<vmem>> -> memref<1x64xi32, #tpu.memory_space<vmem>>
    %dma_wait3A_666 = tpu.memref_squeeze %dma_wait3A_665 : memref<1x64xi32, #tpu.memory_space<vmem>> -> memref<64xi32, #tpu.memory_space<vmem>>
    %dma_wait3A_667 = arith.constant 0 : i32
    %dma_wait3A_668 = arith.constant 0 : i32
    %dma_wait3A_669 = tpu.memref_slice %arg4[%dma_wait3A_667, %dma_wait3A_668] : memref<50000x128xf32, #tpu.memory_space<hbm>> -> memref<50000x128xf32, #tpu.memory_space<hbm>>
    tpu.wait_indirect_dma semaphore(%arg15 : memref<!tpu.dma_semaphore, #tpu.memory_space<semaphore_mem>>) src(%dma_wait3A_669 : memref<50000x128xf32, #tpu.memory_space<hbm>>) dst(%arg9 : memref<64x128xf32, #tpu.memory_space<vmem>>)
    %dma_wait3A_670 = arith.constant 1 : i32
    %dma_wait3A_671 = arith.constant 0 : i32
    %dma_wait3A_672 = tpu.memref_slice %arg7[%dma_wait3A_670, %dma_wait3A_671] : memref<40x64xi32, #tpu.memory_space<vmem>> -> memref<1x64xi32, #tpu.memory_space<vmem>>
    %dma_wait3A_673 = tpu.memref_squeeze %dma_wait3A_672 : memref<1x64xi32, #tpu.memory_space<vmem>> -> memref<64xi32, #tpu.memory_space<vmem>>
    %dma_wait3A_674 = arith.constant 0 : i32
    %dma_wait3A_675 = arith.constant 0 : i32
    %dma_wait3A_676 = tpu.memref_slice %arg4[%dma_wait3A_674, %dma_wait3A_675] : memref<50000x128xf32, #tpu.memory_space<hbm>> -> memref<50000x128xf32, #tpu.memory_space<hbm>>
    tpu.wait_indirect_dma semaphore(%arg16 : memref<!tpu.dma_semaphore, #tpu.memory_space<semaphore_mem>>) src(%dma_wait3A_676 : memref<50000x128xf32, #tpu.memory_space<hbm>>) dst(%arg10 : memref<64x128xf32, #tpu.memory_space<vmem>>)
    %dma_wait3A_677 = arith.constant 2 : i32
    %dma_wait3A_678 = arith.constant 0 : i32
    %dma_wait3A_679 = tpu.memref_slice %arg7[%dma_wait3A_677, %dma_wait3A_678] : memref<40x64xi32, #tpu.memory_space<vmem>> -> memref<1x64xi32, #tpu.memory_space<vmem>>
    %dma_wait3A_680 = tpu.memref_squeeze %dma_wait3A_679 : memref<1x64xi32, #tpu.memory_space<vmem>> -> memref<64xi32, #tpu.memory_space<vmem>>
    %dma_wait3A_681 = arith.constant 0 : i32
    %dma_wait3A_682 = arith.constant 0 : i32
    %dma_wait3A_683 = tpu.memref_slice %arg4[%dma_wait3A_681, %dma_wait3A_682] : memref<50000x128xf32, #tpu.memory_space<hbm>> -> memref<50000x128xf32, #tpu.memory_space<hbm>>
    tpu.wait_indirect_dma semaphore(%arg17 : memref<!tpu.dma_semaphore, #tpu.memory_space<semaphore_mem>>) src(%dma_wait3A_683 : memref<50000x128xf32, #tpu.memory_space<hbm>>) dst(%arg11 : memref<64x128xf32, #tpu.memory_space<vmem>>)
    %mul3A_684 = arith.constant 4 : i32
    %mul3A_685 = arith.muli %add3A, %mul3A_684 : i32
    %add3A_686 = arith.constant 3 : i32
    %add3A_687 = arith.addi %mul3A_685, %add3A_686 : i32
    "tpu.region"() ({
      %run_scoped3A = tpu.sem_alloc : memref<!tpu.dma_semaphore, #tpu.memory_space<semaphore_mem>>
      %dma_start3A_912 = arith.constant 0 : i32
      %dma_start3A_913 = arith.constant 0 : i32
      %dma_start3A_914 = tpu.memref_slice %arg2[%add3A_687, %dma_start3A_912, %dma_start3A_913] : memref<128x40x64xi32, #tpu.memory_space<hbm>> -> memref<1x40x64xi32, #tpu.memory_space<hbm>>
      %dma_start3A_915 = tpu.memref_squeeze %dma_start3A_914 : memref<1x40x64xi32, #tpu.memory_space<hbm>> -> memref<40x64xi32, #tpu.memory_space<hbm>>
      %dma_start3A_916 = arith.constant 0 : i32
      %dma_start3A_917 = arith.constant 0 : i32
      %dma_start3A_918 = tpu.memref_slice %arg2[%add3A_687, %dma_start3A_916, %dma_start3A_917] : memref<128x40x64xi32, #tpu.memory_space<hbm>> -> memref<1x40x64xi32, #tpu.memory_space<hbm>>
      %dma_start3A_919 = tpu.memref_squeeze %dma_start3A_918 : memref<1x40x64xi32, #tpu.memory_space<hbm>> -> memref<40x64xi32, #tpu.memory_space<hbm>>
      tpu.enqueue_dma source(%dma_start3A_919 : memref<40x64xi32, #tpu.memory_space<hbm>>) target(%arg7 : memref<40x64xi32, #tpu.memory_space<vmem>>) target_semaphore(%run_scoped3A : memref<!tpu.dma_semaphore, #tpu.memory_space<semaphore_mem>>)
      %dma_wait3A_920 = arith.constant 0 : i32
      %dma_wait3A_921 = arith.constant 0 : i32
      %dma_wait3A_922 = tpu.memref_slice %arg2[%add3A_687, %dma_wait3A_920, %dma_wait3A_921] : memref<128x40x64xi32, #tpu.memory_space<hbm>> -> memref<1x40x64xi32, #tpu.memory_space<hbm>>
      %dma_wait3A_923 = tpu.memref_squeeze %dma_wait3A_922 : memref<1x40x64xi32, #tpu.memory_space<hbm>> -> memref<40x64xi32, #tpu.memory_space<hbm>>
      %dma_wait3A_924 = arith.constant 0 : i32
      %dma_wait3A_925 = arith.constant 0 : i32
      %dma_wait3A_926 = tpu.memref_slice %arg2[%add3A_687, %dma_wait3A_924, %dma_wait3A_925] : memref<128x40x64xi32, #tpu.memory_space<hbm>> -> memref<1x40x64xi32, #tpu.memory_space<hbm>>
      %dma_wait3A_927 = tpu.memref_squeeze %dma_wait3A_926 : memref<1x40x64xi32, #tpu.memory_space<hbm>> -> memref<40x64xi32, #tpu.memory_space<hbm>>
      tpu.wait_dma2 semaphore(%run_scoped3A : memref<!tpu.dma_semaphore, #tpu.memory_space<semaphore_mem>>) src(%dma_wait3A_927 : memref<40x64xi32, #tpu.memory_space<hbm>>) dst(%arg7 : memref<40x64xi32, #tpu.memory_space<vmem>>)
      tpu.yield
    }) : () -> ()
    "tpu.region"() ({
      %run_scoped3A = tpu.sem_alloc : memref<!tpu.dma_semaphore, #tpu.memory_space<semaphore_mem>>
      %dma_start3A_912 = arith.constant 0 : i32
      %dma_start3A_913 = arith.constant 0 : i32
      %dma_start3A_914 = tpu.memref_slice %arg3[%add3A_687, %dma_start3A_912, %dma_start3A_913] : memref<128x40x64xi32, #tpu.memory_space<hbm>> -> memref<1x40x64xi32, #tpu.memory_space<hbm>>
      %dma_start3A_915 = tpu.memref_squeeze %dma_start3A_914 : memref<1x40x64xi32, #tpu.memory_space<hbm>> -> memref<40x64xi32, #tpu.memory_space<hbm>>
      %dma_start3A_916 = arith.constant 0 : i32
      %dma_start3A_917 = arith.constant 0 : i32
      %dma_start3A_918 = tpu.memref_slice %arg3[%add3A_687, %dma_start3A_916, %dma_start3A_917] : memref<128x40x64xi32, #tpu.memory_space<hbm>> -> memref<1x40x64xi32, #tpu.memory_space<hbm>>
      %dma_start3A_919 = tpu.memref_squeeze %dma_start3A_918 : memref<1x40x64xi32, #tpu.memory_space<hbm>> -> memref<40x64xi32, #tpu.memory_space<hbm>>
      tpu.enqueue_dma source(%dma_start3A_919 : memref<40x64xi32, #tpu.memory_space<hbm>>) target(%arg8 : memref<40x64xi32, #tpu.memory_space<vmem>>) target_semaphore(%run_scoped3A : memref<!tpu.dma_semaphore, #tpu.memory_space<semaphore_mem>>)
      %dma_wait3A_920 = arith.constant 0 : i32
      %dma_wait3A_921 = arith.constant 0 : i32
      %dma_wait3A_922 = tpu.memref_slice %arg3[%add3A_687, %dma_wait3A_920, %dma_wait3A_921] : memref<128x40x64xi32, #tpu.memory_space<hbm>> -> memref<1x40x64xi32, #tpu.memory_space<hbm>>
      %dma_wait3A_923 = tpu.memref_squeeze %dma_wait3A_922 : memref<1x40x64xi32, #tpu.memory_space<hbm>> -> memref<40x64xi32, #tpu.memory_space<hbm>>
      %dma_wait3A_924 = arith.constant 0 : i32
      %dma_wait3A_925 = arith.constant 0 : i32
      %dma_wait3A_926 = tpu.memref_slice %arg3[%add3A_687, %dma_wait3A_924, %dma_wait3A_925] : memref<128x40x64xi32, #tpu.memory_space<hbm>> -> memref<1x40x64xi32, #tpu.memory_space<hbm>>
      %dma_wait3A_927 = tpu.memref_squeeze %dma_wait3A_926 : memref<1x40x64xi32, #tpu.memory_space<hbm>> -> memref<40x64xi32, #tpu.memory_space<hbm>>
      tpu.wait_dma2 semaphore(%run_scoped3A : memref<!tpu.dma_semaphore, #tpu.memory_space<semaphore_mem>>) src(%dma_wait3A_927 : memref<40x64xi32, #tpu.memory_space<hbm>>) dst(%arg8 : memref<40x64xi32, #tpu.memory_space<vmem>>)
      tpu.yield
    }) : () -> ()
    %dma_start3A_688 = arith.constant 0 : i32
    %dma_start3A_689 = arith.constant 0 : i32
    %dma_start3A_690 = tpu.memref_slice %arg7[%dma_start3A_688, %dma_start3A_689] : memref<40x64xi32, #tpu.memory_space<vmem>> -> memref<1x64xi32, #tpu.memory_space<vmem>>
    %dma_start3A_691 = tpu.memref_squeeze %dma_start3A_690 : memref<1x64xi32, #tpu.memory_space<vmem>> -> memref<64xi32, #tpu.memory_space<vmem>>
    %dma_start3A_692 = arith.constant 0 : i32
    %dma_start3A_693 = arith.constant 0 : i32
    %dma_start3A_694 = tpu.memref_slice %arg4[%dma_start3A_692, %dma_start3A_693] : memref<50000x128xf32, #tpu.memory_space<hbm>> -> memref<50000x128xf32, #tpu.memory_space<hbm>>
    tpu.enqueue_indirect_dma source(%dma_start3A_694 : memref<50000x128xf32, #tpu.memory_space<hbm>>) target(%arg9 : memref<64x128xf32, #tpu.memory_space<vmem>>) offsets(%dma_start3A_691 : memref<64xi32, #tpu.memory_space<vmem>>) semaphore(%arg15 : memref<!tpu.dma_semaphore, #tpu.memory_space<semaphore_mem>>)
    %dma_start3A_695 = arith.constant 1 : i32
    %dma_start3A_696 = arith.constant 0 : i32
    %dma_start3A_697 = tpu.memref_slice %arg7[%dma_start3A_695, %dma_start3A_696] : memref<40x64xi32, #tpu.memory_space<vmem>> -> memref<1x64xi32, #tpu.memory_space<vmem>>
    %dma_start3A_698 = tpu.memref_squeeze %dma_start3A_697 : memref<1x64xi32, #tpu.memory_space<vmem>> -> memref<64xi32, #tpu.memory_space<vmem>>
    %dma_start3A_699 = arith.constant 0 : i32
    %dma_start3A_700 = arith.constant 0 : i32
    %dma_start3A_701 = tpu.memref_slice %arg4[%dma_start3A_699, %dma_start3A_700] : memref<50000x128xf32, #tpu.memory_space<hbm>> -> memref<50000x128xf32, #tpu.memory_space<hbm>>
    tpu.enqueue_indirect_dma source(%dma_start3A_701 : memref<50000x128xf32, #tpu.memory_space<hbm>>) target(%arg10 : memref<64x128xf32, #tpu.memory_space<vmem>>) offsets(%dma_start3A_698 : memref<64xi32, #tpu.memory_space<vmem>>) semaphore(%arg16 : memref<!tpu.dma_semaphore, #tpu.memory_space<semaphore_mem>>)
    %dma_start3A_702 = arith.constant 2 : i32
    %dma_start3A_703 = arith.constant 0 : i32
    %dma_start3A_704 = tpu.memref_slice %arg7[%dma_start3A_702, %dma_start3A_703] : memref<40x64xi32, #tpu.memory_space<vmem>> -> memref<1x64xi32, #tpu.memory_space<vmem>>
    %dma_start3A_705 = tpu.memref_squeeze %dma_start3A_704 : memref<1x64xi32, #tpu.memory_space<vmem>> -> memref<64xi32, #tpu.memory_space<vmem>>
    %dma_start3A_706 = arith.constant 0 : i32
    %dma_start3A_707 = arith.constant 0 : i32
    %dma_start3A_708 = tpu.memref_slice %arg4[%dma_start3A_706, %dma_start3A_707] : memref<50000x128xf32, #tpu.memory_space<hbm>> -> memref<50000x128xf32, #tpu.memory_space<hbm>>
    tpu.enqueue_indirect_dma source(%dma_start3A_708 : memref<50000x128xf32, #tpu.memory_space<hbm>>) target(%arg11 : memref<64x128xf32, #tpu.memory_space<vmem>>) offsets(%dma_start3A_705 : memref<64xi32, #tpu.memory_space<vmem>>) semaphore(%arg17 : memref<!tpu.dma_semaphore, #tpu.memory_space<semaphore_mem>>)
    %dma_start3A_709 = arith.constant 3 : i32
    %dma_start3A_710 = arith.constant 0 : i32
    %dma_start3A_711 = tpu.memref_slice %arg7[%dma_start3A_709, %dma_start3A_710] : memref<40x64xi32, #tpu.memory_space<vmem>> -> memref<1x64xi32, #tpu.memory_space<vmem>>
    %dma_start3A_712 = tpu.memref_squeeze %dma_start3A_711 : memref<1x64xi32, #tpu.memory_space<vmem>> -> memref<64xi32, #tpu.memory_space<vmem>>
    %dma_start3A_713 = arith.constant 0 : i32
    %dma_start3A_714 = arith.constant 0 : i32
    %dma_start3A_715 = tpu.memref_slice %arg4[%dma_start3A_713, %dma_start3A_714] : memref<50000x128xf32, #tpu.memory_space<hbm>> -> memref<50000x128xf32, #tpu.memory_space<hbm>>
    tpu.enqueue_indirect_dma source(%dma_start3A_715 : memref<50000x128xf32, #tpu.memory_space<hbm>>) target(%arg12 : memref<64x128xf32, #tpu.memory_space<vmem>>) offsets(%dma_start3A_712 : memref<64xi32, #tpu.memory_space<vmem>>) semaphore(%arg18 : memref<!tpu.dma_semaphore, #tpu.memory_space<semaphore_mem>>)
    %dma_wait3A_716 = arith.constant 0 : i32
    %dma_wait3A_717 = arith.constant 0 : i32
    %dma_wait3A_718 = tpu.memref_slice %arg7[%dma_wait3A_716, %dma_wait3A_717] : memref<40x64xi32, #tpu.memory_space<vmem>> -> memref<1x64xi32, #tpu.memory_space<vmem>>
    %dma_wait3A_719 = tpu.memref_squeeze %dma_wait3A_718 : memref<1x64xi32, #tpu.memory_space<vmem>> -> memref<64xi32, #tpu.memory_space<vmem>>
    %dma_wait3A_720 = arith.constant 0 : i32
    %dma_wait3A_721 = arith.constant 0 : i32
    %dma_wait3A_722 = tpu.memref_slice %arg4[%dma_wait3A_720, %dma_wait3A_721] : memref<50000x128xf32, #tpu.memory_space<hbm>> -> memref<50000x128xf32, #tpu.memory_space<hbm>>
    tpu.wait_indirect_dma semaphore(%arg15 : memref<!tpu.dma_semaphore, #tpu.memory_space<semaphore_mem>>) src(%dma_wait3A_722 : memref<50000x128xf32, #tpu.memory_space<hbm>>) dst(%arg9 : memref<64x128xf32, #tpu.memory_space<vmem>>)
    %dma_start3A_723 = arith.constant 0 : i32
    %dma_start3A_724 = arith.constant 0 : i32
    %dma_start3A_725 = tpu.memref_slice %arg8[%dma_start3A_723, %dma_start3A_724] : memref<40x64xi32, #tpu.memory_space<vmem>> -> memref<1x64xi32, #tpu.memory_space<vmem>>
    %dma_start3A_726 = tpu.memref_squeeze %dma_start3A_725 : memref<1x64xi32, #tpu.memory_space<vmem>> -> memref<64xi32, #tpu.memory_space<vmem>>
    %dma_start3A_727 = arith.constant 0 : i32
    %dma_start3A_728 = arith.constant 0 : i32
    %dma_start3A_729 = tpu.memref_slice %arg27[%dma_start3A_727, %dma_start3A_728] : memref<10240x128xf32, #tpu.memory_space<vmem_shared>> -> memref<10240x128xf32, #tpu.memory_space<vmem_shared>>
    tpu.enqueue_indirect_dma source(%arg9 : memref<64x128xf32, #tpu.memory_space<vmem>>) target(%dma_start3A_729 : memref<10240x128xf32, #tpu.memory_space<vmem_shared>>) offsets(%dma_start3A_726 : memref<64xi32, #tpu.memory_space<vmem>>) semaphore(%arg19 : memref<!tpu.dma_semaphore, #tpu.memory_space<semaphore_mem>>) {add = true}
    %dma_start3A_730 = arith.constant 0 : i32
    %dma_start3A_731 = arith.constant 0 : i32
    %dma_start3A_732 = tpu.memref_slice %arg8[%dma_start3A_730, %dma_start3A_731] : memref<40x64xi32, #tpu.memory_space<vmem>> -> memref<1x64xi32, #tpu.memory_space<vmem>>
    %dma_start3A_733 = tpu.memref_squeeze %dma_start3A_732 : memref<1x64xi32, #tpu.memory_space<vmem>> -> memref<64xi32, #tpu.memory_space<vmem>>
    %dma_start3A_734 = arith.constant 0 : i32
    %dma_start3A_735 = tpu.memref_slice %arg28[%dma_start3A_734] : memref<10240xf32, #tpu.memory_space<vmem_shared>> -> memref<10240xf32, #tpu.memory_space<vmem_shared>>
    tpu.enqueue_indirect_dma source(%arg13 : memref<64xf32, #tpu.memory_space<vmem>>) target(%dma_start3A_735 : memref<10240xf32, #tpu.memory_space<vmem_shared>>) offsets(%dma_start3A_733 : memref<64xi32, #tpu.memory_space<vmem>>) semaphore(%arg23 : memref<!tpu.dma_semaphore, #tpu.memory_space<semaphore_mem>>) {add = true}
    %dma_wait3A_736 = arith.constant 1 : i32
    %dma_wait3A_737 = arith.constant 0 : i32
    %dma_wait3A_738 = tpu.memref_slice %arg7[%dma_wait3A_736, %dma_wait3A_737] : memref<40x64xi32, #tpu.memory_space<vmem>> -> memref<1x64xi32, #tpu.memory_space<vmem>>
    %dma_wait3A_739 = tpu.memref_squeeze %dma_wait3A_738 : memref<1x64xi32, #tpu.memory_space<vmem>> -> memref<64xi32, #tpu.memory_space<vmem>>
    %dma_wait3A_740 = arith.constant 0 : i32
    %dma_wait3A_741 = arith.constant 0 : i32
    %dma_wait3A_742 = tpu.memref_slice %arg4[%dma_wait3A_740, %dma_wait3A_741] : memref<50000x128xf32, #tpu.memory_space<hbm>> -> memref<50000x128xf32, #tpu.memory_space<hbm>>
    tpu.wait_indirect_dma semaphore(%arg16 : memref<!tpu.dma_semaphore, #tpu.memory_space<semaphore_mem>>) src(%dma_wait3A_742 : memref<50000x128xf32, #tpu.memory_space<hbm>>) dst(%arg10 : memref<64x128xf32, #tpu.memory_space<vmem>>)
    %dma_start3A_743 = arith.constant 1 : i32
    %dma_start3A_744 = arith.constant 0 : i32
    %dma_start3A_745 = tpu.memref_slice %arg8[%dma_start3A_743, %dma_start3A_744] : memref<40x64xi32, #tpu.memory_space<vmem>> -> memref<1x64xi32, #tpu.memory_space<vmem>>
    %dma_start3A_746 = tpu.memref_squeeze %dma_start3A_745 : memref<1x64xi32, #tpu.memory_space<vmem>> -> memref<64xi32, #tpu.memory_space<vmem>>
    %dma_start3A_747 = arith.constant 0 : i32
    %dma_start3A_748 = arith.constant 0 : i32
    %dma_start3A_749 = tpu.memref_slice %arg27[%dma_start3A_747, %dma_start3A_748] : memref<10240x128xf32, #tpu.memory_space<vmem_shared>> -> memref<10240x128xf32, #tpu.memory_space<vmem_shared>>
    tpu.enqueue_indirect_dma source(%arg10 : memref<64x128xf32, #tpu.memory_space<vmem>>) target(%dma_start3A_749 : memref<10240x128xf32, #tpu.memory_space<vmem_shared>>) offsets(%dma_start3A_746 : memref<64xi32, #tpu.memory_space<vmem>>) semaphore(%arg20 : memref<!tpu.dma_semaphore, #tpu.memory_space<semaphore_mem>>) {add = true}
    %dma_start3A_750 = arith.constant 1 : i32
    %dma_start3A_751 = arith.constant 0 : i32
    %dma_start3A_752 = tpu.memref_slice %arg8[%dma_start3A_750, %dma_start3A_751] : memref<40x64xi32, #tpu.memory_space<vmem>> -> memref<1x64xi32, #tpu.memory_space<vmem>>
    %dma_start3A_753 = tpu.memref_squeeze %dma_start3A_752 : memref<1x64xi32, #tpu.memory_space<vmem>> -> memref<64xi32, #tpu.memory_space<vmem>>
    %dma_start3A_754 = arith.constant 0 : i32
    %dma_start3A_755 = tpu.memref_slice %arg28[%dma_start3A_754] : memref<10240xf32, #tpu.memory_space<vmem_shared>> -> memref<10240xf32, #tpu.memory_space<vmem_shared>>
    tpu.enqueue_indirect_dma source(%arg13 : memref<64xf32, #tpu.memory_space<vmem>>) target(%dma_start3A_755 : memref<10240xf32, #tpu.memory_space<vmem_shared>>) offsets(%dma_start3A_753 : memref<64xi32, #tpu.memory_space<vmem>>) semaphore(%arg24 : memref<!tpu.dma_semaphore, #tpu.memory_space<semaphore_mem>>) {add = true}
    %dma_wait3A_756 = arith.constant 0 : i32
    %dma_wait3A_757 = arith.constant 0 : i32
    %dma_wait3A_758 = tpu.memref_slice %arg8[%dma_wait3A_756, %dma_wait3A_757] : memref<40x64xi32, #tpu.memory_space<vmem>> -> memref<1x64xi32, #tpu.memory_space<vmem>>
    %dma_wait3A_759 = tpu.memref_squeeze %dma_wait3A_758 : memref<1x64xi32, #tpu.memory_space<vmem>> -> memref<64xi32, #tpu.memory_space<vmem>>
    %dma_wait3A_760 = arith.constant 0 : i32
    %dma_wait3A_761 = arith.constant 0 : i32
    %dma_wait3A_762 = tpu.memref_slice %arg27[%dma_wait3A_760, %dma_wait3A_761] : memref<10240x128xf32, #tpu.memory_space<vmem_shared>> -> memref<10240x128xf32, #tpu.memory_space<vmem_shared>>
    tpu.wait_indirect_dma semaphore(%arg19 : memref<!tpu.dma_semaphore, #tpu.memory_space<semaphore_mem>>) src(%arg9 : memref<64x128xf32, #tpu.memory_space<vmem>>) dst(%dma_wait3A_762 : memref<10240x128xf32, #tpu.memory_space<vmem_shared>>)
    %dma_wait3A_763 = arith.constant 0 : i32
    %dma_wait3A_764 = arith.constant 0 : i32
    %dma_wait3A_765 = tpu.memref_slice %arg8[%dma_wait3A_763, %dma_wait3A_764] : memref<40x64xi32, #tpu.memory_space<vmem>> -> memref<1x64xi32, #tpu.memory_space<vmem>>
    %dma_wait3A_766 = tpu.memref_squeeze %dma_wait3A_765 : memref<1x64xi32, #tpu.memory_space<vmem>> -> memref<64xi32, #tpu.memory_space<vmem>>
    %dma_wait3A_767 = arith.constant 0 : i32
    %dma_wait3A_768 = tpu.memref_slice %arg28[%dma_wait3A_767] : memref<10240xf32, #tpu.memory_space<vmem_shared>> -> memref<10240xf32, #tpu.memory_space<vmem_shared>>
    tpu.wait_indirect_dma semaphore(%arg23 : memref<!tpu.dma_semaphore, #tpu.memory_space<semaphore_mem>>) src(%arg13 : memref<64xf32, #tpu.memory_space<vmem>>) dst(%dma_wait3A_768 : memref<10240xf32, #tpu.memory_space<vmem_shared>>)
    %rem3A_769 = arith.constant 4 : i32
    %rem3A_770 = arith.constant 40 : i32
    %rem3A_771 = arith.remsi %rem3A_769, %rem3A_770 : i32
    %dma_start3A_772 = arith.constant 0 : i32
    %dma_start3A_773 = tpu.memref_slice %arg7[%rem3A_771, %dma_start3A_772] : memref<40x64xi32, #tpu.memory_space<vmem>> -> memref<1x64xi32, #tpu.memory_space<vmem>>
    %dma_start3A_774 = tpu.memref_squeeze %dma_start3A_773 : memref<1x64xi32, #tpu.memory_space<vmem>> -> memref<64xi32, #tpu.memory_space<vmem>>
    %dma_start3A_775 = arith.constant 0 : i32
    %dma_start3A_776 = arith.constant 0 : i32
    %dma_start3A_777 = tpu.memref_slice %arg4[%dma_start3A_775, %dma_start3A_776] : memref<50000x128xf32, #tpu.memory_space<hbm>> -> memref<50000x128xf32, #tpu.memory_space<hbm>>
    tpu.enqueue_indirect_dma source(%dma_start3A_777 : memref<50000x128xf32, #tpu.memory_space<hbm>>) target(%arg9 : memref<64x128xf32, #tpu.memory_space<vmem>>) offsets(%dma_start3A_774 : memref<64xi32, #tpu.memory_space<vmem>>) semaphore(%arg15 : memref<!tpu.dma_semaphore, #tpu.memory_space<semaphore_mem>>)
    %dma_wait3A_778 = arith.constant 2 : i32
    %dma_wait3A_779 = arith.constant 0 : i32
    %dma_wait3A_780 = tpu.memref_slice %arg7[%dma_wait3A_778, %dma_wait3A_779] : memref<40x64xi32, #tpu.memory_space<vmem>> -> memref<1x64xi32, #tpu.memory_space<vmem>>
    %dma_wait3A_781 = tpu.memref_squeeze %dma_wait3A_780 : memref<1x64xi32, #tpu.memory_space<vmem>> -> memref<64xi32, #tpu.memory_space<vmem>>
    %dma_wait3A_782 = arith.constant 0 : i32
    %dma_wait3A_783 = arith.constant 0 : i32
    %dma_wait3A_784 = tpu.memref_slice %arg4[%dma_wait3A_782, %dma_wait3A_783] : memref<50000x128xf32, #tpu.memory_space<hbm>> -> memref<50000x128xf32, #tpu.memory_space<hbm>>
    tpu.wait_indirect_dma semaphore(%arg17 : memref<!tpu.dma_semaphore, #tpu.memory_space<semaphore_mem>>) src(%dma_wait3A_784 : memref<50000x128xf32, #tpu.memory_space<hbm>>) dst(%arg11 : memref<64x128xf32, #tpu.memory_space<vmem>>)
    %dma_start3A_785 = arith.constant 2 : i32
    %dma_start3A_786 = arith.constant 0 : i32
    %dma_start3A_787 = tpu.memref_slice %arg8[%dma_start3A_785, %dma_start3A_786] : memref<40x64xi32, #tpu.memory_space<vmem>> -> memref<1x64xi32, #tpu.memory_space<vmem>>
    %dma_start3A_788 = tpu.memref_squeeze %dma_start3A_787 : memref<1x64xi32, #tpu.memory_space<vmem>> -> memref<64xi32, #tpu.memory_space<vmem>>
    %dma_start3A_789 = arith.constant 0 : i32
    %dma_start3A_790 = arith.constant 0 : i32
    %dma_start3A_791 = tpu.memref_slice %arg27[%dma_start3A_789, %dma_start3A_790] : memref<10240x128xf32, #tpu.memory_space<vmem_shared>> -> memref<10240x128xf32, #tpu.memory_space<vmem_shared>>
    tpu.enqueue_indirect_dma source(%arg11 : memref<64x128xf32, #tpu.memory_space<vmem>>) target(%dma_start3A_791 : memref<10240x128xf32, #tpu.memory_space<vmem_shared>>) offsets(%dma_start3A_788 : memref<64xi32, #tpu.memory_space<vmem>>) semaphore(%arg21 : memref<!tpu.dma_semaphore, #tpu.memory_space<semaphore_mem>>) {add = true}
    %dma_start3A_792 = arith.constant 2 : i32
    %dma_start3A_793 = arith.constant 0 : i32
    %dma_start3A_794 = tpu.memref_slice %arg8[%dma_start3A_792, %dma_start3A_793] : memref<40x64xi32, #tpu.memory_space<vmem>> -> memref<1x64xi32, #tpu.memory_space<vmem>>
    %dma_start3A_795 = tpu.memref_squeeze %dma_start3A_794 : memref<1x64xi32, #tpu.memory_space<vmem>> -> memref<64xi32, #tpu.memory_space<vmem>>
    %dma_start3A_796 = arith.constant 0 : i32
    %dma_start3A_797 = tpu.memref_slice %arg28[%dma_start3A_796] : memref<10240xf32, #tpu.memory_space<vmem_shared>> -> memref<10240xf32, #tpu.memory_space<vmem_shared>>
    tpu.enqueue_indirect_dma source(%arg13 : memref<64xf32, #tpu.memory_space<vmem>>) target(%dma_start3A_797 : memref<10240xf32, #tpu.memory_space<vmem_shared>>) offsets(%dma_start3A_795 : memref<64xi32, #tpu.memory_space<vmem>>) semaphore(%arg25 : memref<!tpu.dma_semaphore, #tpu.memory_space<semaphore_mem>>) {add = true}
    %dma_wait3A_798 = arith.constant 1 : i32
    %dma_wait3A_799 = arith.constant 0 : i32
    %dma_wait3A_800 = tpu.memref_slice %arg8[%dma_wait3A_798, %dma_wait3A_799] : memref<40x64xi32, #tpu.memory_space<vmem>> -> memref<1x64xi32, #tpu.memory_space<vmem>>
    %dma_wait3A_801 = tpu.memref_squeeze %dma_wait3A_800 : memref<1x64xi32, #tpu.memory_space<vmem>> -> memref<64xi32, #tpu.memory_space<vmem>>
    %dma_wait3A_802 = arith.constant 0 : i32
    %dma_wait3A_803 = arith.constant 0 : i32
    %dma_wait3A_804 = tpu.memref_slice %arg27[%dma_wait3A_802, %dma_wait3A_803] : memref<10240x128xf32, #tpu.memory_space<vmem_shared>> -> memref<10240x128xf32, #tpu.memory_space<vmem_shared>>
    tpu.wait_indirect_dma semaphore(%arg20 : memref<!tpu.dma_semaphore, #tpu.memory_space<semaphore_mem>>) src(%arg10 : memref<64x128xf32, #tpu.memory_space<vmem>>) dst(%dma_wait3A_804 : memref<10240x128xf32, #tpu.memory_space<vmem_shared>>)
    %dma_wait3A_805 = arith.constant 1 : i32
    %dma_wait3A_806 = arith.constant 0 : i32
    %dma_wait3A_807 = tpu.memref_slice %arg8[%dma_wait3A_805, %dma_wait3A_806] : memref<40x64xi32, #tpu.memory_space<vmem>> -> memref<1x64xi32, #tpu.memory_space<vmem>>
    %dma_wait3A_808 = tpu.memref_squeeze %dma_wait3A_807 : memref<1x64xi32, #tpu.memory_space<vmem>> -> memref<64xi32, #tpu.memory_space<vmem>>
    %dma_wait3A_809 = arith.constant 0 : i32
    %dma_wait3A_810 = tpu.memref_slice %arg28[%dma_wait3A_809] : memref<10240xf32, #tpu.memory_space<vmem_shared>> -> memref<10240xf32, #tpu.memory_space<vmem_shared>>
    tpu.wait_indirect_dma semaphore(%arg24 : memref<!tpu.dma_semaphore, #tpu.memory_space<semaphore_mem>>) src(%arg13 : memref<64xf32, #tpu.memory_space<vmem>>) dst(%dma_wait3A_810 : memref<10240xf32, #tpu.memory_space<vmem_shared>>)
    %rem3A_811 = arith.constant 5 : i32
    %rem3A_812 = arith.constant 40 : i32
    %rem3A_813 = arith.remsi %rem3A_811, %rem3A_812 : i32
    %dma_start3A_814 = arith.constant 0 : i32
    %dma_start3A_815 = tpu.memref_slice %arg7[%rem3A_813, %dma_start3A_814] : memref<40x64xi32, #tpu.memory_space<vmem>> -> memref<1x64xi32, #tpu.memory_space<vmem>>
    %dma_start3A_816 = tpu.memref_squeeze %dma_start3A_815 : memref<1x64xi32, #tpu.memory_space<vmem>> -> memref<64xi32, #tpu.memory_space<vmem>>
    %dma_start3A_817 = arith.constant 0 : i32
    %dma_start3A_818 = arith.constant 0 : i32
    %dma_start3A_819 = tpu.memref_slice %arg4[%dma_start3A_817, %dma_start3A_818] : memref<50000x128xf32, #tpu.memory_space<hbm>> -> memref<50000x128xf32, #tpu.memory_space<hbm>>
    tpu.enqueue_indirect_dma source(%dma_start3A_819 : memref<50000x128xf32, #tpu.memory_space<hbm>>) target(%arg10 : memref<64x128xf32, #tpu.memory_space<vmem>>) offsets(%dma_start3A_816 : memref<64xi32, #tpu.memory_space<vmem>>) semaphore(%arg16 : memref<!tpu.dma_semaphore, #tpu.memory_space<semaphore_mem>>)
    %dma_wait3A_820 = arith.constant 3 : i32
    %dma_wait3A_821 = arith.constant 0 : i32
    %dma_wait3A_822 = tpu.memref_slice %arg7[%dma_wait3A_820, %dma_wait3A_821] : memref<40x64xi32, #tpu.memory_space<vmem>> -> memref<1x64xi32, #tpu.memory_space<vmem>>
    %dma_wait3A_823 = tpu.memref_squeeze %dma_wait3A_822 : memref<1x64xi32, #tpu.memory_space<vmem>> -> memref<64xi32, #tpu.memory_space<vmem>>
    %dma_wait3A_824 = arith.constant 0 : i32
    %dma_wait3A_825 = arith.constant 0 : i32
    %dma_wait3A_826 = tpu.memref_slice %arg4[%dma_wait3A_824, %dma_wait3A_825] : memref<50000x128xf32, #tpu.memory_space<hbm>> -> memref<50000x128xf32, #tpu.memory_space<hbm>>
    tpu.wait_indirect_dma semaphore(%arg18 : memref<!tpu.dma_semaphore, #tpu.memory_space<semaphore_mem>>) src(%dma_wait3A_826 : memref<50000x128xf32, #tpu.memory_space<hbm>>) dst(%arg12 : memref<64x128xf32, #tpu.memory_space<vmem>>)
    %dma_start3A_827 = arith.constant 3 : i32
    %dma_start3A_828 = arith.constant 0 : i32
    %dma_start3A_829 = tpu.memref_slice %arg8[%dma_start3A_827, %dma_start3A_828] : memref<40x64xi32, #tpu.memory_space<vmem>> -> memref<1x64xi32, #tpu.memory_space<vmem>>
    %dma_start3A_830 = tpu.memref_squeeze %dma_start3A_829 : memref<1x64xi32, #tpu.memory_space<vmem>> -> memref<64xi32, #tpu.memory_space<vmem>>
    %dma_start3A_831 = arith.constant 0 : i32
    %dma_start3A_832 = arith.constant 0 : i32
    %dma_start3A_833 = tpu.memref_slice %arg27[%dma_start3A_831, %dma_start3A_832] : memref<10240x128xf32, #tpu.memory_space<vmem_shared>> -> memref<10240x128xf32, #tpu.memory_space<vmem_shared>>
    tpu.enqueue_indirect_dma source(%arg12 : memref<64x128xf32, #tpu.memory_space<vmem>>) target(%dma_start3A_833 : memref<10240x128xf32, #tpu.memory_space<vmem_shared>>) offsets(%dma_start3A_830 : memref<64xi32, #tpu.memory_space<vmem>>) semaphore(%arg22 : memref<!tpu.dma_semaphore, #tpu.memory_space<semaphore_mem>>) {add = true}
    %dma_start3A_834 = arith.constant 3 : i32
    %dma_start3A_835 = arith.constant 0 : i32
    %dma_start3A_836 = tpu.memref_slice %arg8[%dma_start3A_834, %dma_start3A_835] : memref<40x64xi32, #tpu.memory_space<vmem>> -> memref<1x64xi32, #tpu.memory_space<vmem>>
    %dma_start3A_837 = tpu.memref_squeeze %dma_start3A_836 : memref<1x64xi32, #tpu.memory_space<vmem>> -> memref<64xi32, #tpu.memory_space<vmem>>
    %dma_start3A_838 = arith.constant 0 : i32
    %dma_start3A_839 = tpu.memref_slice %arg28[%dma_start3A_838] : memref<10240xf32, #tpu.memory_space<vmem_shared>> -> memref<10240xf32, #tpu.memory_space<vmem_shared>>
    tpu.enqueue_indirect_dma source(%arg13 : memref<64xf32, #tpu.memory_space<vmem>>) target(%dma_start3A_839 : memref<10240xf32, #tpu.memory_space<vmem_shared>>) offsets(%dma_start3A_837 : memref<64xi32, #tpu.memory_space<vmem>>) semaphore(%arg26 : memref<!tpu.dma_semaphore, #tpu.memory_space<semaphore_mem>>) {add = true}
    %dma_wait3A_840 = arith.constant 2 : i32
    %dma_wait3A_841 = arith.constant 0 : i32
    %dma_wait3A_842 = tpu.memref_slice %arg8[%dma_wait3A_840, %dma_wait3A_841] : memref<40x64xi32, #tpu.memory_space<vmem>> -> memref<1x64xi32, #tpu.memory_space<vmem>>
    %dma_wait3A_843 = tpu.memref_squeeze %dma_wait3A_842 : memref<1x64xi32, #tpu.memory_space<vmem>> -> memref<64xi32, #tpu.memory_space<vmem>>
    %dma_wait3A_844 = arith.constant 0 : i32
    %dma_wait3A_845 = arith.constant 0 : i32
    %dma_wait3A_846 = tpu.memref_slice %arg27[%dma_wait3A_844, %dma_wait3A_845] : memref<10240x128xf32, #tpu.memory_space<vmem_shared>> -> memref<10240x128xf32, #tpu.memory_space<vmem_shared>>
    tpu.wait_indirect_dma semaphore(%arg21 : memref<!tpu.dma_semaphore, #tpu.memory_space<semaphore_mem>>) src(%arg11 : memref<64x128xf32, #tpu.memory_space<vmem>>) dst(%dma_wait3A_846 : memref<10240x128xf32, #tpu.memory_space<vmem_shared>>)
    %dma_wait3A_847 = arith.constant 2 : i32
    %dma_wait3A_848 = arith.constant 0 : i32
    %dma_wait3A_849 = tpu.memref_slice %arg8[%dma_wait3A_847, %dma_wait3A_848] : memref<40x64xi32, #tpu.memory_space<vmem>> -> memref<1x64xi32, #tpu.memory_space<vmem>>
    %dma_wait3A_850 = tpu.memref_squeeze %dma_wait3A_849 : memref<1x64xi32, #tpu.memory_space<vmem>> -> memref<64xi32, #tpu.memory_space<vmem>>
    %dma_wait3A_851 = arith.constant 0 : i32
    %dma_wait3A_852 = tpu.memref_slice %arg28[%dma_wait3A_851] : memref<10240xf32, #tpu.memory_space<vmem_shared>> -> memref<10240xf32, #tpu.memory_space<vmem_shared>>
    tpu.wait_indirect_dma semaphore(%arg25 : memref<!tpu.dma_semaphore, #tpu.memory_space<semaphore_mem>>) src(%arg13 : memref<64xf32, #tpu.memory_space<vmem>>) dst(%dma_wait3A_852 : memref<10240xf32, #tpu.memory_space<vmem_shared>>)
    %rem3A_853 = arith.constant 6 : i32
    %rem3A_854 = arith.constant 40 : i32
    %rem3A_855 = arith.remsi %rem3A_853, %rem3A_854 : i32
    %dma_start3A_856 = arith.constant 0 : i32
    %dma_start3A_857 = tpu.memref_slice %arg7[%rem3A_855, %dma_start3A_856] : memref<40x64xi32, #tpu.memory_space<vmem>> -> memref<1x64xi32, #tpu.memory_space<vmem>>
    %dma_start3A_858 = tpu.memref_squeeze %dma_start3A_857 : memref<1x64xi32, #tpu.memory_space<vmem>> -> memref<64xi32, #tpu.memory_space<vmem>>
    %dma_start3A_859 = arith.constant 0 : i32
    %dma_start3A_860 = arith.constant 0 : i32
    %dma_start3A_861 = tpu.memref_slice %arg4[%dma_start3A_859, %dma_start3A_860] : memref<50000x128xf32, #tpu.memory_space<hbm>> -> memref<50000x128xf32, #tpu.memory_space<hbm>>
    tpu.enqueue_indirect_dma source(%dma_start3A_861 : memref<50000x128xf32, #tpu.memory_space<hbm>>) target(%arg11 : memref<64x128xf32, #tpu.memory_space<vmem>>) offsets(%dma_start3A_858 : memref<64xi32, #tpu.memory_space<vmem>>) semaphore(%arg17 : memref<!tpu.dma_semaphore, #tpu.memory_space<semaphore_mem>>)
    %scan3A_862 = arith.constant 0 : i32
    %scan3A_863 = arith.constant 1 : i32
    %scan3A_864 = arith.constant 9 : i32
    %scan3A_865 = arith.addi %scan3A_863, %scan3A_864 : i32
    %scan3A_866 = arith.constant 1 : i32
    %scan3A_867 = scf.for %scan3A_912 = %scan3A_863 to %scan3A_865 step %scan3A_866 iter_args(%scan3A_913 = %scan3A_862) -> (i32)  : i32 {
      %mul3A_914 = arith.constant 4 : i32
      %mul3A_915 = arith.muli %scan3A_912, %mul3A_914 : i32
      %add3A_916 = arith.constant 0 : i32
      %add3A_917 = arith.addi %mul3A_915, %add3A_916 : i32
      %dma_wait3A_918 = arith.constant 0 : i32
      %dma_wait3A_919 = tpu.memref_slice %arg7[%add3A_917, %dma_wait3A_918] : memref<40x64xi32, #tpu.memory_space<vmem>> -> memref<1x64xi32, #tpu.memory_space<vmem>>
      %dma_wait3A_920 = tpu.memref_squeeze %dma_wait3A_919 : memref<1x64xi32, #tpu.memory_space<vmem>> -> memref<64xi32, #tpu.memory_space<vmem>>
      %dma_wait3A_921 = arith.constant 0 : i32
      %dma_wait3A_922 = arith.constant 0 : i32
      %dma_wait3A_923 = tpu.memref_slice %arg4[%dma_wait3A_921, %dma_wait3A_922] : memref<50000x128xf32, #tpu.memory_space<hbm>> -> memref<50000x128xf32, #tpu.memory_space<hbm>>
      tpu.wait_indirect_dma semaphore(%arg15 : memref<!tpu.dma_semaphore, #tpu.memory_space<semaphore_mem>>) src(%dma_wait3A_923 : memref<50000x128xf32, #tpu.memory_space<hbm>>) dst(%arg9 : memref<64x128xf32, #tpu.memory_space<vmem>>)
      %dma_start3A_924 = arith.constant 0 : i32
      %dma_start3A_925 = tpu.memref_slice %arg8[%add3A_917, %dma_start3A_924] : memref<40x64xi32, #tpu.memory_space<vmem>> -> memref<1x64xi32, #tpu.memory_space<vmem>>
      %dma_start3A_926 = tpu.memref_squeeze %dma_start3A_925 : memref<1x64xi32, #tpu.memory_space<vmem>> -> memref<64xi32, #tpu.memory_space<vmem>>
      %dma_start3A_927 = arith.constant 0 : i32
      %dma_start3A_928 = arith.constant 0 : i32
      %dma_start3A_929 = tpu.memref_slice %arg27[%dma_start3A_927, %dma_start3A_928] : memref<10240x128xf32, #tpu.memory_space<vmem_shared>> -> memref<10240x128xf32, #tpu.memory_space<vmem_shared>>
      tpu.enqueue_indirect_dma source(%arg9 : memref<64x128xf32, #tpu.memory_space<vmem>>) target(%dma_start3A_929 : memref<10240x128xf32, #tpu.memory_space<vmem_shared>>) offsets(%dma_start3A_926 : memref<64xi32, #tpu.memory_space<vmem>>) semaphore(%arg19 : memref<!tpu.dma_semaphore, #tpu.memory_space<semaphore_mem>>) {add = true}
      %dma_start3A_930 = arith.constant 0 : i32
      %dma_start3A_931 = tpu.memref_slice %arg8[%add3A_917, %dma_start3A_930] : memref<40x64xi32, #tpu.memory_space<vmem>> -> memref<1x64xi32, #tpu.memory_space<vmem>>
      %dma_start3A_932 = tpu.memref_squeeze %dma_start3A_931 : memref<1x64xi32, #tpu.memory_space<vmem>> -> memref<64xi32, #tpu.memory_space<vmem>>
      %dma_start3A_933 = arith.constant 0 : i32
      %dma_start3A_934 = tpu.memref_slice %arg28[%dma_start3A_933] : memref<10240xf32, #tpu.memory_space<vmem_shared>> -> memref<10240xf32, #tpu.memory_space<vmem_shared>>
      tpu.enqueue_indirect_dma source(%arg13 : memref<64xf32, #tpu.memory_space<vmem>>) target(%dma_start3A_934 : memref<10240xf32, #tpu.memory_space<vmem_shared>>) offsets(%dma_start3A_932 : memref<64xi32, #tpu.memory_space<vmem>>) semaphore(%arg23 : memref<!tpu.dma_semaphore, #tpu.memory_space<semaphore_mem>>) {add = true}
      %sub3A = arith.constant 1 : i32
      %sub3A_935 = arith.subi %add3A_917, %sub3A : i32
      %dma_wait3A_936 = arith.constant 0 : i32
      %dma_wait3A_937 = tpu.memref_slice %arg8[%sub3A_935, %dma_wait3A_936] : memref<40x64xi32, #tpu.memory_space<vmem>> -> memref<1x64xi32, #tpu.memory_space<vmem>>
      %dma_wait3A_938 = tpu.memref_squeeze %dma_wait3A_937 : memref<1x64xi32, #tpu.memory_space<vmem>> -> memref<64xi32, #tpu.memory_space<vmem>>
      %dma_wait3A_939 = arith.constant 0 : i32
      %dma_wait3A_940 = arith.constant 0 : i32
      %dma_wait3A_941 = tpu.memref_slice %arg27[%dma_wait3A_939, %dma_wait3A_940] : memref<10240x128xf32, #tpu.memory_space<vmem_shared>> -> memref<10240x128xf32, #tpu.memory_space<vmem_shared>>
      tpu.wait_indirect_dma semaphore(%arg22 : memref<!tpu.dma_semaphore, #tpu.memory_space<semaphore_mem>>) src(%arg12 : memref<64x128xf32, #tpu.memory_space<vmem>>) dst(%dma_wait3A_941 : memref<10240x128xf32, #tpu.memory_space<vmem_shared>>)
      %dma_wait3A_942 = arith.constant 0 : i32
      %dma_wait3A_943 = tpu.memref_slice %arg8[%sub3A_935, %dma_wait3A_942] : memref<40x64xi32, #tpu.memory_space<vmem>> -> memref<1x64xi32, #tpu.memory_space<vmem>>
      %dma_wait3A_944 = tpu.memref_squeeze %dma_wait3A_943 : memref<1x64xi32, #tpu.memory_space<vmem>> -> memref<64xi32, #tpu.memory_space<vmem>>
      %dma_wait3A_945 = arith.constant 0 : i32
      %dma_wait3A_946 = tpu.memref_slice %arg28[%dma_wait3A_945] : memref<10240xf32, #tpu.memory_space<vmem_shared>> -> memref<10240xf32, #tpu.memory_space<vmem_shared>>
      tpu.wait_indirect_dma semaphore(%arg26 : memref<!tpu.dma_semaphore, #tpu.memory_space<semaphore_mem>>) src(%arg13 : memref<64xf32, #tpu.memory_space<vmem>>) dst(%dma_wait3A_946 : memref<10240xf32, #tpu.memory_space<vmem_shared>>)
      %add3A_947 = arith.constant 4 : i32
      %add3A_948 = arith.addi %sub3A_935, %add3A_947 : i32
      %rem3A_949 = arith.constant 40 : i32
      %rem3A_950 = arith.remsi %add3A_948, %rem3A_949 : i32
      %dma_start3A_951 = arith.constant 0 : i32
      %dma_start3A_952 = tpu.memref_slice %arg7[%rem3A_950, %dma_start3A_951] : memref<40x64xi32, #tpu.memory_space<vmem>> -> memref<1x64xi32, #tpu.memory_space<vmem>>
      %dma_start3A_953 = tpu.memref_squeeze %dma_start3A_952 : memref<1x64xi32, #tpu.memory_space<vmem>> -> memref<64xi32, #tpu.memory_space<vmem>>
      %dma_start3A_954 = arith.constant 0 : i32
      %dma_start3A_955 = arith.constant 0 : i32
      %dma_start3A_956 = tpu.memref_slice %arg4[%dma_start3A_954, %dma_start3A_955] : memref<50000x128xf32, #tpu.memory_space<hbm>> -> memref<50000x128xf32, #tpu.memory_space<hbm>>
      tpu.enqueue_indirect_dma source(%dma_start3A_956 : memref<50000x128xf32, #tpu.memory_space<hbm>>) target(%arg12 : memref<64x128xf32, #tpu.memory_space<vmem>>) offsets(%dma_start3A_953 : memref<64xi32, #tpu.memory_space<vmem>>) semaphore(%arg18 : memref<!tpu.dma_semaphore, #tpu.memory_space<semaphore_mem>>)
      %add3A_957 = arith.constant 1 : i32
      %add3A_958 = arith.addi %mul3A_915, %add3A_957 : i32
      %dma_wait3A_959 = arith.constant 0 : i32
      %dma_wait3A_960 = tpu.memref_slice %arg7[%add3A_958, %dma_wait3A_959] : memref<40x64xi32, #tpu.memory_space<vmem>> -> memref<1x64xi32, #tpu.memory_space<vmem>>
      %dma_wait3A_961 = tpu.memref_squeeze %dma_wait3A_960 : memref<1x64xi32, #tpu.memory_space<vmem>> -> memref<64xi32, #tpu.memory_space<vmem>>
      %dma_wait3A_962 = arith.constant 0 : i32
      %dma_wait3A_963 = arith.constant 0 : i32
      %dma_wait3A_964 = tpu.memref_slice %arg4[%dma_wait3A_962, %dma_wait3A_963] : memref<50000x128xf32, #tpu.memory_space<hbm>> -> memref<50000x128xf32, #tpu.memory_space<hbm>>
      tpu.wait_indirect_dma semaphore(%arg16 : memref<!tpu.dma_semaphore, #tpu.memory_space<semaphore_mem>>) src(%dma_wait3A_964 : memref<50000x128xf32, #tpu.memory_space<hbm>>) dst(%arg10 : memref<64x128xf32, #tpu.memory_space<vmem>>)
      %dma_start3A_965 = arith.constant 0 : i32
      %dma_start3A_966 = tpu.memref_slice %arg8[%add3A_958, %dma_start3A_965] : memref<40x64xi32, #tpu.memory_space<vmem>> -> memref<1x64xi32, #tpu.memory_space<vmem>>
      %dma_start3A_967 = tpu.memref_squeeze %dma_start3A_966 : memref<1x64xi32, #tpu.memory_space<vmem>> -> memref<64xi32, #tpu.memory_space<vmem>>
      %dma_start3A_968 = arith.constant 0 : i32
      %dma_start3A_969 = arith.constant 0 : i32
      %dma_start3A_970 = tpu.memref_slice %arg27[%dma_start3A_968, %dma_start3A_969] : memref<10240x128xf32, #tpu.memory_space<vmem_shared>> -> memref<10240x128xf32, #tpu.memory_space<vmem_shared>>
      tpu.enqueue_indirect_dma source(%arg10 : memref<64x128xf32, #tpu.memory_space<vmem>>) target(%dma_start3A_970 : memref<10240x128xf32, #tpu.memory_space<vmem_shared>>) offsets(%dma_start3A_967 : memref<64xi32, #tpu.memory_space<vmem>>) semaphore(%arg20 : memref<!tpu.dma_semaphore, #tpu.memory_space<semaphore_mem>>) {add = true}
      %dma_start3A_971 = arith.constant 0 : i32
      %dma_start3A_972 = tpu.memref_slice %arg8[%add3A_958, %dma_start3A_971] : memref<40x64xi32, #tpu.memory_space<vmem>> -> memref<1x64xi32, #tpu.memory_space<vmem>>
      %dma_start3A_973 = tpu.memref_squeeze %dma_start3A_972 : memref<1x64xi32, #tpu.memory_space<vmem>> -> memref<64xi32, #tpu.memory_space<vmem>>
      %dma_start3A_974 = arith.constant 0 : i32
      %dma_start3A_975 = tpu.memref_slice %arg28[%dma_start3A_974] : memref<10240xf32, #tpu.memory_space<vmem_shared>> -> memref<10240xf32, #tpu.memory_space<vmem_shared>>
      tpu.enqueue_indirect_dma source(%arg13 : memref<64xf32, #tpu.memory_space<vmem>>) target(%dma_start3A_975 : memref<10240xf32, #tpu.memory_space<vmem_shared>>) offsets(%dma_start3A_973 : memref<64xi32, #tpu.memory_space<vmem>>) semaphore(%arg24 : memref<!tpu.dma_semaphore, #tpu.memory_space<semaphore_mem>>) {add = true}
      %sub3A_976 = arith.constant 1 : i32
      %sub3A_977 = arith.subi %add3A_958, %sub3A_976 : i32
      %dma_wait3A_978 = arith.constant 0 : i32
      %dma_wait3A_979 = tpu.memref_slice %arg8[%sub3A_977, %dma_wait3A_978] : memref<40x64xi32, #tpu.memory_space<vmem>> -> memref<1x64xi32, #tpu.memory_space<vmem>>
      %dma_wait3A_980 = tpu.memref_squeeze %dma_wait3A_979 : memref<1x64xi32, #tpu.memory_space<vmem>> -> memref<64xi32, #tpu.memory_space<vmem>>
      %dma_wait3A_981 = arith.constant 0 : i32
      %dma_wait3A_982 = arith.constant 0 : i32
      %dma_wait3A_983 = tpu.memref_slice %arg27[%dma_wait3A_981, %dma_wait3A_982] : memref<10240x128xf32, #tpu.memory_space<vmem_shared>> -> memref<10240x128xf32, #tpu.memory_space<vmem_shared>>
      tpu.wait_indirect_dma semaphore(%arg19 : memref<!tpu.dma_semaphore, #tpu.memory_space<semaphore_mem>>) src(%arg9 : memref<64x128xf32, #tpu.memory_space<vmem>>) dst(%dma_wait3A_983 : memref<10240x128xf32, #tpu.memory_space<vmem_shared>>)
      %dma_wait3A_984 = arith.constant 0 : i32
      %dma_wait3A_985 = tpu.memref_slice %arg8[%sub3A_977, %dma_wait3A_984] : memref<40x64xi32, #tpu.memory_space<vmem>> -> memref<1x64xi32, #tpu.memory_space<vmem>>
      %dma_wait3A_986 = tpu.memref_squeeze %dma_wait3A_985 : memref<1x64xi32, #tpu.memory_space<vmem>> -> memref<64xi32, #tpu.memory_space<vmem>>
      %dma_wait3A_987 = arith.constant 0 : i32
      %dma_wait3A_988 = tpu.memref_slice %arg28[%dma_wait3A_987] : memref<10240xf32, #tpu.memory_space<vmem_shared>> -> memref<10240xf32, #tpu.memory_space<vmem_shared>>
      tpu.wait_indirect_dma semaphore(%arg23 : memref<!tpu.dma_semaphore, #tpu.memory_space<semaphore_mem>>) src(%arg13 : memref<64xf32, #tpu.memory_space<vmem>>) dst(%dma_wait3A_988 : memref<10240xf32, #tpu.memory_space<vmem_shared>>)
      %add3A_989 = arith.constant 4 : i32
      %add3A_990 = arith.addi %sub3A_977, %add3A_989 : i32
      %rem3A_991 = arith.constant 40 : i32
      %rem3A_992 = arith.remsi %add3A_990, %rem3A_991 : i32
      %dma_start3A_993 = arith.constant 0 : i32
      %dma_start3A_994 = tpu.memref_slice %arg7[%rem3A_992, %dma_start3A_993] : memref<40x64xi32, #tpu.memory_space<vmem>> -> memref<1x64xi32, #tpu.memory_space<vmem>>
      %dma_start3A_995 = tpu.memref_squeeze %dma_start3A_994 : memref<1x64xi32, #tpu.memory_space<vmem>> -> memref<64xi32, #tpu.memory_space<vmem>>
      %dma_start3A_996 = arith.constant 0 : i32
      %dma_start3A_997 = arith.constant 0 : i32
      %dma_start3A_998 = tpu.memref_slice %arg4[%dma_start3A_996, %dma_start3A_997] : memref<50000x128xf32, #tpu.memory_space<hbm>> -> memref<50000x128xf32, #tpu.memory_space<hbm>>
      tpu.enqueue_indirect_dma source(%dma_start3A_998 : memref<50000x128xf32, #tpu.memory_space<hbm>>) target(%arg9 : memref<64x128xf32, #tpu.memory_space<vmem>>) offsets(%dma_start3A_995 : memref<64xi32, #tpu.memory_space<vmem>>) semaphore(%arg15 : memref<!tpu.dma_semaphore, #tpu.memory_space<semaphore_mem>>)
      %add3A_999 = arith.constant 2 : i32
      %add3A_1000 = arith.addi %mul3A_915, %add3A_999 : i32
      %dma_wait3A_1001 = arith.constant 0 : i32
      %dma_wait3A_1002 = tpu.memref_slice %arg7[%add3A_1000, %dma_wait3A_1001] : memref<40x64xi32, #tpu.memory_space<vmem>> -> memref<1x64xi32, #tpu.memory_space<vmem>>
      %dma_wait3A_1003 = tpu.memref_squeeze %dma_wait3A_1002 : memref<1x64xi32, #tpu.memory_space<vmem>> -> memref<64xi32, #tpu.memory_space<vmem>>
      %dma_wait3A_1004 = arith.constant 0 : i32
      %dma_wait3A_1005 = arith.constant 0 : i32
      %dma_wait3A_1006 = tpu.memref_slice %arg4[%dma_wait3A_1004, %dma_wait3A_1005] : memref<50000x128xf32, #tpu.memory_space<hbm>> -> memref<50000x128xf32, #tpu.memory_space<hbm>>
      tpu.wait_indirect_dma semaphore(%arg17 : memref<!tpu.dma_semaphore, #tpu.memory_space<semaphore_mem>>) src(%dma_wait3A_1006 : memref<50000x128xf32, #tpu.memory_space<hbm>>) dst(%arg11 : memref<64x128xf32, #tpu.memory_space<vmem>>)
      %dma_start3A_1007 = arith.constant 0 : i32
      %dma_start3A_1008 = tpu.memref_slice %arg8[%add3A_1000, %dma_start3A_1007] : memref<40x64xi32, #tpu.memory_space<vmem>> -> memref<1x64xi32, #tpu.memory_space<vmem>>
      %dma_start3A_1009 = tpu.memref_squeeze %dma_start3A_1008 : memref<1x64xi32, #tpu.memory_space<vmem>> -> memref<64xi32, #tpu.memory_space<vmem>>
      %dma_start3A_1010 = arith.constant 0 : i32
      %dma_start3A_1011 = arith.constant 0 : i32
      %dma_start3A_1012 = tpu.memref_slice %arg27[%dma_start3A_1010, %dma_start3A_1011] : memref<10240x128xf32, #tpu.memory_space<vmem_shared>> -> memref<10240x128xf32, #tpu.memory_space<vmem_shared>>
      tpu.enqueue_indirect_dma source(%arg11 : memref<64x128xf32, #tpu.memory_space<vmem>>) target(%dma_start3A_1012 : memref<10240x128xf32, #tpu.memory_space<vmem_shared>>) offsets(%dma_start3A_1009 : memref<64xi32, #tpu.memory_space<vmem>>) semaphore(%arg21 : memref<!tpu.dma_semaphore, #tpu.memory_space<semaphore_mem>>) {add = true}
      %dma_start3A_1013 = arith.constant 0 : i32
      %dma_start3A_1014 = tpu.memref_slice %arg8[%add3A_1000, %dma_start3A_1013] : memref<40x64xi32, #tpu.memory_space<vmem>> -> memref<1x64xi32, #tpu.memory_space<vmem>>
      %dma_start3A_1015 = tpu.memref_squeeze %dma_start3A_1014 : memref<1x64xi32, #tpu.memory_space<vmem>> -> memref<64xi32, #tpu.memory_space<vmem>>
      %dma_start3A_1016 = arith.constant 0 : i32
      %dma_start3A_1017 = tpu.memref_slice %arg28[%dma_start3A_1016] : memref<10240xf32, #tpu.memory_space<vmem_shared>> -> memref<10240xf32, #tpu.memory_space<vmem_shared>>
      tpu.enqueue_indirect_dma source(%arg13 : memref<64xf32, #tpu.memory_space<vmem>>) target(%dma_start3A_1017 : memref<10240xf32, #tpu.memory_space<vmem_shared>>) offsets(%dma_start3A_1015 : memref<64xi32, #tpu.memory_space<vmem>>) semaphore(%arg25 : memref<!tpu.dma_semaphore, #tpu.memory_space<semaphore_mem>>) {add = true}
      %sub3A_1018 = arith.constant 1 : i32
      %sub3A_1019 = arith.subi %add3A_1000, %sub3A_1018 : i32
      %dma_wait3A_1020 = arith.constant 0 : i32
      %dma_wait3A_1021 = tpu.memref_slice %arg8[%sub3A_1019, %dma_wait3A_1020] : memref<40x64xi32, #tpu.memory_space<vmem>> -> memref<1x64xi32, #tpu.memory_space<vmem>>
      %dma_wait3A_1022 = tpu.memref_squeeze %dma_wait3A_1021 : memref<1x64xi32, #tpu.memory_space<vmem>> -> memref<64xi32, #tpu.memory_space<vmem>>
      %dma_wait3A_1023 = arith.constant 0 : i32
      %dma_wait3A_1024 = arith.constant 0 : i32
      %dma_wait3A_1025 = tpu.memref_slice %arg27[%dma_wait3A_1023, %dma_wait3A_1024] : memref<10240x128xf32, #tpu.memory_space<vmem_shared>> -> memref<10240x128xf32, #tpu.memory_space<vmem_shared>>
      tpu.wait_indirect_dma semaphore(%arg20 : memref<!tpu.dma_semaphore, #tpu.memory_space<semaphore_mem>>) src(%arg10 : memref<64x128xf32, #tpu.memory_space<vmem>>) dst(%dma_wait3A_1025 : memref<10240x128xf32, #tpu.memory_space<vmem_shared>>)
      %dma_wait3A_1026 = arith.constant 0 : i32
      %dma_wait3A_1027 = tpu.memref_slice %arg8[%sub3A_1019, %dma_wait3A_1026] : memref<40x64xi32, #tpu.memory_space<vmem>> -> memref<1x64xi32, #tpu.memory_space<vmem>>
      %dma_wait3A_1028 = tpu.memref_squeeze %dma_wait3A_1027 : memref<1x64xi32, #tpu.memory_space<vmem>> -> memref<64xi32, #tpu.memory_space<vmem>>
      %dma_wait3A_1029 = arith.constant 0 : i32
      %dma_wait3A_1030 = tpu.memref_slice %arg28[%dma_wait3A_1029] : memref<10240xf32, #tpu.memory_space<vmem_shared>> -> memref<10240xf32, #tpu.memory_space<vmem_shared>>
      tpu.wait_indirect_dma semaphore(%arg24 : memref<!tpu.dma_semaphore, #tpu.memory_space<semaphore_mem>>) src(%arg13 : memref<64xf32, #tpu.memory_space<vmem>>) dst(%dma_wait3A_1030 : memref<10240xf32, #tpu.memory_space<vmem_shared>>)
      %add3A_1031 = arith.constant 4 : i32
      %add3A_1032 = arith.addi %sub3A_1019, %add3A_1031 : i32
      %rem3A_1033 = arith.constant 40 : i32
      %rem3A_1034 = arith.remsi %add3A_1032, %rem3A_1033 : i32
      %dma_start3A_1035 = arith.constant 0 : i32
      %dma_start3A_1036 = tpu.memref_slice %arg7[%rem3A_1034, %dma_start3A_1035] : memref<40x64xi32, #tpu.memory_space<vmem>> -> memref<1x64xi32, #tpu.memory_space<vmem>>
      %dma_start3A_1037 = tpu.memref_squeeze %dma_start3A_1036 : memref<1x64xi32, #tpu.memory_space<vmem>> -> memref<64xi32, #tpu.memory_space<vmem>>
      %dma_start3A_1038 = arith.constant 0 : i32
      %dma_start3A_1039 = arith.constant 0 : i32
      %dma_start3A_1040 = tpu.memref_slice %arg4[%dma_start3A_1038, %dma_start3A_1039] : memref<50000x128xf32, #tpu.memory_space<hbm>> -> memref<50000x128xf32, #tpu.memory_space<hbm>>
      tpu.enqueue_indirect_dma source(%dma_start3A_1040 : memref<50000x128xf32, #tpu.memory_space<hbm>>) target(%arg10 : memref<64x128xf32, #tpu.memory_space<vmem>>) offsets(%dma_start3A_1037 : memref<64xi32, #tpu.memory_space<vmem>>) semaphore(%arg16 : memref<!tpu.dma_semaphore, #tpu.memory_space<semaphore_mem>>)
      %add3A_1041 = arith.constant 3 : i32
      %add3A_1042 = arith.addi %mul3A_915, %add3A_1041 : i32
      %dma_wait3A_1043 = arith.constant 0 : i32
      %dma_wait3A_1044 = tpu.memref_slice %arg7[%add3A_1042, %dma_wait3A_1043] : memref<40x64xi32, #tpu.memory_space<vmem>> -> memref<1x64xi32, #tpu.memory_space<vmem>>
      %dma_wait3A_1045 = tpu.memref_squeeze %dma_wait3A_1044 : memref<1x64xi32, #tpu.memory_space<vmem>> -> memref<64xi32, #tpu.memory_space<vmem>>
      %dma_wait3A_1046 = arith.constant 0 : i32
      %dma_wait3A_1047 = arith.constant 0 : i32
      %dma_wait3A_1048 = tpu.memref_slice %arg4[%dma_wait3A_1046, %dma_wait3A_1047] : memref<50000x128xf32, #tpu.memory_space<hbm>> -> memref<50000x128xf32, #tpu.memory_space<hbm>>
      tpu.wait_indirect_dma semaphore(%arg18 : memref<!tpu.dma_semaphore, #tpu.memory_space<semaphore_mem>>) src(%dma_wait3A_1048 : memref<50000x128xf32, #tpu.memory_space<hbm>>) dst(%arg12 : memref<64x128xf32, #tpu.memory_space<vmem>>)
      %dma_start3A_1049 = arith.constant 0 : i32
      %dma_start3A_1050 = tpu.memref_slice %arg8[%add3A_1042, %dma_start3A_1049] : memref<40x64xi32, #tpu.memory_space<vmem>> -> memref<1x64xi32, #tpu.memory_space<vmem>>
      %dma_start3A_1051 = tpu.memref_squeeze %dma_start3A_1050 : memref<1x64xi32, #tpu.memory_space<vmem>> -> memref<64xi32, #tpu.memory_space<vmem>>
      %dma_start3A_1052 = arith.constant 0 : i32
      %dma_start3A_1053 = arith.constant 0 : i32
      %dma_start3A_1054 = tpu.memref_slice %arg27[%dma_start3A_1052, %dma_start3A_1053] : memref<10240x128xf32, #tpu.memory_space<vmem_shared>> -> memref<10240x128xf32, #tpu.memory_space<vmem_shared>>
      tpu.enqueue_indirect_dma source(%arg12 : memref<64x128xf32, #tpu.memory_space<vmem>>) target(%dma_start3A_1054 : memref<10240x128xf32, #tpu.memory_space<vmem_shared>>) offsets(%dma_start3A_1051 : memref<64xi32, #tpu.memory_space<vmem>>) semaphore(%arg22 : memref<!tpu.dma_semaphore, #tpu.memory_space<semaphore_mem>>) {add = true}
      %dma_start3A_1055 = arith.constant 0 : i32
      %dma_start3A_1056 = tpu.memref_slice %arg8[%add3A_1042, %dma_start3A_1055] : memref<40x64xi32, #tpu.memory_space<vmem>> -> memref<1x64xi32, #tpu.memory_space<vmem>>
      %dma_start3A_1057 = tpu.memref_squeeze %dma_start3A_1056 : memref<1x64xi32, #tpu.memory_space<vmem>> -> memref<64xi32, #tpu.memory_space<vmem>>
      %dma_start3A_1058 = arith.constant 0 : i32
      %dma_start3A_1059 = tpu.memref_slice %arg28[%dma_start3A_1058] : memref<10240xf32, #tpu.memory_space<vmem_shared>> -> memref<10240xf32, #tpu.memory_space<vmem_shared>>
      tpu.enqueue_indirect_dma source(%arg13 : memref<64xf32, #tpu.memory_space<vmem>>) target(%dma_start3A_1059 : memref<10240xf32, #tpu.memory_space<vmem_shared>>) offsets(%dma_start3A_1057 : memref<64xi32, #tpu.memory_space<vmem>>) semaphore(%arg26 : memref<!tpu.dma_semaphore, #tpu.memory_space<semaphore_mem>>) {add = true}
      %sub3A_1060 = arith.constant 1 : i32
      %sub3A_1061 = arith.subi %add3A_1042, %sub3A_1060 : i32
      %dma_wait3A_1062 = arith.constant 0 : i32
      %dma_wait3A_1063 = tpu.memref_slice %arg8[%sub3A_1061, %dma_wait3A_1062] : memref<40x64xi32, #tpu.memory_space<vmem>> -> memref<1x64xi32, #tpu.memory_space<vmem>>
      %dma_wait3A_1064 = tpu.memref_squeeze %dma_wait3A_1063 : memref<1x64xi32, #tpu.memory_space<vmem>> -> memref<64xi32, #tpu.memory_space<vmem>>
      %dma_wait3A_1065 = arith.constant 0 : i32
      %dma_wait3A_1066 = arith.constant 0 : i32
      %dma_wait3A_1067 = tpu.memref_slice %arg27[%dma_wait3A_1065, %dma_wait3A_1066] : memref<10240x128xf32, #tpu.memory_space<vmem_shared>> -> memref<10240x128xf32, #tpu.memory_space<vmem_shared>>
      tpu.wait_indirect_dma semaphore(%arg21 : memref<!tpu.dma_semaphore, #tpu.memory_space<semaphore_mem>>) src(%arg11 : memref<64x128xf32, #tpu.memory_space<vmem>>) dst(%dma_wait3A_1067 : memref<10240x128xf32, #tpu.memory_space<vmem_shared>>)
      %dma_wait3A_1068 = arith.constant 0 : i32
      %dma_wait3A_1069 = tpu.memref_slice %arg8[%sub3A_1061, %dma_wait3A_1068] : memref<40x64xi32, #tpu.memory_space<vmem>> -> memref<1x64xi32, #tpu.memory_space<vmem>>
      %dma_wait3A_1070 = tpu.memref_squeeze %dma_wait3A_1069 : memref<1x64xi32, #tpu.memory_space<vmem>> -> memref<64xi32, #tpu.memory_space<vmem>>
      %dma_wait3A_1071 = arith.constant 0 : i32
      %dma_wait3A_1072 = tpu.memref_slice %arg28[%dma_wait3A_1071] : memref<10240xf32, #tpu.memory_space<vmem_shared>> -> memref<10240xf32, #tpu.memory_space<vmem_shared>>
      tpu.wait_indirect_dma semaphore(%arg25 : memref<!tpu.dma_semaphore, #tpu.memory_space<semaphore_mem>>) src(%arg13 : memref<64xf32, #tpu.memory_space<vmem>>) dst(%dma_wait3A_1072 : memref<10240xf32, #tpu.memory_space<vmem_shared>>)
      %add3A_1073 = arith.constant 4 : i32
      %add3A_1074 = arith.addi %sub3A_1061, %add3A_1073 : i32
      %rem3A_1075 = arith.constant 40 : i32
      %rem3A_1076 = arith.remsi %add3A_1074, %rem3A_1075 : i32
      %dma_start3A_1077 = arith.constant 0 : i32
      %dma_start3A_1078 = tpu.memref_slice %arg7[%rem3A_1076, %dma_start3A_1077] : memref<40x64xi32, #tpu.memory_space<vmem>> -> memref<1x64xi32, #tpu.memory_space<vmem>>
      %dma_start3A_1079 = tpu.memref_squeeze %dma_start3A_1078 : memref<1x64xi32, #tpu.memory_space<vmem>> -> memref<64xi32, #tpu.memory_space<vmem>>
      %dma_start3A_1080 = arith.constant 0 : i32
      %dma_start3A_1081 = arith.constant 0 : i32
      %dma_start3A_1082 = tpu.memref_slice %arg4[%dma_start3A_1080, %dma_start3A_1081] : memref<50000x128xf32, #tpu.memory_space<hbm>> -> memref<50000x128xf32, #tpu.memory_space<hbm>>
      tpu.enqueue_indirect_dma source(%dma_start3A_1082 : memref<50000x128xf32, #tpu.memory_space<hbm>>) target(%arg11 : memref<64x128xf32, #tpu.memory_space<vmem>>) offsets(%dma_start3A_1079 : memref<64xi32, #tpu.memory_space<vmem>>) semaphore(%arg17 : memref<!tpu.dma_semaphore, #tpu.memory_space<semaphore_mem>>)
      %scan3A_1083 = arith.constant 0 : i32
      scf.yield %scan3A_1083 : i32
    }
    %scan3A_868 = arith.constant 9 : i32
    %dma_wait3A_869 = arith.constant 39 : i32
    %dma_wait3A_870 = arith.constant 0 : i32
    %dma_wait3A_871 = tpu.memref_slice %arg8[%dma_wait3A_869, %dma_wait3A_870] : memref<40x64xi32, #tpu.memory_space<vmem>> -> memref<1x64xi32, #tpu.memory_space<vmem>>
    %dma_wait3A_872 = tpu.memref_squeeze %dma_wait3A_871 : memref<1x64xi32, #tpu.memory_space<vmem>> -> memref<64xi32, #tpu.memory_space<vmem>>
    %dma_wait3A_873 = arith.constant 0 : i32
    %dma_wait3A_874 = arith.constant 0 : i32
    %dma_wait3A_875 = tpu.memref_slice %arg27[%dma_wait3A_873, %dma_wait3A_874] : memref<10240x128xf32, #tpu.memory_space<vmem_shared>> -> memref<10240x128xf32, #tpu.memory_space<vmem_shared>>
    tpu.wait_indirect_dma semaphore(%arg22 : memref<!tpu.dma_semaphore, #tpu.memory_space<semaphore_mem>>) src(%arg12 : memref<64x128xf32, #tpu.memory_space<vmem>>) dst(%dma_wait3A_875 : memref<10240x128xf32, #tpu.memory_space<vmem_shared>>)
    %dma_wait3A_876 = arith.constant 39 : i32
    %dma_wait3A_877 = arith.constant 0 : i32
    %dma_wait3A_878 = tpu.memref_slice %arg8[%dma_wait3A_876, %dma_wait3A_877] : memref<40x64xi32, #tpu.memory_space<vmem>> -> memref<1x64xi32, #tpu.memory_space<vmem>>
    %dma_wait3A_879 = tpu.memref_squeeze %dma_wait3A_878 : memref<1x64xi32, #tpu.memory_space<vmem>> -> memref<64xi32, #tpu.memory_space<vmem>>
    %dma_wait3A_880 = arith.constant 0 : i32
    %dma_wait3A_881 = tpu.memref_slice %arg28[%dma_wait3A_880] : memref<10240xf32, #tpu.memory_space<vmem_shared>> -> memref<10240xf32, #tpu.memory_space<vmem_shared>>
    tpu.wait_indirect_dma semaphore(%arg26 : memref<!tpu.dma_semaphore, #tpu.memory_space<semaphore_mem>>) src(%arg13 : memref<64xf32, #tpu.memory_space<vmem>>) dst(%dma_wait3A_881 : memref<10240xf32, #tpu.memory_space<vmem_shared>>)
    %dma_wait3A_882 = arith.constant 0 : i32
    %dma_wait3A_883 = arith.constant 0 : i32
    %dma_wait3A_884 = tpu.memref_slice %arg7[%dma_wait3A_882, %dma_wait3A_883] : memref<40x64xi32, #tpu.memory_space<vmem>> -> memref<1x64xi32, #tpu.memory_space<vmem>>
    %dma_wait3A_885 = tpu.memref_squeeze %dma_wait3A_884 : memref<1x64xi32, #tpu.memory_space<vmem>> -> memref<64xi32, #tpu.memory_space<vmem>>
    %dma_wait3A_886 = arith.constant 0 : i32
    %dma_wait3A_887 = arith.constant 0 : i32
    %dma_wait3A_888 = tpu.memref_slice %arg4[%dma_wait3A_886, %dma_wait3A_887] : memref<50000x128xf32, #tpu.memory_space<hbm>> -> memref<50000x128xf32, #tpu.memory_space<hbm>>
    tpu.wait_indirect_dma semaphore(%arg15 : memref<!tpu.dma_semaphore, #tpu.memory_space<semaphore_mem>>) src(%dma_wait3A_888 : memref<50000x128xf32, #tpu.memory_space<hbm>>) dst(%arg9 : memref<64x128xf32, #tpu.memory_space<vmem>>)
    %dma_wait3A_889 = arith.constant 1 : i32
    %dma_wait3A_890 = arith.constant 0 : i32
    %dma_wait3A_891 = tpu.memref_slice %arg7[%dma_wait3A_889, %dma_wait3A_890] : memref<40x64xi32, #tpu.memory_space<vmem>> -> memref<1x64xi32, #tpu.memory_space<vmem>>
    %dma_wait3A_892 = tpu.memref_squeeze %dma_wait3A_891 : memref<1x64xi32, #tpu.memory_space<vmem>> -> memref<64xi32, #tpu.memory_space<vmem>>
    %dma_wait3A_893 = arith.constant 0 : i32
    %dma_wait3A_894 = arith.constant 0 : i32
    %dma_wait3A_895 = tpu.memref_slice %arg4[%dma_wait3A_893, %dma_wait3A_894] : memref<50000x128xf32, #tpu.memory_space<hbm>> -> memref<50000x128xf32, #tpu.memory_space<hbm>>
    tpu.wait_indirect_dma semaphore(%arg16 : memref<!tpu.dma_semaphore, #tpu.memory_space<semaphore_mem>>) src(%dma_wait3A_895 : memref<50000x128xf32, #tpu.memory_space<hbm>>) dst(%arg10 : memref<64x128xf32, #tpu.memory_space<vmem>>)
    %dma_wait3A_896 = arith.constant 2 : i32
    %dma_wait3A_897 = arith.constant 0 : i32
    %dma_wait3A_898 = tpu.memref_slice %arg7[%dma_wait3A_896, %dma_wait3A_897] : memref<40x64xi32, #tpu.memory_space<vmem>> -> memref<1x64xi32, #tpu.memory_space<vmem>>
    %dma_wait3A_899 = tpu.memref_squeeze %dma_wait3A_898 : memref<1x64xi32, #tpu.memory_space<vmem>> -> memref<64xi32, #tpu.memory_space<vmem>>
    %dma_wait3A_900 = arith.constant 0 : i32
    %dma_wait3A_901 = arith.constant 0 : i32
    %dma_wait3A_902 = tpu.memref_slice %arg4[%dma_wait3A_900, %dma_wait3A_901] : memref<50000x128xf32, #tpu.memory_space<hbm>> -> memref<50000x128xf32, #tpu.memory_space<hbm>>
    tpu.wait_indirect_dma semaphore(%arg17 : memref<!tpu.dma_semaphore, #tpu.memory_space<semaphore_mem>>) src(%dma_wait3A_902 : memref<50000x128xf32, #tpu.memory_space<hbm>>) dst(%arg11 : memref<64x128xf32, #tpu.memory_space<vmem>>)
    %barrier3A_903 = arith.constant 0 : index
    tpu.barrier barrier_id(%barrier3A_903)
    %mul3A_904 = arith.constant 640 : i32
    %mul3A_905 = arith.muli %arg1, %mul3A_904 : i32
    %mul3A_906 = arith.constant 640 : i32
    %mul3A_907 = arith.muli %arg1, %mul3A_906 : i32
    "tpu.region"() ({
      %run_scoped3A = tpu.sem_alloc : memref<!tpu.dma_semaphore, #tpu.memory_space<semaphore_mem>>
      %dma_start3A_912 = arith.constant 0 : i32
      %dma_start3A_913 = tpu.memref_slice %arg5[%arg0, %mul3A_907, %dma_start3A_912] : memref<2x10240x128xf32, #tpu.memory_space<hbm>> -> memref<1x640x128xf32, #tpu.memory_space<hbm>>
      %dma_start3A_914 = tpu.memref_squeeze %dma_start3A_913 : memref<1x640x128xf32, #tpu.memory_space<hbm>> -> memref<640x128xf32, #tpu.memory_space<hbm>>
      %dma_start3A_915 = arith.constant 0 : i32
      %dma_start3A_916 = tpu.memref_slice %arg27[%mul3A_905, %dma_start3A_915] : memref<10240x128xf32, #tpu.memory_space<vmem_shared>> -> memref<640x128xf32, #tpu.memory_space<vmem_shared>>
      tpu.enqueue_dma source(%dma_start3A_916 : memref<640x128xf32, #tpu.memory_space<vmem_shared>>) target(%dma_start3A_914 : memref<640x128xf32, #tpu.memory_space<hbm>>) target_semaphore(%run_scoped3A : memref<!tpu.dma_semaphore, #tpu.memory_space<semaphore_mem>>)
      %dma_wait3A_917 = arith.constant 0 : i32
      %dma_wait3A_918 = tpu.memref_slice %arg5[%arg0, %mul3A_907, %dma_wait3A_917] : memref<2x10240x128xf32, #tpu.memory_space<hbm>> -> memref<1x640x128xf32, #tpu.memory_space<hbm>>
      %dma_wait3A_919 = tpu.memref_squeeze %dma_wait3A_918 : memref<1x640x128xf32, #tpu.memory_space<hbm>> -> memref<640x128xf32, #tpu.memory_space<hbm>>
      %dma_wait3A_920 = arith.constant 0 : i32
      %dma_wait3A_921 = tpu.memref_slice %arg27[%mul3A_905, %dma_wait3A_920] : memref<10240x128xf32, #tpu.memory_space<vmem_shared>> -> memref<640x128xf32, #tpu.memory_space<vmem_shared>>
      tpu.wait_dma2 semaphore(%run_scoped3A : memref<!tpu.dma_semaphore, #tpu.memory_space<semaphore_mem>>) src(%dma_wait3A_921 : memref<640x128xf32, #tpu.memory_space<vmem_shared>>) dst(%dma_wait3A_919 : memref<640x128xf32, #tpu.memory_space<hbm>>)
      tpu.yield
    }) : () -> ()
    %mul3A_908 = arith.constant 640 : i32
    %mul3A_909 = arith.muli %arg1, %mul3A_908 : i32
    %mul3A_910 = arith.constant 640 : i32
    %mul3A_911 = arith.muli %arg1, %mul3A_910 : i32
    "tpu.region"() ({
      %run_scoped3A = tpu.sem_alloc : memref<!tpu.dma_semaphore, #tpu.memory_space<semaphore_mem>>
      %dma_start3A_912 = tpu.memref_slice %arg6[%arg0, %mul3A_911] : memref<2x10240xf32, #tpu.memory_space<hbm>> -> memref<1x640xf32, #tpu.memory_space<hbm>>
      %dma_start3A_913 = tpu.memref_squeeze %dma_start3A_912 : memref<1x640xf32, #tpu.memory_space<hbm>> -> memref<640xf32, #tpu.memory_space<hbm>>
      %dma_start3A_914 = tpu.memref_slice %arg28[%mul3A_909] : memref<10240xf32, #tpu.memory_space<vmem_shared>> -> memref<640xf32, #tpu.memory_space<vmem_shared>>
      tpu.enqueue_dma source(%dma_start3A_914 : memref<640xf32, #tpu.memory_space<vmem_shared>>) target(%dma_start3A_913 : memref<640xf32, #tpu.memory_space<hbm>>) target_semaphore(%run_scoped3A : memref<!tpu.dma_semaphore, #tpu.memory_space<semaphore_mem>>)
      %dma_wait3A_915 = tpu.memref_slice %arg6[%arg0, %mul3A_911] : memref<2x10240xf32, #tpu.memory_space<hbm>> -> memref<1x640xf32, #tpu.memory_space<hbm>>
      %dma_wait3A_916 = tpu.memref_squeeze %dma_wait3A_915 : memref<1x640xf32, #tpu.memory_space<hbm>> -> memref<640xf32, #tpu.memory_space<hbm>>
      %dma_wait3A_917 = tpu.memref_slice %arg28[%mul3A_909] : memref<10240xf32, #tpu.memory_space<vmem_shared>> -> memref<640xf32, #tpu.memory_space<vmem_shared>>
      tpu.wait_dma2 semaphore(%run_scoped3A : memref<!tpu.dma_semaphore, #tpu.memory_space<semaphore_mem>>) src(%dma_wait3A_917 : memref<640xf32, #tpu.memory_space<vmem_shared>>) dst(%dma_wait3A_916 : memref<640xf32, #tpu.memory_space<hbm>>)
      tpu.yield
    }) : () -> ()
    return
  }
}

module attributes {stable_mosaic.version = 14 : i64} {
  func.func @_proj_body(%arg0: i32, %arg1: memref<2000x128xf32, #tpu.memory_space<vmem>>, %arg2: memref<128x128xf32, #tpu.memory_space<vmem>>, %arg3: memref<1x128xf32, #tpu.memory_space<vmem>>, %arg4: memref<2000x128xf32, #tpu.memory_space<vmem>>) attributes {dimension_semantics = [#tpu.dimension_semantics<arbitrary>], iteration_bounds = array<i64: 25>, scalar_prefetch = 0 : i64, scratch_operands = 0 : i64, tpu.core_type = #tpu.core_type<tc>, window_params = [{transform_indices = @transform_0, window_bounds = array<i64: 2000, 128>}, {pipeline_mode = #tpu.pipeline_mode<synchronous>, transform_indices = @transform_1, window_bounds = array<i64: 128, 128>}, {pipeline_mode = #tpu.pipeline_mode<synchronous>, transform_indices = @transform_2, window_bounds = array<i64: 1, 128>}, {transform_indices = @transform_3, window_bounds = array<i64: 2000, 128>}]} {
    %get3A = arith.constant 0 : index
    %get3A_0 = arith.constant 0 : index
    %get3A_1 = vector.load %arg1[%get3A, %get3A_0] : memref<2000x128xf32, #tpu.memory_space<vmem>>, vector<2000x128xf32>
    %get3A_2 = arith.constant 0 : index
    %get3A_3 = arith.constant 0 : index
    %get3A_4 = vector.load %arg2[%get3A_2, %get3A_3] : memref<128x128xf32, #tpu.memory_space<vmem>>, vector<128x128xf32>
    %dot_general3A = arith.constant dense<0.000000e+00> : vector<2000x128xf32>
    %dot_general3A_5 = tpu.matmul %get3A_1, %get3A_4, %dot_general3A {dimension_numbers = #tpu.dot_dimension_numbers<[1], [0], [0], [1], [0, 0, 1, 1], [], []>, transpose_lhs_hint = false} : vector<2000x128xf32>, vector<128x128xf32>, vector<2000x128xf32> -> vector<2000x128xf32>
    %get3A_6 = arith.constant 0 : index
    %get3A_7 = arith.constant 0 : index
    %get3A_8 = vector.load %arg3[%get3A_6, %get3A_7] : memref<1x128xf32, #tpu.memory_space<vmem>>, vector<1x128xf32>
    %add3A = vector.broadcast %get3A_8 : vector<1x128xf32> to vector<2000x128xf32>
    %add3A_9 = arith.addf %dot_general3A_5, %add3A : vector<2000x128xf32>
    %max3A = arith.constant 0.000000e+00 : f32
    %max3A_10 = vector.broadcast %max3A : f32 to vector<2000x128xf32>
    %max3A_11 = arith.maximumf %add3A_9, %max3A_10 : vector<2000x128xf32>
    %swap3A = arith.constant 0 : index
    %swap3A_12 = arith.constant 0 : index
    %swap3A_13 = vector.load %arg4[%swap3A, %swap3A_12] : memref<2000x128xf32, #tpu.memory_space<vmem>>, vector<2000x128xf32>
    tpu.vector_store %arg4[%swap3A, %swap3A_12], %max3A_11 {strides = array<i32>} : memref<2000x128xf32, #tpu.memory_space<vmem>>, vector<2000x128xf32>,
    return
  }
  func.func @transform_0(%arg0: i32) -> (i32, i32) {
    %c0_i32 = arith.constant 0 : i32
    %c0_i32_0 = arith.constant 0 : i32
    return %arg0, %c0_i32 : i32, i32
  }
  func.func @transform_1(%arg0: i32) -> (i32, i32) {
    %c0_i32 = arith.constant 0 : i32
    %c0_i32_0 = arith.constant 0 : i32
    %c0_i32_1 = arith.constant 0 : i32
    return %c0_i32, %c0_i32_0 : i32, i32
  }
  func.func @transform_2(%arg0: i32) -> (i32, i32) {
    %c0_i32 = arith.constant 0 : i32
    %c0_i32_0 = arith.constant 0 : i32
    %c0_i32_1 = arith.constant 0 : i32
    return %c0_i32, %c0_i32_0 : i32, i32
  }
  func.func @transform_3(%arg0: i32) -> (i32, i32) {
    %c0_i32 = arith.constant 0 : i32
    %c0_i32_0 = arith.constant 0 : i32
    return %arg0, %c0_i32 : i32, i32
  }
}

module attributes {stable_mosaic.version = 14 : i64} {
  func.func @_gru_body(%arg0: i32, %arg1: memref<2x2000x128xf32, #tpu.memory_space<vmem>>, %arg2: memref<2x2000x1xf32, #tpu.memory_space<vmem>>, %arg3: memref<2000x128xf32, #tpu.memory_space<vmem>>, %arg4: memref<128x384xf32, #tpu.memory_space<vmem>>, %arg5: memref<128x384xf32, #tpu.memory_space<vmem>>, %arg6: memref<1x384xf32, #tpu.memory_space<vmem>>, %arg7: memref<1x384xf32, #tpu.memory_space<vmem>>, %arg8: memref<2000x1xf32, #tpu.memory_space<vmem>>, %arg9: memref<2000x128xf32, #tpu.memory_space<vmem>>) attributes {dimension_semantics = [#tpu.dimension_semantics<arbitrary>], iteration_bounds = array<i64: 5>, scalar_prefetch = 0 : i64, scratch_operands = 0 : i64, tpu.core_type = #tpu.core_type<tc>, window_params = [{transform_indices = @transform_0, window_bounds = array<i64: 2, 2000, 128>}, {transform_indices = @transform_1, window_bounds = array<i64: 2, 2000, 1>}, {transform_indices = @transform_2, window_bounds = array<i64: 2000, 128>}, {pipeline_mode = #tpu.pipeline_mode<synchronous>, transform_indices = @transform_3, window_bounds = array<i64: 128, 384>}, {pipeline_mode = #tpu.pipeline_mode<synchronous>, transform_indices = @transform_4, window_bounds = array<i64: 128, 384>}, {pipeline_mode = #tpu.pipeline_mode<synchronous>, transform_indices = @transform_5, window_bounds = array<i64: 1, 384>}, {pipeline_mode = #tpu.pipeline_mode<synchronous>, transform_indices = @transform_6, window_bounds = array<i64: 1, 384>}, {transform_indices = @transform_7, window_bounds = array<i64: 2000, 1>}, {transform_indices = @transform_8, window_bounds = array<i64: 2000, 128>}]} {
    %get3A = arith.constant 0 : index
    %get3A_0 = arith.constant 0 : index
    %get3A_1 = arith.constant 0 : index
    %get3A_2 = vector.load %arg1[%get3A, %get3A_0, %get3A_1] : memref<2x2000x128xf32, #tpu.memory_space<vmem>>, vector<1x2000x128xf32>
    %get3A_3 = vector.shape_cast %get3A_2 : vector<1x2000x128xf32> to vector<2000x128xf32>
    %get3A_4 = arith.constant 1 : index
    %get3A_5 = arith.constant 0 : index
    %get3A_6 = arith.constant 0 : index
    %get3A_7 = vector.load %arg1[%get3A_4, %get3A_5, %get3A_6] : memref<2x2000x128xf32, #tpu.memory_space<vmem>>, vector<1x2000x128xf32>
    %get3A_8 = vector.shape_cast %get3A_7 : vector<1x2000x128xf32> to vector<2000x128xf32>
    %add3A = arith.addf %get3A_3, %get3A_8 : vector<2000x128xf32>
    %get3A_9 = arith.constant 0 : index
    %get3A_10 = arith.constant 0 : index
    %get3A_11 = arith.constant 0 : index
    %get3A_12 = vector.load %arg2[%get3A_9, %get3A_10, %get3A_11] : memref<2x2000x1xf32, #tpu.memory_space<vmem>>, vector<1x2000x1xf32>
    %get3A_13 = vector.shape_cast %get3A_12 : vector<1x2000x1xf32> to vector<2000x1xf32>
    %get3A_14 = arith.constant 1 : index
    %get3A_15 = arith.constant 0 : index
    %get3A_16 = arith.constant 0 : index
    %get3A_17 = vector.load %arg2[%get3A_14, %get3A_15, %get3A_16] : memref<2x2000x1xf32, #tpu.memory_space<vmem>>, vector<1x2000x1xf32>
    %get3A_18 = vector.shape_cast %get3A_17 : vector<1x2000x1xf32> to vector<2000x1xf32>
    %add3A_19 = arith.addf %get3A_13, %get3A_18 : vector<2000x1xf32>
    %max3A = arith.constant 1.000000e+00 : f32
    %max3A_20 = vector.broadcast %max3A : f32 to vector<2000x1xf32>
    %max3A_21 = arith.maximumf %add3A_19, %max3A_20 : vector<2000x1xf32>
    %div3A = vector.broadcast %max3A_21 : vector<2000x1xf32> to vector<2000x128xf32>
    %div3A_22 = arith.divf %add3A, %div3A : vector<2000x128xf32>
    %get3A_23 = arith.constant 0 : index
    %get3A_24 = arith.constant 0 : index
    %get3A_25 = vector.load %arg3[%get3A_23, %get3A_24] : memref<2000x128xf32, #tpu.memory_space<vmem>>, vector<2000x128xf32>
    %get3A_26 = arith.constant 0 : index
    %get3A_27 = arith.constant 0 : index
    %get3A_28 = vector.load %arg4[%get3A_26, %get3A_27] : memref<128x384xf32, #tpu.memory_space<vmem>>, vector<128x384xf32>
    %dot_general3A = arith.constant dense<0.000000e+00> : vector<2000x384xf32>
    %dot_general3A_29 = tpu.matmul %div3A_22, %get3A_28, %dot_general3A {dimension_numbers = #tpu.dot_dimension_numbers<[1], [0], [0], [1], [0, 0, 1, 1], [], []>, transpose_lhs_hint = false} : vector<2000x128xf32>, vector<128x384xf32>, vector<2000x384xf32> -> vector<2000x384xf32>
    %get3A_30 = arith.constant 0 : index
    %get3A_31 = arith.constant 0 : index
    %get3A_32 = vector.load %arg6[%get3A_30, %get3A_31] : memref<1x384xf32, #tpu.memory_space<vmem>>, vector<1x384xf32>
    %add3A_33 = vector.broadcast %get3A_32 : vector<1x384xf32> to vector<2000x384xf32>
    %add3A_34 = arith.addf %dot_general3A_29, %add3A_33 : vector<2000x384xf32>
    %get3A_35 = arith.constant 0 : index
    %get3A_36 = arith.constant 0 : index
    %get3A_37 = vector.load %arg5[%get3A_35, %get3A_36] : memref<128x384xf32, #tpu.memory_space<vmem>>, vector<128x384xf32>
    %dot_general3A_38 = arith.constant dense<0.000000e+00> : vector<2000x384xf32>
    %dot_general3A_39 = tpu.matmul %get3A_25, %get3A_37, %dot_general3A_38 {dimension_numbers = #tpu.dot_dimension_numbers<[1], [0], [0], [1], [0, 0, 1, 1], [], []>, transpose_lhs_hint = false} : vector<2000x128xf32>, vector<128x384xf32>, vector<2000x384xf32> -> vector<2000x384xf32>
    %get3A_40 = arith.constant 0 : index
    %get3A_41 = arith.constant 0 : index
    %get3A_42 = vector.load %arg7[%get3A_40, %get3A_41] : memref<1x384xf32, #tpu.memory_space<vmem>>, vector<1x384xf32>
    %add3A_43 = vector.broadcast %get3A_42 : vector<1x384xf32> to vector<2000x384xf32>
    %add3A_44 = arith.addf %dot_general3A_39, %add3A_43 : vector<2000x384xf32>
    %slice3A = vector.extract_strided_slice %add3A_34 {offsets = [0, 0], sizes = [2000, 128], strides = [1, 1]} : vector<2000x384xf32> to vector<2000x128xf32>
    %slice3A_45 = vector.extract_strided_slice %add3A_44 {offsets = [0, 0], sizes = [2000, 128], strides = [1, 1]} : vector<2000x384xf32> to vector<2000x128xf32>
    %add3A_46 = arith.addf %slice3A, %slice3A_45 : vector<2000x128xf32>
    %logistic3A = arith.negf %add3A_46 : vector<2000x128xf32>
    %logistic3A_47 = math.exp %logistic3A : vector<2000x128xf32>
    %logistic3A_48 = arith.constant 1.000000e+00 : f32
    %logistic3A_49 = vector.broadcast %logistic3A_48 : f32 to vector<2000x128xf32>
    %logistic3A_50 = arith.addf %logistic3A_49, %logistic3A_47 : vector<2000x128xf32>
    %logistic3A_51 = arith.divf %logistic3A_49, %logistic3A_50 : vector<2000x128xf32>
    %slice3A_52 = vector.extract_strided_slice %add3A_34 {offsets = [0, 128], sizes = [2000, 128], strides = [1, 1]} : vector<2000x384xf32> to vector<2000x128xf32>
    %slice3A_53 = vector.extract_strided_slice %add3A_44 {offsets = [0, 128], sizes = [2000, 128], strides = [1, 1]} : vector<2000x384xf32> to vector<2000x128xf32>
    %add3A_54 = arith.addf %slice3A_52, %slice3A_53 : vector<2000x128xf32>
    %logistic3A_55 = arith.negf %add3A_54 : vector<2000x128xf32>
    %logistic3A_56 = math.exp %logistic3A_55 : vector<2000x128xf32>
    %logistic3A_57 = arith.constant 1.000000e+00 : f32
    %logistic3A_58 = vector.broadcast %logistic3A_57 : f32 to vector<2000x128xf32>
    %logistic3A_59 = arith.addf %logistic3A_58, %logistic3A_56 : vector<2000x128xf32>
    %logistic3A_60 = arith.divf %logistic3A_58, %logistic3A_59 : vector<2000x128xf32>
    %slice3A_61 = vector.extract_strided_slice %add3A_34 {offsets = [0, 256], sizes = [2000, 128], strides = [1, 1]} : vector<2000x384xf32> to vector<2000x128xf32>
    %slice3A_62 = vector.extract_strided_slice %add3A_44 {offsets = [0, 256], sizes = [2000, 128], strides = [1, 1]} : vector<2000x384xf32> to vector<2000x128xf32>
    %mul3A = arith.mulf %logistic3A_51, %slice3A_62 : vector<2000x128xf32>
    %add3A_63 = arith.addf %slice3A_61, %mul3A : vector<2000x128xf32>
    %tanh3A = math.tanh %add3A_63 : vector<2000x128xf32>
    %sub3A = arith.constant 1.000000e+00 : f32
    %sub3A_64 = vector.broadcast %sub3A : f32 to vector<2000x128xf32>
    %sub3A_65 = arith.subf %sub3A_64, %logistic3A_60 : vector<2000x128xf32>
    %mul3A_66 = arith.mulf %sub3A_65, %tanh3A : vector<2000x128xf32>
    %mul3A_67 = arith.mulf %logistic3A_60, %get3A_25 : vector<2000x128xf32>
    %add3A_68 = arith.addf %mul3A_66, %mul3A_67 : vector<2000x128xf32>
    %get3A_69 = arith.constant 0 : index
    %get3A_70 = arith.constant 0 : index
    %get3A_71 = vector.load %arg8[%get3A_69, %get3A_70] : memref<2000x1xf32, #tpu.memory_space<vmem>>, vector<2000x1xf32>
    %sub3A_72 = arith.subf %add3A_68, %get3A_25 : vector<2000x128xf32>
    %mul3A_73 = vector.broadcast %get3A_71 : vector<2000x1xf32> to vector<2000x128xf32>
    %mul3A_74 = arith.mulf %mul3A_73, %sub3A_72 : vector<2000x128xf32>
    %add3A_75 = arith.addf %get3A_25, %mul3A_74 : vector<2000x128xf32>
    %swap3A = arith.constant 0 : index
    %swap3A_76 = arith.constant 0 : index
    %swap3A_77 = vector.load %arg9[%swap3A, %swap3A_76] : memref<2000x128xf32, #tpu.memory_space<vmem>>, vector<2000x128xf32>
    tpu.vector_store %arg9[%swap3A, %swap3A_76], %add3A_75 {strides = array<i32>} : memref<2000x128xf32, #tpu.memory_space<vmem>>, vector<2000x128xf32>,
    return
  }
  func.func @transform_0(%arg0: i32) -> (i32, i32, i32) {
    %c0_i32 = arith.constant 0 : i32
    %c0_i32_0 = arith.constant 0 : i32
    %c0_i32_1 = arith.constant 0 : i32
    return %c0_i32, %arg0, %c0_i32_0 : i32, i32, i32
  }
  func.func @transform_1(%arg0: i32) -> (i32, i32, i32) {
    %c0_i32 = arith.constant 0 : i32
    %c0_i32_0 = arith.constant 0 : i32
    %c0_i32_1 = arith.constant 0 : i32
    return %c0_i32, %arg0, %c0_i32_0 : i32, i32, i32
  }
  func.func @transform_2(%arg0: i32) -> (i32, i32) {
    %c0_i32 = arith.constant 0 : i32
    %c0_i32_0 = arith.constant 0 : i32
    return %arg0, %c0_i32 : i32, i32
  }
  func.func @transform_3(%arg0: i32) -> (i32, i32) {
    %c0_i32 = arith.constant 0 : i32
    %c0_i32_0 = arith.constant 0 : i32
    %c0_i32_1 = arith.constant 0 : i32
    return %c0_i32, %c0_i32_0 : i32, i32
  }
  func.func @transform_4(%arg0: i32) -> (i32, i32) {
    %c0_i32 = arith.constant 0 : i32
    %c0_i32_0 = arith.constant 0 : i32
    %c0_i32_1 = arith.constant 0 : i32
    return %c0_i32, %c0_i32_0 : i32, i32
  }
  func.func @transform_5(%arg0: i32) -> (i32, i32) {
    %c0_i32 = arith.constant 0 : i32
    %c0_i32_0 = arith.constant 0 : i32
    %c0_i32_1 = arith.constant 0 : i32
    return %c0_i32, %c0_i32_0 : i32, i32
  }
  func.func @transform_6(%arg0: i32) -> (i32, i32) {
    %c0_i32 = arith.constant 0 : i32
    %c0_i32_0 = arith.constant 0 : i32
    %c0_i32_1 = arith.constant 0 : i32
    return %c0_i32, %c0_i32_0 : i32, i32
  }
  func.func @transform_7(%arg0: i32) -> (i32, i32) {
    %c0_i32 = arith.constant 0 : i32
    %c0_i32_0 = arith.constant 0 : i32
    return %arg0, %c0_i32 : i32, i32
  }
  func.func @transform_8(%arg0: i32) -> (i32, i32) {
    %c0_i32 = arith.constant 0 : i32
    %c0_i32_0 = arith.constant 0 : i32
    return %arg0, %c0_i32 : i32, i32
  }
}

</mosaic_0001>

<sc_bundles>
// kernel: kernel.5.cloned.1.call-start
scs
__scs_entry_jumppad:
0x0: {  	(pc) =	sbr.rel $0x88, $3  }
0x1: {  	(tag) =	ssettag $0x0;
	lr =	simm.s32 $0x1  }
0x2: {  	[smem:$0x3F96] =	sst lr;
	_ =	strace $0xD0000000  }
0x3: {  	_ = 	snop  }
0x4: {  	_ = 	snop  }
0x5: {  	_ = 	snop  }
0x6: {  	_ = 	snop  }
0x7: {  	_ = 	snop  }
__scs_overlays_trampoline_lowered:
0x8: {  	[smem:$0x3FA5] =	sst s0  }
0x9: {  	[smem:$0x3FA6] =	sst s1  }
0xa: {  	[smem:$0x3FA7] =	sst s2  }
0xb: {  	[smem:$0x3FA8] =	sst s3  }
0xc: {  	[smem:$0x3FA9] =	sst s4  }
0xd: {  	[smem:$0x3FAA] =	sst s5  }
0xe: {  	[smem:$0x3FAB] =	sst s6  }
0xf: {  	[smem:$0x3FAC] =	sst s7  }
0x10: {  	[smem:$0x3FAD] =	sst s8  }
0x11: {  	[smem:$0x3FAE] =	sst s9;
	s0 =	simm.s32 @!p0 $0x0  }
0x12: {  	s1 =	sld [smem:$0x3F94];
	s0 =	simm.s32 @p0 $0x1  }
0x13: {  	[smem:$0x3FAF] =	sst s0;
	s0 =	simm.s32 @!p1 $0x0  }
0x14: {  	s2 =	sld [smem:$0x3F93];
	s0 =	simm.s32 @p1 $0x1  }
0x15: {  	[smem:$0x3FB0] =	sst s0;
	s0 =	simm.s32 @!p2 $0x0  }
0x16: {  	s3 =	sld [smem:$0x3FDB];
	s0 =	simm.s32 @p2 $0x1  }
0x17: {  	s4 =	simm.s32 $0x1BF5;
	[smem:$0x3FB2] =	sst s0  }
0x18: {  	s0 =	sld [smem:$0x3F95];
	_ =	swait.ge [sflag:s4], $0x0  }
0x19: {  	s7 =	sld [smem:$0x3F96]  }
0x1a: {  	s8 =	sadd.s32 $0xFFFFE003, lr  }
0x1b: {  	s9 =	sadd.s32 $0xFFFFFEF7, lr;
	s5 =	simm.s32 $0xFFFFFFFF;
	p2 =	slt.u32 s8, $0xFFFFF086  }
0x1c: {  	p1 =	slt.u32 s9, $0xF7A;
	s5 =	simm.s32 @!p2 $0x0  }
0x1d: {  	s5 =	simm.s32 @p1 $0x1;
	p0 =	seq.s32 s7, s2  }
0x1e: {  	s7 =	smul.u32 @!p0 $0xF7A, s2;
	p2 =	seq.s32 @!p0 s5, $0x0  }
0x1f: {  	s9 =	smul.u32 $0xF7A, s1;
	s8 =	simm.s32 @!p0 $0x1BF5;
	p2 =	por !p2, p0  }
0x20: {  	[sflag:s8] =	ssyncset.s32 @!p0 $0xFFFFF086;
	s6 =	sadd.s32 @!p0 s3, s7;
	s7 =	simm.s32 @!p0 $0x108  }
0x21: {  	s3 =	sadd.s32 s3, s9;
	s6 =	sadd.s32 @!p0 $0x88, s6;
	s7 =	simm.s32 @p2 $0x1082  }
0x22: {  	[simem:s7], [sflag:s8] =	dma.local @!p0 [hbm:s6], $0xF7A  }
0x23: {  	s9 =	sor.u32 $0xD0000000, s2;
	s6 =	simm.s32 $0x108;
	_ =	swait.ge @!p0 [sflag:s8], $0x0  }
0x24: {  	s3 =	sadd.s32 $0x88, s3;
	s6 =	simm.s32 @!p1 $0x1082;
	[sflag:s4] =	ssyncset.s32 $0xFFFFF086  }
0x25: {  	[simem:s6], [sflag:s4] =	dma.local [hbm:s3], $0xF7A  }
0x26: {  	[smem:$0x3F96] =	sst s1;
	(tag) =	ssettag s2;
	_ =	strace s9  }
0x27: {  	s1 =	sld [smem:$0x3FA6]  }
0x28: {  	s2 =	sld [smem:$0x3FA7]  }
0x29: {  	s4 =	sld [smem:$0x3FA9]  }
0x2a: {  	p0 =	seq.s32 s5, $0x0;
	s5 =	sld [smem:$0x3FAA]  }
0x2b: {  	s6 =	sld [smem:$0x3FAB]  }
0x2c: {  	s7 =	sld [smem:$0x3FAC]  }
0x2d: {  	s3 =	simm.s32 $0x108;
	s8 =	sld [smem:$0x3FAD]  }
0x2e: {  	s3 =	simm.s32 @!p0 $0x1082;
	s9 =	sld [smem:$0x3FAE]  }
0x2f: {  	lr =	sadd.s32 s0, s3;
	s0 =	sld [smem:$0x3FA5]  }
0x30: {  	s3 =	sld [smem:$0x3FA8]  }
0x31: {  	[smem:$0x3FB1] =	sst s10  }
0x32: {  	s10 =	sld [smem:$0x3FAF];
	_ =	sdelay $0x3  }
0x33: {  	p0 =	seq.s32 s10, $0x1;
	s10 =	sld [smem:$0x3FB1];
	_ =	sdelay $0x3  }
0x34: {  	[smem:$0x3FB1] =	sst s10  }
0x35: {  	s10 =	sld [smem:$0x3FB0];
	_ =	sdelay $0x3  }
0x36: {  	p1 =	seq.s32 s10, $0x1;
	s10 =	sld [smem:$0x3FB1];
	_ =	sdelay $0x3  }
0x37: {  	[smem:$0x3FB1] =	sst s10  }
0x38: {  	s10 =	sld [smem:$0x3FB2]  }
0x39: {  	_ = 	snop;
	(pc) =	sbr.ind lr, $3  }
0x3a: {  	_ = 	snop  }
0x3b: {  	_ = 	snop  }
0x3c: {  	p2 =	seq.s32 s10, $0x1;
	s10 =	sld [smem:$0x3FB1]  }
0x3d: {  	_ =	shalt  }
0x3e: {  	_ =	shalt  }
0x3f: {  	_ =	shalt  }
0x40: {  	_ =	shalt  }
0x41: {  	_ =	shalt  }
0x42: {  	_ =	shalt  }
0x43: {  	_ =	shalt  }
0x44: {  	_ =	shalt  }
0x45: {  	_ =	shalt  }
0x46: {  	_ =	shalt  }
0x47: {  	_ =	shalt  }
0x48: {  	_ =	shalt  }
0x49: {  	_ =	shalt  }
0x4a: {  	_ =	shalt  }
0x4b: {  	_ =	shalt  }
0x4c: {  	_ =	shalt  }
0x4d: {  	_ =	shalt  }
0x4e: {  	_ =	shalt  }
0x4f: {  	_ =	shalt  }
0x50: {  	_ =	shalt  }
0x51: {  	_ =	shalt  }
0x52: {  	_ =	shalt  }
0x53: {  	_ =	shalt  }
0x54: {  	_ =	shalt  }
0x55: {  	_ =	shalt  }
0x56: {  	_ =	shalt  }
0x57: {  	_ =	shalt  }
0x58: {  	_ =	shalt  }
0x59: {  	_ =	shalt  }
0x5a: {  	_ =	shalt  }
0x5b: {  	_ =	shalt  }
0x5c: {  	_ =	shalt  }
0x5d: {  	_ =	shalt  }
0x5e: {  	_ =	shalt  }
0x5f: {  	_ =	shalt  }
0x60: {  	_ =	shalt  }
0x61: {  	_ =	shalt  }
0x62: {  	_ =	shalt  }
0x63: {  	_ =	shalt  }
0x64: {  	_ =	shalt  }
0x65: {  	_ =	shalt  }
0x66: {  	_ =	shalt  }
0x67: {  	_ =	shalt  }
0x68: {  	_ =	shalt  }
0x69: {  	_ =	shalt  }
0x6a: {  	_ =	shalt  }
0x6b: {  	_ =	shalt  }
0x6c: {  	_ =	shalt  }
0x6d: {  	_ =	shalt  }
0x6e: {  	_ =	shalt  }
0x6f: {  	_ =	shalt  }
0x70: {  	_ =	shalt  }
0x71: {  	_ =	shalt  }
0x72: {  	_ =	shalt  }
0x73: {  	_ =	shalt  }
0x74: {  	_ =	shalt  }
0x75: {  	_ =	shalt  }
0x76: {  	_ =	shalt  }
0x77: {  	_ =	shalt  }
0x78: {  	_ =	shalt  }
0x79: {  	_ =	shalt  }
0x7a: {  	_ =	shalt  }
0x7b: {  	_ =	shalt  }
0x7c: {  	_ =	shalt  }
0x7d: {  	_ =	shalt  }
0x7e: {  	_ =	shalt  }
0x7f: {  	_ =	shalt  }
0x80: {  	_ =	shalt  }
0x81: {  	_ =	shalt  }
0x82: {  	_ =	shalt  }
0x83: {  	_ =	shalt  }
0x84: {  	_ =	shalt  }
0x85: {  	_ =	shalt  }
0x86: {  	_ =	shalt  }
0x87: {  	_ =	shalt  }
.Lfunc_end0:
.L_simem_size_0:
called_computation_lowered:
.L_overlay_start_0:
0x88: {  	s2 =	sld [smem:$0x3FD9]  }
0x89: {  	s3 =	sld [smem:$0x3FFE];
	_ =	sdelay $0x1  }
0x8a: {  	s1 =	srdreg.scid  }
0x8b: {  	s0 =	sand.u32 $0x1, s1  }
0x8c: {  	s17 =	sshll.u32 s0, $0xA;
	s2 =	sadd.s32 s3, s2  }
0x8d: {  	s2 =	sadd.s32 s2, s17  }
0x8e: {  	[smem:$0x3FBD] =	sst s2  }
0x8f: {  	_ = 	snop  }
0x90: {  	s2 =	sld [smem:$0x3FD0];
	(tm) =	ssettm $0x1  }
0x91: {  	s18 =	sld [smem:$0x3FFB];
	_ =	sdelay $0x3  }
0x92: {  	_ =	strace s18  }
0x93: {  	s3 =	sld [smem:$0x3FFC];
	_ =	sdelay $0x3  }
0x94: {  	_ =	strace s3  }
0x95: {  	s3 =	sld [smem:$0x3FFD];
	_ =	sdelay $0x3  }
0x96: {  	_ =	strace s3  }
0x97: {  	_ =	strace $0x8FFFFFFF  }
0x98: {  	s19 =	sld [smem:$0x3FDB];
	_ =	sdelay $0x1  }
0x99: {  	s4 =	simm.s32 $_scs_section_size  }
0x9a: {  	s5 =	simm.s32 $_size__tile_overlayer_lowered;
	s6 =	simm.s32 $_tile_overlayer_lowered  }
0x9b: {  	s22 =	simm.s32 $0x1BFF;
	s21 =	sshll.u32 s6, $0x1;
	s3 =	sadd.s32 s4, s19  }
0x9c: {  	s7 =	simm.s32 $0x0;
	s20 =	sshll.u32 s5, $0x1;
	s5 =	sadd.s32 s21, s3  }
0x9d: {  	[timem:s7], [sflag:s22] =	dma.local [hbm:s5], s20  }
0x9e: {  	_ =	swait.ge [sflag:s22], s20  }
0x9f: {  	s4 =	ssub.s32 $0x0, s20;
	[sflag:s22] =	ssyncset.done $0x0  }
0xa0: {  	[sflag:s22] =	ssyncadd.s32 s4;
	_ =	sdelay $0x1  }
0xa1: {  	s23 =	simm.s32 $0x1B8B  }
0xa2: {  	_ =	swait.ge [sflag:s23], $0x1  }
0xa3: {  	[sflag:s23] =	ssyncset.done $0x0  }
0xa4: {  	s25 =	simm.s32 $0x1B8E;
	s24 =	sld [smem:$0x3FFE];
	[sflag:s23] =	ssyncadd.s32 $0xFFFFFFFF  }
0xa5: {  	s26 =	simm.s32 $execute0_lowered;
	[smem:$0x3FD2] =	sst s25  }
0xa6: {  	s5 =	sshll.u32 s26, $0x1;
	_ =	strace $0x80000046;
	[dreg:$0x1] =	wrdreg $0xFFFFFFFF  }
0xa7: {  	s28 =	simm.s32 $_size_execute0_lowered;
	s3 =	sadd.s32 s3, s5;
	[dreg:$0x0] =	wrdreg $0x0  }
0xa8: {  	s5 =	sshll.u32 s28, $0x1;
	[dreg:$0x2] =	wrdreg s3  }
0xa9: {  	[dreg:$0x3] =	wrdreg s5  }
0xaa: {  	[dreg:$0x4] =	wrdreg $0xC0  }
0xab: {  	_ =	task [dreg:s7], $0x5FFFF  }
0xac: {  	[dreg:$0x1] =	wrdreg $0xFFFFFFFF  }
0xad: {  	[dreg:$0x0] =	wrdreg $0x60  }
0xae: {  	[dreg:$0x2] =	wrdreg s2  }
0xaf: {  	[dreg:$0x3] =	wrdreg s24  }
0xb0: {  	[dreg:$0x4] =	wrdreg $0xAB000  }
0xb1: {  	[dreg:$0x5] =	wrdreg $0x1EB000  }
0xb2: {  	[dreg:$0x6] =	wrdreg $0x9  }
0xb3: {  	_ =	task.clear_ibuf [dreg:s7], $0x7FFFF;
	_ =	strace $0x90000046  }
0xb4: {  	s29 =	simm.s32 $0x9;
	_ =	strace $0x80000048  }
0xb5: {  	_ =	swait.ge [sflag:s29], $0x1  }
0xb6: {  	[sflag:s29] =	ssyncadd.s32 $0xFFFFFFFF  }
0xb7: {  	_ =	strace $0x90000048  }
0xb8: {  	_ =	sfence  }
0xb9: {  	s30 =	sld [smem:$0x0];
	_ =	sdelay $0x2  }
0xba: {  	s31 =	sshll.u32 s1, $0xD;
	s1 =	sshrl.u32 s1, $0x2  }
0xbb: {  	s3 =	sand.u32 $0x4000, s31;
	s1 =	sadd.s32 s1, s30  }
0xbc: {  	s0 =	sor.u32 s3, s0;
	s1 =	sshll.u32 s1, $0x11  }
0xbd: {  	s0 =	sor.u32 s1, s0  }
0xbe: {  	s0 =	sadd.s32 $0x8F2B, s0  }
0xbf: {  	[sflag:s0] =	ssyncadd.remote.s32 $0x1  }
0xc0: {  	_ =	sfence.sel $0xFFFF  }
0xc1: {  	[dreg:$0x0] =	wrdreg $0xFFFFFFFF;
	(pc) =	sbr.abs _section_cstart, $3  }
0xc2: {  	[dreg:$0x1] =	wrdreg $0xFFFFFFFF  }
0xc3: {  	_ =	task.clear_ibuf [dreg:s7], $0x2FFFF;
	_ =	strace $0x9FFFFFFF  }
0xc4: {  	(tm) =	ssettm $0x7FFFFFFF  }
0xc5: {  	_ =	shalt  }
tec
execute0_lowered:
.L_overlay_start_1:
0x0: {  	(tag) =	ssettag $0x1  }
0x1: {  	s0 =	rddreg [dreg:$0x0]  }
0x2: {  	s1 =	rddreg [dreg:$0x1]  }
0x3: {  	s2 =	rddreg [dreg:$0x2]  }
0x4: {  	s4 =	srdreg.scid;
	s12 =	stileid.u32  }
0x5: {  	s3 =	rddreg [dreg:$0x3];
	s24 =	simm.s32 $0x0;
	s6 =	smul.u32 $0x14000, s12  }
0x6: {  	s29 =	simm.s32 $0x2800;
	s30 =	simm.s32 $0xD;
	s13 =	smul.u32 $0x500, s12  }
0x7: {  	s31 =	simm.s32 $0x40;
	s28 =	simm.s32 $0x7;
	s14 =	smul.u32 $0x50000, s12  }
0x8: {  	s4 =	sand.u32 $0x1, s4;
	s11 =	sshll.u32 s12, $0x2;
	s12 =	smul.u32 $0xA00, s12  }
0x9: {  	[smem:$0x7FF] =	sst s24;
	s7 =	sadd.s32 $0x2000, s1;
	s5 =	smul.u32 $0x140000, s4  }
0xa: {  	s9 =	sshll.u32 s4, $0x7;
	s10 =	sshll.u32 s4, $0x6;
	s4 =	ssub.s32 $0x2, s4  }
0xb: {  	_ =	strace $0x80000047;
	s10 =	sor.u32 s11, s10;
	s15 =	sshrl.u32 s4, $0x1  }
0xc: {  	s16 =	sshrl.u32 s14, $0x2;
	s17 =	sshrl.u32 s12, $0x2;
	s5 =	sadd.s32 s6, s5  }
0xd: {  	s6 =	sor.u32 s9, s13;
	s13 =	smul.u32 $0x1400, s10;
	s4 =	ssub.s32 s4, s15  }
0xe: {  	s10 =	smul.u32 $0x280, s10;
	s16 =	sadd.s32 s16, s2;
	s19 =	sadd.s32 s17, s3  }
0xf: {  	s9 =	simm.s32 $0x0;
	s8 =	sshrl.u32 s5, $0x3;
	s5 =	sadd.s32 $0x16000, s1  }
0x10: {  	s6 =	sshrl.u32 s6, $0x3;
	[dreg:$0x5] =	wrdreg s19;
	s15 =	smax.u32 s4, $0x1  }
0x11: {  	s17 =	sadd.s32 $0x2000, s16;
	s19 =	sadd.s32 $0x6000, s16;
	[dreg:$0x10] =	wrdreg s15  }
0x12: {  	s4 =	simm.s32 $0xB;
	s8 =	sadd.s32 s8, s1;
	[dreg:$0x11] =	wrdreg s17  }
0x13: {  	s1 =	sadd.s32 s6, s1;
	s21 =	sadd.s32 s0, s10;
	[dreg:$0x13] =	wrdreg s19  }
0x14: {  	s18 =	sshrl.u32 s13, $0x3;
	s22 =	sadd.s32 s7, s10;
	[dreg:$0x6] =	wrdreg s21  }
0x15: {  	s20 =	sadd.s32 $0x280, s18;
	[dreg:$0x7] =	wrdreg s22;
	s13 =	sadd.s32 $0xDA000, s8  }
0x16: {  	s25 =	sadd.s32 $0x500, s18;
	s14 =	sadd.s32 $0xD9600, s1;
	[dreg:$0xe] =	wrdreg s13  }
0x17: {  	s26 =	sadd.s32 $0x780, s18;
	s18 =	sadd.s32 $0x4000, s16;
	[dreg:$0xf] =	wrdreg s14  }
0x18: {  	s10 =	simm.s32 $0x6800;
	s21 =	sadd.s32 $0xA000, s16;
	[dreg:$0x12] =	wrdreg s18  }
0x19: {  	s15 =	simm.s32 $0x2;
	s22 =	sadd.s32 $0xC000, s16;
	[dreg:$0x15] =	wrdreg s21  }
0x1a: {  	s17 =	simm.s32 $0x5;
	s23 =	sadd.s32 s0, s20;
	[dreg:$0x16] =	wrdreg s22  }
0x1b: {  	s19 =	simm.s32 $0xC;
	s6 =	sadd.s32 s7, s20;
	[dreg:$0x8] =	wrdreg s23  }
0x1c: {  	s8 =	simm.s32 $0x4800;
	s11 =	sadd.s32 s0, s25;
	[dreg:$0x9] =	wrdreg s6  }
0x1d: {  	s1 =	simm.s32 $0x100;
	s0 =	sadd.s32 s0, s26;
	[dreg:$0xa] =	wrdreg s11  }
0x1e: {  	s12 =	sadd.s32 s7, s26;
	s20 =	sadd.s32 $0x8000, s16;
	[dreg:$0xc] =	wrdreg s0  }
0x1f: {  	s26 =	sadd.s32 $0x12000, s16;
	s13 =	simm.s32 $0x1;
	[dreg:$0xd] =	wrdreg s12  }
0x20: {  	s14 =	simm.s32 $0xA800;
	s18 =	simm.s32 $0x9;
	[dreg:$0x14] =	wrdreg s20  }
0x21: {  	s22 =	simm.s32 $0x6;
	s6 =	sadd.s32 s7, s25;
	[dreg:$0x19] =	wrdreg s26  }
0x22: {  	s23 =	sadd.s32 $0xE000, s16;
	s25 =	sadd.s32 $0x10000, s16;
	[dreg:$0xb] =	wrdreg s6  }
0x23: {  	s0 =	simm.s32 $0x1400;
	s12 =	simm.s32 $0x8800;
	[dreg:$0x17] =	wrdreg s23  }
0x24: {  	s20 =	simm.s32 $0x3;
	s11 =	simm.s32 $0x8;
	[dreg:$0x18] =	wrdreg s25  }
0x25: {  	v0 =	vimm.f32 $1.000000000e+00;
	v1 =	vimm.f32 $0.0e+00;
	s6 =	simm.s32 $0x80;
	s23 =	simm.s32 $0xA;
	s25 =	simm.s32 $0x4  }
.LBB2_1:
0x26: {  	[tilespmem:$0xA800] =	vst v0  }
0x27: {  	[tilespmem:$0xA810] =	vst v0  }
0x28: {  	[tilespmem:$0xA820] =	vst v0  }
0x29: {  	[tilespmem:$0xA830] =	vst v0  }
0x2a: {  	[tilespmem:$0xA880] =	vst v1  }
0x2b: {  	[tilespmem:$0xA890] =	vst v1  }
0x2c: {  	[tilespmem:$0xA8A0] =	vst v1  }
0x2d: {  	[tilespmem:$0xA8B0] =	vst v1  }
0x2e: {  	[tilespmem:$0xA8C0] =	vst v1  }
0x2f: {  	[tilespmem:$0xA8D0] =	vst v1  }
0x30: {  	[tilespmem:$0xA8E0] =	vst v1  }
0x31: {  	[tilespmem:$0xA8F0] =	vst v1  }
0x32: {  	[tilespmem:$0xA900] =	vst v1  }
0x33: {  	[tilespmem:$0xA910] =	vst v1  }
0x34: {  	[tilespmem:$0xA920] =	vst v1  }
0x35: {  	[tilespmem:$0xA930] =	vst v1  }
0x36: {  	[tilespmem:$0xA940] =	vst v1  }
0x37: {  	[tilespmem:$0xA950] =	vst v1  }
0x38: {  	[tilespmem:$0xA960] =	vst v1  }
0x39: {  	[tilespmem:$0xA970] =	vst v1  }
0x3a: {  	[tilespmem:$0xA980] =	vst v1  }
0x3b: {  	[tilespmem:$0xA990] =	vst v1  }
0x3c: {  	[tilespmem:$0xA9A0] =	vst v1  }
0x3d: {  	[tilespmem:$0xA9B0] =	vst v1  }
0x3e: {  	[tilespmem:$0xA9C0] =	vst v1  }
0x3f: {  	[tilespmem:$0xA9D0] =	vst v1  }
0x40: {  	[tilespmem:$0xA9E0] =	vst v1  }
0x41: {  	[tilespmem:$0xA9F0] =	vst v1  }
0x42: {  	[tilespmem:$0xAA00] =	vst v1  }
0x43: {  	[tilespmem:$0xAA10] =	vst v1  }
0x44: {  	[tilespmem:$0xAA20] =	vst v1  }
0x45: {  	[tilespmem:$0xAA30] =	vst v1  }
0x46: {  	[tilespmem:$0xAA40] =	vst v1  }
0x47: {  	[tilespmem:$0xAA50] =	vst v1  }
0x48: {  	[tilespmem:$0xAA60] =	vst v1  }
0x49: {  	[tilespmem:$0xAA70] =	vst v1  }
0x4a: {  	[tilespmem:$0xAA80] =	vst v1  }
0x4b: {  	[tilespmem:$0xAA90] =	vst v1  }
0x4c: {  	[tilespmem:$0xAAA0] =	vst v1  }
0x4d: {  	[tilespmem:$0xAAB0] =	vst v1  }
0x4e: {  	[tilespmem:$0xAAC0] =	vst v1  }
0x4f: {  	[tilespmem:$0xAAD0] =	vst v1;
	s26 =	sand.u32 $0x7E00, s24  }
0x50: {  	s7 =	smov.u32 s16;
	[tilespmem:$0xAAE0] =	vst v1;
	s21 =	sand.u32 $0x70, s24;
	s26 =	sshrl.u32 s26, $0x2  }
0x51: {  	[tilespmem:$0xAAF0] =	vst v1;
	s16 =	simm.s32 $0x40;
	s26 =	sor.u32 s21, s26;
	s21 =	simm.s32 $0x0  }
.LBB2_2:
0x52: {  	p0 =	sne.s32 s16, $0x7FC0  }
0x53: {  	[tilespmem:s26+$0x2800] =	vst v1;
	s21 =	sadd.s32 $0x10, s21;
	s26 =	smov.u32 s16;
	s16 =	sadd.s32 $0x40, s16  }
.Ltmp0:
0x54: {  	(pc) =	sbr.rel @p0 .LBB2_2-.Ltmp0, $4  }
0x55: {  	_ = 	snop  }
0x56: {  	s26 =	sand.u32 $0x7E00, s26  }
0x57: {  	s24 =	sand.u32 $0x70, s21;
	s26 =	sshrl.u32 s26, $0x2  }
0x58: {  	s26 =	sor.u32 s24, s26  }
0x59: {  	[tilespmem:s26+$0x2800] =	vst v1  }
0x5a: {  	[spmem:s7] =	stream.linear.scatter [tilespmem:s29], [sflag:$0xD], $0x2000, $0x38;
	[tilespmem:$0x1ED80] =	vst v63  }
0x5b: {  	_ =	swait.ge [sflag:s30], $0x2000  }
0x5c: {  	[sflag:s30] =	ssyncset.done $0x0  }
0x5d: {  	s24 =	rddreg [dreg:$0x11];
	[sflag:s30] =	ssyncadd.s32 $0xFFFFE000  }
0x5e: {  	[spmem:s24] =	stream.linear.scatter [tilespmem:s29], [sflag:$0xD], $0x2000, $0x38;
	[tilespmem:$0x1ED80] =	vst v63  }
0x5f: {  	_ =	swait.ge [sflag:s30], $0x2000  }
0x60: {  	[sflag:s30] =	ssyncset.done $0x0  }
0x61: {  	s16 =	rddreg [dreg:$0x12];
	[sflag:s30] =	ssyncadd.s32 $0xFFFFE000  }
0x62: {  	[spmem:s16] =	stream.linear.scatter [tilespmem:s29], [sflag:$0xD], $0x2000, $0x38;
	[tilespmem:$0x1ED80] =	vst v63  }
0x63: {  	_ =	swait.ge [sflag:s30], $0x2000  }
0x64: {  	[sflag:s30] =	ssyncset.done $0x0  }
0x65: {  	s21 =	rddreg [dreg:$0x13];
	[sflag:s30] =	ssyncadd.s32 $0xFFFFE000  }
0x66: {  	[spmem:s21] =	stream.linear.scatter [tilespmem:s29], [sflag:$0xD], $0x2000, $0x38;
	[tilespmem:$0x1ED80] =	vst v63  }
0x67: {  	_ =	swait.ge [sflag:s30], $0x2000  }
0x68: {  	[sflag:s30] =	ssyncset.done $0x0  }
0x69: {  	s24 =	rddreg [dreg:$0x14];
	[sflag:s30] =	ssyncadd.s32 $0xFFFFE000  }
0x6a: {  	[spmem:s24] =	stream.linear.scatter [tilespmem:s29], [sflag:$0xD], $0x2000, $0x38;
	[tilespmem:$0x1ED80] =	vst v63  }
0x6b: {  	_ =	swait.ge [sflag:s30], $0x2000  }
0x6c: {  	[sflag:s30] =	ssyncset.done $0x0  }
0x6d: {  	s16 =	rddreg [dreg:$0x15];
	[sflag:s30] =	ssyncadd.s32 $0xFFFFE000  }
0x6e: {  	[spmem:s16] =	stream.linear.scatter [tilespmem:s29], [sflag:$0xD], $0x2000, $0x38;
	[tilespmem:$0x1ED80] =	vst v63  }
0x6f: {  	_ =	swait.ge [sflag:s30], $0x2000  }
0x70: {  	[sflag:s30] =	ssyncset.done $0x0  }
0x71: {  	s21 =	rddreg [dreg:$0x16];
	[sflag:s30] =	ssyncadd.s32 $0xFFFFE000  }
0x72: {  	[spmem:s21] =	stream.linear.scatter [tilespmem:s29], [sflag:$0xD], $0x2000, $0x38;
	[tilespmem:$0x1ED80] =	vst v63  }
0x73: {  	_ =	swait.ge [sflag:s30], $0x2000  }
0x74: {  	[sflag:s30] =	ssyncset.done $0x0  }
0x75: {  	s24 =	rddreg [dreg:$0x17];
	[sflag:s30] =	ssyncadd.s32 $0xFFFFE000  }
0x76: {  	[spmem:s24] =	stream.linear.scatter [tilespmem:s29], [sflag:$0xD], $0x2000, $0x38;
	[tilespmem:$0x1ED80] =	vst v63  }
0x77: {  	_ =	swait.ge [sflag:s30], $0x2000  }
0x78: {  	[sflag:s30] =	ssyncset.done $0x0  }
0x79: {  	s16 =	rddreg [dreg:$0x18];
	[sflag:s30] =	ssyncadd.s32 $0xFFFFE000  }
0x7a: {  	[spmem:s16] =	stream.linear.scatter [tilespmem:s29], [sflag:$0xD], $0x2000, $0x38;
	[tilespmem:$0x1ED80] =	vst v63  }
0x7b: {  	_ =	swait.ge [sflag:s30], $0x2000  }
0x7c: {  	[sflag:s30] =	ssyncset.done $0x0  }
0x7d: {  	s21 =	rddreg [dreg:$0x19];
	[sflag:s30] =	ssyncadd.s32 $0xFFFFE000  }
0x7e: {  	[spmem:s21] =	stream.linear.scatter [tilespmem:s29], [sflag:$0xD], $0x2000, $0x38;
	[tilespmem:$0x1ED80] =	vst v63  }
0x7f: {  	_ =	swait.ge [sflag:s30], $0x2000  }
0x80: {  	[sflag:s30] =	ssyncset.done $0x0  }
0x81: {  	s16 =	simm.s32 $0xA880;
	s24 =	rddreg [dreg:$0x5];
	[sflag:s30] =	ssyncadd.s32 $0xFFFFE000  }
0x82: {  	[spmem:s24] =	stream.linear.scatter [tilespmem:s16], [sflag:$0xD], $0x280, $0x38;
	[tilespmem:$0x1ED80] =	vst v63  }
0x83: {  	_ =	swait.ge [sflag:s30], $0x280  }
0x84: {  	[sflag:s30] =	ssyncset.done $0x0  }
0x85: {  	[sflag:s30] =	ssyncadd.s32 $0xFFFFFD80  }
0x86: {  	[bflag:$0x0] =	sbarrier.arrive $0xFFFF  }
0x87: {  	s16 =	simm.s32 $0x0;
	s21 =	rddreg [dreg:$0x6]  }
0x88: {  	[tilespmem:s16], [sflag:$0xD] =	stream.linear.gather [hbm4b:s21+s16], $0x1400, $0x38;
	[tilespmem:$0x1ED80] =	vst v63  }
0x89: {  	_ =	swait.ge [sflag:s30], $0x1400  }
0x8a: {  	[sflag:s30] =	ssyncset.done $0x0  }
0x8b: {  	s24 =	rddreg [dreg:$0x7];
	[sflag:s30] =	ssyncadd.s32 $0xFFFFEC00  }
0x8c: {  	[tilespmem:s0], [sflag:$0xD] =	stream.linear.gather [hbm4b:s24+s16], $0x1400, $0x38;
	[tilespmem:$0x1ED80] =	vst v63  }
0x8d: {  	_ =	swait.ge [sflag:s30], $0x1400  }
0x8e: {  	[sflag:s30] =	ssyncset.done $0x0  }
0x8f: {  	[sflag:s30] =	ssyncadd.s32 $0xFFFFEC00  }
0x90: {  	[tilespmem:s29], [sflag:$0x1] =	stream.indirect.gather [hbm4b:s5+s31], $0x80, s16, s31, $0xb8;
	[tilespmem:$0x1ED80] =	vst v63  }
0x91: {  	_ = 	snop  }
0x92: {  	[tilespmem:s8], [sflag:$0x2] =	stream.indirect.gather [hbm4b:s5+s31], $0x80, s6, s31, $0xb8;
	[tilespmem:$0x1ED80] =	vst v63  }
0x93: {  	_ = 	snop  }
0x94: {  	[tilespmem:s10], [sflag:$0x3] =	stream.indirect.gather [hbm4b:s5+s31], $0x80, s1, s31, $0xb8;
	[tilespmem:$0x1ED80] =	vst v63  }
0x95: {  	s26 =	smov.u32 s7;
	s7 =	simm.s32 $0x180  }
0x96: {  	[tilespmem:s12], [sflag:$0x4] =	stream.indirect.gather [hbm4b:s5+s31], $0x80, s7, s31, $0xb8;
	[tilespmem:$0x1ED80] =	vst v63  }
0x97: {  	_ =	swait.ge [sflag:s13], $0x2000  }
0x98: {  	[sflag:s13] =	ssyncset.done $0x0  }
0x99: {  	[sflag:s13] =	ssyncadd.s32 $0xFFFFE000  }
0x9a: {  	[spmem:s2] =	stream.indirect.scatter.add.f32 [tilespmem:s29], [sflag:$0x5], $0x80, s0, s31, $0xb8;
	[tilespmem:$0x1ED80] =	vst v63  }
0x9b: {  	_ = 	snop  }
0x9c: {  	[spmem:s3] =	stream.indirect.scatter.add.f32 [tilespmem:s14], [sflag:$0x9], $0x1, s0, s31, $0xb8;
	[tilespmem:$0x1ED80] =	vst v63  }
0x9d: {  	_ =	swait.ge [sflag:s15], $0x2000  }
0x9e: {  	[sflag:s15] =	ssyncset.done $0x0  }
0x9f: {  	s16 =	simm.s32 $0x1480;
	[sflag:s15] =	ssyncadd.s32 $0xFFFFE000  }
0xa0: {  	[spmem:s2] =	stream.indirect.scatter.add.f32 [tilespmem:s8], [sflag:$0x6], $0x80, s16, s31, $0xb8;
	[tilespmem:$0x1ED80] =	vst v63  }
0xa1: {  	_ = 	snop  }
0xa2: {  	[spmem:s3] =	stream.indirect.scatter.add.f32 [tilespmem:s14], [sflag:$0xA], $0x1, s16, s31, $0xb8;
	[tilespmem:$0x1ED80] =	vst v63  }
0xa3: {  	_ =	swait.ge [sflag:s17], $0x2000  }
0xa4: {  	[sflag:s17] =	ssyncset.done $0x0  }
0xa5: {  	[sflag:s17] =	ssyncadd.s32 $0xFFFFE000  }
0xa6: {  	_ =	swait.ge [sflag:s18], $0x40  }
0xa7: {  	[sflag:s18] =	ssyncset.done $0x0  }
0xa8: {  	s21 =	simm.s32 $0x200;
	[sflag:s18] =	ssyncadd.s32 $0xFFFFFFC0  }
0xa9: {  	[tilespmem:s29], [sflag:$0x1] =	stream.indirect.gather [hbm4b:s5+s31], $0x80, s21, s31, $0xb8;
	[tilespmem:$0x1ED80] =	vst v63  }
0xaa: {  	_ =	swait.ge [sflag:s20], $0x2000  }
0xab: {  	[sflag:s20] =	ssyncset.done $0x0  }
0xac: {  	s24 =	simm.s32 $0x1500;
	[sflag:s20] =	ssyncadd.s32 $0xFFFFE000  }
0xad: {  	[spmem:s2] =	stream.indirect.scatter.add.f32 [tilespmem:s10], [sflag:$0x7], $0x80, s24, s31, $0xb8;
	[tilespmem:$0x1ED80] =	vst v63  }
0xae: {  	_ = 	snop  }
0xaf: {  	[spmem:s3] =	stream.indirect.scatter.add.f32 [tilespmem:s14], [sflag:$0xB], $0x1, s24, s31, $0xb8;
	[tilespmem:$0x1ED80] =	vst v63  }
0xb0: {  	_ =	swait.ge [sflag:s22], $0x2000  }
0xb1: {  	[sflag:s22] =	ssyncset.done $0x0  }
0xb2: {  	[sflag:s22] =	ssyncadd.s32 $0xFFFFE000  }
0xb3: {  	_ =	swait.ge [sflag:s23], $0x40  }
0xb4: {  	[sflag:s23] =	ssyncset.done $0x0  }
0xb5: {  	s6 =	simm.s32 $0x280;
	[sflag:s23] =	ssyncadd.s32 $0xFFFFFFC0  }
0xb6: {  	[tilespmem:s8], [sflag:$0x2] =	stream.indirect.gather [hbm4b:s5+s31], $0x80, s6, s31, $0xb8;
	[tilespmem:$0x1ED80] =	vst v63  }
0xb7: {  	_ =	swait.ge [sflag:s25], $0x2000  }
0xb8: {  	[sflag:s25] =	ssyncset.done $0x0  }
0xb9: {  	s7 =	simm.s32 $0x1580;
	[sflag:s25] =	ssyncadd.s32 $0xFFFFE000  }
0xba: {  	[spmem:s2] =	stream.indirect.scatter.add.f32 [tilespmem:s12], [sflag:$0x8], $0x80, s7, s31, $0xb8;
	[tilespmem:$0x1ED80] =	vst v63  }
0xbb: {  	_ = 	snop  }
0xbc: {  	[spmem:s3] =	stream.indirect.scatter.add.f32 [tilespmem:s14], [sflag:$0xC], $0x1, s7, s31, $0xb8;
	[tilespmem:$0x1ED80] =	vst v63  }
0xbd: {  	_ =	swait.ge [sflag:s28], $0x2000  }
0xbe: {  	[sflag:s28] =	ssyncset.done $0x0  }
0xbf: {  	[sflag:s28] =	ssyncadd.s32 $0xFFFFE000  }
0xc0: {  	_ =	swait.ge [sflag:s4], $0x40  }
0xc1: {  	[sflag:s4] =	ssyncset.done $0x0  }
0xc2: {  	s16 =	simm.s32 $0x300;
	[sflag:s4] =	ssyncadd.s32 $0xFFFFFFC0  }
0xc3: {  	[tilespmem:s10], [sflag:$0x3] =	stream.indirect.gather [hbm4b:s5+s31], $0x80, s16, s31, $0xb8;
	[tilespmem:$0x1ED80] =	vst v63  }
0xc4: {  	_ =	swait.ge [sflag:s13], $0x2000  }
0xc5: {  	[sflag:s13] =	ssyncset.done $0x0  }
0xc6: {  	s21 =	simm.s32 $0x1600;
	[sflag:s13] =	ssyncadd.s32 $0xFFFFE000  }
0xc7: {  	[spmem:s2] =	stream.indirect.scatter.add.f32 [tilespmem:s29], [sflag:$0x5], $0x80, s21, s31, $0xb8;
	[tilespmem:$0x1ED80] =	vst v63  }
0xc8: {  	_ = 	snop  }
0xc9: {  	[spmem:s3] =	stream.indirect.scatter.add.f32 [tilespmem:s14], [sflag:$0x9], $0x1, s21, s31, $0xb8;
	[tilespmem:$0x1ED80] =	vst v63  }
0xca: {  	_ =	swait.ge [sflag:s11], $0x2000  }
0xcb: {  	[sflag:s11] =	ssyncset.done $0x0  }
0xcc: {  	[sflag:s11] =	ssyncadd.s32 $0xFFFFE000  }
0xcd: {  	_ =	swait.ge [sflag:s19], $0x40  }
0xce: {  	[sflag:s19] =	ssyncset.done $0x0  }
0xcf: {  	s24 =	simm.s32 $0x380;
	[sflag:s19] =	ssyncadd.s32 $0xFFFFFFC0  }
0xd0: {  	[tilespmem:s12], [sflag:$0x4] =	stream.indirect.gather [hbm4b:s5+s31], $0x80, s24, s31, $0xb8;
	[tilespmem:$0x1ED80] =	vst v63  }
0xd1: {  	_ =	swait.ge [sflag:s15], $0x2000  }
0xd2: {  	[sflag:s15] =	ssyncset.done $0x0  }
0xd3: {  	s1 =	simm.s32 $0x1680;
	[sflag:s15] =	ssyncadd.s32 $0xFFFFE000  }
0xd4: {  	[spmem:s2] =	stream.indirect.scatter.add.f32 [tilespmem:s8], [sflag:$0x6], $0x80, s1, s31, $0xb8;
	[tilespmem:$0x1ED80] =	vst v63  }
0xd5: {  	_ = 	snop  }
0xd6: {  	[spmem:s3] =	stream.indirect.scatter.add.f32 [tilespmem:s14], [sflag:$0xA], $0x1, s1, s31, $0xb8;
	[tilespmem:$0x1ED80] =	vst v63  }
0xd7: {  	_ =	swait.ge [sflag:s17], $0x2000  }
0xd8: {  	[sflag:s17] =	ssyncset.done $0x0  }
0xd9: {  	[sflag:s17] =	ssyncadd.s32 $0xFFFFE000  }
0xda: {  	_ =	swait.ge [sflag:s18], $0x40  }
0xdb: {  	[sflag:s18] =	ssyncset.done $0x0  }
0xdc: {  	s6 =	simm.s32 $0x400;
	[sflag:s18] =	ssyncadd.s32 $0xFFFFFFC0  }
0xdd: {  	[tilespmem:s29], [sflag:$0x1] =	stream.indirect.gather [hbm4b:s5+s31], $0x80, s6, s31, $0xb8;
	[tilespmem:$0x1ED80] =	vst v63  }
0xde: {  	_ =	swait.ge [sflag:s20], $0x2000  }
0xdf: {  	[sflag:s20] =	ssyncset.done $0x0  }
0xe0: {  	s7 =	simm.s32 $0x1700;
	[sflag:s20] =	ssyncadd.s32 $0xFFFFE000  }
0xe1: {  	[spmem:s2] =	stream.indirect.scatter.add.f32 [tilespmem:s10], [sflag:$0x7], $0x80, s7, s31, $0xb8;
	[tilespmem:$0x1ED80] =	vst v63  }
0xe2: {  	_ = 	snop  }
0xe3: {  	[spmem:s3] =	stream.indirect.scatter.add.f32 [tilespmem:s14], [sflag:$0xB], $0x1, s7, s31, $0xb8;
	[tilespmem:$0x1ED80] =	vst v63  }
0xe4: {  	_ =	swait.ge [sflag:s22], $0x2000  }
0xe5: {  	[sflag:s22] =	ssyncset.done $0x0  }
0xe6: {  	[sflag:s22] =	ssyncadd.s32 $0xFFFFE000  }
0xe7: {  	_ =	swait.ge [sflag:s23], $0x40  }
0xe8: {  	[sflag:s23] =	ssyncset.done $0x0  }
0xe9: {  	s21 =	simm.s32 $0x480;
	[sflag:s23] =	ssyncadd.s32 $0xFFFFFFC0  }
0xea: {  	[tilespmem:s8], [sflag:$0x2] =	stream.indirect.gather [hbm4b:s5+s31], $0x80, s21, s31, $0xb8;
	[tilespmem:$0x1ED80] =	vst v63  }
0xeb: {  	_ =	swait.ge [sflag:s25], $0x2000  }
0xec: {  	[sflag:s25] =	ssyncset.done $0x0  }
0xed: {  	s24 =	simm.s32 $0x1780;
	[sflag:s25] =	ssyncadd.s32 $0xFFFFE000  }
0xee: {  	[spmem:s2] =	stream.indirect.scatter.add.f32 [tilespmem:s12], [sflag:$0x8], $0x80, s24, s31, $0xb8;
	[tilespmem:$0x1ED80] =	vst v63  }
0xef: {  	_ = 	snop  }
0xf0: {  	[spmem:s3] =	stream.indirect.scatter.add.f32 [tilespmem:s14], [sflag:$0xC], $0x1, s24, s31, $0xb8;
	[tilespmem:$0x1ED80] =	vst v63  }
0xf1: {  	_ =	swait.ge [sflag:s28], $0x2000  }
0xf2: {  	[sflag:s28] =	ssyncset.done $0x0  }
0xf3: {  	[sflag:s28] =	ssyncadd.s32 $0xFFFFE000  }
0xf4: {  	_ =	swait.ge [sflag:s4], $0x40  }
0xf5: {  	[sflag:s4] =	ssyncset.done $0x0  }
0xf6: {  	s16 =	simm.s32 $0x800;
	s21 =	simm.s32 $0x500;
	[sflag:s4] =	ssyncadd.s32 $0xFFFFFFC0  }
.LBB2_4:
0xf7: {  	[tilespmem:s10], [sflag:$0x3] =	stream.indirect.gather [hbm4b:s5+s31], $0x80, s21, s31, $0xb8;
	[tilespmem:$0x1ED80] =	vst v63  }
0xf8: {  	s21 =	smov.u32 s16  }
0xf9: {  	p0 =	sne.s32 s16, $0x3800;
	s16 =	sadd.s32 $0x800, s16;
	_ =	swait.ge [sflag:s13], $0x2000  }
0xfa: {  	s21 =	sshra.s32 s21, $0x2;
	[sflag:s13] =	ssyncset.done $0x0  }
0xfb: {  	s24 =	sadd.s32 $0x1600, s21;
	[sflag:s13] =	ssyncadd.s32 $0xFFFFE000  }
0xfc: {  	[spmem:s2] =	stream.indirect.scatter.add.f32 [tilespmem:s29], [sflag:$0x5], $0x80, s24, s31, $0xb8;
	[tilespmem:$0x1ED80] =	vst v63  }
0xfd: {  	_ = 	snop  }
0xfe: {  	[spmem:s3] =	stream.indirect.scatter.add.f32 [tilespmem:s14], [sflag:$0x9], $0x1, s24, s31, $0xb8;
	[tilespmem:$0x1ED80] =	vst v63  }
0xff: {  	_ =	swait.ge [sflag:s11], $0x2000  }
0x100: {  	[sflag:s11] =	ssyncset.done $0x0  }
0x101: {  	[sflag:s11] =	ssyncadd.s32 $0xFFFFE000  }
0x102: {  	_ =	swait.ge [sflag:s19], $0x40  }
0x103: {  	[sflag:s19] =	ssyncset.done $0x0  }
0x104: {  	s24 =	sadd.s32 $0x380, s21;
	[sflag:s19] =	ssyncadd.s32 $0xFFFFFFC0  }
0x105: {  	[tilespmem:s12], [sflag:$0x4] =	stream.indirect.gather [hbm4b:s5+s31], $0x80, s24, s31, $0xb8;
	[tilespmem:$0x1ED80] =	vst v63  }
0x106: {  	_ =	swait.ge [sflag:s15], $0x2000  }
0x107: {  	[sflag:s15] =	ssyncset.done $0x0  }
0x108: {  	s24 =	sadd.s32 $0x1680, s21;
	[sflag:s15] =	ssyncadd.s32 $0xFFFFE000  }
0x109: {  	[spmem:s2] =	stream.indirect.scatter.add.f32 [tilespmem:s8], [sflag:$0x6], $0x80, s24, s31, $0xb8;
	[tilespmem:$0x1ED80] =	vst v63  }
0x10a: {  	_ = 	snop  }
0x10b: {  	[spmem:s3] =	stream.indirect.scatter.add.f32 [tilespmem:s14], [sflag:$0xA], $0x1, s24, s31, $0xb8;
	[tilespmem:$0x1ED80] =	vst v63  }
0x10c: {  	_ =	swait.ge [sflag:s17], $0x2000  }
0x10d: {  	[sflag:s17] =	ssyncset.done $0x0  }
0x10e: {  	[sflag:s17] =	ssyncadd.s32 $0xFFFFE000  }
0x10f: {  	_ =	swait.ge [sflag:s18], $0x40  }
0x110: {  	[sflag:s18] =	ssyncset.done $0x0  }
0x111: {  	s24 =	sadd.s32 $0x400, s21;
	[sflag:s18] =	ssyncadd.s32 $0xFFFFFFC0  }
0x112: {  	[tilespmem:s29], [sflag:$0x1] =	stream.indirect.gather [hbm4b:s5+s31], $0x80, s24, s31, $0xb8;
	[tilespmem:$0x1ED80] =	vst v63  }
0x113: {  	_ =	swait.ge [sflag:s20], $0x2000  }
0x114: {  	[sflag:s20] =	ssyncset.done $0x0  }
0x115: {  	s24 =	sadd.s32 $0x1700, s21;
	[sflag:s20] =	ssyncadd.s32 $0xFFFFE000  }
0x116: {  	[spmem:s2] =	stream.indirect.scatter.add.f32 [tilespmem:s10], [sflag:$0x7], $0x80, s24, s31, $0xb8;
	[tilespmem:$0x1ED80] =	vst v63  }
0x117: {  	_ = 	snop  }
0x118: {  	[spmem:s3] =	stream.indirect.scatter.add.f32 [tilespmem:s14], [sflag:$0xB], $0x1, s24, s31, $0xb8;
	[tilespmem:$0x1ED80] =	vst v63  }
0x119: {  	_ =	swait.ge [sflag:s22], $0x2000  }
0x11a: {  	[sflag:s22] =	ssyncset.done $0x0  }
0x11b: {  	[sflag:s22] =	ssyncadd.s32 $0xFFFFE000  }
0x11c: {  	_ =	swait.ge [sflag:s23], $0x40  }
0x11d: {  	[sflag:s23] =	ssyncset.done $0x0  }
0x11e: {  	s24 =	sadd.s32 $0x480, s21;
	[sflag:s23] =	ssyncadd.s32 $0xFFFFFFC0  }
0x11f: {  	[tilespmem:s8], [sflag:$0x2] =	stream.indirect.gather [hbm4b:s5+s31], $0x80, s24, s31, $0xb8;
	[tilespmem:$0x1ED80] =	vst v63  }
0x120: {  	_ =	swait.ge [sflag:s25], $0x2000  }
0x121: {  	[sflag:s25] =	ssyncset.done $0x0  }
0x122: {  	s24 =	sadd.s32 $0x1780, s21;
	[sflag:s25] =	ssyncadd.s32 $0xFFFFE000  }
0x123: {  	[spmem:s2] =	stream.indirect.scatter.add.f32 [tilespmem:s12], [sflag:$0x8], $0x80, s24, s31, $0xb8;
	[tilespmem:$0x1ED80] =	vst v63  }
0x124: {  	_ = 	snop  }
0x125: {  	[spmem:s3] =	stream.indirect.scatter.add.f32 [tilespmem:s14], [sflag:$0xC], $0x1, s24, s31, $0xb8;
	[tilespmem:$0x1ED80] =	vst v63  }
0x126: {  	_ =	swait.ge [sflag:s28], $0x2000  }
.Ltmp1:
0x127: {  	[sflag:s28] =	ssyncset.done $0x0;
	(pc) =	sbr.rel @p0 .LBB2_4-.Ltmp1, $4  }
0x128: {  	[sflag:s28] =	ssyncadd.s32 $0xFFFFE000  }
0x129: {  	_ =	swait.ge [sflag:s4], $0x40  }
0x12a: {  	[sflag:s4] =	ssyncset.done $0x0  }
0x12b: {  	s21 =	sadd.s32 $0x500, s21;
	[sflag:s4] =	ssyncadd.s32 $0xFFFFFFC0  }
0x12c: {  	[tilespmem:s10], [sflag:$0x3] =	stream.indirect.gather [hbm4b:s5+s31], $0x80, s21, s31, $0xb8;
	[tilespmem:$0x1ED80] =	vst v63  }
0x12d: {  	_ =	swait.ge [sflag:s13], $0x2000  }
0x12e: {  	[sflag:s13] =	ssyncset.done $0x0  }
0x12f: {  	s1 =	simm.s32 $0x2600;
	[sflag:s13] =	ssyncadd.s32 $0xFFFFE000  }
0x130: {  	[spmem:s2] =	stream.indirect.scatter.add.f32 [tilespmem:s29], [sflag:$0x5], $0x80, s1, s31, $0xb8;
	[tilespmem:$0x1ED80] =	vst v63  }
0x131: {  	_ = 	snop  }
0x132: {  	[spmem:s3] =	stream.indirect.scatter.add.f32 [tilespmem:s14], [sflag:$0x9], $0x1, s1, s31, $0xb8;
	[tilespmem:$0x1ED80] =	vst v63  }
0x133: {  	_ =	swait.ge [sflag:s11], $0x2000  }
0x134: {  	[sflag:s11] =	ssyncset.done $0x0  }
0x135: {  	[sflag:s11] =	ssyncadd.s32 $0xFFFFE000  }
0x136: {  	_ =	swait.ge [sflag:s19], $0x40  }
0x137: {  	[sflag:s19] =	ssyncset.done $0x0  }
0x138: {  	s21 =	simm.s32 $0x1380;
	[sflag:s19] =	ssyncadd.s32 $0xFFFFFFC0  }
0x139: {  	[tilespmem:s12], [sflag:$0x4] =	stream.indirect.gather [hbm4b:s5+s31], $0x80, s21, s31, $0xb8;
	[tilespmem:$0x1ED80] =	vst v63  }
0x13a: {  	_ =	swait.ge [sflag:s15], $0x2000  }
0x13b: {  	[sflag:s15] =	ssyncset.done $0x0  }
0x13c: {  	s24 =	simm.s32 $0x2680;
	[sflag:s15] =	ssyncadd.s32 $0xFFFFE000  }
0x13d: {  	[spmem:s2] =	stream.indirect.scatter.add.f32 [tilespmem:s8], [sflag:$0x6], $0x80, s24, s31, $0xb8;
	[tilespmem:$0x1ED80] =	vst v63  }
0x13e: {  	_ = 	snop  }
0x13f: {  	[spmem:s3] =	stream.indirect.scatter.add.f32 [tilespmem:s14], [sflag:$0xA], $0x1, s24, s31, $0xb8;
	[tilespmem:$0x1ED80] =	vst v63  }
0x140: {  	_ =	swait.ge [sflag:s17], $0x2000  }
0x141: {  	[sflag:s17] =	ssyncset.done $0x0  }
0x142: {  	[sflag:s17] =	ssyncadd.s32 $0xFFFFE000  }
0x143: {  	_ =	swait.ge [sflag:s18], $0x40  }
0x144: {  	[sflag:s18] =	ssyncset.done $0x0  }
0x145: {  	s16 =	simm.s32 $0x0;
	[sflag:s18] =	ssyncadd.s32 $0xFFFFFFC0  }
0x146: {  	[tilespmem:s29], [sflag:$0x1] =	stream.indirect.gather [hbm4b:s5+s31], $0x80, s16, s31, $0xb8;
	[tilespmem:$0x1ED80] =	vst v63  }
0x147: {  	_ =	swait.ge [sflag:s20], $0x2000  }
0x148: {  	[sflag:s20] =	ssyncset.done $0x0  }
0x149: {  	s6 =	simm.s32 $0x2700;
	[sflag:s20] =	ssyncadd.s32 $0xFFFFE000  }
0x14a: {  	[spmem:s2] =	stream.indirect.scatter.add.f32 [tilespmem:s10], [sflag:$0x7], $0x80, s6, s31, $0xb8;
	[tilespmem:$0x1ED80] =	vst v63  }
0x14b: {  	_ = 	snop  }
0x14c: {  	[spmem:s3] =	stream.indirect.scatter.add.f32 [tilespmem:s14], [sflag:$0xB], $0x1, s6, s31, $0xb8;
	[tilespmem:$0x1ED80] =	vst v63  }
0x14d: {  	_ =	swait.ge [sflag:s22], $0x2000  }
0x14e: {  	[sflag:s22] =	ssyncset.done $0x0  }
0x14f: {  	[sflag:s22] =	ssyncadd.s32 $0xFFFFE000  }
0x150: {  	_ =	swait.ge [sflag:s23], $0x40  }
0x151: {  	[sflag:s23] =	ssyncset.done $0x0  }
0x152: {  	s6 =	simm.s32 $0x80;
	[sflag:s23] =	ssyncadd.s32 $0xFFFFFFC0  }
0x153: {  	[tilespmem:s8], [sflag:$0x2] =	stream.indirect.gather [hbm4b:s5+s31], $0x80, s6, s31, $0xb8;
	[tilespmem:$0x1ED80] =	vst v63  }
0x154: {  	_ =	swait.ge [sflag:s25], $0x2000  }
0x155: {  	[sflag:s25] =	ssyncset.done $0x0  }
0x156: {  	s7 =	simm.s32 $0x2780;
	[sflag:s25] =	ssyncadd.s32 $0xFFFFE000  }
0x157: {  	[spmem:s2] =	stream.indirect.scatter.add.f32 [tilespmem:s12], [sflag:$0x8], $0x80, s7, s31, $0xb8;
	[tilespmem:$0x1ED80] =	vst v63  }
0x158: {  	_ = 	snop  }
0x159: {  	[spmem:s3] =	stream.indirect.scatter.add.f32 [tilespmem:s14], [sflag:$0xC], $0x1, s7, s31, $0xb8;
	[tilespmem:$0x1ED80] =	vst v63  }
0x15a: {  	_ =	swait.ge [sflag:s28], $0x2000  }
0x15b: {  	[sflag:s28] =	ssyncset.done $0x0  }
0x15c: {  	[sflag:s28] =	ssyncadd.s32 $0xFFFFE000  }
0x15d: {  	_ =	swait.ge [sflag:s4], $0x40  }
0x15e: {  	[sflag:s4] =	ssyncset.done $0x0  }
0x15f: {  	s21 =	simm.s32 $0x100;
	[sflag:s4] =	ssyncadd.s32 $0xFFFFFFC0  }
0x160: {  	[tilespmem:s10], [sflag:$0x3] =	stream.indirect.gather [hbm4b:s5+s31], $0x80, s21, s31, $0xb8;
	[tilespmem:$0x1ED80] =	vst v63  }
0x161: {  	_ =	swait.ge [sflag:s11], $0x2000  }
0x162: {  	[sflag:s11] =	ssyncset.done $0x0  }
0x163: {  	[sflag:s11] =	ssyncadd.s32 $0xFFFFE000  }
0x164: {  	_ =	swait.ge [sflag:s19], $0x40  }
0x165: {  	[sflag:s19] =	ssyncset.done $0x0  }
0x166: {  	[sflag:s19] =	ssyncadd.s32 $0xFFFFFFC0  }
0x167: {  	_ =	swait.ge [sflag:s13], $0x2000  }
0x168: {  	[sflag:s13] =	ssyncset.done $0x0  }
0x169: {  	[sflag:s13] =	ssyncadd.s32 $0xFFFFE000  }
0x16a: {  	_ =	swait.ge [sflag:s15], $0x2000  }
0x16b: {  	[sflag:s15] =	ssyncset.done $0x0  }
0x16c: {  	[sflag:s15] =	ssyncadd.s32 $0xFFFFE000  }
0x16d: {  	_ =	swait.ge [sflag:s20], $0x2000  }
0x16e: {  	[sflag:s20] =	ssyncset.done $0x0  }
0x16f: {  	s7 =	rddreg [dreg:$0x8];
	[sflag:s20] =	ssyncadd.s32 $0xFFFFE000  }
0x170: {  	[tilespmem:s16], [sflag:$0xD] =	stream.linear.gather [hbm4b:s7+s16], $0x1400, $0x38;
	[tilespmem:$0x1ED80] =	vst v63  }
0x171: {  	_ =	swait.ge [sflag:s30], $0x1400  }
0x172: {  	[sflag:s30] =	ssyncset.done $0x0  }
0x173: {  	s24 =	rddreg [dreg:$0x9];
	[sflag:s30] =	ssyncadd.s32 $0xFFFFEC00  }
0x174: {  	[tilespmem:s0], [sflag:$0xD] =	stream.linear.gather [hbm4b:s24+s16], $0x1400, $0x38;
	[tilespmem:$0x1ED80] =	vst v63  }
0x175: {  	_ =	swait.ge [sflag:s30], $0x1400  }
0x176: {  	[sflag:s30] =	ssyncset.done $0x0  }
0x177: {  	[sflag:s30] =	ssyncadd.s32 $0xFFFFEC00  }
0x178: {  	[tilespmem:s29], [sflag:$0x1] =	stream.indirect.gather [hbm4b:s5+s31], $0x80, s16, s31, $0xb8;
	[tilespmem:$0x1ED80] =	vst v63  }
0x179: {  	_ = 	snop  }
0x17a: {  	[tilespmem:s8], [sflag:$0x2] =	stream.indirect.gather [hbm4b:s5+s31], $0x80, s6, s31, $0xb8;
	[tilespmem:$0x1ED80] =	vst v63  }
0x17b: {  	_ = 	snop  }
0x17c: {  	[tilespmem:s10], [sflag:$0x3] =	stream.indirect.gather [hbm4b:s5+s31], $0x80, s21, s31, $0xb8;
	[tilespmem:$0x1ED80] =	vst v63  }
0x17d: {  	s7 =	simm.s32 $0x180  }
0x17e: {  	[tilespmem:s12], [sflag:$0x4] =	stream.indirect.gather [hbm4b:s5+s31], $0x80, s7, s31, $0xb8;
	[tilespmem:$0x1ED80] =	vst v63  }
0x17f: {  	_ =	swait.ge [sflag:s13], $0x2000  }
0x180: {  	[sflag:s13] =	ssyncset.done $0x0  }
0x181: {  	[sflag:s13] =	ssyncadd.s32 $0xFFFFE000  }
0x182: {  	[spmem:s2] =	stream.indirect.scatter.add.f32 [tilespmem:s29], [sflag:$0x5], $0x80, s0, s31, $0xb8;
	[tilespmem:$0x1ED80] =	vst v63  }
0x183: {  	_ = 	snop  }
0x184: {  	[spmem:s3] =	stream.indirect.scatter.add.f32 [tilespmem:s14], [sflag:$0x9], $0x1, s0, s31, $0xb8;
	[tilespmem:$0x1ED80] =	vst v63  }
0x185: {  	_ =	swait.ge [sflag:s15], $0x2000  }
0x186: {  	[sflag:s15] =	ssyncset.done $0x0  }
0x187: {  	s16 =	simm.s32 $0x1480;
	[sflag:s15] =	ssyncadd.s32 $0xFFFFE000  }
0x188: {  	[spmem:s2] =	stream.indirect.scatter.add.f32 [tilespmem:s8], [sflag:$0x6], $0x80, s16, s31, $0xb8;
	[tilespmem:$0x1ED80] =	vst v63  }
0x189: {  	_ = 	snop  }
0x18a: {  	[spmem:s3] =	stream.indirect.scatter.add.f32 [tilespmem:s14], [sflag:$0xA], $0x1, s16, s31, $0xb8;
	[tilespmem:$0x1ED80] =	vst v63  }
0x18b: {  	_ =	swait.ge [sflag:s17], $0x2000  }
0x18c: {  	[sflag:s17] =	ssyncset.done $0x0  }
0x18d: {  	[sflag:s17] =	ssyncadd.s32 $0xFFFFE000  }
0x18e: {  	_ =	swait.ge [sflag:s18], $0x40  }
0x18f: {  	[sflag:s18] =	ssyncset.done $0x0  }
0x190: {  	s21 =	simm.s32 $0x200;
	[sflag:s18] =	ssyncadd.s32 $0xFFFFFFC0  }
0x191: {  	[tilespmem:s29], [sflag:$0x1] =	stream.indirect.gather [hbm4b:s5+s31], $0x80, s21, s31, $0xb8;
	[tilespmem:$0x1ED80] =	vst v63  }
0x192: {  	_ =	swait.ge [sflag:s20], $0x2000  }
0x193: {  	[sflag:s20] =	ssyncset.done $0x0  }
0x194: {  	s24 =	simm.s32 $0x1500;
	[sflag:s20] =	ssyncadd.s32 $0xFFFFE000  }
0x195: {  	[spmem:s2] =	stream.indirect.scatter.add.f32 [tilespmem:s10], [sflag:$0x7], $0x80, s24, s31, $0xb8;
	[tilespmem:$0x1ED80] =	vst v63  }
0x196: {  	_ = 	snop  }
0x197: {  	[spmem:s3] =	stream.indirect.scatter.add.f32 [tilespmem:s14], [sflag:$0xB], $0x1, s24, s31, $0xb8;
	[tilespmem:$0x1ED80] =	vst v63  }
0x198: {  	_ =	swait.ge [sflag:s22], $0x2000  }
0x199: {  	[sflag:s22] =	ssyncset.done $0x0  }
0x19a: {  	[sflag:s22] =	ssyncadd.s32 $0xFFFFE000  }
0x19b: {  	_ =	swait.ge [sflag:s23], $0x40  }
0x19c: {  	[sflag:s23] =	ssyncset.done $0x0  }
0x19d: {  	s6 =	simm.s32 $0x280;
	[sflag:s23] =	ssyncadd.s32 $0xFFFFFFC0  }
0x19e: {  	[tilespmem:s8], [sflag:$0x2] =	stream.indirect.gather [hbm4b:s5+s31], $0x80, s6, s31, $0xb8;
	[tilespmem:$0x1ED80] =	vst v63  }
0x19f: {  	_ =	swait.ge [sflag:s25], $0x2000  }
0x1a0: {  	[sflag:s25] =	ssyncset.done $0x0  }
0x1a1: {  	s7 =	simm.s32 $0x1580;
	[sflag:s25] =	ssyncadd.s32 $0xFFFFE000  }
0x1a2: {  	[spmem:s2] =	stream.indirect.scatter.add.f32 [tilespmem:s12], [sflag:$0x8], $0x80, s7, s31, $0xb8;
	[tilespmem:$0x1ED80] =	vst v63  }
0x1a3: {  	_ = 	snop  }
0x1a4: {  	[spmem:s3] =	stream.indirect.scatter.add.f32 [tilespmem:s14], [sflag:$0xC], $0x1, s7, s31, $0xb8;
	[tilespmem:$0x1ED80] =	vst v63  }
0x1a5: {  	_ =	swait.ge [sflag:s28], $0x2000  }
0x1a6: {  	[sflag:s28] =	ssyncset.done $0x0  }
0x1a7: {  	[sflag:s28] =	ssyncadd.s32 $0xFFFFE000  }
0x1a8: {  	_ =	swait.ge [sflag:s4], $0x40  }
0x1a9: {  	[sflag:s4] =	ssyncset.done $0x0  }
0x1aa: {  	s16 =	simm.s32 $0x300;
	[sflag:s4] =	ssyncadd.s32 $0xFFFFFFC0  }
0x1ab: {  	[tilespmem:s10], [sflag:$0x3] =	stream.indirect.gather [hbm4b:s5+s31], $0x80, s16, s31, $0xb8;
	[tilespmem:$0x1ED80] =	vst v63  }
0x1ac: {  	_ =	swait.ge [sflag:s13], $0x2000  }
0x1ad: {  	[sflag:s13] =	ssyncset.done $0x0  }
0x1ae: {  	s21 =	simm.s32 $0x1600;
	[sflag:s13] =	ssyncadd.s32 $0xFFFFE000  }
0x1af: {  	[spmem:s2] =	stream.indirect.scatter.add.f32 [tilespmem:s29], [sflag:$0x5], $0x80, s21, s31, $0xb8;
	[tilespmem:$0x1ED80] =	vst v63  }
0x1b0: {  	_ = 	snop  }
0x1b1: {  	[spmem:s3] =	stream.indirect.scatter.add.f32 [tilespmem:s14], [sflag:$0x9], $0x1, s21, s31, $0xb8;
	[tilespmem:$0x1ED80] =	vst v63  }
0x1b2: {  	_ =	swait.ge [sflag:s11], $0x2000  }
0x1b3: {  	[sflag:s11] =	ssyncset.done $0x0  }
0x1b4: {  	[sflag:s11] =	ssyncadd.s32 $0xFFFFE000  }
0x1b5: {  	_ =	swait.ge [sflag:s19], $0x40  }
0x1b6: {  	[sflag:s19] =	ssyncset.done $0x0  }
0x1b7: {  	s24 =	simm.s32 $0x380;
	[sflag:s19] =	ssyncadd.s32 $0xFFFFFFC0  }
0x1b8: {  	[tilespmem:s12], [sflag:$0x4] =	stream.indirect.gather [hbm4b:s5+s31], $0x80, s24, s31, $0xb8;
	[tilespmem:$0x1ED80] =	vst v63  }
0x1b9: {  	_ =	swait.ge [sflag:s15], $0x2000  }
0x1ba: {  	[sflag:s15] =	ssyncset.done $0x0  }
0x1bb: {  	s1 =	simm.s32 $0x1680;
	[sflag:s15] =	ssyncadd.s32 $0xFFFFE000  }
0x1bc: {  	[spmem:s2] =	stream.indirect.scatter.add.f32 [tilespmem:s8], [sflag:$0x6], $0x80, s1, s31, $0xb8;
	[tilespmem:$0x1ED80] =	vst v63  }
0x1bd: {  	_ = 	snop  }
0x1be: {  	[spmem:s3] =	stream.indirect.scatter.add.f32 [tilespmem:s14], [sflag:$0xA], $0x1, s1, s31, $0xb8;
	[tilespmem:$0x1ED80] =	vst v63  }
0x1bf: {  	_ =	swait.ge [sflag:s17], $0x2000  }
0x1c0: {  	[sflag:s17] =	ssyncset.done $0x0  }
0x1c1: {  	[sflag:s17] =	ssyncadd.s32 $0xFFFFE000  }
0x1c2: {  	_ =	swait.ge [sflag:s18], $0x40  }
0x1c3: {  	[sflag:s18] =	ssyncset.done $0x0  }
0x1c4: {  	s6 =	simm.s32 $0x400;
	[sflag:s18] =	ssyncadd.s32 $0xFFFFFFC0  }
0x1c5: {  	[tilespmem:s29], [sflag:$0x1] =	stream.indirect.gather [hbm4b:s5+s31], $0x80, s6, s31, $0xb8;
	[tilespmem:$0x1ED80] =	vst v63  }
0x1c6: {  	_ =	swait.ge [sflag:s20], $0x2000  }
0x1c7: {  	[sflag:s20] =	ssyncset.done $0x0  }
0x1c8: {  	s7 =	simm.s32 $0x1700;
	[sflag:s20] =	ssyncadd.s32 $0xFFFFE000  }
0x1c9: {  	[spmem:s2] =	stream.indirect.scatter.add.f32 [tilespmem:s10], [sflag:$0x7], $0x80, s7, s31, $0xb8;
	[tilespmem:$0x1ED80] =	vst v63  }
0x1ca: {  	_ = 	snop  }
0x1cb: {  	[spmem:s3] =	stream.indirect.scatter.add.f32 [tilespmem:s14], [sflag:$0xB], $0x1, s7, s31, $0xb8;
	[tilespmem:$0x1ED80] =	vst v63  }
0x1cc: {  	_ =	swait.ge [sflag:s22], $0x2000  }
0x1cd: {  	[sflag:s22] =	ssyncset.done $0x0  }
0x1ce: {  	[sflag:s22] =	ssyncadd.s32 $0xFFFFE000  }
0x1cf: {  	_ =	swait.ge [sflag:s23], $0x40  }
0x1d0: {  	[sflag:s23] =	ssyncset.done $0x0  }
0x1d1: {  	s21 =	simm.s32 $0x480;
	[sflag:s23] =	ssyncadd.s32 $0xFFFFFFC0  }
0x1d2: {  	[tilespmem:s8], [sflag:$0x2] =	stream.indirect.gather [hbm4b:s5+s31], $0x80, s21, s31, $0xb8;
	[tilespmem:$0x1ED80] =	vst v63  }
0x1d3: {  	_ =	swait.ge [sflag:s25], $0x2000  }
0x1d4: {  	[sflag:s25] =	ssyncset.done $0x0  }
0x1d5: {  	s24 =	simm.s32 $0x1780;
	[sflag:s25] =	ssyncadd.s32 $0xFFFFE000  }
0x1d6: {  	[spmem:s2] =	stream.indirect.scatter.add.f32 [tilespmem:s12], [sflag:$0x8], $0x80, s24, s31, $0xb8;
	[tilespmem:$0x1ED80] =	vst v63  }
0x1d7: {  	_ = 	snop  }
0x1d8: {  	[spmem:s3] =	stream.indirect.scatter.add.f32 [tilespmem:s14], [sflag:$0xC], $0x1, s24, s31, $0xb8;
	[tilespmem:$0x1ED80] =	vst v63  }
0x1d9: {  	_ =	swait.ge [sflag:s28], $0x2000  }
0x1da: {  	[sflag:s28] =	ssyncset.done $0x0  }
0x1db: {  	[sflag:s28] =	ssyncadd.s32 $0xFFFFE000  }
0x1dc: {  	_ =	swait.ge [sflag:s4], $0x40  }
0x1dd: {  	[sflag:s4] =	ssyncset.done $0x0  }
0x1de: {  	s16 =	simm.s32 $0x800;
	s21 =	simm.s32 $0x500;
	[sflag:s4] =	ssyncadd.s32 $0xFFFFFFC0  }
.LBB2_6:
0x1df: {  	[tilespmem:s10], [sflag:$0x3] =	stream.indirect.gather [hbm4b:s5+s31], $0x80, s21, s31, $0xb8;
	[tilespmem:$0x1ED80] =	vst v63  }
0x1e0: {  	s21 =	smov.u32 s16  }
0x1e1: {  	p0 =	sne.s32 s16, $0x3800;
	s16 =	sadd.s32 $0x800, s16;
	_ =	swait.ge [sflag:s13], $0x2000  }
0x1e2: {  	s21 =	sshra.s32 s21, $0x2;
	[sflag:s13] =	ssyncset.done $0x0  }
0x1e3: {  	s24 =	sadd.s32 $0x1600, s21;
	[sflag:s13] =	ssyncadd.s32 $0xFFFFE000  }
0x1e4: {  	[spmem:s2] =	stream.indirect.scatter.add.f32 [tilespmem:s29], [sflag:$0x5], $0x80, s24, s31, $0xb8;
	[tilespmem:$0x1ED80] =	vst v63  }
0x1e5: {  	_ = 	snop  }
0x1e6: {  	[spmem:s3] =	stream.indirect.scatter.add.f32 [tilespmem:s14], [sflag:$0x9], $0x1, s24, s31, $0xb8;
	[tilespmem:$0x1ED80] =	vst v63  }
0x1e7: {  	_ =	swait.ge [sflag:s11], $0x2000  }
0x1e8: {  	[sflag:s11] =	ssyncset.done $0x0  }
0x1e9: {  	[sflag:s11] =	ssyncadd.s32 $0xFFFFE000  }
0x1ea: {  	_ =	swait.ge [sflag:s19], $0x40  }
0x1eb: {  	[sflag:s19] =	ssyncset.done $0x0  }
0x1ec: {  	s24 =	sadd.s32 $0x380, s21;
	[sflag:s19] =	ssyncadd.s32 $0xFFFFFFC0  }
0x1ed: {  	[tilespmem:s12], [sflag:$0x4] =	stream.indirect.gather [hbm4b:s5+s31], $0x80, s24, s31, $0xb8;
	[tilespmem:$0x1ED80] =	vst v63  }
0x1ee: {  	_ =	swait.ge [sflag:s15], $0x2000  }
0x1ef: {  	[sflag:s15] =	ssyncset.done $0x0  }
0x1f0: {  	s24 =	sadd.s32 $0x1680, s21;
	[sflag:s15] =	ssyncadd.s32 $0xFFFFE000  }
0x1f1: {  	[spmem:s2] =	stream.indirect.scatter.add.f32 [tilespmem:s8], [sflag:$0x6], $0x80, s24, s31, $0xb8;
	[tilespmem:$0x1ED80] =	vst v63  }
0x1f2: {  	_ = 	snop  }
0x1f3: {  	[spmem:s3] =	stream.indirect.scatter.add.f32 [tilespmem:s14], [sflag:$0xA], $0x1, s24, s31, $0xb8;
	[tilespmem:$0x1ED80] =	vst v63  }
0x1f4: {  	_ =	swait.ge [sflag:s17], $0x2000  }
0x1f5: {  	[sflag:s17] =	ssyncset.done $0x0  }
0x1f6: {  	[sflag:s17] =	ssyncadd.s32 $0xFFFFE000  }
0x1f7: {  	_ =	swait.ge [sflag:s18], $0x40  }
0x1f8: {  	[sflag:s18] =	ssyncset.done $0x0  }
0x1f9: {  	s24 =	sadd.s32 $0x400, s21;
	[sflag:s18] =	ssyncadd.s32 $0xFFFFFFC0  }
0x1fa: {  	[tilespmem:s29], [sflag:$0x1] =	stream.indirect.gather [hbm4b:s5+s31], $0x80, s24, s31, $0xb8;
	[tilespmem:$0x1ED80] =	vst v63  }
0x1fb: {  	_ =	swait.ge [sflag:s20], $0x2000  }
0x1fc: {  	[sflag:s20] =	ssyncset.done $0x0  }
0x1fd: {  	s24 =	sadd.s32 $0x1700, s21;
	[sflag:s20] =	ssyncadd.s32 $0xFFFFE000  }
0x1fe: {  	[spmem:s2] =	stream.indirect.scatter.add.f32 [tilespmem:s10], [sflag:$0x7], $0x80, s24, s31, $0xb8;
	[tilespmem:$0x1ED80] =	vst v63  }
0x1ff: {  	_ = 	snop  }
0x200: {  	[spmem:s3] =	stream.indirect.scatter.add.f32 [tilespmem:s14], [sflag:$0xB], $0x1, s24, s31, $0xb8;
	[tilespmem:$0x1ED80] =	vst v63  }
0x201: {  	_ =	swait.ge [sflag:s22], $0x2000  }
0x202: {  	[sflag:s22] =	ssyncset.done $0x0  }
0x203: {  	[sflag:s22] =	ssyncadd.s32 $0xFFFFE000  }
0x204: {  	_ =	swait.ge [sflag:s23], $0x40  }
0x205: {  	[sflag:s23] =	ssyncset.done $0x0  }
0x206: {  	s24 =	sadd.s32 $0x480, s21;
	[sflag:s23] =	ssyncadd.s32 $0xFFFFFFC0  }
0x207: {  	[tilespmem:s8], [sflag:$0x2] =	stream.indirect.gather [hbm4b:s5+s31], $0x80, s24, s31, $0xb8;
	[tilespmem:$0x1ED80] =	vst v63  }
0x208: {  	_ =	swait.ge [sflag:s25], $0x2000  }
0x209: {  	[sflag:s25] =	ssyncset.done $0x0  }
0x20a: {  	s24 =	sadd.s32 $0x1780, s21;
	[sflag:s25] =	ssyncadd.s32 $0xFFFFE000  }
0x20b: {  	[spmem:s2] =	stream.indirect.scatter.add.f32 [tilespmem:s12], [sflag:$0x8], $0x80, s24, s31, $0xb8;
	[tilespmem:$0x1ED80] =	vst v63  }
0x20c: {  	_ = 	snop  }
0x20d: {  	[spmem:s3] =	stream.indirect.scatter.add.f32 [tilespmem:s14], [sflag:$0xC], $0x1, s24, s31, $0xb8;
	[tilespmem:$0x1ED80] =	vst v63  }
0x20e: {  	_ =	swait.ge [sflag:s28], $0x2000  }
.Ltmp2:
0x20f: {  	[sflag:s28] =	ssyncset.done $0x0;
	(pc) =	sbr.rel @p0 .LBB2_6-.Ltmp2, $4  }
0x210: {  	[sflag:s28] =	ssyncadd.s32 $0xFFFFE000  }
0x211: {  	_ =	swait.ge [sflag:s4], $0x40  }
0x212: {  	[sflag:s4] =	ssyncset.done $0x0  }
0x213: {  	s21 =	sadd.s32 $0x500, s21;
	[sflag:s4] =	ssyncadd.s32 $0xFFFFFFC0  }
0x214: {  	[tilespmem:s10], [sflag:$0x3] =	stream.indirect.gather [hbm4b:s5+s31], $0x80, s21, s31, $0xb8;
	[tilespmem:$0x1ED80] =	vst v63  }
0x215: {  	_ =	swait.ge [sflag:s13], $0x2000  }
0x216: {  	[sflag:s13] =	ssyncset.done $0x0  }
0x217: {  	s1 =	simm.s32 $0x2600;
	[sflag:s13] =	ssyncadd.s32 $0xFFFFE000  }
0x218: {  	[spmem:s2] =	stream.indirect.scatter.add.f32 [tilespmem:s29], [sflag:$0x5], $0x80, s1, s31, $0xb8;
	[tilespmem:$0x1ED80] =	vst v63  }
0x219: {  	_ = 	snop  }
0x21a: {  	[spmem:s3] =	stream.indirect.scatter.add.f32 [tilespmem:s14], [sflag:$0x9], $0x1, s1, s31, $0xb8;
	[tilespmem:$0x1ED80] =	vst v63  }
0x21b: {  	_ =	swait.ge [sflag:s11], $0x2000  }
0x21c: {  	[sflag:s11] =	ssyncset.done $0x0  }
0x21d: {  	[sflag:s11] =	ssyncadd.s32 $0xFFFFE000  }
0x21e: {  	_ =	swait.ge [sflag:s19], $0x40  }
0x21f: {  	[sflag:s19] =	ssyncset.done $0x0  }
0x220: {  	s21 =	simm.s32 $0x1380;
	[sflag:s19] =	ssyncadd.s32 $0xFFFFFFC0  }
0x221: {  	[tilespmem:s12], [sflag:$0x4] =	stream.indirect.gather [hbm4b:s5+s31], $0x80, s21, s31, $0xb8;
	[tilespmem:$0x1ED80] =	vst v63  }
0x222: {  	_ =	swait.ge [sflag:s15], $0x2000  }
0x223: {  	[sflag:s15] =	ssyncset.done $0x0  }
0x224: {  	s24 =	simm.s32 $0x2680;
	[sflag:s15] =	ssyncadd.s32 $0xFFFFE000  }
0x225: {  	[spmem:s2] =	stream.indirect.scatter.add.f32 [tilespmem:s8], [sflag:$0x6], $0x80, s24, s31, $0xb8;
	[tilespmem:$0x1ED80] =	vst v63  }
0x226: {  	_ = 	snop  }
0x227: {  	[spmem:s3] =	stream.indirect.scatter.add.f32 [tilespmem:s14], [sflag:$0xA], $0x1, s24, s31, $0xb8;
	[tilespmem:$0x1ED80] =	vst v63  }
0x228: {  	_ =	swait.ge [sflag:s17], $0x2000  }
0x229: {  	[sflag:s17] =	ssyncset.done $0x0  }
0x22a: {  	[sflag:s17] =	ssyncadd.s32 $0xFFFFE000  }
0x22b: {  	_ =	swait.ge [sflag:s18], $0x40  }
0x22c: {  	[sflag:s18] =	ssyncset.done $0x0  }
0x22d: {  	s16 =	simm.s32 $0x0;
	[sflag:s18] =	ssyncadd.s32 $0xFFFFFFC0  }
0x22e: {  	[tilespmem:s29], [sflag:$0x1] =	stream.indirect.gather [hbm4b:s5+s31], $0x80, s16, s31, $0xb8;
	[tilespmem:$0x1ED80] =	vst v63  }
0x22f: {  	_ =	swait.ge [sflag:s20], $0x2000  }
0x230: {  	[sflag:s20] =	ssyncset.done $0x0  }
0x231: {  	s6 =	simm.s32 $0x2700;
	[sflag:s20] =	ssyncadd.s32 $0xFFFFE000  }
0x232: {  	[spmem:s2] =	stream.indirect.scatter.add.f32 [tilespmem:s10], [sflag:$0x7], $0x80, s6, s31, $0xb8;
	[tilespmem:$0x1ED80] =	vst v63  }
0x233: {  	_ = 	snop  }
0x234: {  	[spmem:s3] =	stream.indirect.scatter.add.f32 [tilespmem:s14], [sflag:$0xB], $0x1, s6, s31, $0xb8;
	[tilespmem:$0x1ED80] =	vst v63  }
0x235: {  	_ =	swait.ge [sflag:s22], $0x2000  }
0x236: {  	[sflag:s22] =	ssyncset.done $0x0  }
0x237: {  	[sflag:s22] =	ssyncadd.s32 $0xFFFFE000  }
0x238: {  	_ =	swait.ge [sflag:s23], $0x40  }
0x239: {  	[sflag:s23] =	ssyncset.done $0x0  }
0x23a: {  	s6 =	simm.s32 $0x80;
	[sflag:s23] =	ssyncadd.s32 $0xFFFFFFC0  }
0x23b: {  	[tilespmem:s8], [sflag:$0x2] =	stream.indirect.gather [hbm4b:s5+s31], $0x80, s6, s31, $0xb8;
	[tilespmem:$0x1ED80] =	vst v63  }
0x23c: {  	_ =	swait.ge [sflag:s25], $0x2000  }
0x23d: {  	[sflag:s25] =	ssyncset.done $0x0  }
0x23e: {  	s7 =	simm.s32 $0x2780;
	[sflag:s25] =	ssyncadd.s32 $0xFFFFE000  }
0x23f: {  	[spmem:s2] =	stream.indirect.scatter.add.f32 [tilespmem:s12], [sflag:$0x8], $0x80, s7, s31, $0xb8;
	[tilespmem:$0x1ED80] =	vst v63  }
0x240: {  	_ = 	snop  }
0x241: {  	[spmem:s3] =	stream.indirect.scatter.add.f32 [tilespmem:s14], [sflag:$0xC], $0x1, s7, s31, $0xb8;
	[tilespmem:$0x1ED80] =	vst v63  }
0x242: {  	_ =	swait.ge [sflag:s28], $0x2000  }
0x243: {  	[sflag:s28] =	ssyncset.done $0x0  }
0x244: {  	[sflag:s28] =	ssyncadd.s32 $0xFFFFE000  }
0x245: {  	_ =	swait.ge [sflag:s4], $0x40  }
0x246: {  	[sflag:s4] =	ssyncset.done $0x0  }
0x247: {  	s21 =	simm.s32 $0x100;
	[sflag:s4] =	ssyncadd.s32 $0xFFFFFFC0  }
0x248: {  	[tilespmem:s10], [sflag:$0x3] =	stream.indirect.gather [hbm4b:s5+s31], $0x80, s21, s31, $0xb8;
	[tilespmem:$0x1ED80] =	vst v63  }
0x249: {  	_ =	swait.ge [sflag:s11], $0x2000  }
0x24a: {  	[sflag:s11] =	ssyncset.done $0x0  }
0x24b: {  	[sflag:s11] =	ssyncadd.s32 $0xFFFFE000  }
0x24c: {  	_ =	swait.ge [sflag:s19], $0x40  }
0x24d: {  	[sflag:s19] =	ssyncset.done $0x0  }
0x24e: {  	[sflag:s19] =	ssyncadd.s32 $0xFFFFFFC0  }
0x24f: {  	_ =	swait.ge [sflag:s13], $0x2000  }
0x250: {  	[sflag:s13] =	ssyncset.done $0x0  }
0x251: {  	[sflag:s13] =	ssyncadd.s32 $0xFFFFE000  }
0x252: {  	_ =	swait.ge [sflag:s15], $0x2000  }
0x253: {  	[sflag:s15] =	ssyncset.done $0x0  }
0x254: {  	[sflag:s15] =	ssyncadd.s32 $0xFFFFE000  }
0x255: {  	_ =	swait.ge [sflag:s20], $0x2000  }
0x256: {  	[sflag:s20] =	ssyncset.done $0x0  }
0x257: {  	s7 =	rddreg [dreg:$0xa];
	[sflag:s20] =	ssyncadd.s32 $0xFFFFE000  }
0x258: {  	[tilespmem:s16], [sflag:$0xD] =	stream.linear.gather [hbm4b:s7+s16], $0x1400, $0x38;
	[tilespmem:$0x1ED80] =	vst v63  }
0x259: {  	_ =	swait.ge [sflag:s30], $0x1400  }
0x25a: {  	[sflag:s30] =	ssyncset.done $0x0  }
0x25b: {  	s24 =	rddreg [dreg:$0xb];
	[sflag:s30] =	ssyncadd.s32 $0xFFFFEC00  }
0x25c: {  	[tilespmem:s0], [sflag:$0xD] =	stream.linear.gather [hbm4b:s24+s16], $0x1400, $0x38;
	[tilespmem:$0x1ED80] =	vst v63  }
0x25d: {  	_ =	swait.ge [sflag:s30], $0x1400  }
0x25e: {  	[sflag:s30] =	ssyncset.done $0x0  }
0x25f: {  	[sflag:s30] =	ssyncadd.s32 $0xFFFFEC00  }
0x260: {  	[tilespmem:s29], [sflag:$0x1] =	stream.indirect.gather [hbm4b:s5+s31], $0x80, s16, s31, $0xb8;
	[tilespmem:$0x1ED80] =	vst v63  }
0x261: {  	_ = 	snop  }
0x262: {  	[tilespmem:s8], [sflag:$0x2] =	stream.indirect.gather [hbm4b:s5+s31], $0x80, s6, s31, $0xb8;
	[tilespmem:$0x1ED80] =	vst v63  }
0x263: {  	_ = 	snop  }
0x264: {  	[tilespmem:s10], [sflag:$0x3] =	stream.indirect.gather [hbm4b:s5+s31], $0x80, s21, s31, $0xb8;
	[tilespmem:$0x1ED80] =	vst v63  }
0x265: {  	s7 =	simm.s32 $0x180  }
0x266: {  	[tilespmem:s12], [sflag:$0x4] =	stream.indirect.gather [hbm4b:s5+s31], $0x80, s7, s31, $0xb8;
	[tilespmem:$0x1ED80] =	vst v63  }
0x267: {  	_ =	swait.ge [sflag:s13], $0x2000  }
0x268: {  	[sflag:s13] =	ssyncset.done $0x0  }
0x269: {  	[sflag:s13] =	ssyncadd.s32 $0xFFFFE000  }
0x26a: {  	[spmem:s2] =	stream.indirect.scatter.add.f32 [tilespmem:s29], [sflag:$0x5], $0x80, s0, s31, $0xb8;
	[tilespmem:$0x1ED80] =	vst v63  }
0x26b: {  	_ = 	snop  }
0x26c: {  	[spmem:s3] =	stream.indirect.scatter.add.f32 [tilespmem:s14], [sflag:$0x9], $0x1, s0, s31, $0xb8;
	[tilespmem:$0x1ED80] =	vst v63  }
0x26d: {  	_ =	swait.ge [sflag:s15], $0x2000  }
0x26e: {  	[sflag:s15] =	ssyncset.done $0x0  }
0x26f: {  	s16 =	simm.s32 $0x1480;
	[sflag:s15] =	ssyncadd.s32 $0xFFFFE000  }
0x270: {  	[spmem:s2] =	stream.indirect.scatter.add.f32 [tilespmem:s8], [sflag:$0x6], $0x80, s16, s31, $0xb8;
	[tilespmem:$0x1ED80] =	vst v63  }
0x271: {  	_ = 	snop  }
0x272: {  	[spmem:s3] =	stream.indirect.scatter.add.f32 [tilespmem:s14], [sflag:$0xA], $0x1, s16, s31, $0xb8;
	[tilespmem:$0x1ED80] =	vst v63  }
0x273: {  	_ =	swait.ge [sflag:s17], $0x2000  }
0x274: {  	[sflag:s17] =	ssyncset.done $0x0  }
0x275: {  	[sflag:s17] =	ssyncadd.s32 $0xFFFFE000  }
0x276: {  	_ =	swait.ge [sflag:s18], $0x40  }
0x277: {  	[sflag:s18] =	ssyncset.done $0x0  }
0x278: {  	s21 =	simm.s32 $0x200;
	[sflag:s18] =	ssyncadd.s32 $0xFFFFFFC0  }
0x279: {  	[tilespmem:s29], [sflag:$0x1] =	stream.indirect.gather [hbm4b:s5+s31], $0x80, s21, s31, $0xb8;
	[tilespmem:$0x1ED80] =	vst v63  }
0x27a: {  	_ =	swait.ge [sflag:s20], $0x2000  }
0x27b: {  	[sflag:s20] =	ssyncset.done $0x0  }
0x27c: {  	s24 =	simm.s32 $0x1500;
	[sflag:s20] =	ssyncadd.s32 $0xFFFFE000  }
0x27d: {  	[spmem:s2] =	stream.indirect.scatter.add.f32 [tilespmem:s10], [sflag:$0x7], $0x80, s24, s31, $0xb8;
	[tilespmem:$0x1ED80] =	vst v63  }
0x27e: {  	_ = 	snop  }
0x27f: {  	[spmem:s3] =	stream.indirect.scatter.add.f32 [tilespmem:s14], [sflag:$0xB], $0x1, s24, s31, $0xb8;
	[tilespmem:$0x1ED80] =	vst v63  }
0x280: {  	_ =	swait.ge [sflag:s22], $0x2000  }
0x281: {  	[sflag:s22] =	ssyncset.done $0x0  }
0x282: {  	[sflag:s22] =	ssyncadd.s32 $0xFFFFE000  }
0x283: {  	_ =	swait.ge [sflag:s23], $0x40  }
0x284: {  	[sflag:s23] =	ssyncset.done $0x0  }
0x285: {  	s6 =	simm.s32 $0x280;
	[sflag:s23] =	ssyncadd.s32 $0xFFFFFFC0  }
0x286: {  	[tilespmem:s8], [sflag:$0x2] =	stream.indirect.gather [hbm4b:s5+s31], $0x80, s6, s31, $0xb8;
	[tilespmem:$0x1ED80] =	vst v63  }
0x287: {  	_ =	swait.ge [sflag:s25], $0x2000  }
0x288: {  	[sflag:s25] =	ssyncset.done $0x0  }
0x289: {  	s7 =	simm.s32 $0x1580;
	[sflag:s25] =	ssyncadd.s32 $0xFFFFE000  }
0x28a: {  	[spmem:s2] =	stream.indirect.scatter.add.f32 [tilespmem:s12], [sflag:$0x8], $0x80, s7, s31, $0xb8;
	[tilespmem:$0x1ED80] =	vst v63  }
0x28b: {  	_ = 	snop  }
0x28c: {  	[spmem:s3] =	stream.indirect.scatter.add.f32 [tilespmem:s14], [sflag:$0xC], $0x1, s7, s31, $0xb8;
	[tilespmem:$0x1ED80] =	vst v63  }
0x28d: {  	_ =	swait.ge [sflag:s28], $0x2000  }
0x28e: {  	[sflag:s28] =	ssyncset.done $0x0  }
0x28f: {  	[sflag:s28] =	ssyncadd.s32 $0xFFFFE000  }
0x290: {  	_ =	swait.ge [sflag:s4], $0x40  }
0x291: {  	[sflag:s4] =	ssyncset.done $0x0  }
0x292: {  	s16 =	simm.s32 $0x300;
	[sflag:s4] =	ssyncadd.s32 $0xFFFFFFC0  }
0x293: {  	[tilespmem:s10], [sflag:$0x3] =	stream.indirect.gather [hbm4b:s5+s31], $0x80, s16, s31, $0xb8;
	[tilespmem:$0x1ED80] =	vst v63  }
0x294: {  	_ =	swait.ge [sflag:s13], $0x2000  }
0x295: {  	[sflag:s13] =	ssyncset.done $0x0  }
0x296: {  	s21 =	simm.s32 $0x1600;
	[sflag:s13] =	ssyncadd.s32 $0xFFFFE000  }
0x297: {  	[spmem:s2] =	stream.indirect.scatter.add.f32 [tilespmem:s29], [sflag:$0x5], $0x80, s21, s31, $0xb8;
	[tilespmem:$0x1ED80] =	vst v63  }
0x298: {  	_ = 	snop  }
0x299: {  	[spmem:s3] =	stream.indirect.scatter.add.f32 [tilespmem:s14], [sflag:$0x9], $0x1, s21, s31, $0xb8;
	[tilespmem:$0x1ED80] =	vst v63  }
0x29a: {  	_ =	swait.ge [sflag:s11], $0x2000  }
0x29b: {  	[sflag:s11] =	ssyncset.done $0x0  }
0x29c: {  	[sflag:s11] =	ssyncadd.s32 $0xFFFFE000  }
0x29d: {  	_ =	swait.ge [sflag:s19], $0x40  }
0x29e: {  	[sflag:s19] =	ssyncset.done $0x0  }
0x29f: {  	s24 =	simm.s32 $0x380;
	[sflag:s19] =	ssyncadd.s32 $0xFFFFFFC0  }
0x2a0: {  	[tilespmem:s12], [sflag:$0x4] =	stream.indirect.gather [hbm4b:s5+s31], $0x80, s24, s31, $0xb8;
	[tilespmem:$0x1ED80] =	vst v63  }
0x2a1: {  	_ =	swait.ge [sflag:s15], $0x2000  }
0x2a2: {  	[sflag:s15] =	ssyncset.done $0x0  }
0x2a3: {  	s1 =	simm.s32 $0x1680;
	[sflag:s15] =	ssyncadd.s32 $0xFFFFE000  }
0x2a4: {  	[spmem:s2] =	stream.indirect.scatter.add.f32 [tilespmem:s8], [sflag:$0x6], $0x80, s1, s31, $0xb8;
	[tilespmem:$0x1ED80] =	vst v63  }
0x2a5: {  	_ = 	snop  }
0x2a6: {  	[spmem:s3] =	stream.indirect.scatter.add.f32 [tilespmem:s14], [sflag:$0xA], $0x1, s1, s31, $0xb8;
	[tilespmem:$0x1ED80] =	vst v63  }
0x2a7: {  	_ =	swait.ge [sflag:s17], $0x2000  }
0x2a8: {  	[sflag:s17] =	ssyncset.done $0x0  }
0x2a9: {  	[sflag:s17] =	ssyncadd.s32 $0xFFFFE000  }
0x2aa: {  	_ =	swait.ge [sflag:s18], $0x40  }
0x2ab: {  	[sflag:s18] =	ssyncset.done $0x0  }
0x2ac: {  	s6 =	simm.s32 $0x400;
	[sflag:s18] =	ssyncadd.s32 $0xFFFFFFC0  }
0x2ad: {  	[tilespmem:s29], [sflag:$0x1] =	stream.indirect.gather [hbm4b:s5+s31], $0x80, s6, s31, $0xb8;
	[tilespmem:$0x1ED80] =	vst v63  }
0x2ae: {  	_ =	swait.ge [sflag:s20], $0x2000  }
0x2af: {  	[sflag:s20] =	ssyncset.done $0x0  }
0x2b0: {  	s7 =	simm.s32 $0x1700;
	[sflag:s20] =	ssyncadd.s32 $0xFFFFE000  }
0x2b1: {  	[spmem:s2] =	stream.indirect.scatter.add.f32 [tilespmem:s10], [sflag:$0x7], $0x80, s7, s31, $0xb8;
	[tilespmem:$0x1ED80] =	vst v63  }
0x2b2: {  	_ = 	snop  }
0x2b3: {  	[spmem:s3] =	stream.indirect.scatter.add.f32 [tilespmem:s14], [sflag:$0xB], $0x1, s7, s31, $0xb8;
	[tilespmem:$0x1ED80] =	vst v63  }
0x2b4: {  	_ =	swait.ge [sflag:s22], $0x2000  }
0x2b5: {  	[sflag:s22] =	ssyncset.done $0x0  }
0x2b6: {  	[sflag:s22] =	ssyncadd.s32 $0xFFFFE000  }
0x2b7: {  	_ =	swait.ge [sflag:s23], $0x40  }
0x2b8: {  	[sflag:s23] =	ssyncset.done $0x0  }
0x2b9: {  	s21 =	simm.s32 $0x480;
	[sflag:s23] =	ssyncadd.s32 $0xFFFFFFC0  }
0x2ba: {  	[tilespmem:s8], [sflag:$0x2] =	stream.indirect.gather [hbm4b:s5+s31], $0x80, s21, s31, $0xb8;
	[tilespmem:$0x1ED80] =	vst v63  }
0x2bb: {  	_ =	swait.ge [sflag:s25], $0x2000  }
0x2bc: {  	[sflag:s25] =	ssyncset.done $0x0  }
0x2bd: {  	s24 =	simm.s32 $0x1780;
	[sflag:s25] =	ssyncadd.s32 $0xFFFFE000  }
0x2be: {  	[spmem:s2] =	stream.indirect.scatter.add.f32 [tilespmem:s12], [sflag:$0x8], $0x80, s24, s31, $0xb8;
	[tilespmem:$0x1ED80] =	vst v63  }
0x2bf: {  	_ = 	snop  }
0x2c0: {  	[spmem:s3] =	stream.indirect.scatter.add.f32 [tilespmem:s14], [sflag:$0xC], $0x1, s24, s31, $0xb8;
	[tilespmem:$0x1ED80] =	vst v63  }
0x2c1: {  	_ =	swait.ge [sflag:s28], $0x2000  }
0x2c2: {  	[sflag:s28] =	ssyncset.done $0x0  }
0x2c3: {  	[sflag:s28] =	ssyncadd.s32 $0xFFFFE000  }
0x2c4: {  	_ =	swait.ge [sflag:s4], $0x40  }
0x2c5: {  	[sflag:s4] =	ssyncset.done $0x0  }
0x2c6: {  	s16 =	simm.s32 $0x800;
	s21 =	simm.s32 $0x500;
	[sflag:s4] =	ssyncadd.s32 $0xFFFFFFC0  }
.LBB2_8:
0x2c7: {  	[tilespmem:s10], [sflag:$0x3] =	stream.indirect.gather [hbm4b:s5+s31], $0x80, s21, s31, $0xb8;
	[tilespmem:$0x1ED80] =	vst v63  }
0x2c8: {  	s21 =	smov.u32 s16  }
0x2c9: {  	p0 =	sne.s32 s16, $0x3800;
	s16 =	sadd.s32 $0x800, s16;
	_ =	swait.ge [sflag:s13], $0x2000  }
0x2ca: {  	s21 =	sshra.s32 s21, $0x2;
	[sflag:s13] =	ssyncset.done $0x0  }
0x2cb: {  	s24 =	sadd.s32 $0x1600, s21;
	[sflag:s13] =	ssyncadd.s32 $0xFFFFE000  }
0x2cc: {  	[spmem:s2] =	stream.indirect.scatter.add.f32 [tilespmem:s29], [sflag:$0x5], $0x80, s24, s31, $0xb8;
	[tilespmem:$0x1ED80] =	vst v63  }
0x2cd: {  	_ = 	snop  }
0x2ce: {  	[spmem:s3] =	stream.indirect.scatter.add.f32 [tilespmem:s14], [sflag:$0x9], $0x1, s24, s31, $0xb8;
	[tilespmem:$0x1ED80] =	vst v63  }
0x2cf: {  	_ =	swait.ge [sflag:s11], $0x2000  }
0x2d0: {  	[sflag:s11] =	ssyncset.done $0x0  }
0x2d1: {  	[sflag:s11] =	ssyncadd.s32 $0xFFFFE000  }
0x2d2: {  	_ =	swait.ge [sflag:s19], $0x40  }
0x2d3: {  	[sflag:s19] =	ssyncset.done $0x0  }
0x2d4: {  	s24 =	sadd.s32 $0x380, s21;
	[sflag:s19] =	ssyncadd.s32 $0xFFFFFFC0  }
0x2d5: {  	[tilespmem:s12], [sflag:$0x4] =	stream.indirect.gather [hbm4b:s5+s31], $0x80, s24, s31, $0xb8;
	[tilespmem:$0x1ED80] =	vst v63  }
0x2d6: {  	_ =	swait.ge [sflag:s15], $0x2000  }
0x2d7: {  	[sflag:s15] =	ssyncset.done $0x0  }
0x2d8: {  	s24 =	sadd.s32 $0x1680, s21;
	[sflag:s15] =	ssyncadd.s32 $0xFFFFE000  }
0x2d9: {  	[spmem:s2] =	stream.indirect.scatter.add.f32 [tilespmem:s8], [sflag:$0x6], $0x80, s24, s31, $0xb8;
	[tilespmem:$0x1ED80] =	vst v63  }
0x2da: {  	_ = 	snop  }
0x2db: {  	[spmem:s3] =	stream.indirect.scatter.add.f32 [tilespmem:s14], [sflag:$0xA], $0x1, s24, s31, $0xb8;
	[tilespmem:$0x1ED80] =	vst v63  }
0x2dc: {  	_ =	swait.ge [sflag:s17], $0x2000  }
0x2dd: {  	[sflag:s17] =	ssyncset.done $0x0  }
0x2de: {  	[sflag:s17] =	ssyncadd.s32 $0xFFFFE000  }
0x2df: {  	_ =	swait.ge [sflag:s18], $0x40  }
0x2e0: {  	[sflag:s18] =	ssyncset.done $0x0  }
0x2e1: {  	s24 =	sadd.s32 $0x400, s21;
	[sflag:s18] =	ssyncadd.s32 $0xFFFFFFC0  }
0x2e2: {  	[tilespmem:s29], [sflag:$0x1] =	stream.indirect.gather [hbm4b:s5+s31], $0x80, s24, s31, $0xb8;
	[tilespmem:$0x1ED80] =	vst v63  }
0x2e3: {  	_ =	swait.ge [sflag:s20], $0x2000  }
0x2e4: {  	[sflag:s20] =	ssyncset.done $0x0  }
0x2e5: {  	s24 =	sadd.s32 $0x1700, s21;
	[sflag:s20] =	ssyncadd.s32 $0xFFFFE000  }
0x2e6: {  	[spmem:s2] =	stream.indirect.scatter.add.f32 [tilespmem:s10], [sflag:$0x7], $0x80, s24, s31, $0xb8;
	[tilespmem:$0x1ED80] =	vst v63  }
0x2e7: {  	_ = 	snop  }
0x2e8: {  	[spmem:s3] =	stream.indirect.scatter.add.f32 [tilespmem:s14], [sflag:$0xB], $0x1, s24, s31, $0xb8;
	[tilespmem:$0x1ED80] =	vst v63  }
0x2e9: {  	_ =	swait.ge [sflag:s22], $0x2000  }
0x2ea: {  	[sflag:s22] =	ssyncset.done $0x0  }
0x2eb: {  	[sflag:s22] =	ssyncadd.s32 $0xFFFFE000  }
0x2ec: {  	_ =	swait.ge [sflag:s23], $0x40  }
0x2ed: {  	[sflag:s23] =	ssyncset.done $0x0  }
0x2ee: {  	s24 =	sadd.s32 $0x480, s21;
	[sflag:s23] =	ssyncadd.s32 $0xFFFFFFC0  }
0x2ef: {  	[tilespmem:s8], [sflag:$0x2] =	stream.indirect.gather [hbm4b:s5+s31], $0x80, s24, s31, $0xb8;
	[tilespmem:$0x1ED80] =	vst v63  }
0x2f0: {  	_ =	swait.ge [sflag:s25], $0x2000  }
0x2f1: {  	[sflag:s25] =	ssyncset.done $0x0  }
0x2f2: {  	s24 =	sadd.s32 $0x1780, s21;
	[sflag:s25] =	ssyncadd.s32 $0xFFFFE000  }
0x2f3: {  	[spmem:s2] =	stream.indirect.scatter.add.f32 [tilespmem:s12], [sflag:$0x8], $0x80, s24, s31, $0xb8;
	[tilespmem:$0x1ED80] =	vst v63  }
0x2f4: {  	_ = 	snop  }
0x2f5: {  	[spmem:s3] =	stream.indirect.scatter.add.f32 [tilespmem:s14], [sflag:$0xC], $0x1, s24, s31, $0xb8;
	[tilespmem:$0x1ED80] =	vst v63  }
0x2f6: {  	_ =	swait.ge [sflag:s28], $0x2000  }
.Ltmp3:
0x2f7: {  	[sflag:s28] =	ssyncset.done $0x0;
	(pc) =	sbr.rel @p0 .LBB2_8-.Ltmp3, $4  }
0x2f8: {  	[sflag:s28] =	ssyncadd.s32 $0xFFFFE000  }
0x2f9: {  	_ =	swait.ge [sflag:s4], $0x40  }
0x2fa: {  	[sflag:s4] =	ssyncset.done $0x0  }
0x2fb: {  	s21 =	sadd.s32 $0x500, s21;
	[sflag:s4] =	ssyncadd.s32 $0xFFFFFFC0  }
0x2fc: {  	[dreg:$0x1a] =	wrdreg s9  }
0x2fd: {  	[tilespmem:s10], [sflag:$0x3] =	stream.indirect.gather [hbm4b:s5+s31], $0x80, s21, s31, $0xb8;
	[tilespmem:$0x1ED80] =	vst v63  }
0x2fe: {  	_ =	swait.ge [sflag:s13], $0x2000  }
0x2ff: {  	[sflag:s13] =	ssyncset.done $0x0  }
0x300: {  	s1 =	simm.s32 $0x2600;
	[sflag:s13] =	ssyncadd.s32 $0xFFFFE000  }
0x301: {  	[spmem:s2] =	stream.indirect.scatter.add.f32 [tilespmem:s29], [sflag:$0x5], $0x80, s1, s31, $0xb8;
	[tilespmem:$0x1ED80] =	vst v63  }
0x302: {  	_ = 	snop  }
0x303: {  	[spmem:s3] =	stream.indirect.scatter.add.f32 [tilespmem:s14], [sflag:$0x9], $0x1, s1, s31, $0xb8;
	[tilespmem:$0x1ED80] =	vst v63  }
0x304: {  	_ =	swait.ge [sflag:s11], $0x2000  }
0x305: {  	[sflag:s11] =	ssyncset.done $0x0  }
0x306: {  	[sflag:s11] =	ssyncadd.s32 $0xFFFFE000  }
0x307: {  	_ =	swait.ge [sflag:s19], $0x40  }
0x308: {  	[sflag:s19] =	ssyncset.done $0x0  }
0x309: {  	s24 =	simm.s32 $0x1380;
	[sflag:s19] =	ssyncadd.s32 $0xFFFFFFC0  }
0x30a: {  	[tilespmem:s12], [sflag:$0x4] =	stream.indirect.gather [hbm4b:s5+s31], $0x80, s24, s31, $0xb8;
	[tilespmem:$0x1ED80] =	vst v63  }
0x30b: {  	_ =	swait.ge [sflag:s15], $0x2000  }
0x30c: {  	[sflag:s15] =	ssyncset.done $0x0  }
0x30d: {  	s6 =	simm.s32 $0x2680;
	[sflag:s15] =	ssyncadd.s32 $0xFFFFE000  }
0x30e: {  	[spmem:s2] =	stream.indirect.scatter.add.f32 [tilespmem:s8], [sflag:$0x6], $0x80, s6, s31, $0xb8;
	[tilespmem:$0x1ED80] =	vst v63  }
0x30f: {  	_ = 	snop  }
0x310: {  	[spmem:s3] =	stream.indirect.scatter.add.f32 [tilespmem:s14], [sflag:$0xA], $0x1, s6, s31, $0xb8;
	[tilespmem:$0x1ED80] =	vst v63  }
0x311: {  	_ =	swait.ge [sflag:s17], $0x2000  }
0x312: {  	[sflag:s17] =	ssyncset.done $0x0  }
0x313: {  	[sflag:s17] =	ssyncadd.s32 $0xFFFFE000  }
0x314: {  	_ =	swait.ge [sflag:s18], $0x40  }
0x315: {  	[sflag:s18] =	ssyncset.done $0x0  }
0x316: {  	s16 =	simm.s32 $0x0;
	[sflag:s18] =	ssyncadd.s32 $0xFFFFFFC0  }
0x317: {  	[tilespmem:s29], [sflag:$0x1] =	stream.indirect.gather [hbm4b:s5+s31], $0x80, s16, s31, $0xb8;
	[tilespmem:$0x1ED80] =	vst v63  }
0x318: {  	_ =	swait.ge [sflag:s20], $0x2000  }
0x319: {  	[sflag:s20] =	ssyncset.done $0x0  }
0x31a: {  	s7 =	simm.s32 $0x2700;
	[sflag:s20] =	ssyncadd.s32 $0xFFFFE000  }
0x31b: {  	[spmem:s2] =	stream.indirect.scatter.add.f32 [tilespmem:s10], [sflag:$0x7], $0x80, s7, s31, $0xb8;
	[tilespmem:$0x1ED80] =	vst v63  }
0x31c: {  	_ = 	snop  }
0x31d: {  	[spmem:s3] =	stream.indirect.scatter.add.f32 [tilespmem:s14], [sflag:$0xB], $0x1, s7, s31, $0xb8;
	[tilespmem:$0x1ED80] =	vst v63  }
0x31e: {  	_ =	swait.ge [sflag:s22], $0x2000  }
0x31f: {  	[sflag:s22] =	ssyncset.done $0x0  }
0x320: {  	[sflag:s22] =	ssyncadd.s32 $0xFFFFE000  }
0x321: {  	_ =	swait.ge [sflag:s23], $0x40  }
0x322: {  	[sflag:s23] =	ssyncset.done $0x0  }
0x323: {  	s9 =	simm.s32 $0x80;
	[sflag:s23] =	ssyncadd.s32 $0xFFFFFFC0  }
0x324: {  	[tilespmem:s8], [sflag:$0x2] =	stream.indirect.gather [hbm4b:s5+s31], $0x80, s9, s31, $0xb8;
	[tilespmem:$0x1ED80] =	vst v63  }
0x325: {  	_ =	swait.ge [sflag:s25], $0x2000  }
0x326: {  	[sflag:s25] =	ssyncset.done $0x0  }
0x327: {  	s24 =	simm.s32 $0x2780;
	[sflag:s25] =	ssyncadd.s32 $0xFFFFE000  }
0x328: {  	[spmem:s2] =	stream.indirect.scatter.add.f32 [tilespmem:s12], [sflag:$0x8], $0x80, s24, s31, $0xb8;
	[tilespmem:$0x1ED80] =	vst v63  }
0x329: {  	_ = 	snop  }
0x32a: {  	[spmem:s3] =	stream.indirect.scatter.add.f32 [tilespmem:s14], [sflag:$0xC], $0x1, s24, s31, $0xb8;
	[tilespmem:$0x1ED80] =	vst v63  }
0x32b: {  	_ =	swait.ge [sflag:s28], $0x2000  }
0x32c: {  	[sflag:s28] =	ssyncset.done $0x0  }
0x32d: {  	[sflag:s28] =	ssyncadd.s32 $0xFFFFE000  }
0x32e: {  	_ =	swait.ge [sflag:s4], $0x40  }
0x32f: {  	[sflag:s4] =	ssyncset.done $0x0  }
0x330: {  	s24 =	simm.s32 $0x100;
	[sflag:s4] =	ssyncadd.s32 $0xFFFFFFC0  }
0x331: {  	[tilespmem:s10], [sflag:$0x3] =	stream.indirect.gather [hbm4b:s5+s31], $0x80, s24, s31, $0xb8;
	[tilespmem:$0x1ED80] =	vst v63  }
0x332: {  	_ =	swait.ge [sflag:s11], $0x2000  }
0x333: {  	[sflag:s11] =	ssyncset.done $0x0  }
0x334: {  	[sflag:s11] =	ssyncadd.s32 $0xFFFFE000  }
0x335: {  	_ =	swait.ge [sflag:s19], $0x40  }
0x336: {  	[sflag:s19] =	ssyncset.done $0x0  }
0x337: {  	[sflag:s19] =	ssyncadd.s32 $0xFFFFFFC0  }
0x338: {  	_ =	swait.ge [sflag:s13], $0x2000  }
0x339: {  	[sflag:s13] =	ssyncset.done $0x0  }
0x33a: {  	[sflag:s13] =	ssyncadd.s32 $0xFFFFE000  }
0x33b: {  	_ =	swait.ge [sflag:s15], $0x2000  }
0x33c: {  	[sflag:s15] =	ssyncset.done $0x0  }
0x33d: {  	[sflag:s15] =	ssyncadd.s32 $0xFFFFE000  }
0x33e: {  	_ =	swait.ge [sflag:s20], $0x2000  }
0x33f: {  	[sflag:s20] =	ssyncset.done $0x0  }
0x340: {  	s7 =	rddreg [dreg:$0xc];
	[sflag:s20] =	ssyncadd.s32 $0xFFFFE000  }
0x341: {  	[tilespmem:s16], [sflag:$0xD] =	stream.linear.gather [hbm4b:s7+s16], $0x1400, $0x38;
	[tilespmem:$0x1ED80] =	vst v63  }
0x342: {  	_ =	swait.ge [sflag:s30], $0x1400  }
0x343: {  	[sflag:s30] =	ssyncset.done $0x0  }
0x344: {  	s6 =	rddreg [dreg:$0xd];
	[sflag:s30] =	ssyncadd.s32 $0xFFFFEC00  }
0x345: {  	[tilespmem:s0], [sflag:$0xD] =	stream.linear.gather [hbm4b:s6+s16], $0x1400, $0x38;
	[tilespmem:$0x1ED80] =	vst v63  }
0x346: {  	_ =	swait.ge [sflag:s30], $0x1400  }
0x347: {  	[sflag:s30] =	ssyncset.done $0x0  }
0x348: {  	[sflag:s30] =	ssyncadd.s32 $0xFFFFEC00  }
0x349: {  	[tilespmem:s29], [sflag:$0x1] =	stream.indirect.gather [hbm4b:s5+s31], $0x80, s16, s31, $0xb8;
	[tilespmem:$0x1ED80] =	vst v63  }
0x34a: {  	_ = 	snop  }
0x34b: {  	[tilespmem:s8], [sflag:$0x2] =	stream.indirect.gather [hbm4b:s5+s31], $0x80, s9, s31, $0xb8;
	[tilespmem:$0x1ED80] =	vst v63  }
0x34c: {  	_ = 	snop  }
0x34d: {  	[tilespmem:s10], [sflag:$0x3] =	stream.indirect.gather [hbm4b:s5+s31], $0x80, s24, s31, $0xb8;
	[tilespmem:$0x1ED80] =	vst v63  }
0x34e: {  	s9 =	simm.s32 $0x180  }
0x34f: {  	[tilespmem:s12], [sflag:$0x4] =	stream.indirect.gather [hbm4b:s5+s31], $0x80, s9, s31, $0xb8;
	[tilespmem:$0x1ED80] =	vst v63  }
0x350: {  	_ =	swait.ge [sflag:s13], $0x2000  }
0x351: {  	[sflag:s13] =	ssyncset.done $0x0  }
0x352: {  	[sflag:s13] =	ssyncadd.s32 $0xFFFFE000  }
0x353: {  	[spmem:s2] =	stream.indirect.scatter.add.f32 [tilespmem:s29], [sflag:$0x5], $0x80, s0, s31, $0xb8;
	[tilespmem:$0x1ED80] =	vst v63  }
0x354: {  	_ = 	snop  }
0x355: {  	[spmem:s3] =	stream.indirect.scatter.add.f32 [tilespmem:s14], [sflag:$0x9], $0x1, s0, s31, $0xb8;
	[tilespmem:$0x1ED80] =	vst v63  }
0x356: {  	_ =	swait.ge [sflag:s15], $0x2000  }
0x357: {  	[sflag:s15] =	ssyncset.done $0x0  }
0x358: {  	s16 =	simm.s32 $0x1480;
	[sflag:s15] =	ssyncadd.s32 $0xFFFFE000  }
0x359: {  	[spmem:s2] =	stream.indirect.scatter.add.f32 [tilespmem:s8], [sflag:$0x6], $0x80, s16, s31, $0xb8;
	[tilespmem:$0x1ED80] =	vst v63  }
0x35a: {  	_ = 	snop  }
0x35b: {  	[spmem:s3] =	stream.indirect.scatter.add.f32 [tilespmem:s14], [sflag:$0xA], $0x1, s16, s31, $0xb8;
	[tilespmem:$0x1ED80] =	vst v63  }
0x35c: {  	_ =	swait.ge [sflag:s17], $0x2000  }
0x35d: {  	[sflag:s17] =	ssyncset.done $0x0  }
0x35e: {  	[sflag:s17] =	ssyncadd.s32 $0xFFFFE000  }
0x35f: {  	_ =	swait.ge [sflag:s18], $0x40  }
0x360: {  	[sflag:s18] =	ssyncset.done $0x0  }
0x361: {  	s21 =	simm.s32 $0x200;
	[sflag:s18] =	ssyncadd.s32 $0xFFFFFFC0  }
0x362: {  	[tilespmem:s29], [sflag:$0x1] =	stream.indirect.gather [hbm4b:s5+s31], $0x80, s21, s31, $0xb8;
	[tilespmem:$0x1ED80] =	vst v63  }
0x363: {  	_ =	swait.ge [sflag:s20], $0x2000  }
0x364: {  	[sflag:s20] =	ssyncset.done $0x0  }
0x365: {  	s24 =	simm.s32 $0x1500;
	[sflag:s20] =	ssyncadd.s32 $0xFFFFE000  }
0x366: {  	[spmem:s2] =	stream.indirect.scatter.add.f32 [tilespmem:s10], [sflag:$0x7], $0x80, s24, s31, $0xb8;
	[tilespmem:$0x1ED80] =	vst v63  }
0x367: {  	_ = 	snop  }
0x368: {  	[spmem:s3] =	stream.indirect.scatter.add.f32 [tilespmem:s14], [sflag:$0xB], $0x1, s24, s31, $0xb8;
	[tilespmem:$0x1ED80] =	vst v63  }
0x369: {  	_ =	swait.ge [sflag:s22], $0x2000  }
0x36a: {  	[sflag:s22] =	ssyncset.done $0x0  }
0x36b: {  	[sflag:s22] =	ssyncadd.s32 $0xFFFFE000  }
0x36c: {  	_ =	swait.ge [sflag:s23], $0x40  }
0x36d: {  	[sflag:s23] =	ssyncset.done $0x0  }
0x36e: {  	s0 =	simm.s32 $0x280;
	[sflag:s23] =	ssyncadd.s32 $0xFFFFFFC0  }
0x36f: {  	[tilespmem:s8], [sflag:$0x2] =	stream.indirect.gather [hbm4b:s5+s31], $0x80, s0, s31, $0xb8;
	[tilespmem:$0x1ED80] =	vst v63  }
0x370: {  	_ =	swait.ge [sflag:s25], $0x2000  }
0x371: {  	[sflag:s25] =	ssyncset.done $0x0  }
0x372: {  	s9 =	simm.s32 $0x1580;
	[sflag:s25] =	ssyncadd.s32 $0xFFFFE000  }
0x373: {  	[spmem:s2] =	stream.indirect.scatter.add.f32 [tilespmem:s12], [sflag:$0x8], $0x80, s9, s31, $0xb8;
	[tilespmem:$0x1ED80] =	vst v63  }
0x374: {  	_ = 	snop  }
0x375: {  	[spmem:s3] =	stream.indirect.scatter.add.f32 [tilespmem:s14], [sflag:$0xC], $0x1, s9, s31, $0xb8;
	[tilespmem:$0x1ED80] =	vst v63  }
0x376: {  	_ =	swait.ge [sflag:s28], $0x2000  }
0x377: {  	[sflag:s28] =	ssyncset.done $0x0  }
0x378: {  	[sflag:s28] =	ssyncadd.s32 $0xFFFFE000  }
0x379: {  	_ =	swait.ge [sflag:s4], $0x40  }
0x37a: {  	[sflag:s4] =	ssyncset.done $0x0  }
0x37b: {  	s16 =	simm.s32 $0x300;
	[sflag:s4] =	ssyncadd.s32 $0xFFFFFFC0  }
0x37c: {  	[tilespmem:s10], [sflag:$0x3] =	stream.indirect.gather [hbm4b:s5+s31], $0x80, s16, s31, $0xb8;
	[tilespmem:$0x1ED80] =	vst v63  }
0x37d: {  	_ =	swait.ge [sflag:s13], $0x2000  }
0x37e: {  	[sflag:s13] =	ssyncset.done $0x0  }
0x37f: {  	s21 =	simm.s32 $0x1600;
	[sflag:s13] =	ssyncadd.s32 $0xFFFFE000  }
0x380: {  	[spmem:s2] =	stream.indirect.scatter.add.f32 [tilespmem:s29], [sflag:$0x5], $0x80, s21, s31, $0xb8;
	[tilespmem:$0x1ED80] =	vst v63  }
0x381: {  	_ = 	snop  }
0x382: {  	[spmem:s3] =	stream.indirect.scatter.add.f32 [tilespmem:s14], [sflag:$0x9], $0x1, s21, s31, $0xb8;
	[tilespmem:$0x1ED80] =	vst v63  }
0x383: {  	_ =	swait.ge [sflag:s11], $0x2000  }
0x384: {  	[sflag:s11] =	ssyncset.done $0x0  }
0x385: {  	[sflag:s11] =	ssyncadd.s32 $0xFFFFE000  }
0x386: {  	_ =	swait.ge [sflag:s19], $0x40  }
0x387: {  	[sflag:s19] =	ssyncset.done $0x0  }
0x388: {  	s24 =	simm.s32 $0x380;
	[sflag:s19] =	ssyncadd.s32 $0xFFFFFFC0  }
0x389: {  	[tilespmem:s12], [sflag:$0x4] =	stream.indirect.gather [hbm4b:s5+s31], $0x80, s24, s31, $0xb8;
	[tilespmem:$0x1ED80] =	vst v63  }
0x38a: {  	_ =	swait.ge [sflag:s15], $0x2000  }
0x38b: {  	[sflag:s15] =	ssyncset.done $0x0  }
0x38c: {  	s0 =	simm.s32 $0x1680;
	[sflag:s15] =	ssyncadd.s32 $0xFFFFE000  }
0x38d: {  	[spmem:s2] =	stream.indirect.scatter.add.f32 [tilespmem:s8], [sflag:$0x6], $0x80, s0, s31, $0xb8;
	[tilespmem:$0x1ED80] =	vst v63  }
0x38e: {  	_ = 	snop  }
0x38f: {  	[spmem:s3] =	stream.indirect.scatter.add.f32 [tilespmem:s14], [sflag:$0xA], $0x1, s0, s31, $0xb8;
	[tilespmem:$0x1ED80] =	vst v63  }
0x390: {  	_ =	swait.ge [sflag:s17], $0x2000  }
0x391: {  	[sflag:s17] =	ssyncset.done $0x0  }
0x392: {  	[sflag:s17] =	ssyncadd.s32 $0xFFFFE000  }
0x393: {  	_ =	swait.ge [sflag:s18], $0x40  }
0x394: {  	[sflag:s18] =	ssyncset.done $0x0  }
0x395: {  	s7 =	simm.s32 $0x400;
	[sflag:s18] =	ssyncadd.s32 $0xFFFFFFC0  }
0x396: {  	[tilespmem:s29], [sflag:$0x1] =	stream.indirect.gather [hbm4b:s5+s31], $0x80, s7, s31, $0xb8;
	[tilespmem:$0x1ED80] =	vst v63  }
0x397: {  	_ =	swait.ge [sflag:s20], $0x2000  }
0x398: {  	[sflag:s20] =	ssyncset.done $0x0  }
0x399: {  	s9 =	simm.s32 $0x1700;
	[sflag:s20] =	ssyncadd.s32 $0xFFFFE000  }
0x39a: {  	[spmem:s2] =	stream.indirect.scatter.add.f32 [tilespmem:s10], [sflag:$0x7], $0x80, s9, s31, $0xb8;
	[tilespmem:$0x1ED80] =	vst v63  }
0x39b: {  	_ = 	snop  }
0x39c: {  	[spmem:s3] =	stream.indirect.scatter.add.f32 [tilespmem:s14], [sflag:$0xB], $0x1, s9, s31, $0xb8;
	[tilespmem:$0x1ED80] =	vst v63  }
0x39d: {  	_ =	swait.ge [sflag:s22], $0x2000  }
0x39e: {  	[sflag:s22] =	ssyncset.done $0x0  }
0x39f: {  	[sflag:s22] =	ssyncadd.s32 $0xFFFFE000  }
0x3a0: {  	_ =	swait.ge [sflag:s23], $0x40  }
0x3a1: {  	[sflag:s23] =	ssyncset.done $0x0  }
0x3a2: {  	s21 =	simm.s32 $0x480;
	[sflag:s23] =	ssyncadd.s32 $0xFFFFFFC0  }
0x3a3: {  	[tilespmem:s8], [sflag:$0x2] =	stream.indirect.gather [hbm4b:s5+s31], $0x80, s21, s31, $0xb8;
	[tilespmem:$0x1ED80] =	vst v63  }
0x3a4: {  	_ =	swait.ge [sflag:s25], $0x2000  }
0x3a5: {  	[sflag:s25] =	ssyncset.done $0x0  }
0x3a6: {  	s24 =	simm.s32 $0x1780;
	[sflag:s25] =	ssyncadd.s32 $0xFFFFE000  }
0x3a7: {  	[spmem:s2] =	stream.indirect.scatter.add.f32 [tilespmem:s12], [sflag:$0x8], $0x80, s24, s31, $0xb8;
	[tilespmem:$0x1ED80] =	vst v63  }
0x3a8: {  	_ = 	snop  }
0x3a9: {  	[spmem:s3] =	stream.indirect.scatter.add.f32 [tilespmem:s14], [sflag:$0xC], $0x1, s24, s31, $0xb8;
	[tilespmem:$0x1ED80] =	vst v63  }
0x3aa: {  	_ =	swait.ge [sflag:s28], $0x2000  }
0x3ab: {  	[sflag:s28] =	ssyncset.done $0x0  }
0x3ac: {  	[sflag:s28] =	ssyncadd.s32 $0xFFFFE000  }
0x3ad: {  	_ =	swait.ge [sflag:s4], $0x40  }
0x3ae: {  	s1 =	simm.s32 $0x100;
	s6 =	simm.s32 $0x80;
	[sflag:s4] =	ssyncset.done $0x0  }
0x3af: {  	s16 =	simm.s32 $0x800;
	s21 =	simm.s32 $0x500;
	[sflag:s4] =	ssyncadd.s32 $0xFFFFFFC0  }
.LBB2_10:
0x3b0: {  	[tilespmem:s10], [sflag:$0x3] =	stream.indirect.gather [hbm4b:s5+s31], $0x80, s21, s31, $0xb8;
	[tilespmem:$0x1ED80] =	vst v63  }
0x3b1: {  	s21 =	smov.u32 s16  }
0x3b2: {  	p0 =	sne.s32 s16, $0x3800;
	s16 =	sadd.s32 $0x800, s16;
	_ =	swait.ge [sflag:s13], $0x2000  }
0x3b3: {  	s21 =	sshra.s32 s21, $0x2;
	[sflag:s13] =	ssyncset.done $0x0  }
0x3b4: {  	s24 =	sadd.s32 $0x1600, s21;
	[sflag:s13] =	ssyncadd.s32 $0xFFFFE000  }
0x3b5: {  	[spmem:s2] =	stream.indirect.scatter.add.f32 [tilespmem:s29], [sflag:$0x5], $0x80, s24, s31, $0xb8;
	[tilespmem:$0x1ED80] =	vst v63  }
0x3b6: {  	_ = 	snop  }
0x3b7: {  	[spmem:s3] =	stream.indirect.scatter.add.f32 [tilespmem:s14], [sflag:$0x9], $0x1, s24, s31, $0xb8;
	[tilespmem:$0x1ED80] =	vst v63  }
0x3b8: {  	_ =	swait.ge [sflag:s11], $0x2000  }
0x3b9: {  	[sflag:s11] =	ssyncset.done $0x0  }
0x3ba: {  	[sflag:s11] =	ssyncadd.s32 $0xFFFFE000  }
0x3bb: {  	_ =	swait.ge [sflag:s19], $0x40  }
0x3bc: {  	[sflag:s19] =	ssyncset.done $0x0  }
0x3bd: {  	s24 =	sadd.s32 $0x380, s21;
	[sflag:s19] =	ssyncadd.s32 $0xFFFFFFC0  }
0x3be: {  	[tilespmem:s12], [sflag:$0x4] =	stream.indirect.gather [hbm4b:s5+s31], $0x80, s24, s31, $0xb8;
	[tilespmem:$0x1ED80] =	vst v63  }
0x3bf: {  	_ =	swait.ge [sflag:s15], $0x2000  }
0x3c0: {  	[sflag:s15] =	ssyncset.done $0x0  }
0x3c1: {  	s24 =	sadd.s32 $0x1680, s21;
	[sflag:s15] =	ssyncadd.s32 $0xFFFFE000  }
0x3c2: {  	[spmem:s2] =	stream.indirect.scatter.add.f32 [tilespmem:s8], [sflag:$0x6], $0x80, s24, s31, $0xb8;
	[tilespmem:$0x1ED80] =	vst v63  }
0x3c3: {  	_ = 	snop  }
0x3c4: {  	[spmem:s3] =	stream.indirect.scatter.add.f32 [tilespmem:s14], [sflag:$0xA], $0x1, s24, s31, $0xb8;
	[tilespmem:$0x1ED80] =	vst v63  }
0x3c5: {  	_ =	swait.ge [sflag:s17], $0x2000  }
0x3c6: {  	[sflag:s17] =	ssyncset.done $0x0  }
0x3c7: {  	[sflag:s17] =	ssyncadd.s32 $0xFFFFE000  }
0x3c8: {  	_ =	swait.ge [sflag:s18], $0x40  }
0x3c9: {  	[sflag:s18] =	ssyncset.done $0x0  }
0x3ca: {  	s24 =	sadd.s32 $0x400, s21;
	[sflag:s18] =	ssyncadd.s32 $0xFFFFFFC0  }
0x3cb: {  	[tilespmem:s29], [sflag:$0x1] =	stream.indirect.gather [hbm4b:s5+s31], $0x80, s24, s31, $0xb8;
	[tilespmem:$0x1ED80] =	vst v63  }
0x3cc: {  	_ =	swait.ge [sflag:s20], $0x2000  }
0x3cd: {  	[sflag:s20] =	ssyncset.done $0x0  }
0x3ce: {  	s24 =	sadd.s32 $0x1700, s21;
	[sflag:s20] =	ssyncadd.s32 $0xFFFFE000  }
0x3cf: {  	[spmem:s2] =	stream.indirect.scatter.add.f32 [tilespmem:s10], [sflag:$0x7], $0x80, s24, s31, $0xb8;
	[tilespmem:$0x1ED80] =	vst v63  }
0x3d0: {  	_ = 	snop  }
0x3d1: {  	[spmem:s3] =	stream.indirect.scatter.add.f32 [tilespmem:s14], [sflag:$0xB], $0x1, s24, s31, $0xb8;
	[tilespmem:$0x1ED80] =	vst v63  }
0x3d2: {  	_ =	swait.ge [sflag:s22], $0x2000  }
0x3d3: {  	[sflag:s22] =	ssyncset.done $0x0  }
0x3d4: {  	[sflag:s22] =	ssyncadd.s32 $0xFFFFE000  }
0x3d5: {  	_ =	swait.ge [sflag:s23], $0x40  }
0x3d6: {  	[sflag:s23] =	ssyncset.done $0x0  }
0x3d7: {  	s24 =	sadd.s32 $0x480, s21;
	[sflag:s23] =	ssyncadd.s32 $0xFFFFFFC0  }
0x3d8: {  	[tilespmem:s8], [sflag:$0x2] =	stream.indirect.gather [hbm4b:s5+s31], $0x80, s24, s31, $0xb8;
	[tilespmem:$0x1ED80] =	vst v63  }
0x3d9: {  	_ =	swait.ge [sflag:s25], $0x2000  }
0x3da: {  	[sflag:s25] =	ssyncset.done $0x0  }
0x3db: {  	s24 =	sadd.s32 $0x1780, s21;
	[sflag:s25] =	ssyncadd.s32 $0xFFFFE000  }
0x3dc: {  	[spmem:s2] =	stream.indirect.scatter.add.f32 [tilespmem:s12], [sflag:$0x8], $0x80, s24, s31, $0xb8;
	[tilespmem:$0x1ED80] =	vst v63  }
0x3dd: {  	_ = 	snop  }
0x3de: {  	[spmem:s3] =	stream.indirect.scatter.add.f32 [tilespmem:s14], [sflag:$0xC], $0x1, s24, s31, $0xb8;
	[tilespmem:$0x1ED80] =	vst v63  }
0x3df: {  	_ =	swait.ge [sflag:s28], $0x2000  }
.Ltmp4:
0x3e0: {  	[sflag:s28] =	ssyncset.done $0x0;
	(pc) =	sbr.rel @p0 .LBB2_10-.Ltmp4, $4  }
0x3e1: {  	[sflag:s28] =	ssyncadd.s32 $0xFFFFE000  }
0x3e2: {  	_ =	swait.ge [sflag:s4], $0x40  }
0x3e3: {  	[sflag:s4] =	ssyncset.done $0x0  }
0x3e4: {  	s21 =	sadd.s32 $0x500, s21;
	[sflag:s4] =	ssyncadd.s32 $0xFFFFFFC0  }
0x3e5: {  	[tilespmem:s10], [sflag:$0x3] =	stream.indirect.gather [hbm4b:s5+s31], $0x80, s21, s31, $0xb8;
	[tilespmem:$0x1ED80] =	vst v63  }
0x3e6: {  	_ =	swait.ge [sflag:s13], $0x2000  }
0x3e7: {  	[sflag:s13] =	ssyncset.done $0x0  }
0x3e8: {  	s7 =	simm.s32 $0x2600;
	[sflag:s13] =	ssyncadd.s32 $0xFFFFE000  }
0x3e9: {  	[spmem:s2] =	stream.indirect.scatter.add.f32 [tilespmem:s29], [sflag:$0x5], $0x80, s7, s31, $0xb8;
	[tilespmem:$0x1ED80] =	vst v63  }
0x3ea: {  	_ = 	snop  }
0x3eb: {  	[spmem:s3] =	stream.indirect.scatter.add.f32 [tilespmem:s14], [sflag:$0x9], $0x1, s7, s31, $0xb8;
	[tilespmem:$0x1ED80] =	vst v63  }
0x3ec: {  	_ =	swait.ge [sflag:s11], $0x2000  }
0x3ed: {  	[sflag:s11] =	ssyncset.done $0x0  }
0x3ee: {  	[sflag:s11] =	ssyncadd.s32 $0xFFFFE000  }
0x3ef: {  	_ =	swait.ge [sflag:s19], $0x40  }
0x3f0: {  	[sflag:s19] =	ssyncset.done $0x0  }
0x3f1: {  	s9 =	simm.s32 $0x1380;
	[sflag:s19] =	ssyncadd.s32 $0xFFFFFFC0  }
0x3f2: {  	[tilespmem:s12], [sflag:$0x4] =	stream.indirect.gather [hbm4b:s5+s31], $0x80, s9, s31, $0xb8;
	[tilespmem:$0x1ED80] =	vst v63  }
0x3f3: {  	_ =	swait.ge [sflag:s15], $0x2000  }
0x3f4: {  	[sflag:s15] =	ssyncset.done $0x0  }
0x3f5: {  	s16 =	simm.s32 $0x2680;
	[sflag:s15] =	ssyncadd.s32 $0xFFFFE000  }
0x3f6: {  	[spmem:s2] =	stream.indirect.scatter.add.f32 [tilespmem:s8], [sflag:$0x6], $0x80, s16, s31, $0xb8;
	[tilespmem:$0x1ED80] =	vst v63  }
0x3f7: {  	_ = 	snop  }
0x3f8: {  	[spmem:s3] =	stream.indirect.scatter.add.f32 [tilespmem:s14], [sflag:$0xA], $0x1, s16, s31, $0xb8;
	[tilespmem:$0x1ED80] =	vst v63  }
0x3f9: {  	_ =	swait.ge [sflag:s17], $0x2000  }
0x3fa: {  	[sflag:s17] =	ssyncset.done $0x0  }
0x3fb: {  	[sflag:s17] =	ssyncadd.s32 $0xFFFFE000  }
0x3fc: {  	_ =	swait.ge [sflag:s18], $0x40  }
0x3fd: {  	[sflag:s18] =	ssyncset.done $0x0  }
0x3fe: {  	s24 =	simm.s32 $0x0;
	[sflag:s18] =	ssyncadd.s32 $0xFFFFFFC0  }
0x3ff: {  	[tilespmem:s29], [sflag:$0x1] =	stream.indirect.gather [hbm4b:s5+s31], $0x80, s24, s31, $0xb8;
	[tilespmem:$0x1ED80] =	vst v63  }
0x400: {  	_ =	swait.ge [sflag:s20], $0x2000  }
0x401: {  	[sflag:s20] =	ssyncset.done $0x0  }
0x402: {  	s21 =	simm.s32 $0x2700;
	[sflag:s20] =	ssyncadd.s32 $0xFFFFE000  }
0x403: {  	[spmem:s2] =	stream.indirect.scatter.add.f32 [tilespmem:s10], [sflag:$0x7], $0x80, s21, s31, $0xb8;
	[tilespmem:$0x1ED80] =	vst v63  }
0x404: {  	_ = 	snop  }
0x405: {  	[spmem:s3] =	stream.indirect.scatter.add.f32 [tilespmem:s14], [sflag:$0xB], $0x1, s21, s31, $0xb8;
	[tilespmem:$0x1ED80] =	vst v63  }
0x406: {  	_ =	swait.ge [sflag:s22], $0x2000  }
0x407: {  	[sflag:s22] =	ssyncset.done $0x0  }
0x408: {  	[sflag:s22] =	ssyncadd.s32 $0xFFFFE000  }
0x409: {  	_ =	swait.ge [sflag:s23], $0x40  }
0x40a: {  	[sflag:s23] =	ssyncset.done $0x0  }
0x40b: {  	[sflag:s23] =	ssyncadd.s32 $0xFFFFFFC0  }
0x40c: {  	[tilespmem:s8], [sflag:$0x2] =	stream.indirect.gather [hbm4b:s5+s31], $0x80, s6, s31, $0xb8;
	[tilespmem:$0x1ED80] =	vst v63  }
0x40d: {  	_ =	swait.ge [sflag:s25], $0x2000  }
0x40e: {  	[sflag:s25] =	ssyncset.done $0x0  }
0x40f: {  	s0 =	simm.s32 $0x2780;
	[sflag:s25] =	ssyncadd.s32 $0xFFFFE000  }
0x410: {  	[spmem:s2] =	stream.indirect.scatter.add.f32 [tilespmem:s12], [sflag:$0x8], $0x80, s0, s31, $0xb8;
	[tilespmem:$0x1ED80] =	vst v63  }
0x411: {  	_ = 	snop  }
0x412: {  	[spmem:s3] =	stream.indirect.scatter.add.f32 [tilespmem:s14], [sflag:$0xC], $0x1, s0, s31, $0xb8;
	[tilespmem:$0x1ED80] =	vst v63  }
0x413: {  	_ =	swait.ge [sflag:s28], $0x2000  }
0x414: {  	[sflag:s28] =	ssyncset.done $0x0  }
0x415: {  	[sflag:s28] =	ssyncadd.s32 $0xFFFFE000  }
0x416: {  	_ =	swait.ge [sflag:s4], $0x40  }
0x417: {  	[sflag:s4] =	ssyncset.done $0x0  }
0x418: {  	[sflag:s4] =	ssyncadd.s32 $0xFFFFFFC0  }
0x419: {  	[tilespmem:s10], [sflag:$0x3] =	stream.indirect.gather [hbm4b:s5+s31], $0x80, s1, s31, $0xb8;
	[tilespmem:$0x1ED80] =	vst v63  }
0x41a: {  	_ =	swait.ge [sflag:s11], $0x2000  }
0x41b: {  	[sflag:s11] =	ssyncset.done $0x0  }
0x41c: {  	[sflag:s11] =	ssyncadd.s32 $0xFFFFE000  }
0x41d: {  	_ =	swait.ge [sflag:s19], $0x40  }
0x41e: {  	[sflag:s19] =	ssyncset.done $0x0  }
0x41f: {  	[sflag:s19] =	ssyncadd.s32 $0xFFFFFFC0  }
0x420: {  	_ =	swait.ge [sflag:s13], $0x2000  }
0x421: {  	[sflag:s13] =	ssyncset.done $0x0  }
0x422: {  	[sflag:s13] =	ssyncadd.s32 $0xFFFFE000  }
0x423: {  	_ =	swait.ge [sflag:s15], $0x2000  }
0x424: {  	[sflag:s15] =	ssyncset.done $0x0  }
0x425: {  	[sflag:s15] =	ssyncadd.s32 $0xFFFFE000  }
0x426: {  	_ =	swait.ge [sflag:s20], $0x2000  }
0x427: {  	[sflag:s20] =	ssyncset.done $0x0  }
0x428: {  	s16 =	stileid.u32;
	[sflag:s20] =	ssyncadd.s32 $0xFFFFE000  }
0x429: {  	s16 =	sshll.u32 s16, $0x6;
	[bflag:$0x0] =	sbarrier.arrive $0xFFFF  }
0x42a: {  	s9 =	sshrl.u32 s26, $0x3;
	s16 =	sor.u32 $0x1C0D, s16;
	s0 =	rddreg [dreg:$0xe]  }
0x42b: {  	[hbm:s0], [sflag:s16] =	dma.local [spmem:s9], $0x2800  }
0x42c: {  	_ =	swait.ge [sflag:s30], $0x2800  }
0x42d: {  	[sflag:s30] =	ssyncset.done $0x0;
	s9 =	rddreg [dreg:$0x5]  }
0x42e: {  	s0 =	simm.s32 $0x10;
	s7 =	rddreg [dreg:$0xf];
	[sflag:s30] =	ssyncadd.s32 $0xFFFFD800  }
0x42f: {  	s21 =	sshrl.u32 s9, $0x3;
	s9 =	smov.u32 s26;
	s26 =	simm.s32 $0x20  }
0x430: {  	[hbm:s7@s26], [sflag:s16] =	dma.strided [spmem:s21@s0], $0x50, s13, $0x10   }
0x431: {  	_ =	swait.ge [sflag:s30], $0x50  }
0x432: {  	s21 =	rddreg [dreg:$0x1a]  }
0x433: {  	s16 =	smov.u32 s9;
	s26 =	rddreg [dreg:$0x10];
	s9 =	sadd.s32 $0x1, s21  }
0x434: {  	p0 =	sne.s32 s9, s26  }
.Ltmp5:
0x435: {  	_ = 	snop;
	(pc) =	sbr.rel @p0 .LBB2_1-.Ltmp5, $3  }
0x436: {  	_ =	sdelay $0x1  }
0x437: {  	[sflag:s30] =	ssyncset.done $0x0  }
0x438: {  	s0 =	simm.s32 $0x1400;
	[sflag:s30] =	ssyncadd.s32 $0xFFFFFFB0  }
0x439: {  	_ =	sfence.sel $0x180000  }
0x43a: {  	[bflag:$0x0] =	sbarrier.arrive $0xFFFF  }
0x43b: {  	_ =	strace $0x90000047  }
0x43c: {  	s0 =	stileid.u32;
	[bflag:$0x2] =	sbarrier.arrive $0xFFFF  }
0x43d: {  	p0 =	sne.s32 s0, $0x0;
	s0 =	rddreg [dreg:$0x4]  }
0x43e: {  	s0 =	sadd.s32 @!p0 $0x100000, s0  }
0x43f: {  	[sflag:s0] =	ssyncadd.tile.s32 @!p0 $0x1;
	_ =	shalt  }
.Lfunc_end2:
_tile_overlayer_lowered:
.L_overlay_start_2:
0x440: {  	(tag) =	ssettag $0x2  }
0x441: {  	s0 =	rddreg [dreg:$0x0];
	s2 =	stileid.u32  }
0x442: {  	s1 =	rddreg [dreg:$0x1];
	p0 =	sne.s32 s2, $0x0  }
0x443: {  	s3 =	rddreg [dreg:$0x2];
	[bflag:$0x3] =	sbarrier.arrive $0xFFFF;
	s2 =	simm.s32 @!p0 $0x1C0D  }
0x444: {  	[timem:s3], [sflag:s2] =	dma.local @!p0 [hbm:s0], s1  }
0x445: {  	s0 =	simm.s32 @!p0 $0xD  }
0x446: {  	_ =	swait.ge @!p0 [sflag:s0], s1  }
0x447: {  	s1 =	ssub.s32 @!p0 $0x0, s1;
	[sflag:s0] =	ssyncset.done @!p0 $0x0  }
0x448: {  	[sflag:s0] =	ssyncadd.s32 @!p0 s1  }
0x449: {  	[bflag:$0x3] =	sbarrier.arrive $0xFFFF  }
0x44a: {  	_ =	shalt  }

</sc_bundles>
